<compile_context>
chip_gen: v7x
topology: tpu7x:2x2x1
jax: 0.10.2.dev20260603
libtpu: 0.0.44.dev20260713+nightly
codegen_flags: <defaults>
</compile_context>

<pallas_src>
import functools

import jax
import jax.numpy as jnp
from jax import lax
from jax.experimental import pallas as pl
from jax.experimental.pallas import tpu as pltpu
from jax.experimental.pallas import tpu_sc as plsc

_BN_EPS = 1e-5
_NC = 2
_NS = 16
_BR = 1000
_NG = 16


def _dot(a, b):
    return lax.dot_general(a, b, (((1,), (0,)), ((), ())),
                           preferred_element_type=jnp.float32)



def _seg_sum_sc(h_rows, packed, n_pad, n_chunks):
    T = n_chunks
    zch = n_pad // _NS // 128
    mesh = plsc.VectorSubcoreMesh(core_axis_name="c", subcore_axis_name="s")

    @functools.partial(
        pl.kernel,
        out_type=jax.ShapeDtypeStruct((2 * n_pad, 128), jnp.float32),
        mesh=mesh,
        scratch_types=[
            pltpu.VMEM((T, 128), jnp.int32),
            pltpu.VMEM((2, 128), jnp.int32),
            pltpu.VMEM((2, 128), jnp.int32),
            pltpu.VMEM((128, 128), jnp.float32),
            pltpu.VMEM((128, 128), jnp.float32),
            pltpu.VMEM_SHARED((n_pad, 128), jnp.float32),
            pltpu.SemaphoreType.DMA,
            pltpu.SemaphoreType.DMA,
        ],
    )
    def k(h_hbm, pk_hbm, out_hbm, pk, sb, db, rows, rows1, acc, sem, sem1):
        c = lax.axis_index("c")
        s = lax.axis_index("s")
        wid = c * _NS + s

        pltpu.sync_copy(pk_hbm.at[wid], pk)

        zv = jnp.zeros((16,), jnp.float32)

        def zbody(r, _):
            for j in range(8):
                rows[r, pl.ds(j * 16, 16)] = zv
            return 0

        lax.fori_loop(0, 128, zbody, 0)
        for kk in range(zch):
            pltpu.sync_copy(rows, acc.at[pl.ds((s * zch + kk) * 128, 128)])
        plsc.subcore_barrier()

        def unpack_to(t, slot):
            for j in range(8):
                v = pk[t, pl.ds(j * 16, 16)]
                sb[slot, pl.ds(j * 16, 16)] = lax.bitwise_and(v, 32767)
                db[slot, pl.ds(j * 16, 16)] = lax.shift_right_logical(v, 15)

        unpack_to(0, 0)
        pltpu.async_copy(h_hbm.at[sb.at[0]], rows, sem)

        def chunk(i, _):
            t0 = 2 * i
            unpack_to(t0 + 1, 1)
            pltpu.async_copy(h_hbm.at[sb.at[1]], rows1, sem1)
            pltpu.make_async_copy(h_hbm.at[sb.at[0]], rows, sem).wait()
            pltpu.sync_copy(rows, acc.at[db.at[0]], add=True)

            @pl.when(t0 + 2 < T)
            def _():
                unpack_to(t0 + 2, 0)
                pltpu.async_copy(h_hbm.at[sb.at[0]], rows, sem)

            pltpu.make_async_copy(h_hbm.at[sb.at[1]], rows1, sem1).wait()
            pltpu.sync_copy(rows1, acc.at[db.at[1]], add=True)
            return 0

        lax.fori_loop(0, T // 2, chunk, 0)
        if T % 2:
            pltpu.make_async_copy(h_hbm.at[sb.at[0]], rows, sem).wait()
            pltpu.sync_copy(rows, acc.at[db.at[0]], add=True)
        plsc.subcore_barrier()

        for kk in range(zch):
            r0 = (s * zch + kk) * 128
            pltpu.sync_copy(acc.at[pl.ds(r0, 128)], rows)
            pltpu.sync_copy(rows, out_hbm.at[pl.ds(c * n_pad + r0, 128)])

    return k(h_rows, packed).reshape(2, n_pad, 128)



def _full(shape):
    return pl.BlockSpec(shape, lambda *_: (0,) * len(shape))


def _stage_a(h_in, agg3, wa, ba, stacked_h, agg3b=None):
    n = h_in.shape[1] if stacked_h else h_in.shape[0]
    nblk = n // _BR
    din, dh = wa.shape

    def body(*refs):
        if stacked_h:
            h_ref, agg_ref, aggb_ref, wa_ref, ba_ref, y_ref, s_ref, q_ref = refs
        else:
            h_ref, agg_ref, wa_ref, ba_ref, y_ref, s_ref, q_ref = refs
        i = pl.program_id(0)
        av = agg_ref[...]
        if stacked_h:
            hv = h_ref[...]
            h = jnp.concatenate([hv[0], hv[1]], axis=1)
            bv = aggb_ref[...]
            agg = jnp.concatenate([av[0] + av[1], bv[0] + bv[1]], axis=1)
        else:
            h = h_ref[...]
            agg = av[0] + av[1]
        y = _dot(h + agg, wa_ref[...]) + ba_ref[...]
        y_ref[...] = y

        @pl.when(i == 0)
        def _():
            s_ref[...] = jnp.zeros_like(s_ref)
            q_ref[...] = jnp.zeros_like(q_ref)

        s_ref[...] += jnp.sum(y, axis=0, keepdims=True)
        q_ref[...] += jnp.sum(y * y, axis=0, keepdims=True)

    agg_spec = pl.BlockSpec((2, _BR, 128), lambda i: (0, i, 0))
    if stacked_h:
        h_spec = pl.BlockSpec((2, _BR, din // 2), lambda i: (0, i, 0))
        in_specs = [h_spec, agg_spec, agg_spec]
        args = (h_in, agg3, agg3b)
    else:
        h_spec = pl.BlockSpec((_BR, din), lambda i: (i, 0))
        in_specs = [h_spec, agg_spec]
        args = (h_in, agg3)
    return pl.pallas_call(
        body,
        grid=(nblk,),
        in_specs=in_specs + [_full((din, dh)), _full((1, dh))],
        out_specs=[
            pl.BlockSpec((_BR, dh), lambda i: (i, 0)),
            _full((1, dh)),
            _full((1, dh)),
        ],
        out_shape=[
            jax.ShapeDtypeStruct((n, dh), jnp.float32),
            jax.ShapeDtypeStruct((1, dh), jnp.float32),
            jax.ShapeDtypeStruct((1, dh), jnp.float32),
        ],
    )(*args, wa, ba)


def _bn_coeffs(s, q, g, b, n):
    mu = s / n
    var = q / n - mu * mu
    scale = g * lax.rsqrt(var + _BN_EPS)
    return scale, b - mu * scale


def _stage_b(y1, s1, q1, g, b, wb, bb, n):
    dh = y1.shape[1]
    nblk = n // _BR

    def body(y1_ref, s1_ref, q1_ref, g_ref, b_ref, wb_ref, bb_ref,
             y2_ref, s2_ref, q2_ref):
        i = pl.program_id(0)
        sc, off = _bn_coeffs(s1_ref[...], q1_ref[...], g_ref[...], b_ref[...], n)
        z = jnp.maximum(y1_ref[...] * sc + off, 0.0)
        y2 = _dot(z, wb_ref[...]) + bb_ref[...]
        y2_ref[...] = y2

        @pl.when(i == 0)
        def _():
            s2_ref[...] = jnp.zeros_like(s2_ref)
            q2_ref[...] = jnp.zeros_like(q2_ref)

        s2_ref[...] += jnp.sum(y2, axis=0, keepdims=True)
        q2_ref[...] += jnp.sum(y2 * y2, axis=0, keepdims=True)

    return pl.pallas_call(
        body,
        grid=(nblk,),
        in_specs=[
            pl.BlockSpec((_BR, dh), lambda i: (i, 0)),
            _full((1, dh)), _full((1, dh)), _full((1, dh)), _full((1, dh)),
            _full((dh, dh)), _full((1, dh)),
        ],
        out_specs=[
            pl.BlockSpec((_BR, dh), lambda i: (i, 0)),
            _full((1, dh)),
            _full((1, dh)),
        ],
        out_shape=[
            jax.ShapeDtypeStruct((n, dh), jnp.float32),
            jax.ShapeDtypeStruct((1, dh), jnp.float32),
            jax.ShapeDtypeStruct((1, dh), jnp.float32),
        ],
    )(y1, s1, q1, g, b, wb, bb)


def _stage_c(y2, s2, q2, g, b, n):
    dh = y2.shape[1]
    nblk = n // _BR

    def body(y2_ref, s2_ref, q2_ref, g_ref, b_ref, s3_ref, q3_ref):
        i = pl.program_id(0)
        sc, off = _bn_coeffs(s2_ref[...], q2_ref[...], g_ref[...], b_ref[...], n)
        z = jnp.maximum(y2_ref[...] * sc + off, 0.0)

        @pl.when(i == 0)
        def _():
            s3_ref[...] = jnp.zeros_like(s3_ref)
            q3_ref[...] = jnp.zeros_like(q3_ref)

        s3_ref[...] += jnp.sum(z, axis=0, keepdims=True)
        q3_ref[...] += jnp.sum(z * z, axis=0, keepdims=True)

    return pl.pallas_call(
        body,
        grid=(nblk,),
        in_specs=[
            pl.BlockSpec((_BR, dh), lambda i: (i, 0)),
            _full((1, dh)), _full((1, dh)), _full((1, dh)), _full((1, dh)),
        ],
        out_specs=[_full((1, dh)), _full((1, dh))],
        out_shape=[
            jax.ShapeDtypeStruct((1, dh), jnp.float32),
            jax.ShapeDtypeStruct((1, dh), jnp.float32),
        ],
    )(y2, s2, q2, g, b)


def _stage_d(y2, s2, q2, ga, bba, s3, q3, go, bo, batch3, n, write_h):
    dh = y2.shape[1]
    nblk = n // _BR

    def body(y2_ref, s2_ref, q2_ref, ga_ref, ba_ref, s3_ref, q3_ref,
             go_ref, bo_ref, bt_ref, *outs):
        i = pl.program_id(0)
        sc1, off1 = _bn_coeffs(s2_ref[...], q2_ref[...], ga_ref[...], ba_ref[...], n)
        z = jnp.maximum(y2_ref[...] * sc1 + off1, 0.0)
        sc2, off2 = _bn_coeffs(s3_ref[...], q3_ref[...], go_ref[...], bo_ref[...], n)
        h = jnp.maximum(z * sc2 + off2, 0.0)
        if write_h:
            h_ref, pooled_ref = outs
            h_ref[...] = jnp.stack([h[:, :dh // 2], h[:, dh // 2:]])
        else:
            pooled_ref, = outs
        bt = bt_ref[0]
        gids = lax.broadcasted_iota(jnp.int32, (_NG, _BR), 0)
        mask = (bt == gids).astype(jnp.float32)

        @pl.when(i == 0)
        def _():
            pooled_ref[...] = jnp.zeros_like(pooled_ref)

        pooled_ref[...] += _dot(mask, h)

    out_specs = [pl.BlockSpec((_NG, dh), lambda i: (0, 0))]
    out_shape = [jax.ShapeDtypeStruct((_NG, dh), jnp.float32)]
    if write_h:
        out_specs = [pl.BlockSpec((2, _BR, dh // 2), lambda i: (0, i, 0))] + out_specs
        out_shape = [jax.ShapeDtypeStruct((2, n, dh // 2), jnp.float32)] + out_shape

    return pl.pallas_call(
        body,
        grid=(nblk,),
        in_specs=[
            pl.BlockSpec((_BR, dh), lambda i: (i, 0)),
            _full((1, dh)), _full((1, dh)), _full((1, dh)), _full((1, dh)),
            _full((1, dh)), _full((1, dh)), _full((1, dh)), _full((1, dh)),
            pl.BlockSpec((1, 1, _BR), lambda i: (i, 0, 0)),
        ],
        out_specs=out_specs,
        out_shape=out_shape,
    )(y2, s2, q2, ga, bba, s3, q3, go, bo, batch3)


def _stage_f(x, batch2, pooled1, pooled2, preds):
    n, din = x.shape
    dh = pooled1.shape[1]
    w0, b0 = preds[0]
    w1, b1 = preds[1]
    w2, b2 = preds[2]
    dout = w0.shape[1]

    def body(x_ref, bt_ref, p1_ref, p2_ref, w0_ref, b0_ref, w1_ref, b1_ref,
             w2_ref, b2_ref, out_ref):
        bt = bt_ref[...]
        gids = lax.broadcasted_iota(jnp.int32, (_NG, n), 0)
        mask = (bt == gids).astype(jnp.float32)
        counts = jnp.maximum(jnp.sum(mask, axis=1, keepdims=True), 1.0)
        px = _dot(mask, x_ref[...]) / counts
        s = _dot(px, w0_ref[...]) + b0_ref[...]
        s += _dot(p1_ref[...] / counts, w1_ref[...]) + b1_ref[...]
        s += _dot(p2_ref[...] / counts, w2_ref[...]) + b2_ref[...]
        out_ref[...] = s

    return pl.pallas_call(
        body,
        in_specs=[
            _full((n, din)), _full((1, n)), _full((_NG, dh)), _full((_NG, dh)),
            _full((din, dout)), _full((1, dout)),
            _full((dh, dout)), _full((1, dout)),
            _full((dh, dout)), _full((1, dout)),
        ],
        out_specs=_full((_NG, dout)),
        out_shape=jax.ShapeDtypeStruct((_NG, dout), jnp.float32),
    )(x, batch2, pooled1, pooled2, w0, b0, w1, b1, w2, b2)



def kernel(x, edge_index, batch, params):
    n, d_in = x.shape
    e = edge_index.shape[1]
    src = edge_index[0]
    dst = edge_index[1]

    n_pad = -(-(n + 1) // (_NS * 128)) * (_NS * 128)
    packed = src + dst * 32768

    t1 = -(-e // (_NC * _NS * 128))
    pad1 = _NC * _NS * t1 * 128 - e
    pad_dst = n + jnp.arange(pad1, dtype=jnp.int32) % (n_pad - n)
    pk1 = jnp.concatenate([packed, pad_dst * 32768]
                          ).reshape(_NC * _NS, t1, 128)
    pk1b = pk1 + n

    batch3 = batch.reshape(n // _BR, 1, _BR)
    batch2 = batch.reshape(1, n)

    lp1, lp2 = params['layers']
    r2 = lambda v: v[None, :]

    agg1 = _seg_sum_sc(x, pk1, n_pad, t1)
    y1 = _stage_a(x, agg1, lp1['Wa'], r2(lp1['ba']), stacked_h=False)
    y2 = _stage_b(y1[0], y1[1], y1[2], r2(lp1['g_m']), r2(lp1['b_m']),
                  lp1['Wb'], r2(lp1['bb']), n)
    st3 = _stage_c(y2[0], y2[1], y2[2], r2(lp1['g_a']), r2(lp1['b_a']), n)
    h1s, pooled1 = _stage_d(y2[0], y2[1], y2[2], r2(lp1['g_a']), r2(lp1['b_a']),
                            st3[0], st3[1], r2(lp1['g_o']), r2(lp1['b_o']),
                            batch3, n, write_h=True)

    h1_flat = h1s.reshape(2 * n, 128)
    agg2a = _seg_sum_sc(h1_flat, pk1, n_pad, t1)
    agg2b = _seg_sum_sc(h1_flat, pk1b, n_pad, t1)
    y1b = _stage_a(h1s, agg2a, lp2['Wa'], r2(lp2['ba']), stacked_h=True,
                   agg3b=agg2b)
    y2b = _stage_b(y1b[0], y1b[1], y1b[2], r2(lp2['g_m']), r2(lp2['b_m']),
                   lp2['Wb'], r2(lp2['bb']), n)
    st3b = _stage_c(y2b[0], y2b[1], y2b[2], r2(lp2['g_a']), r2(lp2['b_a']), n)
    pooled2, = _stage_d(y2b[0], y2b[1], y2b[2], r2(lp2['g_a']), r2(lp2['b_a']),
                        st3b[0], st3b[1], r2(lp2['g_o']), r2(lp2['b_o']),
                        batch3, n, write_h=False)

    preds = [(p['W'], r2(p['b'])) for p in params['preds']]
    return _stage_f(x, batch2, pooled1, pooled2, preds)

# --- scband reference (transcript-rebuilt; emitter-appended) ---
"""Pipeline reference for scband-gin-62637803045091 (READ-ONLY COPY).

The authoritative reference and input builder live on the scoring server;
editing this copy changes nothing except your own understanding.
"""

import jax, jax.numpy as jnp
import numpy as np

N = 10000
E = 320000
D_IN = 128
D_H = 256
D_OUT = 16
N_GRAPHS = 16
BN_EPS = 1e-5


def setup_inputs(seed: int = 0) -> dict:
    key = jax.random.key(seed)
    ks = iter(jax.random.split(key, 64))

    def nk():
        return next(ks)

    def lin(fi, fo):
        W = jax.random.normal(nk(), (fi, fo), dtype=jnp.float32) / np.sqrt(fi)
        b = jnp.zeros((fo,), dtype=jnp.float32)
        return W, b

    x = jax.random.normal(nk(), (N, D_IN), dtype=jnp.float32)

    layers = []
    for i in range(2):
        fi = D_IN if i == 0 else D_H
        Wa, ba = lin(fi, D_H)
        Wb, bb = lin(D_H, D_H)
        layers.append({
            'Wa': Wa, 'ba': ba,
            'g_m': jnp.ones((D_H,), jnp.float32), 'b_m': jnp.zeros((D_H,), jnp.float32),
            'Wb': Wb, 'bb': bb,
            'g_a': jnp.ones((D_H,), jnp.float32), 'b_a': jnp.zeros((D_H,), jnp.float32),
            'g_o': jnp.ones((D_H,), jnp.float32), 'b_o': jnp.zeros((D_H,), jnp.float32),
        })
    preds = []
    for i in range(3):
        fi = D_IN if i == 0 else D_H
        Wp, bp = lin(fi, D_OUT)
        preds.append({'W': Wp, 'b': bp})
    params = {'layers': layers, 'preds': preds}

    edge_index = jax.random.randint(nk(), (2, E), 0, N, dtype=jnp.int32)
    batch = jnp.sort(jax.random.randint(nk(), (N,), 0, N_GRAPHS, dtype=jnp.int32))
    return {'x': x, 'edge_index': edge_index, 'batch': batch, 'params': params}


def _bn(h, g, b):
    # BatchNorm1d in training mode: batch statistics (biased variance), affine params
    mu = jnp.mean(h, axis=0, keepdims=True)
    var = jnp.var(h, axis=0, keepdims=True)
    return g * (h - mu) / jnp.sqrt(var + BN_EPS) + b


def _forward(x, edge_index, batch, params):
    src = edge_index[0]
    dst = edge_index[1]
    hidden_rep = [x]
    h = x
    for lp in params['layers']:
        # GINConv: sum aggregation of source messages at destination nodes
        agg = jax.ops.segment_sum(h[src], dst, num_segments=N)
        rst = h + agg  # (1 + eps) * x + out with eps = 0
        # ApplyNodeFunc: MLP(2-layer) -> BN -> ReLU
        z = jax.nn.relu(_bn(rst @ lp['Wa'] + lp['ba'], lp['g_m'], lp['b_m']))
        z = z @ lp['Wb'] + lp['bb']
        z = jax.nn.relu(_bn(z, lp['g_a'], lp['b_a']))
        # outer per-layer BN + ReLU
        h = jax.nn.relu(_bn(z, lp['g_o'], lp['b_o']))
        hidden_rep.append(h)
    counts = jax.ops.segment_sum(jnp.ones((N,), jnp.float32), batch, num_segments=N_GRAPHS)
    counts = jnp.maximum(counts, 1.0)
    score = jnp.zeros((N_GRAPHS, D_OUT), jnp.float32)
    for hr, pp in zip(hidden_rep, params['preds']):
        pooled = jax.ops.segment_sum(hr, batch, num_segments=N_GRAPHS) / counts[:, None]
        score = score + pooled @ pp['W'] + pp['b']  # dropout p=0 is identity
    return score


def reference(x, edge_index, batch, params):
    return _forward(x, edge_index, batch, params)

if __name__ == "__main__":
    import jax
    _d = setup_inputs()
    print(jax.jit(kernel)(*tuple(_d.values())))

</pallas_src>

<mosaic_0001>
#map = affine_map<(d0, d1) -> (0, 0)>
#map1 = affine_map<(d0, d1) -> (0, 0, 0)>
module attributes {stable_mosaic.version = 14 : i64} {
  func.func @k(%arg0: i32, %arg1: i32, %arg2: memref<20000x128xf32, #tpu.memory_space<hbm>>, %arg3: memref<32x79x128xi32, #tpu.memory_space<hbm>>, %arg4: memref<20480x128xf32, #tpu.memory_space<hbm>>, %arg5: memref<79x128xi32, #tpu.memory_space<vmem>>, %arg6: memref<2x128xi32, #tpu.memory_space<vmem>>, %arg7: memref<2x128xi32, #tpu.memory_space<vmem>>, %arg8: memref<128x128xf32, #tpu.memory_space<vmem>>, %arg9: memref<128x128xf32, #tpu.memory_space<vmem>>, %arg10: memref<10240x128xf32, #tpu.memory_space<vmem_shared>>, %arg11: memref<!tpu.dma_semaphore, #tpu.memory_space<semaphore_mem>>, %arg12: memref<!tpu.dma_semaphore, #tpu.memory_space<semaphore_mem>>) attributes {dimension_semantics = [#tpu.dimension_semantics<core_parallel>, #tpu.dimension_semantics<subcore_parallel>], iteration_bounds = array<i64: 2, 16>, scalar_prefetch = 0 : i64, scratch_operands = 8 : i64, tpu.core_type = #tpu.core_type<sc_vector_subcore>, window_params = [{transform_indices = #map}, {transform_indices = #map1}, {transform_indices = #map}]} {
    %mul3A = arith.constant 16 : i32
    %mul3A_0 = arith.muli %arg0, %mul3A : i32
    %add3A = arith.addi %mul3A_0, %arg1 : i32
    "tpu.region"() ({
      %run_scoped3A_283 = tpu.sem_alloc : memref<!tpu.dma_semaphore, #tpu.memory_space<semaphore_mem>>
      %dma_start3A_284 = arith.constant 0 : i32
      %dma_start3A_285 = arith.constant 0 : i32
      %dma_start3A_286 = tpu.memref_slice %arg3[%add3A, %dma_start3A_284, %dma_start3A_285] : memref<32x79x128xi32, #tpu.memory_space<hbm>> -> memref<1x79x128xi32, #tpu.memory_space<hbm>>
      %dma_start3A_287 = tpu.memref_squeeze %dma_start3A_286 : memref<1x79x128xi32, #tpu.memory_space<hbm>> -> memref<79x128xi32, #tpu.memory_space<hbm>>
      %dma_start3A_288 = arith.constant 0 : i32
      %dma_start3A_289 = arith.constant 0 : i32
      %dma_start3A_290 = tpu.memref_slice %arg3[%add3A, %dma_start3A_288, %dma_start3A_289] : memref<32x79x128xi32, #tpu.memory_space<hbm>> -> memref<1x79x128xi32, #tpu.memory_space<hbm>>
      %dma_start3A_291 = tpu.memref_squeeze %dma_start3A_290 : memref<1x79x128xi32, #tpu.memory_space<hbm>> -> memref<79x128xi32, #tpu.memory_space<hbm>>
      tpu.enqueue_dma source(%dma_start3A_291 : memref<79x128xi32, #tpu.memory_space<hbm>>) target(%arg5 : memref<79x128xi32, #tpu.memory_space<vmem>>) target_semaphore(%run_scoped3A_283 : memref<!tpu.dma_semaphore, #tpu.memory_space<semaphore_mem>>)
      %dma_wait3A_292 = arith.constant 0 : i32
      %dma_wait3A_293 = arith.constant 0 : i32
      %dma_wait3A_294 = tpu.memref_slice %arg3[%add3A, %dma_wait3A_292, %dma_wait3A_293] : memref<32x79x128xi32, #tpu.memory_space<hbm>> -> memref<1x79x128xi32, #tpu.memory_space<hbm>>
      %dma_wait3A_295 = tpu.memref_squeeze %dma_wait3A_294 : memref<1x79x128xi32, #tpu.memory_space<hbm>> -> memref<79x128xi32, #tpu.memory_space<hbm>>
      %dma_wait3A_296 = arith.constant 0 : i32
      %dma_wait3A_297 = arith.constant 0 : i32
      %dma_wait3A_298 = tpu.memref_slice %arg3[%add3A, %dma_wait3A_296, %dma_wait3A_297] : memref<32x79x128xi32, #tpu.memory_space<hbm>> -> memref<1x79x128xi32, #tpu.memory_space<hbm>>
      %dma_wait3A_299 = tpu.memref_squeeze %dma_wait3A_298 : memref<1x79x128xi32, #tpu.memory_space<hbm>> -> memref<79x128xi32, #tpu.memory_space<hbm>>
      tpu.wait_dma2 semaphore(%run_scoped3A_283 : memref<!tpu.dma_semaphore, #tpu.memory_space<semaphore_mem>>) src(%dma_wait3A_299 : memref<79x128xi32, #tpu.memory_space<hbm>>) dst(%arg5 : memref<79x128xi32, #tpu.memory_space<vmem>>)
      tpu.yield
    }) : () -> ()
    %broadcast_in_dim3A = arith.constant 0.000000e+00 : f32
    %broadcast_in_dim3A_1 = vector.broadcast %broadcast_in_dim3A : f32 to vector<16xf32>
    %scan3A = arith.constant 0 : i32
    %scan3A_2 = arith.constant 0 : i32
    %scan3A_3 = arith.constant 128 : i32
    %scan3A_4 = arith.addi %scan3A_2, %scan3A_3 : i32
    %scan3A_5 = arith.constant 1 : i32
    %scan3A_6 = scf.for %scan3A_283 = %scan3A_2 to %scan3A_4 step %scan3A_5 iter_args(%scan3A_284 = %scan3A) -> (i32)  : i32 {
      %swap3A_285 = arith.index_cast %scan3A_283 : i32 to index
      %swap3A_286 = arith.constant 0 : index
      %swap3A_287 = tpu.vector_load %arg8[%swap3A_285, %swap3A_286] {strides = array<i32>} : memref<128x128xf32, #tpu.memory_space<vmem>>, vector<1x16xf32>,
      %swap3A_288 = vector.shape_cast %swap3A_287 : vector<1x16xf32> to vector<16xf32>
      %swap3A_289 = vector.shape_cast %broadcast_in_dim3A_1 : vector<16xf32> to vector<1x16xf32>
      tpu.vector_store %arg8[%swap3A_285, %swap3A_286], %swap3A_289 {strides = array<i32>} : memref<128x128xf32, #tpu.memory_space<vmem>>, vector<1x16xf32>,
      %swap3A_290 = arith.index_cast %scan3A_283 : i32 to index
      %swap3A_291 = arith.constant 16 : index
      %swap3A_292 = tpu.vector_load %arg8[%swap3A_290, %swap3A_291] {strides = array<i32>} : memref<128x128xf32, #tpu.memory_space<vmem>>, vector<1x16xf32>,
      %swap3A_293 = vector.shape_cast %swap3A_292 : vector<1x16xf32> to vector<16xf32>
      %swap3A_294 = vector.shape_cast %broadcast_in_dim3A_1 : vector<16xf32> to vector<1x16xf32>
      tpu.vector_store %arg8[%swap3A_290, %swap3A_291], %swap3A_294 {strides = array<i32>} : memref<128x128xf32, #tpu.memory_space<vmem>>, vector<1x16xf32>,
      %swap3A_295 = arith.index_cast %scan3A_283 : i32 to index
      %swap3A_296 = arith.constant 32 : index
      %swap3A_297 = tpu.vector_load %arg8[%swap3A_295, %swap3A_296] {strides = array<i32>} : memref<128x128xf32, #tpu.memory_space<vmem>>, vector<1x16xf32>,
      %swap3A_298 = vector.shape_cast %swap3A_297 : vector<1x16xf32> to vector<16xf32>
      %swap3A_299 = vector.shape_cast %broadcast_in_dim3A_1 : vector<16xf32> to vector<1x16xf32>
      tpu.vector_store %arg8[%swap3A_295, %swap3A_296], %swap3A_299 {strides = array<i32>} : memref<128x128xf32, #tpu.memory_space<vmem>>, vector<1x16xf32>,
      %swap3A_300 = arith.index_cast %scan3A_283 : i32 to index
      %swap3A_301 = arith.constant 48 : index
      %swap3A_302 = tpu.vector_load %arg8[%swap3A_300, %swap3A_301] {strides = array<i32>} : memref<128x128xf32, #tpu.memory_space<vmem>>, vector<1x16xf32>,
      %swap3A_303 = vector.shape_cast %swap3A_302 : vector<1x16xf32> to vector<16xf32>
      %swap3A_304 = vector.shape_cast %broadcast_in_dim3A_1 : vector<16xf32> to vector<1x16xf32>
      tpu.vector_store %arg8[%swap3A_300, %swap3A_301], %swap3A_304 {strides = array<i32>} : memref<128x128xf32, #tpu.memory_space<vmem>>, vector<1x16xf32>,
      %swap3A_305 = arith.index_cast %scan3A_283 : i32 to index
      %swap3A_306 = arith.constant 64 : index
      %swap3A_307 = tpu.vector_load %arg8[%swap3A_305, %swap3A_306] {strides = array<i32>} : memref<128x128xf32, #tpu.memory_space<vmem>>, vector<1x16xf32>,
      %swap3A_308 = vector.shape_cast %swap3A_307 : vector<1x16xf32> to vector<16xf32>
      %swap3A_309 = vector.shape_cast %broadcast_in_dim3A_1 : vector<16xf32> to vector<1x16xf32>
      tpu.vector_store %arg8[%swap3A_305, %swap3A_306], %swap3A_309 {strides = array<i32>} : memref<128x128xf32, #tpu.memory_space<vmem>>, vector<1x16xf32>,
      %swap3A_310 = arith.index_cast %scan3A_283 : i32 to index
      %swap3A_311 = arith.constant 80 : index
      %swap3A_312 = tpu.vector_load %arg8[%swap3A_310, %swap3A_311] {strides = array<i32>} : memref<128x128xf32, #tpu.memory_space<vmem>>, vector<1x16xf32>,
      %swap3A_313 = vector.shape_cast %swap3A_312 : vector<1x16xf32> to vector<16xf32>
      %swap3A_314 = vector.shape_cast %broadcast_in_dim3A_1 : vector<16xf32> to vector<1x16xf32>
      tpu.vector_store %arg8[%swap3A_310, %swap3A_311], %swap3A_314 {strides = array<i32>} : memref<128x128xf32, #tpu.memory_space<vmem>>, vector<1x16xf32>,
      %swap3A_315 = arith.index_cast %scan3A_283 : i32 to index
      %swap3A_316 = arith.constant 96 : index
      %swap3A_317 = tpu.vector_load %arg8[%swap3A_315, %swap3A_316] {strides = array<i32>} : memref<128x128xf32, #tpu.memory_space<vmem>>, vector<1x16xf32>,
      %swap3A_318 = vector.shape_cast %swap3A_317 : vector<1x16xf32> to vector<16xf32>
      %swap3A_319 = vector.shape_cast %broadcast_in_dim3A_1 : vector<16xf32> to vector<1x16xf32>
      tpu.vector_store %arg8[%swap3A_315, %swap3A_316], %swap3A_319 {strides = array<i32>} : memref<128x128xf32, #tpu.memory_space<vmem>>, vector<1x16xf32>,
      %swap3A_320 = arith.index_cast %scan3A_283 : i32 to index
      %swap3A_321 = arith.constant 112 : index
      %swap3A_322 = tpu.vector_load %arg8[%swap3A_320, %swap3A_321] {strides = array<i32>} : memref<128x128xf32, #tpu.memory_space<vmem>>, vector<1x16xf32>,
      %swap3A_323 = vector.shape_cast %swap3A_322 : vector<1x16xf32> to vector<16xf32>
      %swap3A_324 = vector.shape_cast %broadcast_in_dim3A_1 : vector<16xf32> to vector<1x16xf32>
      tpu.vector_store %arg8[%swap3A_320, %swap3A_321], %swap3A_324 {strides = array<i32>} : memref<128x128xf32, #tpu.memory_space<vmem>>, vector<1x16xf32>,
      %scan3A_325 = arith.constant 0 : i32
      scf.yield %scan3A_325 : i32
    }
    %scan3A_7 = arith.constant 128 : i32
    %mul3A_8 = arith.constant 5 : i32
    %mul3A_9 = arith.muli %arg1, %mul3A_8 : i32
    %add3A_10 = arith.constant 0 : i32
    %add3A_11 = arith.addi %mul3A_9, %add3A_10 : i32
    %mul3A_12 = arith.constant 128 : i32
    %mul3A_13 = arith.muli %add3A_11, %mul3A_12 : i32
    "tpu.region"() ({
      %run_scoped3A_283 = tpu.sem_alloc : memref<!tpu.dma_semaphore, #tpu.memory_space<semaphore_mem>>
      %dma_start3A_284 = arith.constant 0 : i32
      %dma_start3A_285 = tpu.memref_slice %arg10[%mul3A_13, %dma_start3A_284] : memref<10240x128xf32, #tpu.memory_space<vmem_shared>> -> memref<128x128xf32, #tpu.memory_space<vmem_shared>>
      %dma_start3A_286 = arith.constant 0 : i32
      %dma_start3A_287 = tpu.memref_slice %arg10[%mul3A_13, %dma_start3A_286] : memref<10240x128xf32, #tpu.memory_space<vmem_shared>> -> memref<128x128xf32, #tpu.memory_space<vmem_shared>>
      tpu.enqueue_dma source(%arg8 : memref<128x128xf32, #tpu.memory_space<vmem>>) target(%dma_start3A_287 : memref<128x128xf32, #tpu.memory_space<vmem_shared>>) target_semaphore(%run_scoped3A_283 : memref<!tpu.dma_semaphore, #tpu.memory_space<semaphore_mem>>)
      %dma_wait3A_288 = arith.constant 0 : i32
      %dma_wait3A_289 = tpu.memref_slice %arg10[%mul3A_13, %dma_wait3A_288] : memref<10240x128xf32, #tpu.memory_space<vmem_shared>> -> memref<128x128xf32, #tpu.memory_space<vmem_shared>>
      %dma_wait3A_290 = arith.constant 0 : i32
      %dma_wait3A_291 = tpu.memref_slice %arg10[%mul3A_13, %dma_wait3A_290] : memref<10240x128xf32, #tpu.memory_space<vmem_shared>> -> memref<128x128xf32, #tpu.memory_space<vmem_shared>>
      tpu.wait_dma2 semaphore(%run_scoped3A_283 : memref<!tpu.dma_semaphore, #tpu.memory_space<semaphore_mem>>) src(%arg8 : memref<128x128xf32, #tpu.memory_space<vmem>>) dst(%dma_wait3A_291 : memref<128x128xf32, #tpu.memory_space<vmem_shared>>)
      tpu.yield
    }) : () -> ()
    %mul3A_14 = arith.constant 5 : i32
    %mul3A_15 = arith.muli %arg1, %mul3A_14 : i32
    %add3A_16 = arith.constant 1 : i32
    %add3A_17 = arith.addi %mul3A_15, %add3A_16 : i32
    %mul3A_18 = arith.constant 128 : i32
    %mul3A_19 = arith.muli %add3A_17, %mul3A_18 : i32
    "tpu.region"() ({
      %run_scoped3A_283 = tpu.sem_alloc : memref<!tpu.dma_semaphore, #tpu.memory_space<semaphore_mem>>
      %dma_start3A_284 = arith.constant 0 : i32
      %dma_start3A_285 = tpu.memref_slice %arg10[%mul3A_19, %dma_start3A_284] : memref<10240x128xf32, #tpu.memory_space<vmem_shared>> -> memref<128x128xf32, #tpu.memory_space<vmem_shared>>
      %dma_start3A_286 = arith.constant 0 : i32
      %dma_start3A_287 = tpu.memref_slice %arg10[%mul3A_19, %dma_start3A_286] : memref<10240x128xf32, #tpu.memory_space<vmem_shared>> -> memref<128x128xf32, #tpu.memory_space<vmem_shared>>
      tpu.enqueue_dma source(%arg8 : memref<128x128xf32, #tpu.memory_space<vmem>>) target(%dma_start3A_287 : memref<128x128xf32, #tpu.memory_space<vmem_shared>>) target_semaphore(%run_scoped3A_283 : memref<!tpu.dma_semaphore, #tpu.memory_space<semaphore_mem>>)
      %dma_wait3A_288 = arith.constant 0 : i32
      %dma_wait3A_289 = tpu.memref_slice %arg10[%mul3A_19, %dma_wait3A_288] : memref<10240x128xf32, #tpu.memory_space<vmem_shared>> -> memref<128x128xf32, #tpu.memory_space<vmem_shared>>
      %dma_wait3A_290 = arith.constant 0 : i32
      %dma_wait3A_291 = tpu.memref_slice %arg10[%mul3A_19, %dma_wait3A_290] : memref<10240x128xf32, #tpu.memory_space<vmem_shared>> -> memref<128x128xf32, #tpu.memory_space<vmem_shared>>
      tpu.wait_dma2 semaphore(%run_scoped3A_283 : memref<!tpu.dma_semaphore, #tpu.memory_space<semaphore_mem>>) src(%arg8 : memref<128x128xf32, #tpu.memory_space<vmem>>) dst(%dma_wait3A_291 : memref<128x128xf32, #tpu.memory_space<vmem_shared>>)
      tpu.yield
    }) : () -> ()
    %mul3A_20 = arith.constant 5 : i32
    %mul3A_21 = arith.muli %arg1, %mul3A_20 : i32
    %add3A_22 = arith.constant 2 : i32
    %add3A_23 = arith.addi %mul3A_21, %add3A_22 : i32
    %mul3A_24 = arith.constant 128 : i32
    %mul3A_25 = arith.muli %add3A_23, %mul3A_24 : i32
    "tpu.region"() ({
      %run_scoped3A_283 = tpu.sem_alloc : memref<!tpu.dma_semaphore, #tpu.memory_space<semaphore_mem>>
      %dma_start3A_284 = arith.constant 0 : i32
      %dma_start3A_285 = tpu.memref_slice %arg10[%mul3A_25, %dma_start3A_284] : memref<10240x128xf32, #tpu.memory_space<vmem_shared>> -> memref<128x128xf32, #tpu.memory_space<vmem_shared>>
      %dma_start3A_286 = arith.constant 0 : i32
      %dma_start3A_287 = tpu.memref_slice %arg10[%mul3A_25, %dma_start3A_286] : memref<10240x128xf32, #tpu.memory_space<vmem_shared>> -> memref<128x128xf32, #tpu.memory_space<vmem_shared>>
      tpu.enqueue_dma source(%arg8 : memref<128x128xf32, #tpu.memory_space<vmem>>) target(%dma_start3A_287 : memref<128x128xf32, #tpu.memory_space<vmem_shared>>) target_semaphore(%run_scoped3A_283 : memref<!tpu.dma_semaphore, #tpu.memory_space<semaphore_mem>>)
      %dma_wait3A_288 = arith.constant 0 : i32
      %dma_wait3A_289 = tpu.memref_slice %arg10[%mul3A_25, %dma_wait3A_288] : memref<10240x128xf32, #tpu.memory_space<vmem_shared>> -> memref<128x128xf32, #tpu.memory_space<vmem_shared>>
      %dma_wait3A_290 = arith.constant 0 : i32
      %dma_wait3A_291 = tpu.memref_slice %arg10[%mul3A_25, %dma_wait3A_290] : memref<10240x128xf32, #tpu.memory_space<vmem_shared>> -> memref<128x128xf32, #tpu.memory_space<vmem_shared>>
      tpu.wait_dma2 semaphore(%run_scoped3A_283 : memref<!tpu.dma_semaphore, #tpu.memory_space<semaphore_mem>>) src(%arg8 : memref<128x128xf32, #tpu.memory_space<vmem>>) dst(%dma_wait3A_291 : memref<128x128xf32, #tpu.memory_space<vmem_shared>>)
      tpu.yield
    }) : () -> ()
    %mul3A_26 = arith.constant 5 : i32
    %mul3A_27 = arith.muli %arg1, %mul3A_26 : i32
    %add3A_28 = arith.constant 3 : i32
    %add3A_29 = arith.addi %mul3A_27, %add3A_28 : i32
    %mul3A_30 = arith.constant 128 : i32
    %mul3A_31 = arith.muli %add3A_29, %mul3A_30 : i32
    "tpu.region"() ({
      %run_scoped3A_283 = tpu.sem_alloc : memref<!tpu.dma_semaphore, #tpu.memory_space<semaphore_mem>>
      %dma_start3A_284 = arith.constant 0 : i32
      %dma_start3A_285 = tpu.memref_slice %arg10[%mul3A_31, %dma_start3A_284] : memref<10240x128xf32, #tpu.memory_space<vmem_shared>> -> memref<128x128xf32, #tpu.memory_space<vmem_shared>>
      %dma_start3A_286 = arith.constant 0 : i32
      %dma_start3A_287 = tpu.memref_slice %arg10[%mul3A_31, %dma_start3A_286] : memref<10240x128xf32, #tpu.memory_space<vmem_shared>> -> memref<128x128xf32, #tpu.memory_space<vmem_shared>>
      tpu.enqueue_dma source(%arg8 : memref<128x128xf32, #tpu.memory_space<vmem>>) target(%dma_start3A_287 : memref<128x128xf32, #tpu.memory_space<vmem_shared>>) target_semaphore(%run_scoped3A_283 : memref<!tpu.dma_semaphore, #tpu.memory_space<semaphore_mem>>)
      %dma_wait3A_288 = arith.constant 0 : i32
      %dma_wait3A_289 = tpu.memref_slice %arg10[%mul3A_31, %dma_wait3A_288] : memref<10240x128xf32, #tpu.memory_space<vmem_shared>> -> memref<128x128xf32, #tpu.memory_space<vmem_shared>>
      %dma_wait3A_290 = arith.constant 0 : i32
      %dma_wait3A_291 = tpu.memref_slice %arg10[%mul3A_31, %dma_wait3A_290] : memref<10240x128xf32, #tpu.memory_space<vmem_shared>> -> memref<128x128xf32, #tpu.memory_space<vmem_shared>>
      tpu.wait_dma2 semaphore(%run_scoped3A_283 : memref<!tpu.dma_semaphore, #tpu.memory_space<semaphore_mem>>) src(%arg8 : memref<128x128xf32, #tpu.memory_space<vmem>>) dst(%dma_wait3A_291 : memref<128x128xf32, #tpu.memory_space<vmem_shared>>)
      tpu.yield
    }) : () -> ()
    %mul3A_32 = arith.constant 5 : i32
    %mul3A_33 = arith.muli %arg1, %mul3A_32 : i32
    %add3A_34 = arith.constant 4 : i32
    %add3A_35 = arith.addi %mul3A_33, %add3A_34 : i32
    %mul3A_36 = arith.constant 128 : i32
    %mul3A_37 = arith.muli %add3A_35, %mul3A_36 : i32
    "tpu.region"() ({
      %run_scoped3A_283 = tpu.sem_alloc : memref<!tpu.dma_semaphore, #tpu.memory_space<semaphore_mem>>
      %dma_start3A_284 = arith.constant 0 : i32
      %dma_start3A_285 = tpu.memref_slice %arg10[%mul3A_37, %dma_start3A_284] : memref<10240x128xf32, #tpu.memory_space<vmem_shared>> -> memref<128x128xf32, #tpu.memory_space<vmem_shared>>
      %dma_start3A_286 = arith.constant 0 : i32
      %dma_start3A_287 = tpu.memref_slice %arg10[%mul3A_37, %dma_start3A_286] : memref<10240x128xf32, #tpu.memory_space<vmem_shared>> -> memref<128x128xf32, #tpu.memory_space<vmem_shared>>
      tpu.enqueue_dma source(%arg8 : memref<128x128xf32, #tpu.memory_space<vmem>>) target(%dma_start3A_287 : memref<128x128xf32, #tpu.memory_space<vmem_shared>>) target_semaphore(%run_scoped3A_283 : memref<!tpu.dma_semaphore, #tpu.memory_space<semaphore_mem>>)
      %dma_wait3A_288 = arith.constant 0 : i32
      %dma_wait3A_289 = tpu.memref_slice %arg10[%mul3A_37, %dma_wait3A_288] : memref<10240x128xf32, #tpu.memory_space<vmem_shared>> -> memref<128x128xf32, #tpu.memory_space<vmem_shared>>
      %dma_wait3A_290 = arith.constant 0 : i32
      %dma_wait3A_291 = tpu.memref_slice %arg10[%mul3A_37, %dma_wait3A_290] : memref<10240x128xf32, #tpu.memory_space<vmem_shared>> -> memref<128x128xf32, #tpu.memory_space<vmem_shared>>
      tpu.wait_dma2 semaphore(%run_scoped3A_283 : memref<!tpu.dma_semaphore, #tpu.memory_space<semaphore_mem>>) src(%arg8 : memref<128x128xf32, #tpu.memory_space<vmem>>) dst(%dma_wait3A_291 : memref<128x128xf32, #tpu.memory_space<vmem_shared>>)
      tpu.yield
    }) : () -> ()
    %barrier3A = arith.constant 0 : index
    tpu.barrier barrier_id(%barrier3A)
    %get3A = arith.constant 0 : i32
    %get3A_38 = arith.index_cast %get3A : i32 to index
    %get3A_39 = arith.constant 0 : index
    %get3A_40 = tpu.vector_load %arg5[%get3A_38, %get3A_39] {strides = array<i32>} : memref<79x128xi32, #tpu.memory_space<vmem>>, vector<1x16xi32>,
    %get3A_41 = vector.shape_cast %get3A_40 : vector<1x16xi32> to vector<16xi32>
    %and3A = arith.constant 32767 : i32
    %and3A_42 = vector.broadcast %and3A : i32 to vector<16xi32>
    %and3A_43 = arith.andi %get3A_41, %and3A_42 : vector<16xi32>
    %swap3A = arith.constant 0 : i32
    %swap3A_44 = arith.index_cast %swap3A : i32 to index
    %swap3A_45 = arith.constant 0 : index
    %swap3A_46 = tpu.vector_load %arg6[%swap3A_44, %swap3A_45] {strides = array<i32>} : memref<2x128xi32, #tpu.memory_space<vmem>>, vector<1x16xi32>,
    %swap3A_47 = vector.shape_cast %swap3A_46 : vector<1x16xi32> to vector<16xi32>
    %swap3A_48 = vector.shape_cast %and3A_43 : vector<16xi32> to vector<1x16xi32>
    tpu.vector_store %arg6[%swap3A_44, %swap3A_45], %swap3A_48 {strides = array<i32>} : memref<2x128xi32, #tpu.memory_space<vmem>>, vector<1x16xi32>,
    %shift_right_logical3A = arith.constant 15 : i32
    %shift_right_logical3A_49 = vector.broadcast %shift_right_logical3A : i32 to vector<16xi32>
    %shift_right_logical3A_50 = arith.shrui %get3A_41, %shift_right_logical3A_49 : vector<16xi32>
    %swap3A_51 = arith.constant 0 : i32
    %swap3A_52 = arith.index_cast %swap3A_51 : i32 to index
    %swap3A_53 = arith.constant 0 : index
    %swap3A_54 = tpu.vector_load %arg7[%swap3A_52, %swap3A_53] {strides = array<i32>} : memref<2x128xi32, #tpu.memory_space<vmem>>, vector<1x16xi32>,
    %swap3A_55 = vector.shape_cast %swap3A_54 : vector<1x16xi32> to vector<16xi32>
    %swap3A_56 = vector.shape_cast %shift_right_logical3A_50 : vector<16xi32> to vector<1x16xi32>
    tpu.vector_store %arg7[%swap3A_52, %swap3A_53], %swap3A_56 {strides = array<i32>} : memref<2x128xi32, #tpu.memory_space<vmem>>, vector<1x16xi32>,
    %get3A_57 = arith.constant 0 : i32
    %get3A_58 = arith.index_cast %get3A_57 : i32 to index
    %get3A_59 = arith.constant 16 : index
    %get3A_60 = tpu.vector_load %arg5[%get3A_58, %get3A_59] {strides = array<i32>} : memref<79x128xi32, #tpu.memory_space<vmem>>, vector<1x16xi32>,
    %get3A_61 = vector.shape_cast %get3A_60 : vector<1x16xi32> to vector<16xi32>
    %and3A_62 = arith.constant 32767 : i32
    %and3A_63 = vector.broadcast %and3A_62 : i32 to vector<16xi32>
    %and3A_64 = arith.andi %get3A_61, %and3A_63 : vector<16xi32>
    %swap3A_65 = arith.constant 0 : i32
    %swap3A_66 = arith.index_cast %swap3A_65 : i32 to index
    %swap3A_67 = arith.constant 16 : index
    %swap3A_68 = tpu.vector_load %arg6[%swap3A_66, %swap3A_67] {strides = array<i32>} : memref<2x128xi32, #tpu.memory_space<vmem>>, vector<1x16xi32>,
    %swap3A_69 = vector.shape_cast %swap3A_68 : vector<1x16xi32> to vector<16xi32>
    %swap3A_70 = vector.shape_cast %and3A_64 : vector<16xi32> to vector<1x16xi32>
    tpu.vector_store %arg6[%swap3A_66, %swap3A_67], %swap3A_70 {strides = array<i32>} : memref<2x128xi32, #tpu.memory_space<vmem>>, vector<1x16xi32>,
    %shift_right_logical3A_71 = arith.constant 15 : i32
    %shift_right_logical3A_72 = vector.broadcast %shift_right_logical3A_71 : i32 to vector<16xi32>
    %shift_right_logical3A_73 = arith.shrui %get3A_61, %shift_right_logical3A_72 : vector<16xi32>
    %swap3A_74 = arith.constant 0 : i32
    %swap3A_75 = arith.index_cast %swap3A_74 : i32 to index
    %swap3A_76 = arith.constant 16 : index
    %swap3A_77 = tpu.vector_load %arg7[%swap3A_75, %swap3A_76] {strides = array<i32>} : memref<2x128xi32, #tpu.memory_space<vmem>>, vector<1x16xi32>,
    %swap3A_78 = vector.shape_cast %swap3A_77 : vector<1x16xi32> to vector<16xi32>
    %swap3A_79 = vector.shape_cast %shift_right_logical3A_73 : vector<16xi32> to vector<1x16xi32>
    tpu.vector_store %arg7[%swap3A_75, %swap3A_76], %swap3A_79 {strides = array<i32>} : memref<2x128xi32, #tpu.memory_space<vmem>>, vector<1x16xi32>,
    %get3A_80 = arith.constant 0 : i32
    %get3A_81 = arith.index_cast %get3A_80 : i32 to index
    %get3A_82 = arith.constant 32 : index
    %get3A_83 = tpu.vector_load %arg5[%get3A_81, %get3A_82] {strides = array<i32>} : memref<79x128xi32, #tpu.memory_space<vmem>>, vector<1x16xi32>,
    %get3A_84 = vector.shape_cast %get3A_83 : vector<1x16xi32> to vector<16xi32>
    %and3A_85 = arith.constant 32767 : i32
    %and3A_86 = vector.broadcast %and3A_85 : i32 to vector<16xi32>
    %and3A_87 = arith.andi %get3A_84, %and3A_86 : vector<16xi32>
    %swap3A_88 = arith.constant 0 : i32
    %swap3A_89 = arith.index_cast %swap3A_88 : i32 to index
    %swap3A_90 = arith.constant 32 : index
    %swap3A_91 = tpu.vector_load %arg6[%swap3A_89, %swap3A_90] {strides = array<i32>} : memref<2x128xi32, #tpu.memory_space<vmem>>, vector<1x16xi32>,
    %swap3A_92 = vector.shape_cast %swap3A_91 : vector<1x16xi32> to vector<16xi32>
    %swap3A_93 = vector.shape_cast %and3A_87 : vector<16xi32> to vector<1x16xi32>
    tpu.vector_store %arg6[%swap3A_89, %swap3A_90], %swap3A_93 {strides = array<i32>} : memref<2x128xi32, #tpu.memory_space<vmem>>, vector<1x16xi32>,
    %shift_right_logical3A_94 = arith.constant 15 : i32
    %shift_right_logical3A_95 = vector.broadcast %shift_right_logical3A_94 : i32 to vector<16xi32>
    %shift_right_logical3A_96 = arith.shrui %get3A_84, %shift_right_logical3A_95 : vector<16xi32>
    %swap3A_97 = arith.constant 0 : i32
    %swap3A_98 = arith.index_cast %swap3A_97 : i32 to index
    %swap3A_99 = arith.constant 32 : index
    %swap3A_100 = tpu.vector_load %arg7[%swap3A_98, %swap3A_99] {strides = array<i32>} : memref<2x128xi32, #tpu.memory_space<vmem>>, vector<1x16xi32>,
    %swap3A_101 = vector.shape_cast %swap3A_100 : vector<1x16xi32> to vector<16xi32>
    %swap3A_102 = vector.shape_cast %shift_right_logical3A_96 : vector<16xi32> to vector<1x16xi32>
    tpu.vector_store %arg7[%swap3A_98, %swap3A_99], %swap3A_102 {strides = array<i32>} : memref<2x128xi32, #tpu.memory_space<vmem>>, vector<1x16xi32>,
    %get3A_103 = arith.constant 0 : i32
    %get3A_104 = arith.index_cast %get3A_103 : i32 to index
    %get3A_105 = arith.constant 48 : index
    %get3A_106 = tpu.vector_load %arg5[%get3A_104, %get3A_105] {strides = array<i32>} : memref<79x128xi32, #tpu.memory_space<vmem>>, vector<1x16xi32>,
    %get3A_107 = vector.shape_cast %get3A_106 : vector<1x16xi32> to vector<16xi32>
    %and3A_108 = arith.constant 32767 : i32
    %and3A_109 = vector.broadcast %and3A_108 : i32 to vector<16xi32>
    %and3A_110 = arith.andi %get3A_107, %and3A_109 : vector<16xi32>
    %swap3A_111 = arith.constant 0 : i32
    %swap3A_112 = arith.index_cast %swap3A_111 : i32 to index
    %swap3A_113 = arith.constant 48 : index
    %swap3A_114 = tpu.vector_load %arg6[%swap3A_112, %swap3A_113] {strides = array<i32>} : memref<2x128xi32, #tpu.memory_space<vmem>>, vector<1x16xi32>,
    %swap3A_115 = vector.shape_cast %swap3A_114 : vector<1x16xi32> to vector<16xi32>
    %swap3A_116 = vector.shape_cast %and3A_110 : vector<16xi32> to vector<1x16xi32>
    tpu.vector_store %arg6[%swap3A_112, %swap3A_113], %swap3A_116 {strides = array<i32>} : memref<2x128xi32, #tpu.memory_space<vmem>>, vector<1x16xi32>,
    %shift_right_logical3A_117 = arith.constant 15 : i32
    %shift_right_logical3A_118 = vector.broadcast %shift_right_logical3A_117 : i32 to vector<16xi32>
    %shift_right_logical3A_119 = arith.shrui %get3A_107, %shift_right_logical3A_118 : vector<16xi32>
    %swap3A_120 = arith.constant 0 : i32
    %swap3A_121 = arith.index_cast %swap3A_120 : i32 to index
    %swap3A_122 = arith.constant 48 : index
    %swap3A_123 = tpu.vector_load %arg7[%swap3A_121, %swap3A_122] {strides = array<i32>} : memref<2x128xi32, #tpu.memory_space<vmem>>, vector<1x16xi32>,
    %swap3A_124 = vector.shape_cast %swap3A_123 : vector<1x16xi32> to vector<16xi32>
    %swap3A_125 = vector.shape_cast %shift_right_logical3A_119 : vector<16xi32> to vector<1x16xi32>
    tpu.vector_store %arg7[%swap3A_121, %swap3A_122], %swap3A_125 {strides = array<i32>} : memref<2x128xi32, #tpu.memory_space<vmem>>, vector<1x16xi32>,
    %get3A_126 = arith.constant 0 : i32
    %get3A_127 = arith.index_cast %get3A_126 : i32 to index
    %get3A_128 = arith.constant 64 : index
    %get3A_129 = tpu.vector_load %arg5[%get3A_127, %get3A_128] {strides = array<i32>} : memref<79x128xi32, #tpu.memory_space<vmem>>, vector<1x16xi32>,
    %get3A_130 = vector.shape_cast %get3A_129 : vector<1x16xi32> to vector<16xi32>
    %and3A_131 = arith.constant 32767 : i32
    %and3A_132 = vector.broadcast %and3A_131 : i32 to vector<16xi32>
    %and3A_133 = arith.andi %get3A_130, %and3A_132 : vector<16xi32>
    %swap3A_134 = arith.constant 0 : i32
    %swap3A_135 = arith.index_cast %swap3A_134 : i32 to index
    %swap3A_136 = arith.constant 64 : index
    %swap3A_137 = tpu.vector_load %arg6[%swap3A_135, %swap3A_136] {strides = array<i32>} : memref<2x128xi32, #tpu.memory_space<vmem>>, vector<1x16xi32>,
    %swap3A_138 = vector.shape_cast %swap3A_137 : vector<1x16xi32> to vector<16xi32>
    %swap3A_139 = vector.shape_cast %and3A_133 : vector<16xi32> to vector<1x16xi32>
    tpu.vector_store %arg6[%swap3A_135, %swap3A_136], %swap3A_139 {strides = array<i32>} : memref<2x128xi32, #tpu.memory_space<vmem>>, vector<1x16xi32>,
    %shift_right_logical3A_140 = arith.constant 15 : i32
    %shift_right_logical3A_141 = vector.broadcast %shift_right_logical3A_140 : i32 to vector<16xi32>
    %shift_right_logical3A_142 = arith.shrui %get3A_130, %shift_right_logical3A_141 : vector<16xi32>
    %swap3A_143 = arith.constant 0 : i32
    %swap3A_144 = arith.index_cast %swap3A_143 : i32 to index
    %swap3A_145 = arith.constant 64 : index
    %swap3A_146 = tpu.vector_load %arg7[%swap3A_144, %swap3A_145] {strides = array<i32>} : memref<2x128xi32, #tpu.memory_space<vmem>>, vector<1x16xi32>,
    %swap3A_147 = vector.shape_cast %swap3A_146 : vector<1x16xi32> to vector<16xi32>
    %swap3A_148 = vector.shape_cast %shift_right_logical3A_142 : vector<16xi32> to vector<1x16xi32>
    tpu.vector_store %arg7[%swap3A_144, %swap3A_145], %swap3A_148 {strides = array<i32>} : memref<2x128xi32, #tpu.memory_space<vmem>>, vector<1x16xi32>,
    %get3A_149 = arith.constant 0 : i32
    %get3A_150 = arith.index_cast %get3A_149 : i32 to index
    %get3A_151 = arith.constant 80 : index
    %get3A_152 = tpu.vector_load %arg5[%get3A_150, %get3A_151] {strides = array<i32>} : memref<79x128xi32, #tpu.memory_space<vmem>>, vector<1x16xi32>,
    %get3A_153 = vector.shape_cast %get3A_152 : vector<1x16xi32> to vector<16xi32>
    %and3A_154 = arith.constant 32767 : i32
    %and3A_155 = vector.broadcast %and3A_154 : i32 to vector<16xi32>
    %and3A_156 = arith.andi %get3A_153, %and3A_155 : vector<16xi32>
    %swap3A_157 = arith.constant 0 : i32
    %swap3A_158 = arith.index_cast %swap3A_157 : i32 to index
    %swap3A_159 = arith.constant 80 : index
    %swap3A_160 = tpu.vector_load %arg6[%swap3A_158, %swap3A_159] {strides = array<i32>} : memref<2x128xi32, #tpu.memory_space<vmem>>, vector<1x16xi32>,
    %swap3A_161 = vector.shape_cast %swap3A_160 : vector<1x16xi32> to vector<16xi32>
    %swap3A_162 = vector.shape_cast %and3A_156 : vector<16xi32> to vector<1x16xi32>
    tpu.vector_store %arg6[%swap3A_158, %swap3A_159], %swap3A_162 {strides = array<i32>} : memref<2x128xi32, #tpu.memory_space<vmem>>, vector<1x16xi32>,
    %shift_right_logical3A_163 = arith.constant 15 : i32
    %shift_right_logical3A_164 = vector.broadcast %shift_right_logical3A_163 : i32 to vector<16xi32>
    %shift_right_logical3A_165 = arith.shrui %get3A_153, %shift_right_logical3A_164 : vector<16xi32>
    %swap3A_166 = arith.constant 0 : i32
    %swap3A_167 = arith.index_cast %swap3A_166 : i32 to index
    %swap3A_168 = arith.constant 80 : index
    %swap3A_169 = tpu.vector_load %arg7[%swap3A_167, %swap3A_168] {strides = array<i32>} : memref<2x128xi32, #tpu.memory_space<vmem>>, vector<1x16xi32>,
    %swap3A_170 = vector.shape_cast %swap3A_169 : vector<1x16xi32> to vector<16xi32>
    %swap3A_171 = vector.shape_cast %shift_right_logical3A_165 : vector<16xi32> to vector<1x16xi32>
    tpu.vector_store %arg7[%swap3A_167, %swap3A_168], %swap3A_171 {strides = array<i32>} : memref<2x128xi32, #tpu.memory_space<vmem>>, vector<1x16xi32>,
    %get3A_172 = arith.constant 0 : i32
    %get3A_173 = arith.index_cast %get3A_172 : i32 to index
    %get3A_174 = arith.constant 96 : index
    %get3A_175 = tpu.vector_load %arg5[%get3A_173, %get3A_174] {strides = array<i32>} : memref<79x128xi32, #tpu.memory_space<vmem>>, vector<1x16xi32>,
    %get3A_176 = vector.shape_cast %get3A_175 : vector<1x16xi32> to vector<16xi32>
    %and3A_177 = arith.constant 32767 : i32
    %and3A_178 = vector.broadcast %and3A_177 : i32 to vector<16xi32>
    %and3A_179 = arith.andi %get3A_176, %and3A_178 : vector<16xi32>
    %swap3A_180 = arith.constant 0 : i32
    %swap3A_181 = arith.index_cast %swap3A_180 : i32 to index
    %swap3A_182 = arith.constant 96 : index
    %swap3A_183 = tpu.vector_load %arg6[%swap3A_181, %swap3A_182] {strides = array<i32>} : memref<2x128xi32, #tpu.memory_space<vmem>>, vector<1x16xi32>,
    %swap3A_184 = vector.shape_cast %swap3A_183 : vector<1x16xi32> to vector<16xi32>
    %swap3A_185 = vector.shape_cast %and3A_179 : vector<16xi32> to vector<1x16xi32>
    tpu.vector_store %arg6[%swap3A_181, %swap3A_182], %swap3A_185 {strides = array<i32>} : memref<2x128xi32, #tpu.memory_space<vmem>>, vector<1x16xi32>,
    %shift_right_logical3A_186 = arith.constant 15 : i32
    %shift_right_logical3A_187 = vector.broadcast %shift_right_logical3A_186 : i32 to vector<16xi32>
    %shift_right_logical3A_188 = arith.shrui %get3A_176, %shift_right_logical3A_187 : vector<16xi32>
    %swap3A_189 = arith.constant 0 : i32
    %swap3A_190 = arith.index_cast %swap3A_189 : i32 to index
    %swap3A_191 = arith.constant 96 : index
    %swap3A_192 = tpu.vector_load %arg7[%swap3A_190, %swap3A_191] {strides = array<i32>} : memref<2x128xi32, #tpu.memory_space<vmem>>, vector<1x16xi32>,
    %swap3A_193 = vector.shape_cast %swap3A_192 : vector<1x16xi32> to vector<16xi32>
    %swap3A_194 = vector.shape_cast %shift_right_logical3A_188 : vector<16xi32> to vector<1x16xi32>
    tpu.vector_store %arg7[%swap3A_190, %swap3A_191], %swap3A_194 {strides = array<i32>} : memref<2x128xi32, #tpu.memory_space<vmem>>, vector<1x16xi32>,
    %get3A_195 = arith.constant 0 : i32
    %get3A_196 = arith.index_cast %get3A_195 : i32 to index
    %get3A_197 = arith.constant 112 : index
    %get3A_198 = tpu.vector_load %arg5[%get3A_196, %get3A_197] {strides = array<i32>} : memref<79x128xi32, #tpu.memory_space<vmem>>, vector<1x16xi32>,
    %get3A_199 = vector.shape_cast %get3A_198 : vector<1x16xi32> to vector<16xi32>
    %and3A_200 = arith.constant 32767 : i32
    %and3A_201 = vector.broadcast %and3A_200 : i32 to vector<16xi32>
    %and3A_202 = arith.andi %get3A_199, %and3A_201 : vector<16xi32>
    %swap3A_203 = arith.constant 0 : i32
    %swap3A_204 = arith.index_cast %swap3A_203 : i32 to index
    %swap3A_205 = arith.constant 112 : index
    %swap3A_206 = tpu.vector_load %arg6[%swap3A_204, %swap3A_205] {strides = array<i32>} : memref<2x128xi32, #tpu.memory_space<vmem>>, vector<1x16xi32>,
    %swap3A_207 = vector.shape_cast %swap3A_206 : vector<1x16xi32> to vector<16xi32>
    %swap3A_208 = vector.shape_cast %and3A_202 : vector<16xi32> to vector<1x16xi32>
    tpu.vector_store %arg6[%swap3A_204, %swap3A_205], %swap3A_208 {strides = array<i32>} : memref<2x128xi32, #tpu.memory_space<vmem>>, vector<1x16xi32>,
    %shift_right_logical3A_209 = arith.constant 15 : i32
    %shift_right_logical3A_210 = vector.broadcast %shift_right_logical3A_209 : i32 to vector<16xi32>
    %shift_right_logical3A_211 = arith.shrui %get3A_199, %shift_right_logical3A_210 : vector<16xi32>
    %swap3A_212 = arith.constant 0 : i32
    %swap3A_213 = arith.index_cast %swap3A_212 : i32 to index
    %swap3A_214 = arith.constant 112 : index
    %swap3A_215 = tpu.vector_load %arg7[%swap3A_213, %swap3A_214] {strides = array<i32>} : memref<2x128xi32, #tpu.memory_space<vmem>>, vector<1x16xi32>,
    %swap3A_216 = vector.shape_cast %swap3A_215 : vector<1x16xi32> to vector<16xi32>
    %swap3A_217 = vector.shape_cast %shift_right_logical3A_211 : vector<16xi32> to vector<1x16xi32>
    tpu.vector_store %arg7[%swap3A_213, %swap3A_214], %swap3A_217 {strides = array<i32>} : memref<2x128xi32, #tpu.memory_space<vmem>>, vector<1x16xi32>,
    %dma_start3A = arith.constant 0 : i32
    %dma_start3A_218 = arith.constant 0 : i32
    %dma_start3A_219 = tpu.memref_slice %arg6[%dma_start3A, %dma_start3A_218] : memref<2x128xi32, #tpu.memory_space<vmem>> -> memref<1x128xi32, #tpu.memory_space<vmem>>
    %dma_start3A_220 = tpu.memref_squeeze %dma_start3A_219 : memref<1x128xi32, #tpu.memory_space<vmem>> -> memref<128xi32, #tpu.memory_space<vmem>>
    %dma_start3A_221 = arith.constant 0 : i32
    %dma_start3A_222 = arith.constant 0 : i32
    %dma_start3A_223 = tpu.memref_slice %arg2[%dma_start3A_221, %dma_start3A_222] : memref<20000x128xf32, #tpu.memory_space<hbm>> -> memref<20000x128xf32, #tpu.memory_space<hbm>>
    tpu.enqueue_indirect_dma source(%dma_start3A_223 : memref<20000x128xf32, #tpu.memory_space<hbm>>) target(%arg8 : memref<128x128xf32, #tpu.memory_space<vmem>>) offsets(%dma_start3A_220 : memref<128xi32, #tpu.memory_space<vmem>>) semaphore(%arg11 : memref<!tpu.dma_semaphore, #tpu.memory_space<semaphore_mem>>)
    %scan3A_224 = arith.constant 0 : i32
    %scan3A_225 = arith.constant 0 : i32
    %scan3A_226 = arith.constant 39 : i32
    %scan3A_227 = arith.addi %scan3A_225, %scan3A_226 : i32
    %scan3A_228 = arith.constant 1 : i32
    %scan3A_229 = scf.for %scan3A_283 = %scan3A_225 to %scan3A_227 step %scan3A_228 iter_args(%scan3A_284 = %scan3A_224) -> (i32)  : i32 {
      %mul3A_285 = arith.constant 2 : i32
      %mul3A_286 = arith.muli %mul3A_285, %scan3A_283 : i32
      %add3A_287 = arith.constant 1 : i32
      %add3A_288 = arith.addi %mul3A_286, %add3A_287 : i32
      %get3A_289 = arith.index_cast %add3A_288 : i32 to index
      %get3A_290 = arith.constant 0 : index
      %get3A_291 = tpu.vector_load %arg5[%get3A_289, %get3A_290] {strides = array<i32>} : memref<79x128xi32, #tpu.memory_space<vmem>>, vector<1x16xi32>,
      %get3A_292 = vector.shape_cast %get3A_291 : vector<1x16xi32> to vector<16xi32>
      %and3A_293 = arith.constant 32767 : i32
      %and3A_294 = vector.broadcast %and3A_293 : i32 to vector<16xi32>
      %and3A_295 = arith.andi %get3A_292, %and3A_294 : vector<16xi32>
      %swap3A_296 = arith.constant 1 : i32
      %swap3A_297 = arith.index_cast %swap3A_296 : i32 to index
      %swap3A_298 = arith.constant 0 : index
      %swap3A_299 = tpu.vector_load %arg6[%swap3A_297, %swap3A_298] {strides = array<i32>} : memref<2x128xi32, #tpu.memory_space<vmem>>, vector<1x16xi32>,
      %swap3A_300 = vector.shape_cast %swap3A_299 : vector<1x16xi32> to vector<16xi32>
      %swap3A_301 = vector.shape_cast %and3A_295 : vector<16xi32> to vector<1x16xi32>
      tpu.vector_store %arg6[%swap3A_297, %swap3A_298], %swap3A_301 {strides = array<i32>} : memref<2x128xi32, #tpu.memory_space<vmem>>, vector<1x16xi32>,
      %shift_right_logical3A_302 = arith.constant 15 : i32
      %shift_right_logical3A_303 = vector.broadcast %shift_right_logical3A_302 : i32 to vector<16xi32>
      %shift_right_logical3A_304 = arith.shrui %get3A_292, %shift_right_logical3A_303 : vector<16xi32>
      %swap3A_305 = arith.constant 1 : i32
      %swap3A_306 = arith.index_cast %swap3A_305 : i32 to index
      %swap3A_307 = arith.constant 0 : index
      %swap3A_308 = tpu.vector_load %arg7[%swap3A_306, %swap3A_307] {strides = array<i32>} : memref<2x128xi32, #tpu.memory_space<vmem>>, vector<1x16xi32>,
      %swap3A_309 = vector.shape_cast %swap3A_308 : vector<1x16xi32> to vector<16xi32>
      %swap3A_310 = vector.shape_cast %shift_right_logical3A_304 : vector<16xi32> to vector<1x16xi32>
      tpu.vector_store %arg7[%swap3A_306, %swap3A_307], %swap3A_310 {strides = array<i32>} : memref<2x128xi32, #tpu.memory_space<vmem>>, vector<1x16xi32>,
      %get3A_311 = arith.index_cast %add3A_288 : i32 to index
      %get3A_312 = arith.constant 16 : index
      %get3A_313 = tpu.vector_load %arg5[%get3A_311, %get3A_312] {strides = array<i32>} : memref<79x128xi32, #tpu.memory_space<vmem>>, vector<1x16xi32>,
      %get3A_314 = vector.shape_cast %get3A_313 : vector<1x16xi32> to vector<16xi32>
      %and3A_315 = arith.constant 32767 : i32
      %and3A_316 = vector.broadcast %and3A_315 : i32 to vector<16xi32>
      %and3A_317 = arith.andi %get3A_314, %and3A_316 : vector<16xi32>
      %swap3A_318 = arith.constant 1 : i32
      %swap3A_319 = arith.index_cast %swap3A_318 : i32 to index
      %swap3A_320 = arith.constant 16 : index
      %swap3A_321 = tpu.vector_load %arg6[%swap3A_319, %swap3A_320] {strides = array<i32>} : memref<2x128xi32, #tpu.memory_space<vmem>>, vector<1x16xi32>,
      %swap3A_322 = vector.shape_cast %swap3A_321 : vector<1x16xi32> to vector<16xi32>
      %swap3A_323 = vector.shape_cast %and3A_317 : vector<16xi32> to vector<1x16xi32>
      tpu.vector_store %arg6[%swap3A_319, %swap3A_320], %swap3A_323 {strides = array<i32>} : memref<2x128xi32, #tpu.memory_space<vmem>>, vector<1x16xi32>,
      %shift_right_logical3A_324 = arith.constant 15 : i32
      %shift_right_logical3A_325 = vector.broadcast %shift_right_logical3A_324 : i32 to vector<16xi32>
      %shift_right_logical3A_326 = arith.shrui %get3A_314, %shift_right_logical3A_325 : vector<16xi32>
      %swap3A_327 = arith.constant 1 : i32
      %swap3A_328 = arith.index_cast %swap3A_327 : i32 to index
      %swap3A_329 = arith.constant 16 : index
      %swap3A_330 = tpu.vector_load %arg7[%swap3A_328, %swap3A_329] {strides = array<i32>} : memref<2x128xi32, #tpu.memory_space<vmem>>, vector<1x16xi32>,
      %swap3A_331 = vector.shape_cast %swap3A_330 : vector<1x16xi32> to vector<16xi32>
      %swap3A_332 = vector.shape_cast %shift_right_logical3A_326 : vector<16xi32> to vector<1x16xi32>
      tpu.vector_store %arg7[%swap3A_328, %swap3A_329], %swap3A_332 {strides = array<i32>} : memref<2x128xi32, #tpu.memory_space<vmem>>, vector<1x16xi32>,
      %get3A_333 = arith.index_cast %add3A_288 : i32 to index
      %get3A_334 = arith.constant 32 : index
      %get3A_335 = tpu.vector_load %arg5[%get3A_333, %get3A_334] {strides = array<i32>} : memref<79x128xi32, #tpu.memory_space<vmem>>, vector<1x16xi32>,
      %get3A_336 = vector.shape_cast %get3A_335 : vector<1x16xi32> to vector<16xi32>
      %and3A_337 = arith.constant 32767 : i32
      %and3A_338 = vector.broadcast %and3A_337 : i32 to vector<16xi32>
      %and3A_339 = arith.andi %get3A_336, %and3A_338 : vector<16xi32>
      %swap3A_340 = arith.constant 1 : i32
      %swap3A_341 = arith.index_cast %swap3A_340 : i32 to index
      %swap3A_342 = arith.constant 32 : index
      %swap3A_343 = tpu.vector_load %arg6[%swap3A_341, %swap3A_342] {strides = array<i32>} : memref<2x128xi32, #tpu.memory_space<vmem>>, vector<1x16xi32>,
      %swap3A_344 = vector.shape_cast %swap3A_343 : vector<1x16xi32> to vector<16xi32>
      %swap3A_345 = vector.shape_cast %and3A_339 : vector<16xi32> to vector<1x16xi32>
      tpu.vector_store %arg6[%swap3A_341, %swap3A_342], %swap3A_345 {strides = array<i32>} : memref<2x128xi32, #tpu.memory_space<vmem>>, vector<1x16xi32>,
      %shift_right_logical3A_346 = arith.constant 15 : i32
      %shift_right_logical3A_347 = vector.broadcast %shift_right_logical3A_346 : i32 to vector<16xi32>
      %shift_right_logical3A_348 = arith.shrui %get3A_336, %shift_right_logical3A_347 : vector<16xi32>
      %swap3A_349 = arith.constant 1 : i32
      %swap3A_350 = arith.index_cast %swap3A_349 : i32 to index
      %swap3A_351 = arith.constant 32 : index
      %swap3A_352 = tpu.vector_load %arg7[%swap3A_350, %swap3A_351] {strides = array<i32>} : memref<2x128xi32, #tpu.memory_space<vmem>>, vector<1x16xi32>,
      %swap3A_353 = vector.shape_cast %swap3A_352 : vector<1x16xi32> to vector<16xi32>
      %swap3A_354 = vector.shape_cast %shift_right_logical3A_348 : vector<16xi32> to vector<1x16xi32>
      tpu.vector_store %arg7[%swap3A_350, %swap3A_351], %swap3A_354 {strides = array<i32>} : memref<2x128xi32, #tpu.memory_space<vmem>>, vector<1x16xi32>,
      %get3A_355 = arith.index_cast %add3A_288 : i32 to index
      %get3A_356 = arith.constant 48 : index
      %get3A_357 = tpu.vector_load %arg5[%get3A_355, %get3A_356] {strides = array<i32>} : memref<79x128xi32, #tpu.memory_space<vmem>>, vector<1x16xi32>,
      %get3A_358 = vector.shape_cast %get3A_357 : vector<1x16xi32> to vector<16xi32>
      %and3A_359 = arith.constant 32767 : i32
      %and3A_360 = vector.broadcast %and3A_359 : i32 to vector<16xi32>
      %and3A_361 = arith.andi %get3A_358, %and3A_360 : vector<16xi32>
      %swap3A_362 = arith.constant 1 : i32
      %swap3A_363 = arith.index_cast %swap3A_362 : i32 to index
      %swap3A_364 = arith.constant 48 : index
      %swap3A_365 = tpu.vector_load %arg6[%swap3A_363, %swap3A_364] {strides = array<i32>} : memref<2x128xi32, #tpu.memory_space<vmem>>, vector<1x16xi32>,
      %swap3A_366 = vector.shape_cast %swap3A_365 : vector<1x16xi32> to vector<16xi32>
      %swap3A_367 = vector.shape_cast %and3A_361 : vector<16xi32> to vector<1x16xi32>
      tpu.vector_store %arg6[%swap3A_363, %swap3A_364], %swap3A_367 {strides = array<i32>} : memref<2x128xi32, #tpu.memory_space<vmem>>, vector<1x16xi32>,
      %shift_right_logical3A_368 = arith.constant 15 : i32
      %shift_right_logical3A_369 = vector.broadcast %shift_right_logical3A_368 : i32 to vector<16xi32>
      %shift_right_logical3A_370 = arith.shrui %get3A_358, %shift_right_logical3A_369 : vector<16xi32>
      %swap3A_371 = arith.constant 1 : i32
      %swap3A_372 = arith.index_cast %swap3A_371 : i32 to index
      %swap3A_373 = arith.constant 48 : index
      %swap3A_374 = tpu.vector_load %arg7[%swap3A_372, %swap3A_373] {strides = array<i32>} : memref<2x128xi32, #tpu.memory_space<vmem>>, vector<1x16xi32>,
      %swap3A_375 = vector.shape_cast %swap3A_374 : vector<1x16xi32> to vector<16xi32>
      %swap3A_376 = vector.shape_cast %shift_right_logical3A_370 : vector<16xi32> to vector<1x16xi32>
      tpu.vector_store %arg7[%swap3A_372, %swap3A_373], %swap3A_376 {strides = array<i32>} : memref<2x128xi32, #tpu.memory_space<vmem>>, vector<1x16xi32>,
      %get3A_377 = arith.index_cast %add3A_288 : i32 to index
      %get3A_378 = arith.constant 64 : index
      %get3A_379 = tpu.vector_load %arg5[%get3A_377, %get3A_378] {strides = array<i32>} : memref<79x128xi32, #tpu.memory_space<vmem>>, vector<1x16xi32>,
      %get3A_380 = vector.shape_cast %get3A_379 : vector<1x16xi32> to vector<16xi32>
      %and3A_381 = arith.constant 32767 : i32
      %and3A_382 = vector.broadcast %and3A_381 : i32 to vector<16xi32>
      %and3A_383 = arith.andi %get3A_380, %and3A_382 : vector<16xi32>
      %swap3A_384 = arith.constant 1 : i32
      %swap3A_385 = arith.index_cast %swap3A_384 : i32 to index
      %swap3A_386 = arith.constant 64 : index
      %swap3A_387 = tpu.vector_load %arg6[%swap3A_385, %swap3A_386] {strides = array<i32>} : memref<2x128xi32, #tpu.memory_space<vmem>>, vector<1x16xi32>,
      %swap3A_388 = vector.shape_cast %swap3A_387 : vector<1x16xi32> to vector<16xi32>
      %swap3A_389 = vector.shape_cast %and3A_383 : vector<16xi32> to vector<1x16xi32>
      tpu.vector_store %arg6[%swap3A_385, %swap3A_386], %swap3A_389 {strides = array<i32>} : memref<2x128xi32, #tpu.memory_space<vmem>>, vector<1x16xi32>,
      %shift_right_logical3A_390 = arith.constant 15 : i32
      %shift_right_logical3A_391 = vector.broadcast %shift_right_logical3A_390 : i32 to vector<16xi32>
      %shift_right_logical3A_392 = arith.shrui %get3A_380, %shift_right_logical3A_391 : vector<16xi32>
      %swap3A_393 = arith.constant 1 : i32
      %swap3A_394 = arith.index_cast %swap3A_393 : i32 to index
      %swap3A_395 = arith.constant 64 : index
      %swap3A_396 = tpu.vector_load %arg7[%swap3A_394, %swap3A_395] {strides = array<i32>} : memref<2x128xi32, #tpu.memory_space<vmem>>, vector<1x16xi32>,
      %swap3A_397 = vector.shape_cast %swap3A_396 : vector<1x16xi32> to vector<16xi32>
      %swap3A_398 = vector.shape_cast %shift_right_logical3A_392 : vector<16xi32> to vector<1x16xi32>
      tpu.vector_store %arg7[%swap3A_394, %swap3A_395], %swap3A_398 {strides = array<i32>} : memref<2x128xi32, #tpu.memory_space<vmem>>, vector<1x16xi32>,
      %get3A_399 = arith.index_cast %add3A_288 : i32 to index
      %get3A_400 = arith.constant 80 : index
      %get3A_401 = tpu.vector_load %arg5[%get3A_399, %get3A_400] {strides = array<i32>} : memref<79x128xi32, #tpu.memory_space<vmem>>, vector<1x16xi32>,
      %get3A_402 = vector.shape_cast %get3A_401 : vector<1x16xi32> to vector<16xi32>
      %and3A_403 = arith.constant 32767 : i32
      %and3A_404 = vector.broadcast %and3A_403 : i32 to vector<16xi32>
      %and3A_405 = arith.andi %get3A_402, %and3A_404 : vector<16xi32>
      %swap3A_406 = arith.constant 1 : i32
      %swap3A_407 = arith.index_cast %swap3A_406 : i32 to index
      %swap3A_408 = arith.constant 80 : index
      %swap3A_409 = tpu.vector_load %arg6[%swap3A_407, %swap3A_408] {strides = array<i32>} : memref<2x128xi32, #tpu.memory_space<vmem>>, vector<1x16xi32>,
      %swap3A_410 = vector.shape_cast %swap3A_409 : vector<1x16xi32> to vector<16xi32>
      %swap3A_411 = vector.shape_cast %and3A_405 : vector<16xi32> to vector<1x16xi32>
      tpu.vector_store %arg6[%swap3A_407, %swap3A_408], %swap3A_411 {strides = array<i32>} : memref<2x128xi32, #tpu.memory_space<vmem>>, vector<1x16xi32>,
      %shift_right_logical3A_412 = arith.constant 15 : i32
      %shift_right_logical3A_413 = vector.broadcast %shift_right_logical3A_412 : i32 to vector<16xi32>
      %shift_right_logical3A_414 = arith.shrui %get3A_402, %shift_right_logical3A_413 : vector<16xi32>
      %swap3A_415 = arith.constant 1 : i32
      %swap3A_416 = arith.index_cast %swap3A_415 : i32 to index
      %swap3A_417 = arith.constant 80 : index
      %swap3A_418 = tpu.vector_load %arg7[%swap3A_416, %swap3A_417] {strides = array<i32>} : memref<2x128xi32, #tpu.memory_space<vmem>>, vector<1x16xi32>,
      %swap3A_419 = vector.shape_cast %swap3A_418 : vector<1x16xi32> to vector<16xi32>
      %swap3A_420 = vector.shape_cast %shift_right_logical3A_414 : vector<16xi32> to vector<1x16xi32>
      tpu.vector_store %arg7[%swap3A_416, %swap3A_417], %swap3A_420 {strides = array<i32>} : memref<2x128xi32, #tpu.memory_space<vmem>>, vector<1x16xi32>,
      %get3A_421 = arith.index_cast %add3A_288 : i32 to index
      %get3A_422 = arith.constant 96 : index
      %get3A_423 = tpu.vector_load %arg5[%get3A_421, %get3A_422] {strides = array<i32>} : memref<79x128xi32, #tpu.memory_space<vmem>>, vector<1x16xi32>,
      %get3A_424 = vector.shape_cast %get3A_423 : vector<1x16xi32> to vector<16xi32>
      %and3A_425 = arith.constant 32767 : i32
      %and3A_426 = vector.broadcast %and3A_425 : i32 to vector<16xi32>
      %and3A_427 = arith.andi %get3A_424, %and3A_426 : vector<16xi32>
      %swap3A_428 = arith.constant 1 : i32
      %swap3A_429 = arith.index_cast %swap3A_428 : i32 to index
      %swap3A_430 = arith.constant 96 : index
      %swap3A_431 = tpu.vector_load %arg6[%swap3A_429, %swap3A_430] {strides = array<i32>} : memref<2x128xi32, #tpu.memory_space<vmem>>, vector<1x16xi32>,
      %swap3A_432 = vector.shape_cast %swap3A_431 : vector<1x16xi32> to vector<16xi32>
      %swap3A_433 = vector.shape_cast %and3A_427 : vector<16xi32> to vector<1x16xi32>
      tpu.vector_store %arg6[%swap3A_429, %swap3A_430], %swap3A_433 {strides = array<i32>} : memref<2x128xi32, #tpu.memory_space<vmem>>, vector<1x16xi32>,
      %shift_right_logical3A_434 = arith.constant 15 : i32
      %shift_right_logical3A_435 = vector.broadcast %shift_right_logical3A_434 : i32 to vector<16xi32>
      %shift_right_logical3A_436 = arith.shrui %get3A_424, %shift_right_logical3A_435 : vector<16xi32>
      %swap3A_437 = arith.constant 1 : i32
      %swap3A_438 = arith.index_cast %swap3A_437 : i32 to index
      %swap3A_439 = arith.constant 96 : index
      %swap3A_440 = tpu.vector_load %arg7[%swap3A_438, %swap3A_439] {strides = array<i32>} : memref<2x128xi32, #tpu.memory_space<vmem>>, vector<1x16xi32>,
      %swap3A_441 = vector.shape_cast %swap3A_440 : vector<1x16xi32> to vector<16xi32>
      %swap3A_442 = vector.shape_cast %shift_right_logical3A_436 : vector<16xi32> to vector<1x16xi32>
      tpu.vector_store %arg7[%swap3A_438, %swap3A_439], %swap3A_442 {strides = array<i32>} : memref<2x128xi32, #tpu.memory_space<vmem>>, vector<1x16xi32>,
      %get3A_443 = arith.index_cast %add3A_288 : i32 to index
      %get3A_444 = arith.constant 112 : index
      %get3A_445 = tpu.vector_load %arg5[%get3A_443, %get3A_444] {strides = array<i32>} : memref<79x128xi32, #tpu.memory_space<vmem>>, vector<1x16xi32>,
      %get3A_446 = vector.shape_cast %get3A_445 : vector<1x16xi32> to vector<16xi32>
      %and3A_447 = arith.constant 32767 : i32
      %and3A_448 = vector.broadcast %and3A_447 : i32 to vector<16xi32>
      %and3A_449 = arith.andi %get3A_446, %and3A_448 : vector<16xi32>
      %swap3A_450 = arith.constant 1 : i32
      %swap3A_451 = arith.index_cast %swap3A_450 : i32 to index
      %swap3A_452 = arith.constant 112 : index
      %swap3A_453 = tpu.vector_load %arg6[%swap3A_451, %swap3A_452] {strides = array<i32>} : memref<2x128xi32, #tpu.memory_space<vmem>>, vector<1x16xi32>,
      %swap3A_454 = vector.shape_cast %swap3A_453 : vector<1x16xi32> to vector<16xi32>
      %swap3A_455 = vector.shape_cast %and3A_449 : vector<16xi32> to vector<1x16xi32>
      tpu.vector_store %arg6[%swap3A_451, %swap3A_452], %swap3A_455 {strides = array<i32>} : memref<2x128xi32, #tpu.memory_space<vmem>>, vector<1x16xi32>,
      %shift_right_logical3A_456 = arith.constant 15 : i32
      %shift_right_logical3A_457 = vector.broadcast %shift_right_logical3A_456 : i32 to vector<16xi32>
      %shift_right_logical3A_458 = arith.shrui %get3A_446, %shift_right_logical3A_457 : vector<16xi32>
      %swap3A_459 = arith.constant 1 : i32
      %swap3A_460 = arith.index_cast %swap3A_459 : i32 to index
      %swap3A_461 = arith.constant 112 : index
      %swap3A_462 = tpu.vector_load %arg7[%swap3A_460, %swap3A_461] {strides = array<i32>} : memref<2x128xi32, #tpu.memory_space<vmem>>, vector<1x16xi32>,
      %swap3A_463 = vector.shape_cast %swap3A_462 : vector<1x16xi32> to vector<16xi32>
      %swap3A_464 = vector.shape_cast %shift_right_logical3A_458 : vector<16xi32> to vector<1x16xi32>
      tpu.vector_store %arg7[%swap3A_460, %swap3A_461], %swap3A_464 {strides = array<i32>} : memref<2x128xi32, #tpu.memory_space<vmem>>, vector<1x16xi32>,
      %dma_start3A_465 = arith.constant 1 : i32
      %dma_start3A_466 = arith.constant 0 : i32
      %dma_start3A_467 = tpu.memref_slice %arg6[%dma_start3A_465, %dma_start3A_466] : memref<2x128xi32, #tpu.memory_space<vmem>> -> memref<1x128xi32, #tpu.memory_space<vmem>>
      %dma_start3A_468 = tpu.memref_squeeze %dma_start3A_467 : memref<1x128xi32, #tpu.memory_space<vmem>> -> memref<128xi32, #tpu.memory_space<vmem>>
      %dma_start3A_469 = arith.constant 0 : i32
      %dma_start3A_470 = arith.constant 0 : i32
      %dma_start3A_471 = tpu.memref_slice %arg2[%dma_start3A_469, %dma_start3A_470] : memref<20000x128xf32, #tpu.memory_space<hbm>> -> memref<20000x128xf32, #tpu.memory_space<hbm>>
      tpu.enqueue_indirect_dma source(%dma_start3A_471 : memref<20000x128xf32, #tpu.memory_space<hbm>>) target(%arg9 : memref<128x128xf32, #tpu.memory_space<vmem>>) offsets(%dma_start3A_468 : memref<128xi32, #tpu.memory_space<vmem>>) semaphore(%arg12 : memref<!tpu.dma_semaphore, #tpu.memory_space<semaphore_mem>>)
      %dma_wait3A_472 = arith.constant 0 : i32
      %dma_wait3A_473 = arith.constant 0 : i32
      %dma_wait3A_474 = tpu.memref_slice %arg6[%dma_wait3A_472, %dma_wait3A_473] : memref<2x128xi32, #tpu.memory_space<vmem>> -> memref<1x128xi32, #tpu.memory_space<vmem>>
      %dma_wait3A_475 = tpu.memref_squeeze %dma_wait3A_474 : memref<1x128xi32, #tpu.memory_space<vmem>> -> memref<128xi32, #tpu.memory_space<vmem>>
      %dma_wait3A_476 = arith.constant 0 : i32
      %dma_wait3A_477 = arith.constant 0 : i32
      %dma_wait3A_478 = tpu.memref_slice %arg2[%dma_wait3A_476, %dma_wait3A_477] : memref<20000x128xf32, #tpu.memory_space<hbm>> -> memref<20000x128xf32, #tpu.memory_space<hbm>>
      tpu.wait_indirect_dma semaphore(%arg11 : memref<!tpu.dma_semaphore, #tpu.memory_space<semaphore_mem>>) src(%dma_wait3A_478 : memref<20000x128xf32, #tpu.memory_space<hbm>>) dst(%arg8 : memref<128x128xf32, #tpu.memory_space<vmem>>)
      %run_scoped3A_479 = arith.constant 0 : i32
      "tpu.region"() ({
        %run_scoped3A_493 = tpu.sem_alloc : memref<!tpu.dma_semaphore, #tpu.memory_space<semaphore_mem>>
        %dma_start3A_494 = arith.constant 0 : i32
        %dma_start3A_495 = tpu.memref_slice %arg7[%run_scoped3A_479, %dma_start3A_494] : memref<2x128xi32, #tpu.memory_space<vmem>> -> memref<1x128xi32, #tpu.memory_space<vmem>>
        %dma_start3A_496 = tpu.memref_squeeze %dma_start3A_495 : memref<1x128xi32, #tpu.memory_space<vmem>> -> memref<128xi32, #tpu.memory_space<vmem>>
        %dma_start3A_497 = arith.constant 0 : i32
        %dma_start3A_498 = arith.constant 0 : i32
        %dma_start3A_499 = tpu.memref_slice %arg10[%dma_start3A_497, %dma_start3A_498] : memref<10240x128xf32, #tpu.memory_space<vmem_shared>> -> memref<10240x128xf32, #tpu.memory_space<vmem_shared>>
        tpu.enqueue_indirect_dma source(%arg8 : memref<128x128xf32, #tpu.memory_space<vmem>>) target(%dma_start3A_499 : memref<10240x128xf32, #tpu.memory_space<vmem_shared>>) offsets(%dma_start3A_496 : memref<128xi32, #tpu.memory_space<vmem>>) semaphore(%run_scoped3A_493 : memref<!tpu.dma_semaphore, #tpu.memory_space<semaphore_mem>>) {add = true}
        %dma_wait3A_500 = arith.constant 0 : i32
        %dma_wait3A_501 = tpu.memref_slice %arg7[%run_scoped3A_479, %dma_wait3A_500] : memref<2x128xi32, #tpu.memory_space<vmem>> -> memref<1x128xi32, #tpu.memory_space<vmem>>
        %dma_wait3A_502 = tpu.memref_squeeze %dma_wait3A_501 : memref<1x128xi32, #tpu.memory_space<vmem>> -> memref<128xi32, #tpu.memory_space<vmem>>
        %dma_wait3A_503 = arith.constant 0 : i32
        %dma_wait3A_504 = arith.constant 0 : i32
        %dma_wait3A_505 = tpu.memref_slice %arg10[%dma_wait3A_503, %dma_wait3A_504] : memref<10240x128xf32, #tpu.memory_space<vmem_shared>> -> memref<10240x128xf32, #tpu.memory_space<vmem_shared>>
        tpu.wait_indirect_dma semaphore(%run_scoped3A_493 : memref<!tpu.dma_semaphore, #tpu.memory_space<semaphore_mem>>) src(%arg8 : memref<128x128xf32, #tpu.memory_space<vmem>>) dst(%dma_wait3A_505 : memref<10240x128xf32, #tpu.memory_space<vmem_shared>>)
        tpu.yield
      }) : () -> ()
      %add3A_480 = arith.constant 2 : i32
      %add3A_481 = arith.addi %mul3A_286, %add3A_480 : i32
      %lt3A = arith.constant 79 : i32
      %lt3A_482 = arith.cmpi slt, %add3A_481, %lt3A : i32
      %convert_element_type3A = arith.extui %lt3A_482 : i1 to i32
      %cond3A = arith.constant 0 : i32
      %cond3A_483 = arith.cmpi ne, %convert_element_type3A, %cond3A : i32
      scf.if %cond3A_483 {
        %add3A_493 = arith.constant 2 : i32
        %add3A_494 = arith.addi %mul3A_286, %add3A_493 : i32
        %get3A_495 = arith.index_cast %add3A_494 : i32 to index
        %get3A_496 = arith.constant 0 : index
        %get3A_497 = tpu.vector_load %arg5[%get3A_495, %get3A_496] {strides = array<i32>} : memref<79x128xi32, #tpu.memory_space<vmem>>, vector<1x16xi32>,
        %get3A_498 = vector.shape_cast %get3A_497 : vector<1x16xi32> to vector<16xi32>
        %and3A_499 = arith.constant 32767 : i32
        %and3A_500 = vector.broadcast %and3A_499 : i32 to vector<16xi32>
        %and3A_501 = arith.andi %get3A_498, %and3A_500 : vector<16xi32>
        %swap3A_502 = arith.constant 0 : i32
        %swap3A_503 = arith.index_cast %swap3A_502 : i32 to index
        %swap3A_504 = arith.constant 0 : index
        %swap3A_505 = tpu.vector_load %arg6[%swap3A_503, %swap3A_504] {strides = array<i32>} : memref<2x128xi32, #tpu.memory_space<vmem>>, vector<1x16xi32>,
        %swap3A_506 = vector.shape_cast %swap3A_505 : vector<1x16xi32> to vector<16xi32>
        %swap3A_507 = vector.shape_cast %and3A_501 : vector<16xi32> to vector<1x16xi32>
        tpu.vector_store %arg6[%swap3A_503, %swap3A_504], %swap3A_507 {strides = array<i32>} : memref<2x128xi32, #tpu.memory_space<vmem>>, vector<1x16xi32>,
        %shift_right_logical3A_508 = arith.constant 15 : i32
        %shift_right_logical3A_509 = vector.broadcast %shift_right_logical3A_508 : i32 to vector<16xi32>
        %shift_right_logical3A_510 = arith.shrui %get3A_498, %shift_right_logical3A_509 : vector<16xi32>
        %swap3A_511 = arith.constant 0 : i32
        %swap3A_512 = arith.index_cast %swap3A_511 : i32 to index
        %swap3A_513 = arith.constant 0 : index
        %swap3A_514 = tpu.vector_load %arg7[%swap3A_512, %swap3A_513] {strides = array<i32>} : memref<2x128xi32, #tpu.memory_space<vmem>>, vector<1x16xi32>,
        %swap3A_515 = vector.shape_cast %swap3A_514 : vector<1x16xi32> to vector<16xi32>
        %swap3A_516 = vector.shape_cast %shift_right_logical3A_510 : vector<16xi32> to vector<1x16xi32>
        tpu.vector_store %arg7[%swap3A_512, %swap3A_513], %swap3A_516 {strides = array<i32>} : memref<2x128xi32, #tpu.memory_space<vmem>>, vector<1x16xi32>,
        %get3A_517 = arith.index_cast %add3A_494 : i32 to index
        %get3A_518 = arith.constant 16 : index
        %get3A_519 = tpu.vector_load %arg5[%get3A_517, %get3A_518] {strides = array<i32>} : memref<79x128xi32, #tpu.memory_space<vmem>>, vector<1x16xi32>,
        %get3A_520 = vector.shape_cast %get3A_519 : vector<1x16xi32> to vector<16xi32>
        %and3A_521 = arith.constant 32767 : i32
        %and3A_522 = vector.broadcast %and3A_521 : i32 to vector<16xi32>
        %and3A_523 = arith.andi %get3A_520, %and3A_522 : vector<16xi32>
        %swap3A_524 = arith.constant 0 : i32
        %swap3A_525 = arith.index_cast %swap3A_524 : i32 to index
        %swap3A_526 = arith.constant 16 : index
        %swap3A_527 = tpu.vector_load %arg6[%swap3A_525, %swap3A_526] {strides = array<i32>} : memref<2x128xi32, #tpu.memory_space<vmem>>, vector<1x16xi32>,
        %swap3A_528 = vector.shape_cast %swap3A_527 : vector<1x16xi32> to vector<16xi32>
        %swap3A_529 = vector.shape_cast %and3A_523 : vector<16xi32> to vector<1x16xi32>
        tpu.vector_store %arg6[%swap3A_525, %swap3A_526], %swap3A_529 {strides = array<i32>} : memref<2x128xi32, #tpu.memory_space<vmem>>, vector<1x16xi32>,
        %shift_right_logical3A_530 = arith.constant 15 : i32
        %shift_right_logical3A_531 = vector.broadcast %shift_right_logical3A_530 : i32 to vector<16xi32>
        %shift_right_logical3A_532 = arith.shrui %get3A_520, %shift_right_logical3A_531 : vector<16xi32>
        %swap3A_533 = arith.constant 0 : i32
        %swap3A_534 = arith.index_cast %swap3A_533 : i32 to index
        %swap3A_535 = arith.constant 16 : index
        %swap3A_536 = tpu.vector_load %arg7[%swap3A_534, %swap3A_535] {strides = array<i32>} : memref<2x128xi32, #tpu.memory_space<vmem>>, vector<1x16xi32>,
        %swap3A_537 = vector.shape_cast %swap3A_536 : vector<1x16xi32> to vector<16xi32>
        %swap3A_538 = vector.shape_cast %shift_right_logical3A_532 : vector<16xi32> to vector<1x16xi32>
        tpu.vector_store %arg7[%swap3A_534, %swap3A_535], %swap3A_538 {strides = array<i32>} : memref<2x128xi32, #tpu.memory_space<vmem>>, vector<1x16xi32>,
        %get3A_539 = arith.index_cast %add3A_494 : i32 to index
        %get3A_540 = arith.constant 32 : index
        %get3A_541 = tpu.vector_load %arg5[%get3A_539, %get3A_540] {strides = array<i32>} : memref<79x128xi32, #tpu.memory_space<vmem>>, vector<1x16xi32>,
        %get3A_542 = vector.shape_cast %get3A_541 : vector<1x16xi32> to vector<16xi32>
        %and3A_543 = arith.constant 32767 : i32
        %and3A_544 = vector.broadcast %and3A_543 : i32 to vector<16xi32>
        %and3A_545 = arith.andi %get3A_542, %and3A_544 : vector<16xi32>
        %swap3A_546 = arith.constant 0 : i32
        %swap3A_547 = arith.index_cast %swap3A_546 : i32 to index
        %swap3A_548 = arith.constant 32 : index
        %swap3A_549 = tpu.vector_load %arg6[%swap3A_547, %swap3A_548] {strides = array<i32>} : memref<2x128xi32, #tpu.memory_space<vmem>>, vector<1x16xi32>,
        %swap3A_550 = vector.shape_cast %swap3A_549 : vector<1x16xi32> to vector<16xi32>
        %swap3A_551 = vector.shape_cast %and3A_545 : vector<16xi32> to vector<1x16xi32>
        tpu.vector_store %arg6[%swap3A_547, %swap3A_548], %swap3A_551 {strides = array<i32>} : memref<2x128xi32, #tpu.memory_space<vmem>>, vector<1x16xi32>,
        %shift_right_logical3A_552 = arith.constant 15 : i32
        %shift_right_logical3A_553 = vector.broadcast %shift_right_logical3A_552 : i32 to vector<16xi32>
        %shift_right_logical3A_554 = arith.shrui %get3A_542, %shift_right_logical3A_553 : vector<16xi32>
        %swap3A_555 = arith.constant 0 : i32
        %swap3A_556 = arith.index_cast %swap3A_555 : i32 to index
        %swap3A_557 = arith.constant 32 : index
        %swap3A_558 = tpu.vector_load %arg7[%swap3A_556, %swap3A_557] {strides = array<i32>} : memref<2x128xi32, #tpu.memory_space<vmem>>, vector<1x16xi32>,
        %swap3A_559 = vector.shape_cast %swap3A_558 : vector<1x16xi32> to vector<16xi32>
        %swap3A_560 = vector.shape_cast %shift_right_logical3A_554 : vector<16xi32> to vector<1x16xi32>
        tpu.vector_store %arg7[%swap3A_556, %swap3A_557], %swap3A_560 {strides = array<i32>} : memref<2x128xi32, #tpu.memory_space<vmem>>, vector<1x16xi32>,
        %get3A_561 = arith.index_cast %add3A_494 : i32 to index
        %get3A_562 = arith.constant 48 : index
        %get3A_563 = tpu.vector_load %arg5[%get3A_561, %get3A_562] {strides = array<i32>} : memref<79x128xi32, #tpu.memory_space<vmem>>, vector<1x16xi32>,
        %get3A_564 = vector.shape_cast %get3A_563 : vector<1x16xi32> to vector<16xi32>
        %and3A_565 = arith.constant 32767 : i32
        %and3A_566 = vector.broadcast %and3A_565 : i32 to vector<16xi32>
        %and3A_567 = arith.andi %get3A_564, %and3A_566 : vector<16xi32>
        %swap3A_568 = arith.constant 0 : i32
        %swap3A_569 = arith.index_cast %swap3A_568 : i32 to index
        %swap3A_570 = arith.constant 48 : index
        %swap3A_571 = tpu.vector_load %arg6[%swap3A_569, %swap3A_570] {strides = array<i32>} : memref<2x128xi32, #tpu.memory_space<vmem>>, vector<1x16xi32>,
        %swap3A_572 = vector.shape_cast %swap3A_571 : vector<1x16xi32> to vector<16xi32>
        %swap3A_573 = vector.shape_cast %and3A_567 : vector<16xi32> to vector<1x16xi32>
        tpu.vector_store %arg6[%swap3A_569, %swap3A_570], %swap3A_573 {strides = array<i32>} : memref<2x128xi32, #tpu.memory_space<vmem>>, vector<1x16xi32>,
        %shift_right_logical3A_574 = arith.constant 15 : i32
        %shift_right_logical3A_575 = vector.broadcast %shift_right_logical3A_574 : i32 to vector<16xi32>
        %shift_right_logical3A_576 = arith.shrui %get3A_564, %shift_right_logical3A_575 : vector<16xi32>
        %swap3A_577 = arith.constant 0 : i32
        %swap3A_578 = arith.index_cast %swap3A_577 : i32 to index
        %swap3A_579 = arith.constant 48 : index
        %swap3A_580 = tpu.vector_load %arg7[%swap3A_578, %swap3A_579] {strides = array<i32>} : memref<2x128xi32, #tpu.memory_space<vmem>>, vector<1x16xi32>,
        %swap3A_581 = vector.shape_cast %swap3A_580 : vector<1x16xi32> to vector<16xi32>
        %swap3A_582 = vector.shape_cast %shift_right_logical3A_576 : vector<16xi32> to vector<1x16xi32>
        tpu.vector_store %arg7[%swap3A_578, %swap3A_579], %swap3A_582 {strides = array<i32>} : memref<2x128xi32, #tpu.memory_space<vmem>>, vector<1x16xi32>,
        %get3A_583 = arith.index_cast %add3A_494 : i32 to index
        %get3A_584 = arith.constant 64 : index
        %get3A_585 = tpu.vector_load %arg5[%get3A_583, %get3A_584] {strides = array<i32>} : memref<79x128xi32, #tpu.memory_space<vmem>>, vector<1x16xi32>,
        %get3A_586 = vector.shape_cast %get3A_585 : vector<1x16xi32> to vector<16xi32>
        %and3A_587 = arith.constant 32767 : i32
        %and3A_588 = vector.broadcast %and3A_587 : i32 to vector<16xi32>
        %and3A_589 = arith.andi %get3A_586, %and3A_588 : vector<16xi32>
        %swap3A_590 = arith.constant 0 : i32
        %swap3A_591 = arith.index_cast %swap3A_590 : i32 to index
        %swap3A_592 = arith.constant 64 : index
        %swap3A_593 = tpu.vector_load %arg6[%swap3A_591, %swap3A_592] {strides = array<i32>} : memref<2x128xi32, #tpu.memory_space<vmem>>, vector<1x16xi32>,
        %swap3A_594 = vector.shape_cast %swap3A_593 : vector<1x16xi32> to vector<16xi32>
        %swap3A_595 = vector.shape_cast %and3A_589 : vector<16xi32> to vector<1x16xi32>
        tpu.vector_store %arg6[%swap3A_591, %swap3A_592], %swap3A_595 {strides = array<i32>} : memref<2x128xi32, #tpu.memory_space<vmem>>, vector<1x16xi32>,
        %shift_right_logical3A_596 = arith.constant 15 : i32
        %shift_right_logical3A_597 = vector.broadcast %shift_right_logical3A_596 : i32 to vector<16xi32>
        %shift_right_logical3A_598 = arith.shrui %get3A_586, %shift_right_logical3A_597 : vector<16xi32>
        %swap3A_599 = arith.constant 0 : i32
        %swap3A_600 = arith.index_cast %swap3A_599 : i32 to index
        %swap3A_601 = arith.constant 64 : index
        %swap3A_602 = tpu.vector_load %arg7[%swap3A_600, %swap3A_601] {strides = array<i32>} : memref<2x128xi32, #tpu.memory_space<vmem>>, vector<1x16xi32>,
        %swap3A_603 = vector.shape_cast %swap3A_602 : vector<1x16xi32> to vector<16xi32>
        %swap3A_604 = vector.shape_cast %shift_right_logical3A_598 : vector<16xi32> to vector<1x16xi32>
        tpu.vector_store %arg7[%swap3A_600, %swap3A_601], %swap3A_604 {strides = array<i32>} : memref<2x128xi32, #tpu.memory_space<vmem>>, vector<1x16xi32>,
        %get3A_605 = arith.index_cast %add3A_494 : i32 to index
        %get3A_606 = arith.constant 80 : index
        %get3A_607 = tpu.vector_load %arg5[%get3A_605, %get3A_606] {strides = array<i32>} : memref<79x128xi32, #tpu.memory_space<vmem>>, vector<1x16xi32>,
        %get3A_608 = vector.shape_cast %get3A_607 : vector<1x16xi32> to vector<16xi32>
        %and3A_609 = arith.constant 32767 : i32
        %and3A_610 = vector.broadcast %and3A_609 : i32 to vector<16xi32>
        %and3A_611 = arith.andi %get3A_608, %and3A_610 : vector<16xi32>
        %swap3A_612 = arith.constant 0 : i32
        %swap3A_613 = arith.index_cast %swap3A_612 : i32 to index
        %swap3A_614 = arith.constant 80 : index
        %swap3A_615 = tpu.vector_load %arg6[%swap3A_613, %swap3A_614] {strides = array<i32>} : memref<2x128xi32, #tpu.memory_space<vmem>>, vector<1x16xi32>,
        %swap3A_616 = vector.shape_cast %swap3A_615 : vector<1x16xi32> to vector<16xi32>
        %swap3A_617 = vector.shape_cast %and3A_611 : vector<16xi32> to vector<1x16xi32>
        tpu.vector_store %arg6[%swap3A_613, %swap3A_614], %swap3A_617 {strides = array<i32>} : memref<2x128xi32, #tpu.memory_space<vmem>>, vector<1x16xi32>,
        %shift_right_logical3A_618 = arith.constant 15 : i32
        %shift_right_logical3A_619 = vector.broadcast %shift_right_logical3A_618 : i32 to vector<16xi32>
        %shift_right_logical3A_620 = arith.shrui %get3A_608, %shift_right_logical3A_619 : vector<16xi32>
        %swap3A_621 = arith.constant 0 : i32
        %swap3A_622 = arith.index_cast %swap3A_621 : i32 to index
        %swap3A_623 = arith.constant 80 : index
        %swap3A_624 = tpu.vector_load %arg7[%swap3A_622, %swap3A_623] {strides = array<i32>} : memref<2x128xi32, #tpu.memory_space<vmem>>, vector<1x16xi32>,
        %swap3A_625 = vector.shape_cast %swap3A_624 : vector<1x16xi32> to vector<16xi32>
        %swap3A_626 = vector.shape_cast %shift_right_logical3A_620 : vector<16xi32> to vector<1x16xi32>
        tpu.vector_store %arg7[%swap3A_622, %swap3A_623], %swap3A_626 {strides = array<i32>} : memref<2x128xi32, #tpu.memory_space<vmem>>, vector<1x16xi32>,
        %get3A_627 = arith.index_cast %add3A_494 : i32 to index
        %get3A_628 = arith.constant 96 : index
        %get3A_629 = tpu.vector_load %arg5[%get3A_627, %get3A_628] {strides = array<i32>} : memref<79x128xi32, #tpu.memory_space<vmem>>, vector<1x16xi32>,
        %get3A_630 = vector.shape_cast %get3A_629 : vector<1x16xi32> to vector<16xi32>
        %and3A_631 = arith.constant 32767 : i32
        %and3A_632 = vector.broadcast %and3A_631 : i32 to vector<16xi32>
        %and3A_633 = arith.andi %get3A_630, %and3A_632 : vector<16xi32>
        %swap3A_634 = arith.constant 0 : i32
        %swap3A_635 = arith.index_cast %swap3A_634 : i32 to index
        %swap3A_636 = arith.constant 96 : index
        %swap3A_637 = tpu.vector_load %arg6[%swap3A_635, %swap3A_636] {strides = array<i32>} : memref<2x128xi32, #tpu.memory_space<vmem>>, vector<1x16xi32>,
        %swap3A_638 = vector.shape_cast %swap3A_637 : vector<1x16xi32> to vector<16xi32>
        %swap3A_639 = vector.shape_cast %and3A_633 : vector<16xi32> to vector<1x16xi32>
        tpu.vector_store %arg6[%swap3A_635, %swap3A_636], %swap3A_639 {strides = array<i32>} : memref<2x128xi32, #tpu.memory_space<vmem>>, vector<1x16xi32>,
        %shift_right_logical3A_640 = arith.constant 15 : i32
        %shift_right_logical3A_641 = vector.broadcast %shift_right_logical3A_640 : i32 to vector<16xi32>
        %shift_right_logical3A_642 = arith.shrui %get3A_630, %shift_right_logical3A_641 : vector<16xi32>
        %swap3A_643 = arith.constant 0 : i32
        %swap3A_644 = arith.index_cast %swap3A_643 : i32 to index
        %swap3A_645 = arith.constant 96 : index
        %swap3A_646 = tpu.vector_load %arg7[%swap3A_644, %swap3A_645] {strides = array<i32>} : memref<2x128xi32, #tpu.memory_space<vmem>>, vector<1x16xi32>,
        %swap3A_647 = vector.shape_cast %swap3A_646 : vector<1x16xi32> to vector<16xi32>
        %swap3A_648 = vector.shape_cast %shift_right_logical3A_642 : vector<16xi32> to vector<1x16xi32>
        tpu.vector_store %arg7[%swap3A_644, %swap3A_645], %swap3A_648 {strides = array<i32>} : memref<2x128xi32, #tpu.memory_space<vmem>>, vector<1x16xi32>,
        %get3A_649 = arith.index_cast %add3A_494 : i32 to index
        %get3A_650 = arith.constant 112 : index
        %get3A_651 = tpu.vector_load %arg5[%get3A_649, %get3A_650] {strides = array<i32>} : memref<79x128xi32, #tpu.memory_space<vmem>>, vector<1x16xi32>,
        %get3A_652 = vector.shape_cast %get3A_651 : vector<1x16xi32> to vector<16xi32>
        %and3A_653 = arith.constant 32767 : i32
        %and3A_654 = vector.broadcast %and3A_653 : i32 to vector<16xi32>
        %and3A_655 = arith.andi %get3A_652, %and3A_654 : vector<16xi32>
        %swap3A_656 = arith.constant 0 : i32
        %swap3A_657 = arith.index_cast %swap3A_656 : i32 to index
        %swap3A_658 = arith.constant 112 : index
        %swap3A_659 = tpu.vector_load %arg6[%swap3A_657, %swap3A_658] {strides = array<i32>} : memref<2x128xi32, #tpu.memory_space<vmem>>, vector<1x16xi32>,
        %swap3A_660 = vector.shape_cast %swap3A_659 : vector<1x16xi32> to vector<16xi32>
        %swap3A_661 = vector.shape_cast %and3A_655 : vector<16xi32> to vector<1x16xi32>
        tpu.vector_store %arg6[%swap3A_657, %swap3A_658], %swap3A_661 {strides = array<i32>} : memref<2x128xi32, #tpu.memory_space<vmem>>, vector<1x16xi32>,
        %shift_right_logical3A_662 = arith.constant 15 : i32
        %shift_right_logical3A_663 = vector.broadcast %shift_right_logical3A_662 : i32 to vector<16xi32>
        %shift_right_logical3A_664 = arith.shrui %get3A_652, %shift_right_logical3A_663 : vector<16xi32>
        %swap3A_665 = arith.constant 0 : i32
        %swap3A_666 = arith.index_cast %swap3A_665 : i32 to index
        %swap3A_667 = arith.constant 112 : index
        %swap3A_668 = tpu.vector_load %arg7[%swap3A_666, %swap3A_667] {strides = array<i32>} : memref<2x128xi32, #tpu.memory_space<vmem>>, vector<1x16xi32>,
        %swap3A_669 = vector.shape_cast %swap3A_668 : vector<1x16xi32> to vector<16xi32>
        %swap3A_670 = vector.shape_cast %shift_right_logical3A_664 : vector<16xi32> to vector<1x16xi32>
        tpu.vector_store %arg7[%swap3A_666, %swap3A_667], %swap3A_670 {strides = array<i32>} : memref<2x128xi32, #tpu.memory_space<vmem>>, vector<1x16xi32>,
        %dma_start3A_671 = arith.constant 0 : i32
        %dma_start3A_672 = arith.constant 0 : i32
        %dma_start3A_673 = tpu.memref_slice %arg6[%dma_start3A_671, %dma_start3A_672] : memref<2x128xi32, #tpu.memory_space<vmem>> -> memref<1x128xi32, #tpu.memory_space<vmem>>
        %dma_start3A_674 = tpu.memref_squeeze %dma_start3A_673 : memref<1x128xi32, #tpu.memory_space<vmem>> -> memref<128xi32, #tpu.memory_space<vmem>>
        %dma_start3A_675 = arith.constant 0 : i32
        %dma_start3A_676 = arith.constant 0 : i32
        %dma_start3A_677 = tpu.memref_slice %arg2[%dma_start3A_675, %dma_start3A_676] : memref<20000x128xf32, #tpu.memory_space<hbm>> -> memref<20000x128xf32, #tpu.memory_space<hbm>>
        tpu.enqueue_indirect_dma source(%dma_start3A_677 : memref<20000x128xf32, #tpu.memory_space<hbm>>) target(%arg8 : memref<128x128xf32, #tpu.memory_space<vmem>>) offsets(%dma_start3A_674 : memref<128xi32, #tpu.memory_space<vmem>>) semaphore(%arg11 : memref<!tpu.dma_semaphore, #tpu.memory_space<semaphore_mem>>)
      } else {
      }
      %dma_wait3A_484 = arith.constant 1 : i32
      %dma_wait3A_485 = arith.constant 0 : i32
      %dma_wait3A_486 = tpu.memref_slice %arg6[%dma_wait3A_484, %dma_wait3A_485] : memref<2x128xi32, #tpu.memory_space<vmem>> -> memref<1x128xi32, #tpu.memory_space<vmem>>
      %dma_wait3A_487 = tpu.memref_squeeze %dma_wait3A_486 : memref<1x128xi32, #tpu.memory_space<vmem>> -> memref<128xi32, #tpu.memory_space<vmem>>
      %dma_wait3A_488 = arith.constant 0 : i32
      %dma_wait3A_489 = arith.constant 0 : i32
      %dma_wait3A_490 = tpu.memref_slice %arg2[%dma_wait3A_488, %dma_wait3A_489] : memref<20000x128xf32, #tpu.memory_space<hbm>> -> memref<20000x128xf32, #tpu.memory_space<hbm>>
      tpu.wait_indirect_dma semaphore(%arg12 : memref<!tpu.dma_semaphore, #tpu.memory_space<semaphore_mem>>) src(%dma_wait3A_490 : memref<20000x128xf32, #tpu.memory_space<hbm>>) dst(%arg9 : memref<128x128xf32, #tpu.memory_space<vmem>>)
      %run_scoped3A_491 = arith.constant 1 : i32
      "tpu.region"() ({
        %run_scoped3A_493 = tpu.sem_alloc : memref<!tpu.dma_semaphore, #tpu.memory_space<semaphore_mem>>
        %dma_start3A_494 = arith.constant 0 : i32
        %dma_start3A_495 = tpu.memref_slice %arg7[%run_scoped3A_491, %dma_start3A_494] : memref<2x128xi32, #tpu.memory_space<vmem>> -> memref<1x128xi32, #tpu.memory_space<vmem>>
        %dma_start3A_496 = tpu.memref_squeeze %dma_start3A_495 : memref<1x128xi32, #tpu.memory_space<vmem>> -> memref<128xi32, #tpu.memory_space<vmem>>
        %dma_start3A_497 = arith.constant 0 : i32
        %dma_start3A_498 = arith.constant 0 : i32
        %dma_start3A_499 = tpu.memref_slice %arg10[%dma_start3A_497, %dma_start3A_498] : memref<10240x128xf32, #tpu.memory_space<vmem_shared>> -> memref<10240x128xf32, #tpu.memory_space<vmem_shared>>
        tpu.enqueue_indirect_dma source(%arg9 : memref<128x128xf32, #tpu.memory_space<vmem>>) target(%dma_start3A_499 : memref<10240x128xf32, #tpu.memory_space<vmem_shared>>) offsets(%dma_start3A_496 : memref<128xi32, #tpu.memory_space<vmem>>) semaphore(%run_scoped3A_493 : memref<!tpu.dma_semaphore, #tpu.memory_space<semaphore_mem>>) {add = true}
        %dma_wait3A_500 = arith.constant 0 : i32
        %dma_wait3A_501 = tpu.memref_slice %arg7[%run_scoped3A_491, %dma_wait3A_500] : memref<2x128xi32, #tpu.memory_space<vmem>> -> memref<1x128xi32, #tpu.memory_space<vmem>>
        %dma_wait3A_502 = tpu.memref_squeeze %dma_wait3A_501 : memref<1x128xi32, #tpu.memory_space<vmem>> -> memref<128xi32, #tpu.memory_space<vmem>>
        %dma_wait3A_503 = arith.constant 0 : i32
        %dma_wait3A_504 = arith.constant 0 : i32
        %dma_wait3A_505 = tpu.memref_slice %arg10[%dma_wait3A_503, %dma_wait3A_504] : memref<10240x128xf32, #tpu.memory_space<vmem_shared>> -> memref<10240x128xf32, #tpu.memory_space<vmem_shared>>
        tpu.wait_indirect_dma semaphore(%run_scoped3A_493 : memref<!tpu.dma_semaphore, #tpu.memory_space<semaphore_mem>>) src(%arg9 : memref<128x128xf32, #tpu.memory_space<vmem>>) dst(%dma_wait3A_505 : memref<10240x128xf32, #tpu.memory_space<vmem_shared>>)
        tpu.yield
      }) : () -> ()
      %scan3A_492 = arith.constant 0 : i32
      scf.yield %scan3A_492 : i32
    }
    %scan3A_230 = arith.constant 39 : i32
    %dma_wait3A = arith.constant 0 : i32
    %dma_wait3A_231 = arith.constant 0 : i32
    %dma_wait3A_232 = tpu.memref_slice %arg6[%dma_wait3A, %dma_wait3A_231] : memref<2x128xi32, #tpu.memory_space<vmem>> -> memref<1x128xi32, #tpu.memory_space<vmem>>
    %dma_wait3A_233 = tpu.memref_squeeze %dma_wait3A_232 : memref<1x128xi32, #tpu.memory_space<vmem>> -> memref<128xi32, #tpu.memory_space<vmem>>
    %dma_wait3A_234 = arith.constant 0 : i32
    %dma_wait3A_235 = arith.constant 0 : i32
    %dma_wait3A_236 = tpu.memref_slice %arg2[%dma_wait3A_234, %dma_wait3A_235] : memref<20000x128xf32, #tpu.memory_space<hbm>> -> memref<20000x128xf32, #tpu.memory_space<hbm>>
    tpu.wait_indirect_dma semaphore(%arg11 : memref<!tpu.dma_semaphore, #tpu.memory_space<semaphore_mem>>) src(%dma_wait3A_236 : memref<20000x128xf32, #tpu.memory_space<hbm>>) dst(%arg8 : memref<128x128xf32, #tpu.memory_space<vmem>>)
    %run_scoped3A = arith.constant 0 : i32
    "tpu.region"() ({
      %run_scoped3A_283 = tpu.sem_alloc : memref<!tpu.dma_semaphore, #tpu.memory_space<semaphore_mem>>
      %dma_start3A_284 = arith.constant 0 : i32
      %dma_start3A_285 = tpu.memref_slice %arg7[%run_scoped3A, %dma_start3A_284] : memref<2x128xi32, #tpu.memory_space<vmem>> -> memref<1x128xi32, #tpu.memory_space<vmem>>
      %dma_start3A_286 = tpu.memref_squeeze %dma_start3A_285 : memref<1x128xi32, #tpu.memory_space<vmem>> -> memref<128xi32, #tpu.memory_space<vmem>>
      %dma_start3A_287 = arith.constant 0 : i32
      %dma_start3A_288 = arith.constant 0 : i32
      %dma_start3A_289 = tpu.memref_slice %arg10[%dma_start3A_287, %dma_start3A_288] : memref<10240x128xf32, #tpu.memory_space<vmem_shared>> -> memref<10240x128xf32, #tpu.memory_space<vmem_shared>>
      tpu.enqueue_indirect_dma source(%arg8 : memref<128x128xf32, #tpu.memory_space<vmem>>) target(%dma_start3A_289 : memref<10240x128xf32, #tpu.memory_space<vmem_shared>>) offsets(%dma_start3A_286 : memref<128xi32, #tpu.memory_space<vmem>>) semaphore(%run_scoped3A_283 : memref<!tpu.dma_semaphore, #tpu.memory_space<semaphore_mem>>) {add = true}
      %dma_wait3A_290 = arith.constant 0 : i32
      %dma_wait3A_291 = tpu.memref_slice %arg7[%run_scoped3A, %dma_wait3A_290] : memref<2x128xi32, #tpu.memory_space<vmem>> -> memref<1x128xi32, #tpu.memory_space<vmem>>
      %dma_wait3A_292 = tpu.memref_squeeze %dma_wait3A_291 : memref<1x128xi32, #tpu.memory_space<vmem>> -> memref<128xi32, #tpu.memory_space<vmem>>
      %dma_wait3A_293 = arith.constant 0 : i32
      %dma_wait3A_294 = arith.constant 0 : i32
      %dma_wait3A_295 = tpu.memref_slice %arg10[%dma_wait3A_293, %dma_wait3A_294] : memref<10240x128xf32, #tpu.memory_space<vmem_shared>> -> memref<10240x128xf32, #tpu.memory_space<vmem_shared>>
      tpu.wait_indirect_dma semaphore(%run_scoped3A_283 : memref<!tpu.dma_semaphore, #tpu.memory_space<semaphore_mem>>) src(%arg8 : memref<128x128xf32, #tpu.memory_space<vmem>>) dst(%dma_wait3A_295 : memref<10240x128xf32, #tpu.memory_space<vmem_shared>>)
      tpu.yield
    }) : () -> ()
    %barrier3A_237 = arith.constant 0 : index
    tpu.barrier barrier_id(%barrier3A_237)
    %mul3A_238 = arith.constant 5 : i32
    %mul3A_239 = arith.muli %arg1, %mul3A_238 : i32
    %add3A_240 = arith.constant 0 : i32
    %add3A_241 = arith.addi %mul3A_239, %add3A_240 : i32
    %mul3A_242 = arith.constant 128 : i32
    %mul3A_243 = arith.muli %add3A_241, %mul3A_242 : i32
    "tpu.region"() ({
      %run_scoped3A_283 = tpu.sem_alloc : memref<!tpu.dma_semaphore, #tpu.memory_space<semaphore_mem>>
      %dma_start3A_284 = arith.constant 0 : i32
      %dma_start3A_285 = tpu.memref_slice %arg10[%mul3A_243, %dma_start3A_284] : memref<10240x128xf32, #tpu.memory_space<vmem_shared>> -> memref<128x128xf32, #tpu.memory_space<vmem_shared>>
      %dma_start3A_286 = arith.constant 0 : i32
      %dma_start3A_287 = tpu.memref_slice %arg10[%mul3A_243, %dma_start3A_286] : memref<10240x128xf32, #tpu.memory_space<vmem_shared>> -> memref<128x128xf32, #tpu.memory_space<vmem_shared>>
      tpu.enqueue_dma source(%dma_start3A_287 : memref<128x128xf32, #tpu.memory_space<vmem_shared>>) target(%arg8 : memref<128x128xf32, #tpu.memory_space<vmem>>) target_semaphore(%run_scoped3A_283 : memref<!tpu.dma_semaphore, #tpu.memory_space<semaphore_mem>>)
      %dma_wait3A_288 = arith.constant 0 : i32
      %dma_wait3A_289 = tpu.memref_slice %arg10[%mul3A_243, %dma_wait3A_288] : memref<10240x128xf32, #tpu.memory_space<vmem_shared>> -> memref<128x128xf32, #tpu.memory_space<vmem_shared>>
      %dma_wait3A_290 = arith.constant 0 : i32
      %dma_wait3A_291 = tpu.memref_slice %arg10[%mul3A_243, %dma_wait3A_290] : memref<10240x128xf32, #tpu.memory_space<vmem_shared>> -> memref<128x128xf32, #tpu.memory_space<vmem_shared>>
      tpu.wait_dma2 semaphore(%run_scoped3A_283 : memref<!tpu.dma_semaphore, #tpu.memory_space<semaphore_mem>>) src(%dma_wait3A_291 : memref<128x128xf32, #tpu.memory_space<vmem_shared>>) dst(%arg8 : memref<128x128xf32, #tpu.memory_space<vmem>>)
      tpu.yield
    }) : () -> ()
    %mul3A_244 = arith.constant 10240 : i32
    %mul3A_245 = arith.muli %arg0, %mul3A_244 : i32
    %add3A_246 = arith.addi %mul3A_245, %mul3A_243 : i32
    "tpu.region"() ({
      %run_scoped3A_283 = tpu.sem_alloc : memref<!tpu.dma_semaphore, #tpu.memory_space<semaphore_mem>>
      %dma_start3A_284 = arith.constant 0 : i32
      %dma_start3A_285 = tpu.memref_slice %arg4[%add3A_246, %dma_start3A_284] : memref<20480x128xf32, #tpu.memory_space<hbm>> -> memref<128x128xf32, #tpu.memory_space<hbm>>
      %dma_start3A_286 = arith.constant 0 : i32
      %dma_start3A_287 = tpu.memref_slice %arg4[%add3A_246, %dma_start3A_286] : memref<20480x128xf32, #tpu.memory_space<hbm>> -> memref<128x128xf32, #tpu.memory_space<hbm>>
      tpu.enqueue_dma source(%arg8 : memref<128x128xf32, #tpu.memory_space<vmem>>) target(%dma_start3A_287 : memref<128x128xf32, #tpu.memory_space<hbm>>) target_semaphore(%run_scoped3A_283 : memref<!tpu.dma_semaphore, #tpu.memory_space<semaphore_mem>>)
      %dma_wait3A_288 = arith.constant 0 : i32
      %dma_wait3A_289 = tpu.memref_slice %arg4[%add3A_246, %dma_wait3A_288] : memref<20480x128xf32, #tpu.memory_space<hbm>> -> memref<128x128xf32, #tpu.memory_space<hbm>>
      %dma_wait3A_290 = arith.constant 0 : i32
      %dma_wait3A_291 = tpu.memref_slice %arg4[%add3A_246, %dma_wait3A_290] : memref<20480x128xf32, #tpu.memory_space<hbm>> -> memref<128x128xf32, #tpu.memory_space<hbm>>
      tpu.wait_dma2 semaphore(%run_scoped3A_283 : memref<!tpu.dma_semaphore, #tpu.memory_space<semaphore_mem>>) src(%arg8 : memref<128x128xf32, #tpu.memory_space<vmem>>) dst(%dma_wait3A_291 : memref<128x128xf32, #tpu.memory_space<hbm>>)
      tpu.yield
    }) : () -> ()
    %mul3A_247 = arith.constant 5 : i32
    %mul3A_248 = arith.muli %arg1, %mul3A_247 : i32
    %add3A_249 = arith.constant 1 : i32
    %add3A_250 = arith.addi %mul3A_248, %add3A_249 : i32
    %mul3A_251 = arith.constant 128 : i32
    %mul3A_252 = arith.muli %add3A_250, %mul3A_251 : i32
    "tpu.region"() ({
      %run_scoped3A_283 = tpu.sem_alloc : memref<!tpu.dma_semaphore, #tpu.memory_space<semaphore_mem>>
      %dma_start3A_284 = arith.constant 0 : i32
      %dma_start3A_285 = tpu.memref_slice %arg10[%mul3A_252, %dma_start3A_284] : memref<10240x128xf32, #tpu.memory_space<vmem_shared>> -> memref<128x128xf32, #tpu.memory_space<vmem_shared>>
      %dma_start3A_286 = arith.constant 0 : i32
      %dma_start3A_287 = tpu.memref_slice %arg10[%mul3A_252, %dma_start3A_286] : memref<10240x128xf32, #tpu.memory_space<vmem_shared>> -> memref<128x128xf32, #tpu.memory_space<vmem_shared>>
      tpu.enqueue_dma source(%dma_start3A_287 : memref<128x128xf32, #tpu.memory_space<vmem_shared>>) target(%arg8 : memref<128x128xf32, #tpu.memory_space<vmem>>) target_semaphore(%run_scoped3A_283 : memref<!tpu.dma_semaphore, #tpu.memory_space<semaphore_mem>>)
      %dma_wait3A_288 = arith.constant 0 : i32
      %dma_wait3A_289 = tpu.memref_slice %arg10[%mul3A_252, %dma_wait3A_288] : memref<10240x128xf32, #tpu.memory_space<vmem_shared>> -> memref<128x128xf32, #tpu.memory_space<vmem_shared>>
      %dma_wait3A_290 = arith.constant 0 : i32
      %dma_wait3A_291 = tpu.memref_slice %arg10[%mul3A_252, %dma_wait3A_290] : memref<10240x128xf32, #tpu.memory_space<vmem_shared>> -> memref<128x128xf32, #tpu.memory_space<vmem_shared>>
      tpu.wait_dma2 semaphore(%run_scoped3A_283 : memref<!tpu.dma_semaphore, #tpu.memory_space<semaphore_mem>>) src(%dma_wait3A_291 : memref<128x128xf32, #tpu.memory_space<vmem_shared>>) dst(%arg8 : memref<128x128xf32, #tpu.memory_space<vmem>>)
      tpu.yield
    }) : () -> ()
    %mul3A_253 = arith.constant 10240 : i32
    %mul3A_254 = arith.muli %arg0, %mul3A_253 : i32
    %add3A_255 = arith.addi %mul3A_254, %mul3A_252 : i32
    "tpu.region"() ({
      %run_scoped3A_283 = tpu.sem_alloc : memref<!tpu.dma_semaphore, #tpu.memory_space<semaphore_mem>>
      %dma_start3A_284 = arith.constant 0 : i32
      %dma_start3A_285 = tpu.memref_slice %arg4[%add3A_255, %dma_start3A_284] : memref<20480x128xf32, #tpu.memory_space<hbm>> -> memref<128x128xf32, #tpu.memory_space<hbm>>
      %dma_start3A_286 = arith.constant 0 : i32
      %dma_start3A_287 = tpu.memref_slice %arg4[%add3A_255, %dma_start3A_286] : memref<20480x128xf32, #tpu.memory_space<hbm>> -> memref<128x128xf32, #tpu.memory_space<hbm>>
      tpu.enqueue_dma source(%arg8 : memref<128x128xf32, #tpu.memory_space<vmem>>) target(%dma_start3A_287 : memref<128x128xf32, #tpu.memory_space<hbm>>) target_semaphore(%run_scoped3A_283 : memref<!tpu.dma_semaphore, #tpu.memory_space<semaphore_mem>>)
      %dma_wait3A_288 = arith.constant 0 : i32
      %dma_wait3A_289 = tpu.memref_slice %arg4[%add3A_255, %dma_wait3A_288] : memref<20480x128xf32, #tpu.memory_space<hbm>> -> memref<128x128xf32, #tpu.memory_space<hbm>>
      %dma_wait3A_290 = arith.constant 0 : i32
      %dma_wait3A_291 = tpu.memref_slice %arg4[%add3A_255, %dma_wait3A_290] : memref<20480x128xf32, #tpu.memory_space<hbm>> -> memref<128x128xf32, #tpu.memory_space<hbm>>
      tpu.wait_dma2 semaphore(%run_scoped3A_283 : memref<!tpu.dma_semaphore, #tpu.memory_space<semaphore_mem>>) src(%arg8 : memref<128x128xf32, #tpu.memory_space<vmem>>) dst(%dma_wait3A_291 : memref<128x128xf32, #tpu.memory_space<hbm>>)
      tpu.yield
    }) : () -> ()
    %mul3A_256 = arith.constant 5 : i32
    %mul3A_257 = arith.muli %arg1, %mul3A_256 : i32
    %add3A_258 = arith.constant 2 : i32
    %add3A_259 = arith.addi %mul3A_257, %add3A_258 : i32
    %mul3A_260 = arith.constant 128 : i32
    %mul3A_261 = arith.muli %add3A_259, %mul3A_260 : i32
    "tpu.region"() ({
      %run_scoped3A_283 = tpu.sem_alloc : memref<!tpu.dma_semaphore, #tpu.memory_space<semaphore_mem>>
      %dma_start3A_284 = arith.constant 0 : i32
      %dma_start3A_285 = tpu.memref_slice %arg10[%mul3A_261, %dma_start3A_284] : memref<10240x128xf32, #tpu.memory_space<vmem_shared>> -> memref<128x128xf32, #tpu.memory_space<vmem_shared>>
      %dma_start3A_286 = arith.constant 0 : i32
      %dma_start3A_287 = tpu.memref_slice %arg10[%mul3A_261, %dma_start3A_286] : memref<10240x128xf32, #tpu.memory_space<vmem_shared>> -> memref<128x128xf32, #tpu.memory_space<vmem_shared>>
      tpu.enqueue_dma source(%dma_start3A_287 : memref<128x128xf32, #tpu.memory_space<vmem_shared>>) target(%arg8 : memref<128x128xf32, #tpu.memory_space<vmem>>) target_semaphore(%run_scoped3A_283 : memref<!tpu.dma_semaphore, #tpu.memory_space<semaphore_mem>>)
      %dma_wait3A_288 = arith.constant 0 : i32
      %dma_wait3A_289 = tpu.memref_slice %arg10[%mul3A_261, %dma_wait3A_288] : memref<10240x128xf32, #tpu.memory_space<vmem_shared>> -> memref<128x128xf32, #tpu.memory_space<vmem_shared>>
      %dma_wait3A_290 = arith.constant 0 : i32
      %dma_wait3A_291 = tpu.memref_slice %arg10[%mul3A_261, %dma_wait3A_290] : memref<10240x128xf32, #tpu.memory_space<vmem_shared>> -> memref<128x128xf32, #tpu.memory_space<vmem_shared>>
      tpu.wait_dma2 semaphore(%run_scoped3A_283 : memref<!tpu.dma_semaphore, #tpu.memory_space<semaphore_mem>>) src(%dma_wait3A_291 : memref<128x128xf32, #tpu.memory_space<vmem_shared>>) dst(%arg8 : memref<128x128xf32, #tpu.memory_space<vmem>>)
      tpu.yield
    }) : () -> ()
    %mul3A_262 = arith.constant 10240 : i32
    %mul3A_263 = arith.muli %arg0, %mul3A_262 : i32
    %add3A_264 = arith.addi %mul3A_263, %mul3A_261 : i32
    "tpu.region"() ({
      %run_scoped3A_283 = tpu.sem_alloc : memref<!tpu.dma_semaphore, #tpu.memory_space<semaphore_mem>>
      %dma_start3A_284 = arith.constant 0 : i32
      %dma_start3A_285 = tpu.memref_slice %arg4[%add3A_264, %dma_start3A_284] : memref<20480x128xf32, #tpu.memory_space<hbm>> -> memref<128x128xf32, #tpu.memory_space<hbm>>
      %dma_start3A_286 = arith.constant 0 : i32
      %dma_start3A_287 = tpu.memref_slice %arg4[%add3A_264, %dma_start3A_286] : memref<20480x128xf32, #tpu.memory_space<hbm>> -> memref<128x128xf32, #tpu.memory_space<hbm>>
      tpu.enqueue_dma source(%arg8 : memref<128x128xf32, #tpu.memory_space<vmem>>) target(%dma_start3A_287 : memref<128x128xf32, #tpu.memory_space<hbm>>) target_semaphore(%run_scoped3A_283 : memref<!tpu.dma_semaphore, #tpu.memory_space<semaphore_mem>>)
      %dma_wait3A_288 = arith.constant 0 : i32
      %dma_wait3A_289 = tpu.memref_slice %arg4[%add3A_264, %dma_wait3A_288] : memref<20480x128xf32, #tpu.memory_space<hbm>> -> memref<128x128xf32, #tpu.memory_space<hbm>>
      %dma_wait3A_290 = arith.constant 0 : i32
      %dma_wait3A_291 = tpu.memref_slice %arg4[%add3A_264, %dma_wait3A_290] : memref<20480x128xf32, #tpu.memory_space<hbm>> -> memref<128x128xf32, #tpu.memory_space<hbm>>
      tpu.wait_dma2 semaphore(%run_scoped3A_283 : memref<!tpu.dma_semaphore, #tpu.memory_space<semaphore_mem>>) src(%arg8 : memref<128x128xf32, #tpu.memory_space<vmem>>) dst(%dma_wait3A_291 : memref<128x128xf32, #tpu.memory_space<hbm>>)
      tpu.yield
    }) : () -> ()
    %mul3A_265 = arith.constant 5 : i32
    %mul3A_266 = arith.muli %arg1, %mul3A_265 : i32
    %add3A_267 = arith.constant 3 : i32
    %add3A_268 = arith.addi %mul3A_266, %add3A_267 : i32
    %mul3A_269 = arith.constant 128 : i32
    %mul3A_270 = arith.muli %add3A_268, %mul3A_269 : i32
    "tpu.region"() ({
      %run_scoped3A_283 = tpu.sem_alloc : memref<!tpu.dma_semaphore, #tpu.memory_space<semaphore_mem>>
      %dma_start3A_284 = arith.constant 0 : i32
      %dma_start3A_285 = tpu.memref_slice %arg10[%mul3A_270, %dma_start3A_284] : memref<10240x128xf32, #tpu.memory_space<vmem_shared>> -> memref<128x128xf32, #tpu.memory_space<vmem_shared>>
      %dma_start3A_286 = arith.constant 0 : i32
      %dma_start3A_287 = tpu.memref_slice %arg10[%mul3A_270, %dma_start3A_286] : memref<10240x128xf32, #tpu.memory_space<vmem_shared>> -> memref<128x128xf32, #tpu.memory_space<vmem_shared>>
      tpu.enqueue_dma source(%dma_start3A_287 : memref<128x128xf32, #tpu.memory_space<vmem_shared>>) target(%arg8 : memref<128x128xf32, #tpu.memory_space<vmem>>) target_semaphore(%run_scoped3A_283 : memref<!tpu.dma_semaphore, #tpu.memory_space<semaphore_mem>>)
      %dma_wait3A_288 = arith.constant 0 : i32
      %dma_wait3A_289 = tpu.memref_slice %arg10[%mul3A_270, %dma_wait3A_288] : memref<10240x128xf32, #tpu.memory_space<vmem_shared>> -> memref<128x128xf32, #tpu.memory_space<vmem_shared>>
      %dma_wait3A_290 = arith.constant 0 : i32
      %dma_wait3A_291 = tpu.memref_slice %arg10[%mul3A_270, %dma_wait3A_290] : memref<10240x128xf32, #tpu.memory_space<vmem_shared>> -> memref<128x128xf32, #tpu.memory_space<vmem_shared>>
      tpu.wait_dma2 semaphore(%run_scoped3A_283 : memref<!tpu.dma_semaphore, #tpu.memory_space<semaphore_mem>>) src(%dma_wait3A_291 : memref<128x128xf32, #tpu.memory_space<vmem_shared>>) dst(%arg8 : memref<128x128xf32, #tpu.memory_space<vmem>>)
      tpu.yield
    }) : () -> ()
    %mul3A_271 = arith.constant 10240 : i32
    %mul3A_272 = arith.muli %arg0, %mul3A_271 : i32
    %add3A_273 = arith.addi %mul3A_272, %mul3A_270 : i32
    "tpu.region"() ({
      %run_scoped3A_283 = tpu.sem_alloc : memref<!tpu.dma_semaphore, #tpu.memory_space<semaphore_mem>>
      %dma_start3A_284 = arith.constant 0 : i32
      %dma_start3A_285 = tpu.memref_slice %arg4[%add3A_273, %dma_start3A_284] : memref<20480x128xf32, #tpu.memory_space<hbm>> -> memref<128x128xf32, #tpu.memory_space<hbm>>
      %dma_start3A_286 = arith.constant 0 : i32
      %dma_start3A_287 = tpu.memref_slice %arg4[%add3A_273, %dma_start3A_286] : memref<20480x128xf32, #tpu.memory_space<hbm>> -> memref<128x128xf32, #tpu.memory_space<hbm>>
      tpu.enqueue_dma source(%arg8 : memref<128x128xf32, #tpu.memory_space<vmem>>) target(%dma_start3A_287 : memref<128x128xf32, #tpu.memory_space<hbm>>) target_semaphore(%run_scoped3A_283 : memref<!tpu.dma_semaphore, #tpu.memory_space<semaphore_mem>>)
      %dma_wait3A_288 = arith.constant 0 : i32
      %dma_wait3A_289 = tpu.memref_slice %arg4[%add3A_273, %dma_wait3A_288] : memref<20480x128xf32, #tpu.memory_space<hbm>> -> memref<128x128xf32, #tpu.memory_space<hbm>>
      %dma_wait3A_290 = arith.constant 0 : i32
      %dma_wait3A_291 = tpu.memref_slice %arg4[%add3A_273, %dma_wait3A_290] : memref<20480x128xf32, #tpu.memory_space<hbm>> -> memref<128x128xf32, #tpu.memory_space<hbm>>
      tpu.wait_dma2 semaphore(%run_scoped3A_283 : memref<!tpu.dma_semaphore, #tpu.memory_space<semaphore_mem>>) src(%arg8 : memref<128x128xf32, #tpu.memory_space<vmem>>) dst(%dma_wait3A_291 : memref<128x128xf32, #tpu.memory_space<hbm>>)
      tpu.yield
    }) : () -> ()
    %mul3A_274 = arith.constant 5 : i32
    %mul3A_275 = arith.muli %arg1, %mul3A_274 : i32
    %add3A_276 = arith.constant 4 : i32
    %add3A_277 = arith.addi %mul3A_275, %add3A_276 : i32
    %mul3A_278 = arith.constant 128 : i32
    %mul3A_279 = arith.muli %add3A_277, %mul3A_278 : i32
    "tpu.region"() ({
      %run_scoped3A_283 = tpu.sem_alloc : memref<!tpu.dma_semaphore, #tpu.memory_space<semaphore_mem>>
      %dma_start3A_284 = arith.constant 0 : i32
      %dma_start3A_285 = tpu.memref_slice %arg10[%mul3A_279, %dma_start3A_284] : memref<10240x128xf32, #tpu.memory_space<vmem_shared>> -> memref<128x128xf32, #tpu.memory_space<vmem_shared>>
      %dma_start3A_286 = arith.constant 0 : i32
      %dma_start3A_287 = tpu.memref_slice %arg10[%mul3A_279, %dma_start3A_286] : memref<10240x128xf32, #tpu.memory_space<vmem_shared>> -> memref<128x128xf32, #tpu.memory_space<vmem_shared>>
      tpu.enqueue_dma source(%dma_start3A_287 : memref<128x128xf32, #tpu.memory_space<vmem_shared>>) target(%arg8 : memref<128x128xf32, #tpu.memory_space<vmem>>) target_semaphore(%run_scoped3A_283 : memref<!tpu.dma_semaphore, #tpu.memory_space<semaphore_mem>>)
      %dma_wait3A_288 = arith.constant 0 : i32
      %dma_wait3A_289 = tpu.memref_slice %arg10[%mul3A_279, %dma_wait3A_288] : memref<10240x128xf32, #tpu.memory_space<vmem_shared>> -> memref<128x128xf32, #tpu.memory_space<vmem_shared>>
      %dma_wait3A_290 = arith.constant 0 : i32
      %dma_wait3A_291 = tpu.memref_slice %arg10[%mul3A_279, %dma_wait3A_290] : memref<10240x128xf32, #tpu.memory_space<vmem_shared>> -> memref<128x128xf32, #tpu.memory_space<vmem_shared>>
      tpu.wait_dma2 semaphore(%run_scoped3A_283 : memref<!tpu.dma_semaphore, #tpu.memory_space<semaphore_mem>>) src(%dma_wait3A_291 : memref<128x128xf32, #tpu.memory_space<vmem_shared>>) dst(%arg8 : memref<128x128xf32, #tpu.memory_space<vmem>>)
      tpu.yield
    }) : () -> ()
    %mul3A_280 = arith.constant 10240 : i32
    %mul3A_281 = arith.muli %arg0, %mul3A_280 : i32
    %add3A_282 = arith.addi %mul3A_281, %mul3A_279 : i32
    "tpu.region"() ({
      %run_scoped3A_283 = tpu.sem_alloc : memref<!tpu.dma_semaphore, #tpu.memory_space<semaphore_mem>>
      %dma_start3A_284 = arith.constant 0 : i32
      %dma_start3A_285 = tpu.memref_slice %arg4[%add3A_282, %dma_start3A_284] : memref<20480x128xf32, #tpu.memory_space<hbm>> -> memref<128x128xf32, #tpu.memory_space<hbm>>
      %dma_start3A_286 = arith.constant 0 : i32
      %dma_start3A_287 = tpu.memref_slice %arg4[%add3A_282, %dma_start3A_286] : memref<20480x128xf32, #tpu.memory_space<hbm>> -> memref<128x128xf32, #tpu.memory_space<hbm>>
      tpu.enqueue_dma source(%arg8 : memref<128x128xf32, #tpu.memory_space<vmem>>) target(%dma_start3A_287 : memref<128x128xf32, #tpu.memory_space<hbm>>) target_semaphore(%run_scoped3A_283 : memref<!tpu.dma_semaphore, #tpu.memory_space<semaphore_mem>>)
      %dma_wait3A_288 = arith.constant 0 : i32
      %dma_wait3A_289 = tpu.memref_slice %arg4[%add3A_282, %dma_wait3A_288] : memref<20480x128xf32, #tpu.memory_space<hbm>> -> memref<128x128xf32, #tpu.memory_space<hbm>>
      %dma_wait3A_290 = arith.constant 0 : i32
      %dma_wait3A_291 = tpu.memref_slice %arg4[%add3A_282, %dma_wait3A_290] : memref<20480x128xf32, #tpu.memory_space<hbm>> -> memref<128x128xf32, #tpu.memory_space<hbm>>
      tpu.wait_dma2 semaphore(%run_scoped3A_283 : memref<!tpu.dma_semaphore, #tpu.memory_space<semaphore_mem>>) src(%arg8 : memref<128x128xf32, #tpu.memory_space<vmem>>) dst(%dma_wait3A_291 : memref<128x128xf32, #tpu.memory_space<hbm>>)
      tpu.yield
    }) : () -> ()
    return
  }
}

#map = affine_map<(d0, d1) -> (0, 0)>
#map1 = affine_map<(d0, d1) -> (0, 0, 0)>
module attributes {stable_mosaic.version = 14 : i64} {
  func.func @k(%arg0: i32, %arg1: i32, %arg2: memref<10000x128xf32, #tpu.memory_space<hbm>>, %arg3: memref<32x79x128xi32, #tpu.memory_space<hbm>>, %arg4: memref<20480x128xf32, #tpu.memory_space<hbm>>, %arg5: memref<79x128xi32, #tpu.memory_space<vmem>>, %arg6: memref<2x128xi32, #tpu.memory_space<vmem>>, %arg7: memref<2x128xi32, #tpu.memory_space<vmem>>, %arg8: memref<128x128xf32, #tpu.memory_space<vmem>>, %arg9: memref<128x128xf32, #tpu.memory_space<vmem>>, %arg10: memref<10240x128xf32, #tpu.memory_space<vmem_shared>>, %arg11: memref<!tpu.dma_semaphore, #tpu.memory_space<semaphore_mem>>, %arg12: memref<!tpu.dma_semaphore, #tpu.memory_space<semaphore_mem>>) attributes {dimension_semantics = [#tpu.dimension_semantics<core_parallel>, #tpu.dimension_semantics<subcore_parallel>], iteration_bounds = array<i64: 2, 16>, scalar_prefetch = 0 : i64, scratch_operands = 8 : i64, tpu.core_type = #tpu.core_type<sc_vector_subcore>, window_params = [{transform_indices = #map}, {transform_indices = #map1}, {transform_indices = #map}]} {
    %mul3A = arith.constant 16 : i32
    %mul3A_0 = arith.muli %arg0, %mul3A : i32
    %add3A = arith.addi %mul3A_0, %arg1 : i32
    "tpu.region"() ({
      %run_scoped3A_283 = tpu.sem_alloc : memref<!tpu.dma_semaphore, #tpu.memory_space<semaphore_mem>>
      %dma_start3A_284 = arith.constant 0 : i32
      %dma_start3A_285 = arith.constant 0 : i32
      %dma_start3A_286 = tpu.memref_slice %arg3[%add3A, %dma_start3A_284, %dma_start3A_285] : memref<32x79x128xi32, #tpu.memory_space<hbm>> -> memref<1x79x128xi32, #tpu.memory_space<hbm>>
      %dma_start3A_287 = tpu.memref_squeeze %dma_start3A_286 : memref<1x79x128xi32, #tpu.memory_space<hbm>> -> memref<79x128xi32, #tpu.memory_space<hbm>>
      %dma_start3A_288 = arith.constant 0 : i32
      %dma_start3A_289 = arith.constant 0 : i32
      %dma_start3A_290 = tpu.memref_slice %arg3[%add3A, %dma_start3A_288, %dma_start3A_289] : memref<32x79x128xi32, #tpu.memory_space<hbm>> -> memref<1x79x128xi32, #tpu.memory_space<hbm>>
      %dma_start3A_291 = tpu.memref_squeeze %dma_start3A_290 : memref<1x79x128xi32, #tpu.memory_space<hbm>> -> memref<79x128xi32, #tpu.memory_space<hbm>>
      tpu.enqueue_dma source(%dma_start3A_291 : memref<79x128xi32, #tpu.memory_space<hbm>>) target(%arg5 : memref<79x128xi32, #tpu.memory_space<vmem>>) target_semaphore(%run_scoped3A_283 : memref<!tpu.dma_semaphore, #tpu.memory_space<semaphore_mem>>)
      %dma_wait3A_292 = arith.constant 0 : i32
      %dma_wait3A_293 = arith.constant 0 : i32
      %dma_wait3A_294 = tpu.memref_slice %arg3[%add3A, %dma_wait3A_292, %dma_wait3A_293] : memref<32x79x128xi32, #tpu.memory_space<hbm>> -> memref<1x79x128xi32, #tpu.memory_space<hbm>>
      %dma_wait3A_295 = tpu.memref_squeeze %dma_wait3A_294 : memref<1x79x128xi32, #tpu.memory_space<hbm>> -> memref<79x128xi32, #tpu.memory_space<hbm>>
      %dma_wait3A_296 = arith.constant 0 : i32
      %dma_wait3A_297 = arith.constant 0 : i32
      %dma_wait3A_298 = tpu.memref_slice %arg3[%add3A, %dma_wait3A_296, %dma_wait3A_297] : memref<32x79x128xi32, #tpu.memory_space<hbm>> -> memref<1x79x128xi32, #tpu.memory_space<hbm>>
      %dma_wait3A_299 = tpu.memref_squeeze %dma_wait3A_298 : memref<1x79x128xi32, #tpu.memory_space<hbm>> -> memref<79x128xi32, #tpu.memory_space<hbm>>
      tpu.wait_dma2 semaphore(%run_scoped3A_283 : memref<!tpu.dma_semaphore, #tpu.memory_space<semaphore_mem>>) src(%dma_wait3A_299 : memref<79x128xi32, #tpu.memory_space<hbm>>) dst(%arg5 : memref<79x128xi32, #tpu.memory_space<vmem>>)
      tpu.yield
    }) : () -> ()
    %broadcast_in_dim3A = arith.constant 0.000000e+00 : f32
    %broadcast_in_dim3A_1 = vector.broadcast %broadcast_in_dim3A : f32 to vector<16xf32>
    %scan3A = arith.constant 0 : i32
    %scan3A_2 = arith.constant 0 : i32
    %scan3A_3 = arith.constant 128 : i32
    %scan3A_4 = arith.addi %scan3A_2, %scan3A_3 : i32
    %scan3A_5 = arith.constant 1 : i32
    %scan3A_6 = scf.for %scan3A_283 = %scan3A_2 to %scan3A_4 step %scan3A_5 iter_args(%scan3A_284 = %scan3A) -> (i32)  : i32 {
      %swap3A_285 = arith.index_cast %scan3A_283 : i32 to index
      %swap3A_286 = arith.constant 0 : index
      %swap3A_287 = tpu.vector_load %arg8[%swap3A_285, %swap3A_286] {strides = array<i32>} : memref<128x128xf32, #tpu.memory_space<vmem>>, vector<1x16xf32>,
      %swap3A_288 = vector.shape_cast %swap3A_287 : vector<1x16xf32> to vector<16xf32>
      %swap3A_289 = vector.shape_cast %broadcast_in_dim3A_1 : vector<16xf32> to vector<1x16xf32>
      tpu.vector_store %arg8[%swap3A_285, %swap3A_286], %swap3A_289 {strides = array<i32>} : memref<128x128xf32, #tpu.memory_space<vmem>>, vector<1x16xf32>,
      %swap3A_290 = arith.index_cast %scan3A_283 : i32 to index
      %swap3A_291 = arith.constant 16 : index
      %swap3A_292 = tpu.vector_load %arg8[%swap3A_290, %swap3A_291] {strides = array<i32>} : memref<128x128xf32, #tpu.memory_space<vmem>>, vector<1x16xf32>,
      %swap3A_293 = vector.shape_cast %swap3A_292 : vector<1x16xf32> to vector<16xf32>
      %swap3A_294 = vector.shape_cast %broadcast_in_dim3A_1 : vector<16xf32> to vector<1x16xf32>
      tpu.vector_store %arg8[%swap3A_290, %swap3A_291], %swap3A_294 {strides = array<i32>} : memref<128x128xf32, #tpu.memory_space<vmem>>, vector<1x16xf32>,
      %swap3A_295 = arith.index_cast %scan3A_283 : i32 to index
      %swap3A_296 = arith.constant 32 : index
      %swap3A_297 = tpu.vector_load %arg8[%swap3A_295, %swap3A_296] {strides = array<i32>} : memref<128x128xf32, #tpu.memory_space<vmem>>, vector<1x16xf32>,
      %swap3A_298 = vector.shape_cast %swap3A_297 : vector<1x16xf32> to vector<16xf32>
      %swap3A_299 = vector.shape_cast %broadcast_in_dim3A_1 : vector<16xf32> to vector<1x16xf32>
      tpu.vector_store %arg8[%swap3A_295, %swap3A_296], %swap3A_299 {strides = array<i32>} : memref<128x128xf32, #tpu.memory_space<vmem>>, vector<1x16xf32>,
      %swap3A_300 = arith.index_cast %scan3A_283 : i32 to index
      %swap3A_301 = arith.constant 48 : index
      %swap3A_302 = tpu.vector_load %arg8[%swap3A_300, %swap3A_301] {strides = array<i32>} : memref<128x128xf32, #tpu.memory_space<vmem>>, vector<1x16xf32>,
      %swap3A_303 = vector.shape_cast %swap3A_302 : vector<1x16xf32> to vector<16xf32>
      %swap3A_304 = vector.shape_cast %broadcast_in_dim3A_1 : vector<16xf32> to vector<1x16xf32>
      tpu.vector_store %arg8[%swap3A_300, %swap3A_301], %swap3A_304 {strides = array<i32>} : memref<128x128xf32, #tpu.memory_space<vmem>>, vector<1x16xf32>,
      %swap3A_305 = arith.index_cast %scan3A_283 : i32 to index
      %swap3A_306 = arith.constant 64 : index
      %swap3A_307 = tpu.vector_load %arg8[%swap3A_305, %swap3A_306] {strides = array<i32>} : memref<128x128xf32, #tpu.memory_space<vmem>>, vector<1x16xf32>,
      %swap3A_308 = vector.shape_cast %swap3A_307 : vector<1x16xf32> to vector<16xf32>
      %swap3A_309 = vector.shape_cast %broadcast_in_dim3A_1 : vector<16xf32> to vector<1x16xf32>
      tpu.vector_store %arg8[%swap3A_305, %swap3A_306], %swap3A_309 {strides = array<i32>} : memref<128x128xf32, #tpu.memory_space<vmem>>, vector<1x16xf32>,
      %swap3A_310 = arith.index_cast %scan3A_283 : i32 to index
      %swap3A_311 = arith.constant 80 : index
      %swap3A_312 = tpu.vector_load %arg8[%swap3A_310, %swap3A_311] {strides = array<i32>} : memref<128x128xf32, #tpu.memory_space<vmem>>, vector<1x16xf32>,
      %swap3A_313 = vector.shape_cast %swap3A_312 : vector<1x16xf32> to vector<16xf32>
      %swap3A_314 = vector.shape_cast %broadcast_in_dim3A_1 : vector<16xf32> to vector<1x16xf32>
      tpu.vector_store %arg8[%swap3A_310, %swap3A_311], %swap3A_314 {strides = array<i32>} : memref<128x128xf32, #tpu.memory_space<vmem>>, vector<1x16xf32>,
      %swap3A_315 = arith.index_cast %scan3A_283 : i32 to index
      %swap3A_316 = arith.constant 96 : index
      %swap3A_317 = tpu.vector_load %arg8[%swap3A_315, %swap3A_316] {strides = array<i32>} : memref<128x128xf32, #tpu.memory_space<vmem>>, vector<1x16xf32>,
      %swap3A_318 = vector.shape_cast %swap3A_317 : vector<1x16xf32> to vector<16xf32>
      %swap3A_319 = vector.shape_cast %broadcast_in_dim3A_1 : vector<16xf32> to vector<1x16xf32>
      tpu.vector_store %arg8[%swap3A_315, %swap3A_316], %swap3A_319 {strides = array<i32>} : memref<128x128xf32, #tpu.memory_space<vmem>>, vector<1x16xf32>,
      %swap3A_320 = arith.index_cast %scan3A_283 : i32 to index
      %swap3A_321 = arith.constant 112 : index
      %swap3A_322 = tpu.vector_load %arg8[%swap3A_320, %swap3A_321] {strides = array<i32>} : memref<128x128xf32, #tpu.memory_space<vmem>>, vector<1x16xf32>,
      %swap3A_323 = vector.shape_cast %swap3A_322 : vector<1x16xf32> to vector<16xf32>
      %swap3A_324 = vector.shape_cast %broadcast_in_dim3A_1 : vector<16xf32> to vector<1x16xf32>
      tpu.vector_store %arg8[%swap3A_320, %swap3A_321], %swap3A_324 {strides = array<i32>} : memref<128x128xf32, #tpu.memory_space<vmem>>, vector<1x16xf32>,
      %scan3A_325 = arith.constant 0 : i32
      scf.yield %scan3A_325 : i32
    }
    %scan3A_7 = arith.constant 128 : i32
    %mul3A_8 = arith.constant 5 : i32
    %mul3A_9 = arith.muli %arg1, %mul3A_8 : i32
    %add3A_10 = arith.constant 0 : i32
    %add3A_11 = arith.addi %mul3A_9, %add3A_10 : i32
    %mul3A_12 = arith.constant 128 : i32
    %mul3A_13 = arith.muli %add3A_11, %mul3A_12 : i32
    "tpu.region"() ({
      %run_scoped3A_283 = tpu.sem_alloc : memref<!tpu.dma_semaphore, #tpu.memory_space<semaphore_mem>>
      %dma_start3A_284 = arith.constant 0 : i32
      %dma_start3A_285 = tpu.memref_slice %arg10[%mul3A_13, %dma_start3A_284] : memref<10240x128xf32, #tpu.memory_space<vmem_shared>> -> memref<128x128xf32, #tpu.memory_space<vmem_shared>>
      %dma_start3A_286 = arith.constant 0 : i32
      %dma_start3A_287 = tpu.memref_slice %arg10[%mul3A_13, %dma_start3A_286] : memref<10240x128xf32, #tpu.memory_space<vmem_shared>> -> memref<128x128xf32, #tpu.memory_space<vmem_shared>>
      tpu.enqueue_dma source(%arg8 : memref<128x128xf32, #tpu.memory_space<vmem>>) target(%dma_start3A_287 : memref<128x128xf32, #tpu.memory_space<vmem_shared>>) target_semaphore(%run_scoped3A_283 : memref<!tpu.dma_semaphore, #tpu.memory_space<semaphore_mem>>)
      %dma_wait3A_288 = arith.constant 0 : i32
      %dma_wait3A_289 = tpu.memref_slice %arg10[%mul3A_13, %dma_wait3A_288] : memref<10240x128xf32, #tpu.memory_space<vmem_shared>> -> memref<128x128xf32, #tpu.memory_space<vmem_shared>>
      %dma_wait3A_290 = arith.constant 0 : i32
      %dma_wait3A_291 = tpu.memref_slice %arg10[%mul3A_13, %dma_wait3A_290] : memref<10240x128xf32, #tpu.memory_space<vmem_shared>> -> memref<128x128xf32, #tpu.memory_space<vmem_shared>>
      tpu.wait_dma2 semaphore(%run_scoped3A_283 : memref<!tpu.dma_semaphore, #tpu.memory_space<semaphore_mem>>) src(%arg8 : memref<128x128xf32, #tpu.memory_space<vmem>>) dst(%dma_wait3A_291 : memref<128x128xf32, #tpu.memory_space<vmem_shared>>)
      tpu.yield
    }) : () -> ()
    %mul3A_14 = arith.constant 5 : i32
    %mul3A_15 = arith.muli %arg1, %mul3A_14 : i32
    %add3A_16 = arith.constant 1 : i32
    %add3A_17 = arith.addi %mul3A_15, %add3A_16 : i32
    %mul3A_18 = arith.constant 128 : i32
    %mul3A_19 = arith.muli %add3A_17, %mul3A_18 : i32
    "tpu.region"() ({
      %run_scoped3A_283 = tpu.sem_alloc : memref<!tpu.dma_semaphore, #tpu.memory_space<semaphore_mem>>
      %dma_start3A_284 = arith.constant 0 : i32
      %dma_start3A_285 = tpu.memref_slice %arg10[%mul3A_19, %dma_start3A_284] : memref<10240x128xf32, #tpu.memory_space<vmem_shared>> -> memref<128x128xf32, #tpu.memory_space<vmem_shared>>
      %dma_start3A_286 = arith.constant 0 : i32
      %dma_start3A_287 = tpu.memref_slice %arg10[%mul3A_19, %dma_start3A_286] : memref<10240x128xf32, #tpu.memory_space<vmem_shared>> -> memref<128x128xf32, #tpu.memory_space<vmem_shared>>
      tpu.enqueue_dma source(%arg8 : memref<128x128xf32, #tpu.memory_space<vmem>>) target(%dma_start3A_287 : memref<128x128xf32, #tpu.memory_space<vmem_shared>>) target_semaphore(%run_scoped3A_283 : memref<!tpu.dma_semaphore, #tpu.memory_space<semaphore_mem>>)
      %dma_wait3A_288 = arith.constant 0 : i32
      %dma_wait3A_289 = tpu.memref_slice %arg10[%mul3A_19, %dma_wait3A_288] : memref<10240x128xf32, #tpu.memory_space<vmem_shared>> -> memref<128x128xf32, #tpu.memory_space<vmem_shared>>
      %dma_wait3A_290 = arith.constant 0 : i32
      %dma_wait3A_291 = tpu.memref_slice %arg10[%mul3A_19, %dma_wait3A_290] : memref<10240x128xf32, #tpu.memory_space<vmem_shared>> -> memref<128x128xf32, #tpu.memory_space<vmem_shared>>
      tpu.wait_dma2 semaphore(%run_scoped3A_283 : memref<!tpu.dma_semaphore, #tpu.memory_space<semaphore_mem>>) src(%arg8 : memref<128x128xf32, #tpu.memory_space<vmem>>) dst(%dma_wait3A_291 : memref<128x128xf32, #tpu.memory_space<vmem_shared>>)
      tpu.yield
    }) : () -> ()
    %mul3A_20 = arith.constant 5 : i32
    %mul3A_21 = arith.muli %arg1, %mul3A_20 : i32
    %add3A_22 = arith.constant 2 : i32
    %add3A_23 = arith.addi %mul3A_21, %add3A_22 : i32
    %mul3A_24 = arith.constant 128 : i32
    %mul3A_25 = arith.muli %add3A_23, %mul3A_24 : i32
    "tpu.region"() ({
      %run_scoped3A_283 = tpu.sem_alloc : memref<!tpu.dma_semaphore, #tpu.memory_space<semaphore_mem>>
      %dma_start3A_284 = arith.constant 0 : i32
      %dma_start3A_285 = tpu.memref_slice %arg10[%mul3A_25, %dma_start3A_284] : memref<10240x128xf32, #tpu.memory_space<vmem_shared>> -> memref<128x128xf32, #tpu.memory_space<vmem_shared>>
      %dma_start3A_286 = arith.constant 0 : i32
      %dma_start3A_287 = tpu.memref_slice %arg10[%mul3A_25, %dma_start3A_286] : memref<10240x128xf32, #tpu.memory_space<vmem_shared>> -> memref<128x128xf32, #tpu.memory_space<vmem_shared>>
      tpu.enqueue_dma source(%arg8 : memref<128x128xf32, #tpu.memory_space<vmem>>) target(%dma_start3A_287 : memref<128x128xf32, #tpu.memory_space<vmem_shared>>) target_semaphore(%run_scoped3A_283 : memref<!tpu.dma_semaphore, #tpu.memory_space<semaphore_mem>>)
      %dma_wait3A_288 = arith.constant 0 : i32
      %dma_wait3A_289 = tpu.memref_slice %arg10[%mul3A_25, %dma_wait3A_288] : memref<10240x128xf32, #tpu.memory_space<vmem_shared>> -> memref<128x128xf32, #tpu.memory_space<vmem_shared>>
      %dma_wait3A_290 = arith.constant 0 : i32
      %dma_wait3A_291 = tpu.memref_slice %arg10[%mul3A_25, %dma_wait3A_290] : memref<10240x128xf32, #tpu.memory_space<vmem_shared>> -> memref<128x128xf32, #tpu.memory_space<vmem_shared>>
      tpu.wait_dma2 semaphore(%run_scoped3A_283 : memref<!tpu.dma_semaphore, #tpu.memory_space<semaphore_mem>>) src(%arg8 : memref<128x128xf32, #tpu.memory_space<vmem>>) dst(%dma_wait3A_291 : memref<128x128xf32, #tpu.memory_space<vmem_shared>>)
      tpu.yield
    }) : () -> ()
    %mul3A_26 = arith.constant 5 : i32
    %mul3A_27 = arith.muli %arg1, %mul3A_26 : i32
    %add3A_28 = arith.constant 3 : i32
    %add3A_29 = arith.addi %mul3A_27, %add3A_28 : i32
    %mul3A_30 = arith.constant 128 : i32
    %mul3A_31 = arith.muli %add3A_29, %mul3A_30 : i32
    "tpu.region"() ({
      %run_scoped3A_283 = tpu.sem_alloc : memref<!tpu.dma_semaphore, #tpu.memory_space<semaphore_mem>>
      %dma_start3A_284 = arith.constant 0 : i32
      %dma_start3A_285 = tpu.memref_slice %arg10[%mul3A_31, %dma_start3A_284] : memref<10240x128xf32, #tpu.memory_space<vmem_shared>> -> memref<128x128xf32, #tpu.memory_space<vmem_shared>>
      %dma_start3A_286 = arith.constant 0 : i32
      %dma_start3A_287 = tpu.memref_slice %arg10[%mul3A_31, %dma_start3A_286] : memref<10240x128xf32, #tpu.memory_space<vmem_shared>> -> memref<128x128xf32, #tpu.memory_space<vmem_shared>>
      tpu.enqueue_dma source(%arg8 : memref<128x128xf32, #tpu.memory_space<vmem>>) target(%dma_start3A_287 : memref<128x128xf32, #tpu.memory_space<vmem_shared>>) target_semaphore(%run_scoped3A_283 : memref<!tpu.dma_semaphore, #tpu.memory_space<semaphore_mem>>)
      %dma_wait3A_288 = arith.constant 0 : i32
      %dma_wait3A_289 = tpu.memref_slice %arg10[%mul3A_31, %dma_wait3A_288] : memref<10240x128xf32, #tpu.memory_space<vmem_shared>> -> memref<128x128xf32, #tpu.memory_space<vmem_shared>>
      %dma_wait3A_290 = arith.constant 0 : i32
      %dma_wait3A_291 = tpu.memref_slice %arg10[%mul3A_31, %dma_wait3A_290] : memref<10240x128xf32, #tpu.memory_space<vmem_shared>> -> memref<128x128xf32, #tpu.memory_space<vmem_shared>>
      tpu.wait_dma2 semaphore(%run_scoped3A_283 : memref<!tpu.dma_semaphore, #tpu.memory_space<semaphore_mem>>) src(%arg8 : memref<128x128xf32, #tpu.memory_space<vmem>>) dst(%dma_wait3A_291 : memref<128x128xf32, #tpu.memory_space<vmem_shared>>)
      tpu.yield
    }) : () -> ()
    %mul3A_32 = arith.constant 5 : i32
    %mul3A_33 = arith.muli %arg1, %mul3A_32 : i32
    %add3A_34 = arith.constant 4 : i32
    %add3A_35 = arith.addi %mul3A_33, %add3A_34 : i32
    %mul3A_36 = arith.constant 128 : i32
    %mul3A_37 = arith.muli %add3A_35, %mul3A_36 : i32
    "tpu.region"() ({
      %run_scoped3A_283 = tpu.sem_alloc : memref<!tpu.dma_semaphore, #tpu.memory_space<semaphore_mem>>
      %dma_start3A_284 = arith.constant 0 : i32
      %dma_start3A_285 = tpu.memref_slice %arg10[%mul3A_37, %dma_start3A_284] : memref<10240x128xf32, #tpu.memory_space<vmem_shared>> -> memref<128x128xf32, #tpu.memory_space<vmem_shared>>
      %dma_start3A_286 = arith.constant 0 : i32
      %dma_start3A_287 = tpu.memref_slice %arg10[%mul3A_37, %dma_start3A_286] : memref<10240x128xf32, #tpu.memory_space<vmem_shared>> -> memref<128x128xf32, #tpu.memory_space<vmem_shared>>
      tpu.enqueue_dma source(%arg8 : memref<128x128xf32, #tpu.memory_space<vmem>>) target(%dma_start3A_287 : memref<128x128xf32, #tpu.memory_space<vmem_shared>>) target_semaphore(%run_scoped3A_283 : memref<!tpu.dma_semaphore, #tpu.memory_space<semaphore_mem>>)
      %dma_wait3A_288 = arith.constant 0 : i32
      %dma_wait3A_289 = tpu.memref_slice %arg10[%mul3A_37, %dma_wait3A_288] : memref<10240x128xf32, #tpu.memory_space<vmem_shared>> -> memref<128x128xf32, #tpu.memory_space<vmem_shared>>
      %dma_wait3A_290 = arith.constant 0 : i32
      %dma_wait3A_291 = tpu.memref_slice %arg10[%mul3A_37, %dma_wait3A_290] : memref<10240x128xf32, #tpu.memory_space<vmem_shared>> -> memref<128x128xf32, #tpu.memory_space<vmem_shared>>
      tpu.wait_dma2 semaphore(%run_scoped3A_283 : memref<!tpu.dma_semaphore, #tpu.memory_space<semaphore_mem>>) src(%arg8 : memref<128x128xf32, #tpu.memory_space<vmem>>) dst(%dma_wait3A_291 : memref<128x128xf32, #tpu.memory_space<vmem_shared>>)
      tpu.yield
    }) : () -> ()
    %barrier3A = arith.constant 0 : index
    tpu.barrier barrier_id(%barrier3A)
    %get3A = arith.constant 0 : i32
    %get3A_38 = arith.index_cast %get3A : i32 to index
    %get3A_39 = arith.constant 0 : index
    %get3A_40 = tpu.vector_load %arg5[%get3A_38, %get3A_39] {strides = array<i32>} : memref<79x128xi32, #tpu.memory_space<vmem>>, vector<1x16xi32>,
    %get3A_41 = vector.shape_cast %get3A_40 : vector<1x16xi32> to vector<16xi32>
    %and3A = arith.constant 32767 : i32
    %and3A_42 = vector.broadcast %and3A : i32 to vector<16xi32>
    %and3A_43 = arith.andi %get3A_41, %and3A_42 : vector<16xi32>
    %swap3A = arith.constant 0 : i32
    %swap3A_44 = arith.index_cast %swap3A : i32 to index
    %swap3A_45 = arith.constant 0 : index
    %swap3A_46 = tpu.vector_load %arg6[%swap3A_44, %swap3A_45] {strides = array<i32>} : memref<2x128xi32, #tpu.memory_space<vmem>>, vector<1x16xi32>,
    %swap3A_47 = vector.shape_cast %swap3A_46 : vector<1x16xi32> to vector<16xi32>
    %swap3A_48 = vector.shape_cast %and3A_43 : vector<16xi32> to vector<1x16xi32>
    tpu.vector_store %arg6[%swap3A_44, %swap3A_45], %swap3A_48 {strides = array<i32>} : memref<2x128xi32, #tpu.memory_space<vmem>>, vector<1x16xi32>,
    %shift_right_logical3A = arith.constant 15 : i32
    %shift_right_logical3A_49 = vector.broadcast %shift_right_logical3A : i32 to vector<16xi32>
    %shift_right_logical3A_50 = arith.shrui %get3A_41, %shift_right_logical3A_49 : vector<16xi32>
    %swap3A_51 = arith.constant 0 : i32
    %swap3A_52 = arith.index_cast %swap3A_51 : i32 to index
    %swap3A_53 = arith.constant 0 : index
    %swap3A_54 = tpu.vector_load %arg7[%swap3A_52, %swap3A_53] {strides = array<i32>} : memref<2x128xi32, #tpu.memory_space<vmem>>, vector<1x16xi32>,
    %swap3A_55 = vector.shape_cast %swap3A_54 : vector<1x16xi32> to vector<16xi32>
    %swap3A_56 = vector.shape_cast %shift_right_logical3A_50 : vector<16xi32> to vector<1x16xi32>
    tpu.vector_store %arg7[%swap3A_52, %swap3A_53], %swap3A_56 {strides = array<i32>} : memref<2x128xi32, #tpu.memory_space<vmem>>, vector<1x16xi32>,
    %get3A_57 = arith.constant 0 : i32
    %get3A_58 = arith.index_cast %get3A_57 : i32 to index
    %get3A_59 = arith.constant 16 : index
    %get3A_60 = tpu.vector_load %arg5[%get3A_58, %get3A_59] {strides = array<i32>} : memref<79x128xi32, #tpu.memory_space<vmem>>, vector<1x16xi32>,
    %get3A_61 = vector.shape_cast %get3A_60 : vector<1x16xi32> to vector<16xi32>
    %and3A_62 = arith.constant 32767 : i32
    %and3A_63 = vector.broadcast %and3A_62 : i32 to vector<16xi32>
    %and3A_64 = arith.andi %get3A_61, %and3A_63 : vector<16xi32>
    %swap3A_65 = arith.constant 0 : i32
    %swap3A_66 = arith.index_cast %swap3A_65 : i32 to index
    %swap3A_67 = arith.constant 16 : index
    %swap3A_68 = tpu.vector_load %arg6[%swap3A_66, %swap3A_67] {strides = array<i32>} : memref<2x128xi32, #tpu.memory_space<vmem>>, vector<1x16xi32>,
    %swap3A_69 = vector.shape_cast %swap3A_68 : vector<1x16xi32> to vector<16xi32>
    %swap3A_70 = vector.shape_cast %and3A_64 : vector<16xi32> to vector<1x16xi32>
    tpu.vector_store %arg6[%swap3A_66, %swap3A_67], %swap3A_70 {strides = array<i32>} : memref<2x128xi32, #tpu.memory_space<vmem>>, vector<1x16xi32>,
    %shift_right_logical3A_71 = arith.constant 15 : i32
    %shift_right_logical3A_72 = vector.broadcast %shift_right_logical3A_71 : i32 to vector<16xi32>
    %shift_right_logical3A_73 = arith.shrui %get3A_61, %shift_right_logical3A_72 : vector<16xi32>
    %swap3A_74 = arith.constant 0 : i32
    %swap3A_75 = arith.index_cast %swap3A_74 : i32 to index
    %swap3A_76 = arith.constant 16 : index
    %swap3A_77 = tpu.vector_load %arg7[%swap3A_75, %swap3A_76] {strides = array<i32>} : memref<2x128xi32, #tpu.memory_space<vmem>>, vector<1x16xi32>,
    %swap3A_78 = vector.shape_cast %swap3A_77 : vector<1x16xi32> to vector<16xi32>
    %swap3A_79 = vector.shape_cast %shift_right_logical3A_73 : vector<16xi32> to vector<1x16xi32>
    tpu.vector_store %arg7[%swap3A_75, %swap3A_76], %swap3A_79 {strides = array<i32>} : memref<2x128xi32, #tpu.memory_space<vmem>>, vector<1x16xi32>,
    %get3A_80 = arith.constant 0 : i32
    %get3A_81 = arith.index_cast %get3A_80 : i32 to index
    %get3A_82 = arith.constant 32 : index
    %get3A_83 = tpu.vector_load %arg5[%get3A_81, %get3A_82] {strides = array<i32>} : memref<79x128xi32, #tpu.memory_space<vmem>>, vector<1x16xi32>,
    %get3A_84 = vector.shape_cast %get3A_83 : vector<1x16xi32> to vector<16xi32>
    %and3A_85 = arith.constant 32767 : i32
    %and3A_86 = vector.broadcast %and3A_85 : i32 to vector<16xi32>
    %and3A_87 = arith.andi %get3A_84, %and3A_86 : vector<16xi32>
    %swap3A_88 = arith.constant 0 : i32
    %swap3A_89 = arith.index_cast %swap3A_88 : i32 to index
    %swap3A_90 = arith.constant 32 : index
    %swap3A_91 = tpu.vector_load %arg6[%swap3A_89, %swap3A_90] {strides = array<i32>} : memref<2x128xi32, #tpu.memory_space<vmem>>, vector<1x16xi32>,
    %swap3A_92 = vector.shape_cast %swap3A_91 : vector<1x16xi32> to vector<16xi32>
    %swap3A_93 = vector.shape_cast %and3A_87 : vector<16xi32> to vector<1x16xi32>
    tpu.vector_store %arg6[%swap3A_89, %swap3A_90], %swap3A_93 {strides = array<i32>} : memref<2x128xi32, #tpu.memory_space<vmem>>, vector<1x16xi32>,
    %shift_right_logical3A_94 = arith.constant 15 : i32
    %shift_right_logical3A_95 = vector.broadcast %shift_right_logical3A_94 : i32 to vector<16xi32>
    %shift_right_logical3A_96 = arith.shrui %get3A_84, %shift_right_logical3A_95 : vector<16xi32>
    %swap3A_97 = arith.constant 0 : i32
    %swap3A_98 = arith.index_cast %swap3A_97 : i32 to index
    %swap3A_99 = arith.constant 32 : index
    %swap3A_100 = tpu.vector_load %arg7[%swap3A_98, %swap3A_99] {strides = array<i32>} : memref<2x128xi32, #tpu.memory_space<vmem>>, vector<1x16xi32>,
    %swap3A_101 = vector.shape_cast %swap3A_100 : vector<1x16xi32> to vector<16xi32>
    %swap3A_102 = vector.shape_cast %shift_right_logical3A_96 : vector<16xi32> to vector<1x16xi32>
    tpu.vector_store %arg7[%swap3A_98, %swap3A_99], %swap3A_102 {strides = array<i32>} : memref<2x128xi32, #tpu.memory_space<vmem>>, vector<1x16xi32>,
    %get3A_103 = arith.constant 0 : i32
    %get3A_104 = arith.index_cast %get3A_103 : i32 to index
    %get3A_105 = arith.constant 48 : index
    %get3A_106 = tpu.vector_load %arg5[%get3A_104, %get3A_105] {strides = array<i32>} : memref<79x128xi32, #tpu.memory_space<vmem>>, vector<1x16xi32>,
    %get3A_107 = vector.shape_cast %get3A_106 : vector<1x16xi32> to vector<16xi32>
    %and3A_108 = arith.constant 32767 : i32
    %and3A_109 = vector.broadcast %and3A_108 : i32 to vector<16xi32>
    %and3A_110 = arith.andi %get3A_107, %and3A_109 : vector<16xi32>
    %swap3A_111 = arith.constant 0 : i32
    %swap3A_112 = arith.index_cast %swap3A_111 : i32 to index
    %swap3A_113 = arith.constant 48 : index
    %swap3A_114 = tpu.vector_load %arg6[%swap3A_112, %swap3A_113] {strides = array<i32>} : memref<2x128xi32, #tpu.memory_space<vmem>>, vector<1x16xi32>,
    %swap3A_115 = vector.shape_cast %swap3A_114 : vector<1x16xi32> to vector<16xi32>
    %swap3A_116 = vector.shape_cast %and3A_110 : vector<16xi32> to vector<1x16xi32>
    tpu.vector_store %arg6[%swap3A_112, %swap3A_113], %swap3A_116 {strides = array<i32>} : memref<2x128xi32, #tpu.memory_space<vmem>>, vector<1x16xi32>,
    %shift_right_logical3A_117 = arith.constant 15 : i32
    %shift_right_logical3A_118 = vector.broadcast %shift_right_logical3A_117 : i32 to vector<16xi32>
    %shift_right_logical3A_119 = arith.shrui %get3A_107, %shift_right_logical3A_118 : vector<16xi32>
    %swap3A_120 = arith.constant 0 : i32
    %swap3A_121 = arith.index_cast %swap3A_120 : i32 to index
    %swap3A_122 = arith.constant 48 : index
    %swap3A_123 = tpu.vector_load %arg7[%swap3A_121, %swap3A_122] {strides = array<i32>} : memref<2x128xi32, #tpu.memory_space<vmem>>, vector<1x16xi32>,
    %swap3A_124 = vector.shape_cast %swap3A_123 : vector<1x16xi32> to vector<16xi32>
    %swap3A_125 = vector.shape_cast %shift_right_logical3A_119 : vector<16xi32> to vector<1x16xi32>
    tpu.vector_store %arg7[%swap3A_121, %swap3A_122], %swap3A_125 {strides = array<i32>} : memref<2x128xi32, #tpu.memory_space<vmem>>, vector<1x16xi32>,
    %get3A_126 = arith.constant 0 : i32
    %get3A_127 = arith.index_cast %get3A_126 : i32 to index
    %get3A_128 = arith.constant 64 : index
    %get3A_129 = tpu.vector_load %arg5[%get3A_127, %get3A_128] {strides = array<i32>} : memref<79x128xi32, #tpu.memory_space<vmem>>, vector<1x16xi32>,
    %get3A_130 = vector.shape_cast %get3A_129 : vector<1x16xi32> to vector<16xi32>
    %and3A_131 = arith.constant 32767 : i32
    %and3A_132 = vector.broadcast %and3A_131 : i32 to vector<16xi32>
    %and3A_133 = arith.andi %get3A_130, %and3A_132 : vector<16xi32>
    %swap3A_134 = arith.constant 0 : i32
    %swap3A_135 = arith.index_cast %swap3A_134 : i32 to index
    %swap3A_136 = arith.constant 64 : index
    %swap3A_137 = tpu.vector_load %arg6[%swap3A_135, %swap3A_136] {strides = array<i32>} : memref<2x128xi32, #tpu.memory_space<vmem>>, vector<1x16xi32>,
    %swap3A_138 = vector.shape_cast %swap3A_137 : vector<1x16xi32> to vector<16xi32>
    %swap3A_139 = vector.shape_cast %and3A_133 : vector<16xi32> to vector<1x16xi32>
    tpu.vector_store %arg6[%swap3A_135, %swap3A_136], %swap3A_139 {strides = array<i32>} : memref<2x128xi32, #tpu.memory_space<vmem>>, vector<1x16xi32>,
    %shift_right_logical3A_140 = arith.constant 15 : i32
    %shift_right_logical3A_141 = vector.broadcast %shift_right_logical3A_140 : i32 to vector<16xi32>
    %shift_right_logical3A_142 = arith.shrui %get3A_130, %shift_right_logical3A_141 : vector<16xi32>
    %swap3A_143 = arith.constant 0 : i32
    %swap3A_144 = arith.index_cast %swap3A_143 : i32 to index
    %swap3A_145 = arith.constant 64 : index
    %swap3A_146 = tpu.vector_load %arg7[%swap3A_144, %swap3A_145] {strides = array<i32>} : memref<2x128xi32, #tpu.memory_space<vmem>>, vector<1x16xi32>,
    %swap3A_147 = vector.shape_cast %swap3A_146 : vector<1x16xi32> to vector<16xi32>
    %swap3A_148 = vector.shape_cast %shift_right_logical3A_142 : vector<16xi32> to vector<1x16xi32>
    tpu.vector_store %arg7[%swap3A_144, %swap3A_145], %swap3A_148 {strides = array<i32>} : memref<2x128xi32, #tpu.memory_space<vmem>>, vector<1x16xi32>,
    %get3A_149 = arith.constant 0 : i32
    %get3A_150 = arith.index_cast %get3A_149 : i32 to index
    %get3A_151 = arith.constant 80 : index
    %get3A_152 = tpu.vector_load %arg5[%get3A_150, %get3A_151] {strides = array<i32>} : memref<79x128xi32, #tpu.memory_space<vmem>>, vector<1x16xi32>,
    %get3A_153 = vector.shape_cast %get3A_152 : vector<1x16xi32> to vector<16xi32>
    %and3A_154 = arith.constant 32767 : i32
    %and3A_155 = vector.broadcast %and3A_154 : i32 to vector<16xi32>
    %and3A_156 = arith.andi %get3A_153, %and3A_155 : vector<16xi32>
    %swap3A_157 = arith.constant 0 : i32
    %swap3A_158 = arith.index_cast %swap3A_157 : i32 to index
    %swap3A_159 = arith.constant 80 : index
    %swap3A_160 = tpu.vector_load %arg6[%swap3A_158, %swap3A_159] {strides = array<i32>} : memref<2x128xi32, #tpu.memory_space<vmem>>, vector<1x16xi32>,
    %swap3A_161 = vector.shape_cast %swap3A_160 : vector<1x16xi32> to vector<16xi32>
    %swap3A_162 = vector.shape_cast %and3A_156 : vector<16xi32> to vector<1x16xi32>
    tpu.vector_store %arg6[%swap3A_158, %swap3A_159], %swap3A_162 {strides = array<i32>} : memref<2x128xi32, #tpu.memory_space<vmem>>, vector<1x16xi32>,
    %shift_right_logical3A_163 = arith.constant 15 : i32
    %shift_right_logical3A_164 = vector.broadcast %shift_right_logical3A_163 : i32 to vector<16xi32>
    %shift_right_logical3A_165 = arith.shrui %get3A_153, %shift_right_logical3A_164 : vector<16xi32>
    %swap3A_166 = arith.constant 0 : i32
    %swap3A_167 = arith.index_cast %swap3A_166 : i32 to index
    %swap3A_168 = arith.constant 80 : index
    %swap3A_169 = tpu.vector_load %arg7[%swap3A_167, %swap3A_168] {strides = array<i32>} : memref<2x128xi32, #tpu.memory_space<vmem>>, vector<1x16xi32>,
    %swap3A_170 = vector.shape_cast %swap3A_169 : vector<1x16xi32> to vector<16xi32>
    %swap3A_171 = vector.shape_cast %shift_right_logical3A_165 : vector<16xi32> to vector<1x16xi32>
    tpu.vector_store %arg7[%swap3A_167, %swap3A_168], %swap3A_171 {strides = array<i32>} : memref<2x128xi32, #tpu.memory_space<vmem>>, vector<1x16xi32>,
    %get3A_172 = arith.constant 0 : i32
    %get3A_173 = arith.index_cast %get3A_172 : i32 to index
    %get3A_174 = arith.constant 96 : index
    %get3A_175 = tpu.vector_load %arg5[%get3A_173, %get3A_174] {strides = array<i32>} : memref<79x128xi32, #tpu.memory_space<vmem>>, vector<1x16xi32>,
    %get3A_176 = vector.shape_cast %get3A_175 : vector<1x16xi32> to vector<16xi32>
    %and3A_177 = arith.constant 32767 : i32
    %and3A_178 = vector.broadcast %and3A_177 : i32 to vector<16xi32>
    %and3A_179 = arith.andi %get3A_176, %and3A_178 : vector<16xi32>
    %swap3A_180 = arith.constant 0 : i32
    %swap3A_181 = arith.index_cast %swap3A_180 : i32 to index
    %swap3A_182 = arith.constant 96 : index
    %swap3A_183 = tpu.vector_load %arg6[%swap3A_181, %swap3A_182] {strides = array<i32>} : memref<2x128xi32, #tpu.memory_space<vmem>>, vector<1x16xi32>,
    %swap3A_184 = vector.shape_cast %swap3A_183 : vector<1x16xi32> to vector<16xi32>
    %swap3A_185 = vector.shape_cast %and3A_179 : vector<16xi32> to vector<1x16xi32>
    tpu.vector_store %arg6[%swap3A_181, %swap3A_182], %swap3A_185 {strides = array<i32>} : memref<2x128xi32, #tpu.memory_space<vmem>>, vector<1x16xi32>,
    %shift_right_logical3A_186 = arith.constant 15 : i32
    %shift_right_logical3A_187 = vector.broadcast %shift_right_logical3A_186 : i32 to vector<16xi32>
    %shift_right_logical3A_188 = arith.shrui %get3A_176, %shift_right_logical3A_187 : vector<16xi32>
    %swap3A_189 = arith.constant 0 : i32
    %swap3A_190 = arith.index_cast %swap3A_189 : i32 to index
    %swap3A_191 = arith.constant 96 : index
    %swap3A_192 = tpu.vector_load %arg7[%swap3A_190, %swap3A_191] {strides = array<i32>} : memref<2x128xi32, #tpu.memory_space<vmem>>, vector<1x16xi32>,
    %swap3A_193 = vector.shape_cast %swap3A_192 : vector<1x16xi32> to vector<16xi32>
    %swap3A_194 = vector.shape_cast %shift_right_logical3A_188 : vector<16xi32> to vector<1x16xi32>
    tpu.vector_store %arg7[%swap3A_190, %swap3A_191], %swap3A_194 {strides = array<i32>} : memref<2x128xi32, #tpu.memory_space<vmem>>, vector<1x16xi32>,
    %get3A_195 = arith.constant 0 : i32
    %get3A_196 = arith.index_cast %get3A_195 : i32 to index
    %get3A_197 = arith.constant 112 : index
    %get3A_198 = tpu.vector_load %arg5[%get3A_196, %get3A_197] {strides = array<i32>} : memref<79x128xi32, #tpu.memory_space<vmem>>, vector<1x16xi32>,
    %get3A_199 = vector.shape_cast %get3A_198 : vector<1x16xi32> to vector<16xi32>
    %and3A_200 = arith.constant 32767 : i32
    %and3A_201 = vector.broadcast %and3A_200 : i32 to vector<16xi32>
    %and3A_202 = arith.andi %get3A_199, %and3A_201 : vector<16xi32>
    %swap3A_203 = arith.constant 0 : i32
    %swap3A_204 = arith.index_cast %swap3A_203 : i32 to index
    %swap3A_205 = arith.constant 112 : index
    %swap3A_206 = tpu.vector_load %arg6[%swap3A_204, %swap3A_205] {strides = array<i32>} : memref<2x128xi32, #tpu.memory_space<vmem>>, vector<1x16xi32>,
    %swap3A_207 = vector.shape_cast %swap3A_206 : vector<1x16xi32> to vector<16xi32>
    %swap3A_208 = vector.shape_cast %and3A_202 : vector<16xi32> to vector<1x16xi32>
    tpu.vector_store %arg6[%swap3A_204, %swap3A_205], %swap3A_208 {strides = array<i32>} : memref<2x128xi32, #tpu.memory_space<vmem>>, vector<1x16xi32>,
    %shift_right_logical3A_209 = arith.constant 15 : i32
    %shift_right_logical3A_210 = vector.broadcast %shift_right_logical3A_209 : i32 to vector<16xi32>
    %shift_right_logical3A_211 = arith.shrui %get3A_199, %shift_right_logical3A_210 : vector<16xi32>
    %swap3A_212 = arith.constant 0 : i32
    %swap3A_213 = arith.index_cast %swap3A_212 : i32 to index
    %swap3A_214 = arith.constant 112 : index
    %swap3A_215 = tpu.vector_load %arg7[%swap3A_213, %swap3A_214] {strides = array<i32>} : memref<2x128xi32, #tpu.memory_space<vmem>>, vector<1x16xi32>,
    %swap3A_216 = vector.shape_cast %swap3A_215 : vector<1x16xi32> to vector<16xi32>
    %swap3A_217 = vector.shape_cast %shift_right_logical3A_211 : vector<16xi32> to vector<1x16xi32>
    tpu.vector_store %arg7[%swap3A_213, %swap3A_214], %swap3A_217 {strides = array<i32>} : memref<2x128xi32, #tpu.memory_space<vmem>>, vector<1x16xi32>,
    %dma_start3A = arith.constant 0 : i32
    %dma_start3A_218 = arith.constant 0 : i32
    %dma_start3A_219 = tpu.memref_slice %arg6[%dma_start3A, %dma_start3A_218] : memref<2x128xi32, #tpu.memory_space<vmem>> -> memref<1x128xi32, #tpu.memory_space<vmem>>
    %dma_start3A_220 = tpu.memref_squeeze %dma_start3A_219 : memref<1x128xi32, #tpu.memory_space<vmem>> -> memref<128xi32, #tpu.memory_space<vmem>>
    %dma_start3A_221 = arith.constant 0 : i32
    %dma_start3A_222 = arith.constant 0 : i32
    %dma_start3A_223 = tpu.memref_slice %arg2[%dma_start3A_221, %dma_start3A_222] : memref<10000x128xf32, #tpu.memory_space<hbm>> -> memref<10000x128xf32, #tpu.memory_space<hbm>>
    tpu.enqueue_indirect_dma source(%dma_start3A_223 : memref<10000x128xf32, #tpu.memory_space<hbm>>) target(%arg8 : memref<128x128xf32, #tpu.memory_space<vmem>>) offsets(%dma_start3A_220 : memref<128xi32, #tpu.memory_space<vmem>>) semaphore(%arg11 : memref<!tpu.dma_semaphore, #tpu.memory_space<semaphore_mem>>)
    %scan3A_224 = arith.constant 0 : i32
    %scan3A_225 = arith.constant 0 : i32
    %scan3A_226 = arith.constant 39 : i32
    %scan3A_227 = arith.addi %scan3A_225, %scan3A_226 : i32
    %scan3A_228 = arith.constant 1 : i32
    %scan3A_229 = scf.for %scan3A_283 = %scan3A_225 to %scan3A_227 step %scan3A_228 iter_args(%scan3A_284 = %scan3A_224) -> (i32)  : i32 {
      %mul3A_285 = arith.constant 2 : i32
      %mul3A_286 = arith.muli %mul3A_285, %scan3A_283 : i32
      %add3A_287 = arith.constant 1 : i32
      %add3A_288 = arith.addi %mul3A_286, %add3A_287 : i32
      %get3A_289 = arith.index_cast %add3A_288 : i32 to index
      %get3A_290 = arith.constant 0 : index
      %get3A_291 = tpu.vector_load %arg5[%get3A_289, %get3A_290] {strides = array<i32>} : memref<79x128xi32, #tpu.memory_space<vmem>>, vector<1x16xi32>,
      %get3A_292 = vector.shape_cast %get3A_291 : vector<1x16xi32> to vector<16xi32>
      %and3A_293 = arith.constant 32767 : i32
      %and3A_294 = vector.broadcast %and3A_293 : i32 to vector<16xi32>
      %and3A_295 = arith.andi %get3A_292, %and3A_294 : vector<16xi32>
      %swap3A_296 = arith.constant 1 : i32
      %swap3A_297 = arith.index_cast %swap3A_296 : i32 to index
      %swap3A_298 = arith.constant 0 : index
      %swap3A_299 = tpu.vector_load %arg6[%swap3A_297, %swap3A_298] {strides = array<i32>} : memref<2x128xi32, #tpu.memory_space<vmem>>, vector<1x16xi32>,
      %swap3A_300 = vector.shape_cast %swap3A_299 : vector<1x16xi32> to vector<16xi32>
      %swap3A_301 = vector.shape_cast %and3A_295 : vector<16xi32> to vector<1x16xi32>
      tpu.vector_store %arg6[%swap3A_297, %swap3A_298], %swap3A_301 {strides = array<i32>} : memref<2x128xi32, #tpu.memory_space<vmem>>, vector<1x16xi32>,
      %shift_right_logical3A_302 = arith.constant 15 : i32
      %shift_right_logical3A_303 = vector.broadcast %shift_right_logical3A_302 : i32 to vector<16xi32>
      %shift_right_logical3A_304 = arith.shrui %get3A_292, %shift_right_logical3A_303 : vector<16xi32>
      %swap3A_305 = arith.constant 1 : i32
      %swap3A_306 = arith.index_cast %swap3A_305 : i32 to index
      %swap3A_307 = arith.constant 0 : index
      %swap3A_308 = tpu.vector_load %arg7[%swap3A_306, %swap3A_307] {strides = array<i32>} : memref<2x128xi32, #tpu.memory_space<vmem>>, vector<1x16xi32>,
      %swap3A_309 = vector.shape_cast %swap3A_308 : vector<1x16xi32> to vector<16xi32>
      %swap3A_310 = vector.shape_cast %shift_right_logical3A_304 : vector<16xi32> to vector<1x16xi32>
      tpu.vector_store %arg7[%swap3A_306, %swap3A_307], %swap3A_310 {strides = array<i32>} : memref<2x128xi32, #tpu.memory_space<vmem>>, vector<1x16xi32>,
      %get3A_311 = arith.index_cast %add3A_288 : i32 to index
      %get3A_312 = arith.constant 16 : index
      %get3A_313 = tpu.vector_load %arg5[%get3A_311, %get3A_312] {strides = array<i32>} : memref<79x128xi32, #tpu.memory_space<vmem>>, vector<1x16xi32>,
      %get3A_314 = vector.shape_cast %get3A_313 : vector<1x16xi32> to vector<16xi32>
      %and3A_315 = arith.constant 32767 : i32
      %and3A_316 = vector.broadcast %and3A_315 : i32 to vector<16xi32>
      %and3A_317 = arith.andi %get3A_314, %and3A_316 : vector<16xi32>
      %swap3A_318 = arith.constant 1 : i32
      %swap3A_319 = arith.index_cast %swap3A_318 : i32 to index
      %swap3A_320 = arith.constant 16 : index
      %swap3A_321 = tpu.vector_load %arg6[%swap3A_319, %swap3A_320] {strides = array<i32>} : memref<2x128xi32, #tpu.memory_space<vmem>>, vector<1x16xi32>,
      %swap3A_322 = vector.shape_cast %swap3A_321 : vector<1x16xi32> to vector<16xi32>
      %swap3A_323 = vector.shape_cast %and3A_317 : vector<16xi32> to vector<1x16xi32>
      tpu.vector_store %arg6[%swap3A_319, %swap3A_320], %swap3A_323 {strides = array<i32>} : memref<2x128xi32, #tpu.memory_space<vmem>>, vector<1x16xi32>,
      %shift_right_logical3A_324 = arith.constant 15 : i32
      %shift_right_logical3A_325 = vector.broadcast %shift_right_logical3A_324 : i32 to vector<16xi32>
      %shift_right_logical3A_326 = arith.shrui %get3A_314, %shift_right_logical3A_325 : vector<16xi32>
      %swap3A_327 = arith.constant 1 : i32
      %swap3A_328 = arith.index_cast %swap3A_327 : i32 to index
      %swap3A_329 = arith.constant 16 : index
      %swap3A_330 = tpu.vector_load %arg7[%swap3A_328, %swap3A_329] {strides = array<i32>} : memref<2x128xi32, #tpu.memory_space<vmem>>, vector<1x16xi32>,
      %swap3A_331 = vector.shape_cast %swap3A_330 : vector<1x16xi32> to vector<16xi32>
      %swap3A_332 = vector.shape_cast %shift_right_logical3A_326 : vector<16xi32> to vector<1x16xi32>
      tpu.vector_store %arg7[%swap3A_328, %swap3A_329], %swap3A_332 {strides = array<i32>} : memref<2x128xi32, #tpu.memory_space<vmem>>, vector<1x16xi32>,
      %get3A_333 = arith.index_cast %add3A_288 : i32 to index
      %get3A_334 = arith.constant 32 : index
      %get3A_335 = tpu.vector_load %arg5[%get3A_333, %get3A_334] {strides = array<i32>} : memref<79x128xi32, #tpu.memory_space<vmem>>, vector<1x16xi32>,
      %get3A_336 = vector.shape_cast %get3A_335 : vector<1x16xi32> to vector<16xi32>
      %and3A_337 = arith.constant 32767 : i32
      %and3A_338 = vector.broadcast %and3A_337 : i32 to vector<16xi32>
      %and3A_339 = arith.andi %get3A_336, %and3A_338 : vector<16xi32>
      %swap3A_340 = arith.constant 1 : i32
      %swap3A_341 = arith.index_cast %swap3A_340 : i32 to index
      %swap3A_342 = arith.constant 32 : index
      %swap3A_343 = tpu.vector_load %arg6[%swap3A_341, %swap3A_342] {strides = array<i32>} : memref<2x128xi32, #tpu.memory_space<vmem>>, vector<1x16xi32>,
      %swap3A_344 = vector.shape_cast %swap3A_343 : vector<1x16xi32> to vector<16xi32>
      %swap3A_345 = vector.shape_cast %and3A_339 : vector<16xi32> to vector<1x16xi32>
      tpu.vector_store %arg6[%swap3A_341, %swap3A_342], %swap3A_345 {strides = array<i32>} : memref<2x128xi32, #tpu.memory_space<vmem>>, vector<1x16xi32>,
      %shift_right_logical3A_346 = arith.constant 15 : i32
      %shift_right_logical3A_347 = vector.broadcast %shift_right_logical3A_346 : i32 to vector<16xi32>
      %shift_right_logical3A_348 = arith.shrui %get3A_336, %shift_right_logical3A_347 : vector<16xi32>
      %swap3A_349 = arith.constant 1 : i32
      %swap3A_350 = arith.index_cast %swap3A_349 : i32 to index
      %swap3A_351 = arith.constant 32 : index
      %swap3A_352 = tpu.vector_load %arg7[%swap3A_350, %swap3A_351] {strides = array<i32>} : memref<2x128xi32, #tpu.memory_space<vmem>>, vector<1x16xi32>,
      %swap3A_353 = vector.shape_cast %swap3A_352 : vector<1x16xi32> to vector<16xi32>
      %swap3A_354 = vector.shape_cast %shift_right_logical3A_348 : vector<16xi32> to vector<1x16xi32>
      tpu.vector_store %arg7[%swap3A_350, %swap3A_351], %swap3A_354 {strides = array<i32>} : memref<2x128xi32, #tpu.memory_space<vmem>>, vector<1x16xi32>,
      %get3A_355 = arith.index_cast %add3A_288 : i32 to index
      %get3A_356 = arith.constant 48 : index
      %get3A_357 = tpu.vector_load %arg5[%get3A_355, %get3A_356] {strides = array<i32>} : memref<79x128xi32, #tpu.memory_space<vmem>>, vector<1x16xi32>,
      %get3A_358 = vector.shape_cast %get3A_357 : vector<1x16xi32> to vector<16xi32>
      %and3A_359 = arith.constant 32767 : i32
      %and3A_360 = vector.broadcast %and3A_359 : i32 to vector<16xi32>
      %and3A_361 = arith.andi %get3A_358, %and3A_360 : vector<16xi32>
      %swap3A_362 = arith.constant 1 : i32
      %swap3A_363 = arith.index_cast %swap3A_362 : i32 to index
      %swap3A_364 = arith.constant 48 : index
      %swap3A_365 = tpu.vector_load %arg6[%swap3A_363, %swap3A_364] {strides = array<i32>} : memref<2x128xi32, #tpu.memory_space<vmem>>, vector<1x16xi32>,
      %swap3A_366 = vector.shape_cast %swap3A_365 : vector<1x16xi32> to vector<16xi32>
      %swap3A_367 = vector.shape_cast %and3A_361 : vector<16xi32> to vector<1x16xi32>
      tpu.vector_store %arg6[%swap3A_363, %swap3A_364], %swap3A_367 {strides = array<i32>} : memref<2x128xi32, #tpu.memory_space<vmem>>, vector<1x16xi32>,
      %shift_right_logical3A_368 = arith.constant 15 : i32
      %shift_right_logical3A_369 = vector.broadcast %shift_right_logical3A_368 : i32 to vector<16xi32>
      %shift_right_logical3A_370 = arith.shrui %get3A_358, %shift_right_logical3A_369 : vector<16xi32>
      %swap3A_371 = arith.constant 1 : i32
      %swap3A_372 = arith.index_cast %swap3A_371 : i32 to index
      %swap3A_373 = arith.constant 48 : index
      %swap3A_374 = tpu.vector_load %arg7[%swap3A_372, %swap3A_373] {strides = array<i32>} : memref<2x128xi32, #tpu.memory_space<vmem>>, vector<1x16xi32>,
      %swap3A_375 = vector.shape_cast %swap3A_374 : vector<1x16xi32> to vector<16xi32>
      %swap3A_376 = vector.shape_cast %shift_right_logical3A_370 : vector<16xi32> to vector<1x16xi32>
      tpu.vector_store %arg7[%swap3A_372, %swap3A_373], %swap3A_376 {strides = array<i32>} : memref<2x128xi32, #tpu.memory_space<vmem>>, vector<1x16xi32>,
      %get3A_377 = arith.index_cast %add3A_288 : i32 to index
      %get3A_378 = arith.constant 64 : index
      %get3A_379 = tpu.vector_load %arg5[%get3A_377, %get3A_378] {strides = array<i32>} : memref<79x128xi32, #tpu.memory_space<vmem>>, vector<1x16xi32>,
      %get3A_380 = vector.shape_cast %get3A_379 : vector<1x16xi32> to vector<16xi32>
      %and3A_381 = arith.constant 32767 : i32
      %and3A_382 = vector.broadcast %and3A_381 : i32 to vector<16xi32>
      %and3A_383 = arith.andi %get3A_380, %and3A_382 : vector<16xi32>
      %swap3A_384 = arith.constant 1 : i32
      %swap3A_385 = arith.index_cast %swap3A_384 : i32 to index
      %swap3A_386 = arith.constant 64 : index
      %swap3A_387 = tpu.vector_load %arg6[%swap3A_385, %swap3A_386] {strides = array<i32>} : memref<2x128xi32, #tpu.memory_space<vmem>>, vector<1x16xi32>,
      %swap3A_388 = vector.shape_cast %swap3A_387 : vector<1x16xi32> to vector<16xi32>
      %swap3A_389 = vector.shape_cast %and3A_383 : vector<16xi32> to vector<1x16xi32>
      tpu.vector_store %arg6[%swap3A_385, %swap3A_386], %swap3A_389 {strides = array<i32>} : memref<2x128xi32, #tpu.memory_space<vmem>>, vector<1x16xi32>,
      %shift_right_logical3A_390 = arith.constant 15 : i32
      %shift_right_logical3A_391 = vector.broadcast %shift_right_logical3A_390 : i32 to vector<16xi32>
      %shift_right_logical3A_392 = arith.shrui %get3A_380, %shift_right_logical3A_391 : vector<16xi32>
      %swap3A_393 = arith.constant 1 : i32
      %swap3A_394 = arith.index_cast %swap3A_393 : i32 to index
      %swap3A_395 = arith.constant 64 : index
      %swap3A_396 = tpu.vector_load %arg7[%swap3A_394, %swap3A_395] {strides = array<i32>} : memref<2x128xi32, #tpu.memory_space<vmem>>, vector<1x16xi32>,
      %swap3A_397 = vector.shape_cast %swap3A_396 : vector<1x16xi32> to vector<16xi32>
      %swap3A_398 = vector.shape_cast %shift_right_logical3A_392 : vector<16xi32> to vector<1x16xi32>
      tpu.vector_store %arg7[%swap3A_394, %swap3A_395], %swap3A_398 {strides = array<i32>} : memref<2x128xi32, #tpu.memory_space<vmem>>, vector<1x16xi32>,
      %get3A_399 = arith.index_cast %add3A_288 : i32 to index
      %get3A_400 = arith.constant 80 : index
      %get3A_401 = tpu.vector_load %arg5[%get3A_399, %get3A_400] {strides = array<i32>} : memref<79x128xi32, #tpu.memory_space<vmem>>, vector<1x16xi32>,
      %get3A_402 = vector.shape_cast %get3A_401 : vector<1x16xi32> to vector<16xi32>
      %and3A_403 = arith.constant 32767 : i32
      %and3A_404 = vector.broadcast %and3A_403 : i32 to vector<16xi32>
      %and3A_405 = arith.andi %get3A_402, %and3A_404 : vector<16xi32>
      %swap3A_406 = arith.constant 1 : i32
      %swap3A_407 = arith.index_cast %swap3A_406 : i32 to index
      %swap3A_408 = arith.constant 80 : index
      %swap3A_409 = tpu.vector_load %arg6[%swap3A_407, %swap3A_408] {strides = array<i32>} : memref<2x128xi32, #tpu.memory_space<vmem>>, vector<1x16xi32>,
      %swap3A_410 = vector.shape_cast %swap3A_409 : vector<1x16xi32> to vector<16xi32>
      %swap3A_411 = vector.shape_cast %and3A_405 : vector<16xi32> to vector<1x16xi32>
      tpu.vector_store %arg6[%swap3A_407, %swap3A_408], %swap3A_411 {strides = array<i32>} : memref<2x128xi32, #tpu.memory_space<vmem>>, vector<1x16xi32>,
      %shift_right_logical3A_412 = arith.constant 15 : i32
      %shift_right_logical3A_413 = vector.broadcast %shift_right_logical3A_412 : i32 to vector<16xi32>
      %shift_right_logical3A_414 = arith.shrui %get3A_402, %shift_right_logical3A_413 : vector<16xi32>
      %swap3A_415 = arith.constant 1 : i32
      %swap3A_416 = arith.index_cast %swap3A_415 : i32 to index
      %swap3A_417 = arith.constant 80 : index
      %swap3A_418 = tpu.vector_load %arg7[%swap3A_416, %swap3A_417] {strides = array<i32>} : memref<2x128xi32, #tpu.memory_space<vmem>>, vector<1x16xi32>,
      %swap3A_419 = vector.shape_cast %swap3A_418 : vector<1x16xi32> to vector<16xi32>
      %swap3A_420 = vector.shape_cast %shift_right_logical3A_414 : vector<16xi32> to vector<1x16xi32>
      tpu.vector_store %arg7[%swap3A_416, %swap3A_417], %swap3A_420 {strides = array<i32>} : memref<2x128xi32, #tpu.memory_space<vmem>>, vector<1x16xi32>,
      %get3A_421 = arith.index_cast %add3A_288 : i32 to index
      %get3A_422 = arith.constant 96 : index
      %get3A_423 = tpu.vector_load %arg5[%get3A_421, %get3A_422] {strides = array<i32>} : memref<79x128xi32, #tpu.memory_space<vmem>>, vector<1x16xi32>,
      %get3A_424 = vector.shape_cast %get3A_423 : vector<1x16xi32> to vector<16xi32>
      %and3A_425 = arith.constant 32767 : i32
      %and3A_426 = vector.broadcast %and3A_425 : i32 to vector<16xi32>
      %and3A_427 = arith.andi %get3A_424, %and3A_426 : vector<16xi32>
      %swap3A_428 = arith.constant 1 : i32
      %swap3A_429 = arith.index_cast %swap3A_428 : i32 to index
      %swap3A_430 = arith.constant 96 : index
      %swap3A_431 = tpu.vector_load %arg6[%swap3A_429, %swap3A_430] {strides = array<i32>} : memref<2x128xi32, #tpu.memory_space<vmem>>, vector<1x16xi32>,
      %swap3A_432 = vector.shape_cast %swap3A_431 : vector<1x16xi32> to vector<16xi32>
      %swap3A_433 = vector.shape_cast %and3A_427 : vector<16xi32> to vector<1x16xi32>
      tpu.vector_store %arg6[%swap3A_429, %swap3A_430], %swap3A_433 {strides = array<i32>} : memref<2x128xi32, #tpu.memory_space<vmem>>, vector<1x16xi32>,
      %shift_right_logical3A_434 = arith.constant 15 : i32
      %shift_right_logical3A_435 = vector.broadcast %shift_right_logical3A_434 : i32 to vector<16xi32>
      %shift_right_logical3A_436 = arith.shrui %get3A_424, %shift_right_logical3A_435 : vector<16xi32>
      %swap3A_437 = arith.constant 1 : i32
      %swap3A_438 = arith.index_cast %swap3A_437 : i32 to index
      %swap3A_439 = arith.constant 96 : index
      %swap3A_440 = tpu.vector_load %arg7[%swap3A_438, %swap3A_439] {strides = array<i32>} : memref<2x128xi32, #tpu.memory_space<vmem>>, vector<1x16xi32>,
      %swap3A_441 = vector.shape_cast %swap3A_440 : vector<1x16xi32> to vector<16xi32>
      %swap3A_442 = vector.shape_cast %shift_right_logical3A_436 : vector<16xi32> to vector<1x16xi32>
      tpu.vector_store %arg7[%swap3A_438, %swap3A_439], %swap3A_442 {strides = array<i32>} : memref<2x128xi32, #tpu.memory_space<vmem>>, vector<1x16xi32>,
      %get3A_443 = arith.index_cast %add3A_288 : i32 to index
      %get3A_444 = arith.constant 112 : index
      %get3A_445 = tpu.vector_load %arg5[%get3A_443, %get3A_444] {strides = array<i32>} : memref<79x128xi32, #tpu.memory_space<vmem>>, vector<1x16xi32>,
      %get3A_446 = vector.shape_cast %get3A_445 : vector<1x16xi32> to vector<16xi32>
      %and3A_447 = arith.constant 32767 : i32
      %and3A_448 = vector.broadcast %and3A_447 : i32 to vector<16xi32>
      %and3A_449 = arith.andi %get3A_446, %and3A_448 : vector<16xi32>
      %swap3A_450 = arith.constant 1 : i32
      %swap3A_451 = arith.index_cast %swap3A_450 : i32 to index
      %swap3A_452 = arith.constant 112 : index
      %swap3A_453 = tpu.vector_load %arg6[%swap3A_451, %swap3A_452] {strides = array<i32>} : memref<2x128xi32, #tpu.memory_space<vmem>>, vector<1x16xi32>,
      %swap3A_454 = vector.shape_cast %swap3A_453 : vector<1x16xi32> to vector<16xi32>
      %swap3A_455 = vector.shape_cast %and3A_449 : vector<16xi32> to vector<1x16xi32>
      tpu.vector_store %arg6[%swap3A_451, %swap3A_452], %swap3A_455 {strides = array<i32>} : memref<2x128xi32, #tpu.memory_space<vmem>>, vector<1x16xi32>,
      %shift_right_logical3A_456 = arith.constant 15 : i32
      %shift_right_logical3A_457 = vector.broadcast %shift_right_logical3A_456 : i32 to vector<16xi32>
      %shift_right_logical3A_458 = arith.shrui %get3A_446, %shift_right_logical3A_457 : vector<16xi32>
      %swap3A_459 = arith.constant 1 : i32
      %swap3A_460 = arith.index_cast %swap3A_459 : i32 to index
      %swap3A_461 = arith.constant 112 : index
      %swap3A_462 = tpu.vector_load %arg7[%swap3A_460, %swap3A_461] {strides = array<i32>} : memref<2x128xi32, #tpu.memory_space<vmem>>, vector<1x16xi32>,
      %swap3A_463 = vector.shape_cast %swap3A_462 : vector<1x16xi32> to vector<16xi32>
      %swap3A_464 = vector.shape_cast %shift_right_logical3A_458 : vector<16xi32> to vector<1x16xi32>
      tpu.vector_store %arg7[%swap3A_460, %swap3A_461], %swap3A_464 {strides = array<i32>} : memref<2x128xi32, #tpu.memory_space<vmem>>, vector<1x16xi32>,
      %dma_start3A_465 = arith.constant 1 : i32
      %dma_start3A_466 = arith.constant 0 : i32
      %dma_start3A_467 = tpu.memref_slice %arg6[%dma_start3A_465, %dma_start3A_466] : memref<2x128xi32, #tpu.memory_space<vmem>> -> memref<1x128xi32, #tpu.memory_space<vmem>>
      %dma_start3A_468 = tpu.memref_squeeze %dma_start3A_467 : memref<1x128xi32, #tpu.memory_space<vmem>> -> memref<128xi32, #tpu.memory_space<vmem>>
      %dma_start3A_469 = arith.constant 0 : i32
      %dma_start3A_470 = arith.constant 0 : i32
      %dma_start3A_471 = tpu.memref_slice %arg2[%dma_start3A_469, %dma_start3A_470] : memref<10000x128xf32, #tpu.memory_space<hbm>> -> memref<10000x128xf32, #tpu.memory_space<hbm>>
      tpu.enqueue_indirect_dma source(%dma_start3A_471 : memref<10000x128xf32, #tpu.memory_space<hbm>>) target(%arg9 : memref<128x128xf32, #tpu.memory_space<vmem>>) offsets(%dma_start3A_468 : memref<128xi32, #tpu.memory_space<vmem>>) semaphore(%arg12 : memref<!tpu.dma_semaphore, #tpu.memory_space<semaphore_mem>>)
      %dma_wait3A_472 = arith.constant 0 : i32
      %dma_wait3A_473 = arith.constant 0 : i32
      %dma_wait3A_474 = tpu.memref_slice %arg6[%dma_wait3A_472, %dma_wait3A_473] : memref<2x128xi32, #tpu.memory_space<vmem>> -> memref<1x128xi32, #tpu.memory_space<vmem>>
      %dma_wait3A_475 = tpu.memref_squeeze %dma_wait3A_474 : memref<1x128xi32, #tpu.memory_space<vmem>> -> memref<128xi32, #tpu.memory_space<vmem>>
      %dma_wait3A_476 = arith.constant 0 : i32
      %dma_wait3A_477 = arith.constant 0 : i32
      %dma_wait3A_478 = tpu.memref_slice %arg2[%dma_wait3A_476, %dma_wait3A_477] : memref<10000x128xf32, #tpu.memory_space<hbm>> -> memref<10000x128xf32, #tpu.memory_space<hbm>>
      tpu.wait_indirect_dma semaphore(%arg11 : memref<!tpu.dma_semaphore, #tpu.memory_space<semaphore_mem>>) src(%dma_wait3A_478 : memref<10000x128xf32, #tpu.memory_space<hbm>>) dst(%arg8 : memref<128x128xf32, #tpu.memory_space<vmem>>)
      %run_scoped3A_479 = arith.constant 0 : i32
      "tpu.region"() ({
        %run_scoped3A_493 = tpu.sem_alloc : memref<!tpu.dma_semaphore, #tpu.memory_space<semaphore_mem>>
        %dma_start3A_494 = arith.constant 0 : i32
        %dma_start3A_495 = tpu.memref_slice %arg7[%run_scoped3A_479, %dma_start3A_494] : memref<2x128xi32, #tpu.memory_space<vmem>> -> memref<1x128xi32, #tpu.memory_space<vmem>>
        %dma_start3A_496 = tpu.memref_squeeze %dma_start3A_495 : memref<1x128xi32, #tpu.memory_space<vmem>> -> memref<128xi32, #tpu.memory_space<vmem>>
        %dma_start3A_497 = arith.constant 0 : i32
        %dma_start3A_498 = arith.constant 0 : i32
        %dma_start3A_499 = tpu.memref_slice %arg10[%dma_start3A_497, %dma_start3A_498] : memref<10240x128xf32, #tpu.memory_space<vmem_shared>> -> memref<10240x128xf32, #tpu.memory_space<vmem_shared>>
        tpu.enqueue_indirect_dma source(%arg8 : memref<128x128xf32, #tpu.memory_space<vmem>>) target(%dma_start3A_499 : memref<10240x128xf32, #tpu.memory_space<vmem_shared>>) offsets(%dma_start3A_496 : memref<128xi32, #tpu.memory_space<vmem>>) semaphore(%run_scoped3A_493 : memref<!tpu.dma_semaphore, #tpu.memory_space<semaphore_mem>>) {add = true}
        %dma_wait3A_500 = arith.constant 0 : i32
        %dma_wait3A_501 = tpu.memref_slice %arg7[%run_scoped3A_479, %dma_wait3A_500] : memref<2x128xi32, #tpu.memory_space<vmem>> -> memref<1x128xi32, #tpu.memory_space<vmem>>
        %dma_wait3A_502 = tpu.memref_squeeze %dma_wait3A_501 : memref<1x128xi32, #tpu.memory_space<vmem>> -> memref<128xi32, #tpu.memory_space<vmem>>
        %dma_wait3A_503 = arith.constant 0 : i32
        %dma_wait3A_504 = arith.constant 0 : i32
        %dma_wait3A_505 = tpu.memref_slice %arg10[%dma_wait3A_503, %dma_wait3A_504] : memref<10240x128xf32, #tpu.memory_space<vmem_shared>> -> memref<10240x128xf32, #tpu.memory_space<vmem_shared>>
        tpu.wait_indirect_dma semaphore(%run_scoped3A_493 : memref<!tpu.dma_semaphore, #tpu.memory_space<semaphore_mem>>) src(%arg8 : memref<128x128xf32, #tpu.memory_space<vmem>>) dst(%dma_wait3A_505 : memref<10240x128xf32, #tpu.memory_space<vmem_shared>>)
        tpu.yield
      }) : () -> ()
      %add3A_480 = arith.constant 2 : i32
      %add3A_481 = arith.addi %mul3A_286, %add3A_480 : i32
      %lt3A = arith.constant 79 : i32
      %lt3A_482 = arith.cmpi slt, %add3A_481, %lt3A : i32
      %convert_element_type3A = arith.extui %lt3A_482 : i1 to i32
      %cond3A = arith.constant 0 : i32
      %cond3A_483 = arith.cmpi ne, %convert_element_type3A, %cond3A : i32
      scf.if %cond3A_483 {
        %add3A_493 = arith.constant 2 : i32
        %add3A_494 = arith.addi %mul3A_286, %add3A_493 : i32
        %get3A_495 = arith.index_cast %add3A_494 : i32 to index
        %get3A_496 = arith.constant 0 : index
        %get3A_497 = tpu.vector_load %arg5[%get3A_495, %get3A_496] {strides = array<i32>} : memref<79x128xi32, #tpu.memory_space<vmem>>, vector<1x16xi32>,
        %get3A_498 = vector.shape_cast %get3A_497 : vector<1x16xi32> to vector<16xi32>
        %and3A_499 = arith.constant 32767 : i32
        %and3A_500 = vector.broadcast %and3A_499 : i32 to vector<16xi32>
        %and3A_501 = arith.andi %get3A_498, %and3A_500 : vector<16xi32>
        %swap3A_502 = arith.constant 0 : i32
        %swap3A_503 = arith.index_cast %swap3A_502 : i32 to index
        %swap3A_504 = arith.constant 0 : index
        %swap3A_505 = tpu.vector_load %arg6[%swap3A_503, %swap3A_504] {strides = array<i32>} : memref<2x128xi32, #tpu.memory_space<vmem>>, vector<1x16xi32>,
        %swap3A_506 = vector.shape_cast %swap3A_505 : vector<1x16xi32> to vector<16xi32>
        %swap3A_507 = vector.shape_cast %and3A_501 : vector<16xi32> to vector<1x16xi32>
        tpu.vector_store %arg6[%swap3A_503, %swap3A_504], %swap3A_507 {strides = array<i32>} : memref<2x128xi32, #tpu.memory_space<vmem>>, vector<1x16xi32>,
        %shift_right_logical3A_508 = arith.constant 15 : i32
        %shift_right_logical3A_509 = vector.broadcast %shift_right_logical3A_508 : i32 to vector<16xi32>
        %shift_right_logical3A_510 = arith.shrui %get3A_498, %shift_right_logical3A_509 : vector<16xi32>
        %swap3A_511 = arith.constant 0 : i32
        %swap3A_512 = arith.index_cast %swap3A_511 : i32 to index
        %swap3A_513 = arith.constant 0 : index
        %swap3A_514 = tpu.vector_load %arg7[%swap3A_512, %swap3A_513] {strides = array<i32>} : memref<2x128xi32, #tpu.memory_space<vmem>>, vector<1x16xi32>,
        %swap3A_515 = vector.shape_cast %swap3A_514 : vector<1x16xi32> to vector<16xi32>
        %swap3A_516 = vector.shape_cast %shift_right_logical3A_510 : vector<16xi32> to vector<1x16xi32>
        tpu.vector_store %arg7[%swap3A_512, %swap3A_513], %swap3A_516 {strides = array<i32>} : memref<2x128xi32, #tpu.memory_space<vmem>>, vector<1x16xi32>,
        %get3A_517 = arith.index_cast %add3A_494 : i32 to index
        %get3A_518 = arith.constant 16 : index
        %get3A_519 = tpu.vector_load %arg5[%get3A_517, %get3A_518] {strides = array<i32>} : memref<79x128xi32, #tpu.memory_space<vmem>>, vector<1x16xi32>,
        %get3A_520 = vector.shape_cast %get3A_519 : vector<1x16xi32> to vector<16xi32>
        %and3A_521 = arith.constant 32767 : i32
        %and3A_522 = vector.broadcast %and3A_521 : i32 to vector<16xi32>
        %and3A_523 = arith.andi %get3A_520, %and3A_522 : vector<16xi32>
        %swap3A_524 = arith.constant 0 : i32
        %swap3A_525 = arith.index_cast %swap3A_524 : i32 to index
        %swap3A_526 = arith.constant 16 : index
        %swap3A_527 = tpu.vector_load %arg6[%swap3A_525, %swap3A_526] {strides = array<i32>} : memref<2x128xi32, #tpu.memory_space<vmem>>, vector<1x16xi32>,
        %swap3A_528 = vector.shape_cast %swap3A_527 : vector<1x16xi32> to vector<16xi32>
        %swap3A_529 = vector.shape_cast %and3A_523 : vector<16xi32> to vector<1x16xi32>
        tpu.vector_store %arg6[%swap3A_525, %swap3A_526], %swap3A_529 {strides = array<i32>} : memref<2x128xi32, #tpu.memory_space<vmem>>, vector<1x16xi32>,
        %shift_right_logical3A_530 = arith.constant 15 : i32
        %shift_right_logical3A_531 = vector.broadcast %shift_right_logical3A_530 : i32 to vector<16xi32>
        %shift_right_logical3A_532 = arith.shrui %get3A_520, %shift_right_logical3A_531 : vector<16xi32>
        %swap3A_533 = arith.constant 0 : i32
        %swap3A_534 = arith.index_cast %swap3A_533 : i32 to index
        %swap3A_535 = arith.constant 16 : index
        %swap3A_536 = tpu.vector_load %arg7[%swap3A_534, %swap3A_535] {strides = array<i32>} : memref<2x128xi32, #tpu.memory_space<vmem>>, vector<1x16xi32>,
        %swap3A_537 = vector.shape_cast %swap3A_536 : vector<1x16xi32> to vector<16xi32>
        %swap3A_538 = vector.shape_cast %shift_right_logical3A_532 : vector<16xi32> to vector<1x16xi32>
        tpu.vector_store %arg7[%swap3A_534, %swap3A_535], %swap3A_538 {strides = array<i32>} : memref<2x128xi32, #tpu.memory_space<vmem>>, vector<1x16xi32>,
        %get3A_539 = arith.index_cast %add3A_494 : i32 to index
        %get3A_540 = arith.constant 32 : index
        %get3A_541 = tpu.vector_load %arg5[%get3A_539, %get3A_540] {strides = array<i32>} : memref<79x128xi32, #tpu.memory_space<vmem>>, vector<1x16xi32>,
        %get3A_542 = vector.shape_cast %get3A_541 : vector<1x16xi32> to vector<16xi32>
        %and3A_543 = arith.constant 32767 : i32
        %and3A_544 = vector.broadcast %and3A_543 : i32 to vector<16xi32>
        %and3A_545 = arith.andi %get3A_542, %and3A_544 : vector<16xi32>
        %swap3A_546 = arith.constant 0 : i32
        %swap3A_547 = arith.index_cast %swap3A_546 : i32 to index
        %swap3A_548 = arith.constant 32 : index
        %swap3A_549 = tpu.vector_load %arg6[%swap3A_547, %swap3A_548] {strides = array<i32>} : memref<2x128xi32, #tpu.memory_space<vmem>>, vector<1x16xi32>,
        %swap3A_550 = vector.shape_cast %swap3A_549 : vector<1x16xi32> to vector<16xi32>
        %swap3A_551 = vector.shape_cast %and3A_545 : vector<16xi32> to vector<1x16xi32>
        tpu.vector_store %arg6[%swap3A_547, %swap3A_548], %swap3A_551 {strides = array<i32>} : memref<2x128xi32, #tpu.memory_space<vmem>>, vector<1x16xi32>,
        %shift_right_logical3A_552 = arith.constant 15 : i32
        %shift_right_logical3A_553 = vector.broadcast %shift_right_logical3A_552 : i32 to vector<16xi32>
        %shift_right_logical3A_554 = arith.shrui %get3A_542, %shift_right_logical3A_553 : vector<16xi32>
        %swap3A_555 = arith.constant 0 : i32
        %swap3A_556 = arith.index_cast %swap3A_555 : i32 to index
        %swap3A_557 = arith.constant 32 : index
        %swap3A_558 = tpu.vector_load %arg7[%swap3A_556, %swap3A_557] {strides = array<i32>} : memref<2x128xi32, #tpu.memory_space<vmem>>, vector<1x16xi32>,
        %swap3A_559 = vector.shape_cast %swap3A_558 : vector<1x16xi32> to vector<16xi32>
        %swap3A_560 = vector.shape_cast %shift_right_logical3A_554 : vector<16xi32> to vector<1x16xi32>
        tpu.vector_store %arg7[%swap3A_556, %swap3A_557], %swap3A_560 {strides = array<i32>} : memref<2x128xi32, #tpu.memory_space<vmem>>, vector<1x16xi32>,
        %get3A_561 = arith.index_cast %add3A_494 : i32 to index
        %get3A_562 = arith.constant 48 : index
        %get3A_563 = tpu.vector_load %arg5[%get3A_561, %get3A_562] {strides = array<i32>} : memref<79x128xi32, #tpu.memory_space<vmem>>, vector<1x16xi32>,
        %get3A_564 = vector.shape_cast %get3A_563 : vector<1x16xi32> to vector<16xi32>
        %and3A_565 = arith.constant 32767 : i32
        %and3A_566 = vector.broadcast %and3A_565 : i32 to vector<16xi32>
        %and3A_567 = arith.andi %get3A_564, %and3A_566 : vector<16xi32>
        %swap3A_568 = arith.constant 0 : i32
        %swap3A_569 = arith.index_cast %swap3A_568 : i32 to index
        %swap3A_570 = arith.constant 48 : index
        %swap3A_571 = tpu.vector_load %arg6[%swap3A_569, %swap3A_570] {strides = array<i32>} : memref<2x128xi32, #tpu.memory_space<vmem>>, vector<1x16xi32>,
        %swap3A_572 = vector.shape_cast %swap3A_571 : vector<1x16xi32> to vector<16xi32>
        %swap3A_573 = vector.shape_cast %and3A_567 : vector<16xi32> to vector<1x16xi32>
        tpu.vector_store %arg6[%swap3A_569, %swap3A_570], %swap3A_573 {strides = array<i32>} : memref<2x128xi32, #tpu.memory_space<vmem>>, vector<1x16xi32>,
        %shift_right_logical3A_574 = arith.constant 15 : i32
        %shift_right_logical3A_575 = vector.broadcast %shift_right_logical3A_574 : i32 to vector<16xi32>
        %shift_right_logical3A_576 = arith.shrui %get3A_564, %shift_right_logical3A_575 : vector<16xi32>
        %swap3A_577 = arith.constant 0 : i32
        %swap3A_578 = arith.index_cast %swap3A_577 : i32 to index
        %swap3A_579 = arith.constant 48 : index
        %swap3A_580 = tpu.vector_load %arg7[%swap3A_578, %swap3A_579] {strides = array<i32>} : memref<2x128xi32, #tpu.memory_space<vmem>>, vector<1x16xi32>,
        %swap3A_581 = vector.shape_cast %swap3A_580 : vector<1x16xi32> to vector<16xi32>
        %swap3A_582 = vector.shape_cast %shift_right_logical3A_576 : vector<16xi32> to vector<1x16xi32>
        tpu.vector_store %arg7[%swap3A_578, %swap3A_579], %swap3A_582 {strides = array<i32>} : memref<2x128xi32, #tpu.memory_space<vmem>>, vector<1x16xi32>,
        %get3A_583 = arith.index_cast %add3A_494 : i32 to index
        %get3A_584 = arith.constant 64 : index
        %get3A_585 = tpu.vector_load %arg5[%get3A_583, %get3A_584] {strides = array<i32>} : memref<79x128xi32, #tpu.memory_space<vmem>>, vector<1x16xi32>,
        %get3A_586 = vector.shape_cast %get3A_585 : vector<1x16xi32> to vector<16xi32>
        %and3A_587 = arith.constant 32767 : i32
        %and3A_588 = vector.broadcast %and3A_587 : i32 to vector<16xi32>
        %and3A_589 = arith.andi %get3A_586, %and3A_588 : vector<16xi32>
        %swap3A_590 = arith.constant 0 : i32
        %swap3A_591 = arith.index_cast %swap3A_590 : i32 to index
        %swap3A_592 = arith.constant 64 : index
        %swap3A_593 = tpu.vector_load %arg6[%swap3A_591, %swap3A_592] {strides = array<i32>} : memref<2x128xi32, #tpu.memory_space<vmem>>, vector<1x16xi32>,
        %swap3A_594 = vector.shape_cast %swap3A_593 : vector<1x16xi32> to vector<16xi32>
        %swap3A_595 = vector.shape_cast %and3A_589 : vector<16xi32> to vector<1x16xi32>
        tpu.vector_store %arg6[%swap3A_591, %swap3A_592], %swap3A_595 {strides = array<i32>} : memref<2x128xi32, #tpu.memory_space<vmem>>, vector<1x16xi32>,
        %shift_right_logical3A_596 = arith.constant 15 : i32
        %shift_right_logical3A_597 = vector.broadcast %shift_right_logical3A_596 : i32 to vector<16xi32>
        %shift_right_logical3A_598 = arith.shrui %get3A_586, %shift_right_logical3A_597 : vector<16xi32>
        %swap3A_599 = arith.constant 0 : i32
        %swap3A_600 = arith.index_cast %swap3A_599 : i32 to index
        %swap3A_601 = arith.constant 64 : index
        %swap3A_602 = tpu.vector_load %arg7[%swap3A_600, %swap3A_601] {strides = array<i32>} : memref<2x128xi32, #tpu.memory_space<vmem>>, vector<1x16xi32>,
        %swap3A_603 = vector.shape_cast %swap3A_602 : vector<1x16xi32> to vector<16xi32>
        %swap3A_604 = vector.shape_cast %shift_right_logical3A_598 : vector<16xi32> to vector<1x16xi32>
        tpu.vector_store %arg7[%swap3A_600, %swap3A_601], %swap3A_604 {strides = array<i32>} : memref<2x128xi32, #tpu.memory_space<vmem>>, vector<1x16xi32>,
        %get3A_605 = arith.index_cast %add3A_494 : i32 to index
        %get3A_606 = arith.constant 80 : index
        %get3A_607 = tpu.vector_load %arg5[%get3A_605, %get3A_606] {strides = array<i32>} : memref<79x128xi32, #tpu.memory_space<vmem>>, vector<1x16xi32>,
        %get3A_608 = vector.shape_cast %get3A_607 : vector<1x16xi32> to vector<16xi32>
        %and3A_609 = arith.constant 32767 : i32
        %and3A_610 = vector.broadcast %and3A_609 : i32 to vector<16xi32>
        %and3A_611 = arith.andi %get3A_608, %and3A_610 : vector<16xi32>
        %swap3A_612 = arith.constant 0 : i32
        %swap3A_613 = arith.index_cast %swap3A_612 : i32 to index
        %swap3A_614 = arith.constant 80 : index
        %swap3A_615 = tpu.vector_load %arg6[%swap3A_613, %swap3A_614] {strides = array<i32>} : memref<2x128xi32, #tpu.memory_space<vmem>>, vector<1x16xi32>,
        %swap3A_616 = vector.shape_cast %swap3A_615 : vector<1x16xi32> to vector<16xi32>
        %swap3A_617 = vector.shape_cast %and3A_611 : vector<16xi32> to vector<1x16xi32>
        tpu.vector_store %arg6[%swap3A_613, %swap3A_614], %swap3A_617 {strides = array<i32>} : memref<2x128xi32, #tpu.memory_space<vmem>>, vector<1x16xi32>,
        %shift_right_logical3A_618 = arith.constant 15 : i32
        %shift_right_logical3A_619 = vector.broadcast %shift_right_logical3A_618 : i32 to vector<16xi32>
        %shift_right_logical3A_620 = arith.shrui %get3A_608, %shift_right_logical3A_619 : vector<16xi32>
        %swap3A_621 = arith.constant 0 : i32
        %swap3A_622 = arith.index_cast %swap3A_621 : i32 to index
        %swap3A_623 = arith.constant 80 : index
        %swap3A_624 = tpu.vector_load %arg7[%swap3A_622, %swap3A_623] {strides = array<i32>} : memref<2x128xi32, #tpu.memory_space<vmem>>, vector<1x16xi32>,
        %swap3A_625 = vector.shape_cast %swap3A_624 : vector<1x16xi32> to vector<16xi32>
        %swap3A_626 = vector.shape_cast %shift_right_logical3A_620 : vector<16xi32> to vector<1x16xi32>
        tpu.vector_store %arg7[%swap3A_622, %swap3A_623], %swap3A_626 {strides = array<i32>} : memref<2x128xi32, #tpu.memory_space<vmem>>, vector<1x16xi32>,
        %get3A_627 = arith.index_cast %add3A_494 : i32 to index
        %get3A_628 = arith.constant 96 : index
        %get3A_629 = tpu.vector_load %arg5[%get3A_627, %get3A_628] {strides = array<i32>} : memref<79x128xi32, #tpu.memory_space<vmem>>, vector<1x16xi32>,
        %get3A_630 = vector.shape_cast %get3A_629 : vector<1x16xi32> to vector<16xi32>
        %and3A_631 = arith.constant 32767 : i32
        %and3A_632 = vector.broadcast %and3A_631 : i32 to vector<16xi32>
        %and3A_633 = arith.andi %get3A_630, %and3A_632 : vector<16xi32>
        %swap3A_634 = arith.constant 0 : i32
        %swap3A_635 = arith.index_cast %swap3A_634 : i32 to index
        %swap3A_636 = arith.constant 96 : index
        %swap3A_637 = tpu.vector_load %arg6[%swap3A_635, %swap3A_636] {strides = array<i32>} : memref<2x128xi32, #tpu.memory_space<vmem>>, vector<1x16xi32>,
        %swap3A_638 = vector.shape_cast %swap3A_637 : vector<1x16xi32> to vector<16xi32>
        %swap3A_639 = vector.shape_cast %and3A_633 : vector<16xi32> to vector<1x16xi32>
        tpu.vector_store %arg6[%swap3A_635, %swap3A_636], %swap3A_639 {strides = array<i32>} : memref<2x128xi32, #tpu.memory_space<vmem>>, vector<1x16xi32>,
        %shift_right_logical3A_640 = arith.constant 15 : i32
        %shift_right_logical3A_641 = vector.broadcast %shift_right_logical3A_640 : i32 to vector<16xi32>
        %shift_right_logical3A_642 = arith.shrui %get3A_630, %shift_right_logical3A_641 : vector<16xi32>
        %swap3A_643 = arith.constant 0 : i32
        %swap3A_644 = arith.index_cast %swap3A_643 : i32 to index
        %swap3A_645 = arith.constant 96 : index
        %swap3A_646 = tpu.vector_load %arg7[%swap3A_644, %swap3A_645] {strides = array<i32>} : memref<2x128xi32, #tpu.memory_space<vmem>>, vector<1x16xi32>,
        %swap3A_647 = vector.shape_cast %swap3A_646 : vector<1x16xi32> to vector<16xi32>
        %swap3A_648 = vector.shape_cast %shift_right_logical3A_642 : vector<16xi32> to vector<1x16xi32>
        tpu.vector_store %arg7[%swap3A_644, %swap3A_645], %swap3A_648 {strides = array<i32>} : memref<2x128xi32, #tpu.memory_space<vmem>>, vector<1x16xi32>,
        %get3A_649 = arith.index_cast %add3A_494 : i32 to index
        %get3A_650 = arith.constant 112 : index
        %get3A_651 = tpu.vector_load %arg5[%get3A_649, %get3A_650] {strides = array<i32>} : memref<79x128xi32, #tpu.memory_space<vmem>>, vector<1x16xi32>,
        %get3A_652 = vector.shape_cast %get3A_651 : vector<1x16xi32> to vector<16xi32>
        %and3A_653 = arith.constant 32767 : i32
        %and3A_654 = vector.broadcast %and3A_653 : i32 to vector<16xi32>
        %and3A_655 = arith.andi %get3A_652, %and3A_654 : vector<16xi32>
        %swap3A_656 = arith.constant 0 : i32
        %swap3A_657 = arith.index_cast %swap3A_656 : i32 to index
        %swap3A_658 = arith.constant 112 : index
        %swap3A_659 = tpu.vector_load %arg6[%swap3A_657, %swap3A_658] {strides = array<i32>} : memref<2x128xi32, #tpu.memory_space<vmem>>, vector<1x16xi32>,
        %swap3A_660 = vector.shape_cast %swap3A_659 : vector<1x16xi32> to vector<16xi32>
        %swap3A_661 = vector.shape_cast %and3A_655 : vector<16xi32> to vector<1x16xi32>
        tpu.vector_store %arg6[%swap3A_657, %swap3A_658], %swap3A_661 {strides = array<i32>} : memref<2x128xi32, #tpu.memory_space<vmem>>, vector<1x16xi32>,
        %shift_right_logical3A_662 = arith.constant 15 : i32
        %shift_right_logical3A_663 = vector.broadcast %shift_right_logical3A_662 : i32 to vector<16xi32>
        %shift_right_logical3A_664 = arith.shrui %get3A_652, %shift_right_logical3A_663 : vector<16xi32>
        %swap3A_665 = arith.constant 0 : i32
        %swap3A_666 = arith.index_cast %swap3A_665 : i32 to index
        %swap3A_667 = arith.constant 112 : index
        %swap3A_668 = tpu.vector_load %arg7[%swap3A_666, %swap3A_667] {strides = array<i32>} : memref<2x128xi32, #tpu.memory_space<vmem>>, vector<1x16xi32>,
        %swap3A_669 = vector.shape_cast %swap3A_668 : vector<1x16xi32> to vector<16xi32>
        %swap3A_670 = vector.shape_cast %shift_right_logical3A_664 : vector<16xi32> to vector<1x16xi32>
        tpu.vector_store %arg7[%swap3A_666, %swap3A_667], %swap3A_670 {strides = array<i32>} : memref<2x128xi32, #tpu.memory_space<vmem>>, vector<1x16xi32>,
        %dma_start3A_671 = arith.constant 0 : i32
        %dma_start3A_672 = arith.constant 0 : i32
        %dma_start3A_673 = tpu.memref_slice %arg6[%dma_start3A_671, %dma_start3A_672] : memref<2x128xi32, #tpu.memory_space<vmem>> -> memref<1x128xi32, #tpu.memory_space<vmem>>
        %dma_start3A_674 = tpu.memref_squeeze %dma_start3A_673 : memref<1x128xi32, #tpu.memory_space<vmem>> -> memref<128xi32, #tpu.memory_space<vmem>>
        %dma_start3A_675 = arith.constant 0 : i32
        %dma_start3A_676 = arith.constant 0 : i32
        %dma_start3A_677 = tpu.memref_slice %arg2[%dma_start3A_675, %dma_start3A_676] : memref<10000x128xf32, #tpu.memory_space<hbm>> -> memref<10000x128xf32, #tpu.memory_space<hbm>>
        tpu.enqueue_indirect_dma source(%dma_start3A_677 : memref<10000x128xf32, #tpu.memory_space<hbm>>) target(%arg8 : memref<128x128xf32, #tpu.memory_space<vmem>>) offsets(%dma_start3A_674 : memref<128xi32, #tpu.memory_space<vmem>>) semaphore(%arg11 : memref<!tpu.dma_semaphore, #tpu.memory_space<semaphore_mem>>)
      } else {
      }
      %dma_wait3A_484 = arith.constant 1 : i32
      %dma_wait3A_485 = arith.constant 0 : i32
      %dma_wait3A_486 = tpu.memref_slice %arg6[%dma_wait3A_484, %dma_wait3A_485] : memref<2x128xi32, #tpu.memory_space<vmem>> -> memref<1x128xi32, #tpu.memory_space<vmem>>
      %dma_wait3A_487 = tpu.memref_squeeze %dma_wait3A_486 : memref<1x128xi32, #tpu.memory_space<vmem>> -> memref<128xi32, #tpu.memory_space<vmem>>
      %dma_wait3A_488 = arith.constant 0 : i32
      %dma_wait3A_489 = arith.constant 0 : i32
      %dma_wait3A_490 = tpu.memref_slice %arg2[%dma_wait3A_488, %dma_wait3A_489] : memref<10000x128xf32, #tpu.memory_space<hbm>> -> memref<10000x128xf32, #tpu.memory_space<hbm>>
      tpu.wait_indirect_dma semaphore(%arg12 : memref<!tpu.dma_semaphore, #tpu.memory_space<semaphore_mem>>) src(%dma_wait3A_490 : memref<10000x128xf32, #tpu.memory_space<hbm>>) dst(%arg9 : memref<128x128xf32, #tpu.memory_space<vmem>>)
      %run_scoped3A_491 = arith.constant 1 : i32
      "tpu.region"() ({
        %run_scoped3A_493 = tpu.sem_alloc : memref<!tpu.dma_semaphore, #tpu.memory_space<semaphore_mem>>
        %dma_start3A_494 = arith.constant 0 : i32
        %dma_start3A_495 = tpu.memref_slice %arg7[%run_scoped3A_491, %dma_start3A_494] : memref<2x128xi32, #tpu.memory_space<vmem>> -> memref<1x128xi32, #tpu.memory_space<vmem>>
        %dma_start3A_496 = tpu.memref_squeeze %dma_start3A_495 : memref<1x128xi32, #tpu.memory_space<vmem>> -> memref<128xi32, #tpu.memory_space<vmem>>
        %dma_start3A_497 = arith.constant 0 : i32
        %dma_start3A_498 = arith.constant 0 : i32
        %dma_start3A_499 = tpu.memref_slice %arg10[%dma_start3A_497, %dma_start3A_498] : memref<10240x128xf32, #tpu.memory_space<vmem_shared>> -> memref<10240x128xf32, #tpu.memory_space<vmem_shared>>
        tpu.enqueue_indirect_dma source(%arg9 : memref<128x128xf32, #tpu.memory_space<vmem>>) target(%dma_start3A_499 : memref<10240x128xf32, #tpu.memory_space<vmem_shared>>) offsets(%dma_start3A_496 : memref<128xi32, #tpu.memory_space<vmem>>) semaphore(%run_scoped3A_493 : memref<!tpu.dma_semaphore, #tpu.memory_space<semaphore_mem>>) {add = true}
        %dma_wait3A_500 = arith.constant 0 : i32
        %dma_wait3A_501 = tpu.memref_slice %arg7[%run_scoped3A_491, %dma_wait3A_500] : memref<2x128xi32, #tpu.memory_space<vmem>> -> memref<1x128xi32, #tpu.memory_space<vmem>>
        %dma_wait3A_502 = tpu.memref_squeeze %dma_wait3A_501 : memref<1x128xi32, #tpu.memory_space<vmem>> -> memref<128xi32, #tpu.memory_space<vmem>>
        %dma_wait3A_503 = arith.constant 0 : i32
        %dma_wait3A_504 = arith.constant 0 : i32
        %dma_wait3A_505 = tpu.memref_slice %arg10[%dma_wait3A_503, %dma_wait3A_504] : memref<10240x128xf32, #tpu.memory_space<vmem_shared>> -> memref<10240x128xf32, #tpu.memory_space<vmem_shared>>
        tpu.wait_indirect_dma semaphore(%run_scoped3A_493 : memref<!tpu.dma_semaphore, #tpu.memory_space<semaphore_mem>>) src(%arg9 : memref<128x128xf32, #tpu.memory_space<vmem>>) dst(%dma_wait3A_505 : memref<10240x128xf32, #tpu.memory_space<vmem_shared>>)
        tpu.yield
      }) : () -> ()
      %scan3A_492 = arith.constant 0 : i32
      scf.yield %scan3A_492 : i32
    }
    %scan3A_230 = arith.constant 39 : i32
    %dma_wait3A = arith.constant 0 : i32
    %dma_wait3A_231 = arith.constant 0 : i32
    %dma_wait3A_232 = tpu.memref_slice %arg6[%dma_wait3A, %dma_wait3A_231] : memref<2x128xi32, #tpu.memory_space<vmem>> -> memref<1x128xi32, #tpu.memory_space<vmem>>
    %dma_wait3A_233 = tpu.memref_squeeze %dma_wait3A_232 : memref<1x128xi32, #tpu.memory_space<vmem>> -> memref<128xi32, #tpu.memory_space<vmem>>
    %dma_wait3A_234 = arith.constant 0 : i32
    %dma_wait3A_235 = arith.constant 0 : i32
    %dma_wait3A_236 = tpu.memref_slice %arg2[%dma_wait3A_234, %dma_wait3A_235] : memref<10000x128xf32, #tpu.memory_space<hbm>> -> memref<10000x128xf32, #tpu.memory_space<hbm>>
    tpu.wait_indirect_dma semaphore(%arg11 : memref<!tpu.dma_semaphore, #tpu.memory_space<semaphore_mem>>) src(%dma_wait3A_236 : memref<10000x128xf32, #tpu.memory_space<hbm>>) dst(%arg8 : memref<128x128xf32, #tpu.memory_space<vmem>>)
    %run_scoped3A = arith.constant 0 : i32
    "tpu.region"() ({
      %run_scoped3A_283 = tpu.sem_alloc : memref<!tpu.dma_semaphore, #tpu.memory_space<semaphore_mem>>
      %dma_start3A_284 = arith.constant 0 : i32
      %dma_start3A_285 = tpu.memref_slice %arg7[%run_scoped3A, %dma_start3A_284] : memref<2x128xi32, #tpu.memory_space<vmem>> -> memref<1x128xi32, #tpu.memory_space<vmem>>
      %dma_start3A_286 = tpu.memref_squeeze %dma_start3A_285 : memref<1x128xi32, #tpu.memory_space<vmem>> -> memref<128xi32, #tpu.memory_space<vmem>>
      %dma_start3A_287 = arith.constant 0 : i32
      %dma_start3A_288 = arith.constant 0 : i32
      %dma_start3A_289 = tpu.memref_slice %arg10[%dma_start3A_287, %dma_start3A_288] : memref<10240x128xf32, #tpu.memory_space<vmem_shared>> -> memref<10240x128xf32, #tpu.memory_space<vmem_shared>>
      tpu.enqueue_indirect_dma source(%arg8 : memref<128x128xf32, #tpu.memory_space<vmem>>) target(%dma_start3A_289 : memref<10240x128xf32, #tpu.memory_space<vmem_shared>>) offsets(%dma_start3A_286 : memref<128xi32, #tpu.memory_space<vmem>>) semaphore(%run_scoped3A_283 : memref<!tpu.dma_semaphore, #tpu.memory_space<semaphore_mem>>) {add = true}
      %dma_wait3A_290 = arith.constant 0 : i32
      %dma_wait3A_291 = tpu.memref_slice %arg7[%run_scoped3A, %dma_wait3A_290] : memref<2x128xi32, #tpu.memory_space<vmem>> -> memref<1x128xi32, #tpu.memory_space<vmem>>
      %dma_wait3A_292 = tpu.memref_squeeze %dma_wait3A_291 : memref<1x128xi32, #tpu.memory_space<vmem>> -> memref<128xi32, #tpu.memory_space<vmem>>
      %dma_wait3A_293 = arith.constant 0 : i32
      %dma_wait3A_294 = arith.constant 0 : i32
      %dma_wait3A_295 = tpu.memref_slice %arg10[%dma_wait3A_293, %dma_wait3A_294] : memref<10240x128xf32, #tpu.memory_space<vmem_shared>> -> memref<10240x128xf32, #tpu.memory_space<vmem_shared>>
      tpu.wait_indirect_dma semaphore(%run_scoped3A_283 : memref<!tpu.dma_semaphore, #tpu.memory_space<semaphore_mem>>) src(%arg8 : memref<128x128xf32, #tpu.memory_space<vmem>>) dst(%dma_wait3A_295 : memref<10240x128xf32, #tpu.memory_space<vmem_shared>>)
      tpu.yield
    }) : () -> ()
    %barrier3A_237 = arith.constant 0 : index
    tpu.barrier barrier_id(%barrier3A_237)
    %mul3A_238 = arith.constant 5 : i32
    %mul3A_239 = arith.muli %arg1, %mul3A_238 : i32
    %add3A_240 = arith.constant 0 : i32
    %add3A_241 = arith.addi %mul3A_239, %add3A_240 : i32
    %mul3A_242 = arith.constant 128 : i32
    %mul3A_243 = arith.muli %add3A_241, %mul3A_242 : i32
    "tpu.region"() ({
      %run_scoped3A_283 = tpu.sem_alloc : memref<!tpu.dma_semaphore, #tpu.memory_space<semaphore_mem>>
      %dma_start3A_284 = arith.constant 0 : i32
      %dma_start3A_285 = tpu.memref_slice %arg10[%mul3A_243, %dma_start3A_284] : memref<10240x128xf32, #tpu.memory_space<vmem_shared>> -> memref<128x128xf32, #tpu.memory_space<vmem_shared>>
      %dma_start3A_286 = arith.constant 0 : i32
      %dma_start3A_287 = tpu.memref_slice %arg10[%mul3A_243, %dma_start3A_286] : memref<10240x128xf32, #tpu.memory_space<vmem_shared>> -> memref<128x128xf32, #tpu.memory_space<vmem_shared>>
      tpu.enqueue_dma source(%dma_start3A_287 : memref<128x128xf32, #tpu.memory_space<vmem_shared>>) target(%arg8 : memref<128x128xf32, #tpu.memory_space<vmem>>) target_semaphore(%run_scoped3A_283 : memref<!tpu.dma_semaphore, #tpu.memory_space<semaphore_mem>>)
      %dma_wait3A_288 = arith.constant 0 : i32
      %dma_wait3A_289 = tpu.memref_slice %arg10[%mul3A_243, %dma_wait3A_288] : memref<10240x128xf32, #tpu.memory_space<vmem_shared>> -> memref<128x128xf32, #tpu.memory_space<vmem_shared>>
      %dma_wait3A_290 = arith.constant 0 : i32
      %dma_wait3A_291 = tpu.memref_slice %arg10[%mul3A_243, %dma_wait3A_290] : memref<10240x128xf32, #tpu.memory_space<vmem_shared>> -> memref<128x128xf32, #tpu.memory_space<vmem_shared>>
      tpu.wait_dma2 semaphore(%run_scoped3A_283 : memref<!tpu.dma_semaphore, #tpu.memory_space<semaphore_mem>>) src(%dma_wait3A_291 : memref<128x128xf32, #tpu.memory_space<vmem_shared>>) dst(%arg8 : memref<128x128xf32, #tpu.memory_space<vmem>>)
      tpu.yield
    }) : () -> ()
    %mul3A_244 = arith.constant 10240 : i32
    %mul3A_245 = arith.muli %arg0, %mul3A_244 : i32
    %add3A_246 = arith.addi %mul3A_245, %mul3A_243 : i32
    "tpu.region"() ({
      %run_scoped3A_283 = tpu.sem_alloc : memref<!tpu.dma_semaphore, #tpu.memory_space<semaphore_mem>>
      %dma_start3A_284 = arith.constant 0 : i32
      %dma_start3A_285 = tpu.memref_slice %arg4[%add3A_246, %dma_start3A_284] : memref<20480x128xf32, #tpu.memory_space<hbm>> -> memref<128x128xf32, #tpu.memory_space<hbm>>
      %dma_start3A_286 = arith.constant 0 : i32
      %dma_start3A_287 = tpu.memref_slice %arg4[%add3A_246, %dma_start3A_286] : memref<20480x128xf32, #tpu.memory_space<hbm>> -> memref<128x128xf32, #tpu.memory_space<hbm>>
      tpu.enqueue_dma source(%arg8 : memref<128x128xf32, #tpu.memory_space<vmem>>) target(%dma_start3A_287 : memref<128x128xf32, #tpu.memory_space<hbm>>) target_semaphore(%run_scoped3A_283 : memref<!tpu.dma_semaphore, #tpu.memory_space<semaphore_mem>>)
      %dma_wait3A_288 = arith.constant 0 : i32
      %dma_wait3A_289 = tpu.memref_slice %arg4[%add3A_246, %dma_wait3A_288] : memref<20480x128xf32, #tpu.memory_space<hbm>> -> memref<128x128xf32, #tpu.memory_space<hbm>>
      %dma_wait3A_290 = arith.constant 0 : i32
      %dma_wait3A_291 = tpu.memref_slice %arg4[%add3A_246, %dma_wait3A_290] : memref<20480x128xf32, #tpu.memory_space<hbm>> -> memref<128x128xf32, #tpu.memory_space<hbm>>
      tpu.wait_dma2 semaphore(%run_scoped3A_283 : memref<!tpu.dma_semaphore, #tpu.memory_space<semaphore_mem>>) src(%arg8 : memref<128x128xf32, #tpu.memory_space<vmem>>) dst(%dma_wait3A_291 : memref<128x128xf32, #tpu.memory_space<hbm>>)
      tpu.yield
    }) : () -> ()
    %mul3A_247 = arith.constant 5 : i32
    %mul3A_248 = arith.muli %arg1, %mul3A_247 : i32
    %add3A_249 = arith.constant 1 : i32
    %add3A_250 = arith.addi %mul3A_248, %add3A_249 : i32
    %mul3A_251 = arith.constant 128 : i32
    %mul3A_252 = arith.muli %add3A_250, %mul3A_251 : i32
    "tpu.region"() ({
      %run_scoped3A_283 = tpu.sem_alloc : memref<!tpu.dma_semaphore, #tpu.memory_space<semaphore_mem>>
      %dma_start3A_284 = arith.constant 0 : i32
      %dma_start3A_285 = tpu.memref_slice %arg10[%mul3A_252, %dma_start3A_284] : memref<10240x128xf32, #tpu.memory_space<vmem_shared>> -> memref<128x128xf32, #tpu.memory_space<vmem_shared>>
      %dma_start3A_286 = arith.constant 0 : i32
      %dma_start3A_287 = tpu.memref_slice %arg10[%mul3A_252, %dma_start3A_286] : memref<10240x128xf32, #tpu.memory_space<vmem_shared>> -> memref<128x128xf32, #tpu.memory_space<vmem_shared>>
      tpu.enqueue_dma source(%dma_start3A_287 : memref<128x128xf32, #tpu.memory_space<vmem_shared>>) target(%arg8 : memref<128x128xf32, #tpu.memory_space<vmem>>) target_semaphore(%run_scoped3A_283 : memref<!tpu.dma_semaphore, #tpu.memory_space<semaphore_mem>>)
      %dma_wait3A_288 = arith.constant 0 : i32
      %dma_wait3A_289 = tpu.memref_slice %arg10[%mul3A_252, %dma_wait3A_288] : memref<10240x128xf32, #tpu.memory_space<vmem_shared>> -> memref<128x128xf32, #tpu.memory_space<vmem_shared>>
      %dma_wait3A_290 = arith.constant 0 : i32
      %dma_wait3A_291 = tpu.memref_slice %arg10[%mul3A_252, %dma_wait3A_290] : memref<10240x128xf32, #tpu.memory_space<vmem_shared>> -> memref<128x128xf32, #tpu.memory_space<vmem_shared>>
      tpu.wait_dma2 semaphore(%run_scoped3A_283 : memref<!tpu.dma_semaphore, #tpu.memory_space<semaphore_mem>>) src(%dma_wait3A_291 : memref<128x128xf32, #tpu.memory_space<vmem_shared>>) dst(%arg8 : memref<128x128xf32, #tpu.memory_space<vmem>>)
      tpu.yield
    }) : () -> ()
    %mul3A_253 = arith.constant 10240 : i32
    %mul3A_254 = arith.muli %arg0, %mul3A_253 : i32
    %add3A_255 = arith.addi %mul3A_254, %mul3A_252 : i32
    "tpu.region"() ({
      %run_scoped3A_283 = tpu.sem_alloc : memref<!tpu.dma_semaphore, #tpu.memory_space<semaphore_mem>>
      %dma_start3A_284 = arith.constant 0 : i32
      %dma_start3A_285 = tpu.memref_slice %arg4[%add3A_255, %dma_start3A_284] : memref<20480x128xf32, #tpu.memory_space<hbm>> -> memref<128x128xf32, #tpu.memory_space<hbm>>
      %dma_start3A_286 = arith.constant 0 : i32
      %dma_start3A_287 = tpu.memref_slice %arg4[%add3A_255, %dma_start3A_286] : memref<20480x128xf32, #tpu.memory_space<hbm>> -> memref<128x128xf32, #tpu.memory_space<hbm>>
      tpu.enqueue_dma source(%arg8 : memref<128x128xf32, #tpu.memory_space<vmem>>) target(%dma_start3A_287 : memref<128x128xf32, #tpu.memory_space<hbm>>) target_semaphore(%run_scoped3A_283 : memref<!tpu.dma_semaphore, #tpu.memory_space<semaphore_mem>>)
      %dma_wait3A_288 = arith.constant 0 : i32
      %dma_wait3A_289 = tpu.memref_slice %arg4[%add3A_255, %dma_wait3A_288] : memref<20480x128xf32, #tpu.memory_space<hbm>> -> memref<128x128xf32, #tpu.memory_space<hbm>>
      %dma_wait3A_290 = arith.constant 0 : i32
      %dma_wait3A_291 = tpu.memref_slice %arg4[%add3A_255, %dma_wait3A_290] : memref<20480x128xf32, #tpu.memory_space<hbm>> -> memref<128x128xf32, #tpu.memory_space<hbm>>
      tpu.wait_dma2 semaphore(%run_scoped3A_283 : memref<!tpu.dma_semaphore, #tpu.memory_space<semaphore_mem>>) src(%arg8 : memref<128x128xf32, #tpu.memory_space<vmem>>) dst(%dma_wait3A_291 : memref<128x128xf32, #tpu.memory_space<hbm>>)
      tpu.yield
    }) : () -> ()
    %mul3A_256 = arith.constant 5 : i32
    %mul3A_257 = arith.muli %arg1, %mul3A_256 : i32
    %add3A_258 = arith.constant 2 : i32
    %add3A_259 = arith.addi %mul3A_257, %add3A_258 : i32
    %mul3A_260 = arith.constant 128 : i32
    %mul3A_261 = arith.muli %add3A_259, %mul3A_260 : i32
    "tpu.region"() ({
      %run_scoped3A_283 = tpu.sem_alloc : memref<!tpu.dma_semaphore, #tpu.memory_space<semaphore_mem>>
      %dma_start3A_284 = arith.constant 0 : i32
      %dma_start3A_285 = tpu.memref_slice %arg10[%mul3A_261, %dma_start3A_284] : memref<10240x128xf32, #tpu.memory_space<vmem_shared>> -> memref<128x128xf32, #tpu.memory_space<vmem_shared>>
      %dma_start3A_286 = arith.constant 0 : i32
      %dma_start3A_287 = tpu.memref_slice %arg10[%mul3A_261, %dma_start3A_286] : memref<10240x128xf32, #tpu.memory_space<vmem_shared>> -> memref<128x128xf32, #tpu.memory_space<vmem_shared>>
      tpu.enqueue_dma source(%dma_start3A_287 : memref<128x128xf32, #tpu.memory_space<vmem_shared>>) target(%arg8 : memref<128x128xf32, #tpu.memory_space<vmem>>) target_semaphore(%run_scoped3A_283 : memref<!tpu.dma_semaphore, #tpu.memory_space<semaphore_mem>>)
      %dma_wait3A_288 = arith.constant 0 : i32
      %dma_wait3A_289 = tpu.memref_slice %arg10[%mul3A_261, %dma_wait3A_288] : memref<10240x128xf32, #tpu.memory_space<vmem_shared>> -> memref<128x128xf32, #tpu.memory_space<vmem_shared>>
      %dma_wait3A_290 = arith.constant 0 : i32
      %dma_wait3A_291 = tpu.memref_slice %arg10[%mul3A_261, %dma_wait3A_290] : memref<10240x128xf32, #tpu.memory_space<vmem_shared>> -> memref<128x128xf32, #tpu.memory_space<vmem_shared>>
      tpu.wait_dma2 semaphore(%run_scoped3A_283 : memref<!tpu.dma_semaphore, #tpu.memory_space<semaphore_mem>>) src(%dma_wait3A_291 : memref<128x128xf32, #tpu.memory_space<vmem_shared>>) dst(%arg8 : memref<128x128xf32, #tpu.memory_space<vmem>>)
      tpu.yield
    }) : () -> ()
    %mul3A_262 = arith.constant 10240 : i32
    %mul3A_263 = arith.muli %arg0, %mul3A_262 : i32
    %add3A_264 = arith.addi %mul3A_263, %mul3A_261 : i32
    "tpu.region"() ({
      %run_scoped3A_283 = tpu.sem_alloc : memref<!tpu.dma_semaphore, #tpu.memory_space<semaphore_mem>>
      %dma_start3A_284 = arith.constant 0 : i32
      %dma_start3A_285 = tpu.memref_slice %arg4[%add3A_264, %dma_start3A_284] : memref<20480x128xf32, #tpu.memory_space<hbm>> -> memref<128x128xf32, #tpu.memory_space<hbm>>
      %dma_start3A_286 = arith.constant 0 : i32
      %dma_start3A_287 = tpu.memref_slice %arg4[%add3A_264, %dma_start3A_286] : memref<20480x128xf32, #tpu.memory_space<hbm>> -> memref<128x128xf32, #tpu.memory_space<hbm>>
      tpu.enqueue_dma source(%arg8 : memref<128x128xf32, #tpu.memory_space<vmem>>) target(%dma_start3A_287 : memref<128x128xf32, #tpu.memory_space<hbm>>) target_semaphore(%run_scoped3A_283 : memref<!tpu.dma_semaphore, #tpu.memory_space<semaphore_mem>>)
      %dma_wait3A_288 = arith.constant 0 : i32
      %dma_wait3A_289 = tpu.memref_slice %arg4[%add3A_264, %dma_wait3A_288] : memref<20480x128xf32, #tpu.memory_space<hbm>> -> memref<128x128xf32, #tpu.memory_space<hbm>>
      %dma_wait3A_290 = arith.constant 0 : i32
      %dma_wait3A_291 = tpu.memref_slice %arg4[%add3A_264, %dma_wait3A_290] : memref<20480x128xf32, #tpu.memory_space<hbm>> -> memref<128x128xf32, #tpu.memory_space<hbm>>
      tpu.wait_dma2 semaphore(%run_scoped3A_283 : memref<!tpu.dma_semaphore, #tpu.memory_space<semaphore_mem>>) src(%arg8 : memref<128x128xf32, #tpu.memory_space<vmem>>) dst(%dma_wait3A_291 : memref<128x128xf32, #tpu.memory_space<hbm>>)
      tpu.yield
    }) : () -> ()
    %mul3A_265 = arith.constant 5 : i32
    %mul3A_266 = arith.muli %arg1, %mul3A_265 : i32
    %add3A_267 = arith.constant 3 : i32
    %add3A_268 = arith.addi %mul3A_266, %add3A_267 : i32
    %mul3A_269 = arith.constant 128 : i32
    %mul3A_270 = arith.muli %add3A_268, %mul3A_269 : i32
    "tpu.region"() ({
      %run_scoped3A_283 = tpu.sem_alloc : memref<!tpu.dma_semaphore, #tpu.memory_space<semaphore_mem>>
      %dma_start3A_284 = arith.constant 0 : i32
      %dma_start3A_285 = tpu.memref_slice %arg10[%mul3A_270, %dma_start3A_284] : memref<10240x128xf32, #tpu.memory_space<vmem_shared>> -> memref<128x128xf32, #tpu.memory_space<vmem_shared>>
      %dma_start3A_286 = arith.constant 0 : i32
      %dma_start3A_287 = tpu.memref_slice %arg10[%mul3A_270, %dma_start3A_286] : memref<10240x128xf32, #tpu.memory_space<vmem_shared>> -> memref<128x128xf32, #tpu.memory_space<vmem_shared>>
      tpu.enqueue_dma source(%dma_start3A_287 : memref<128x128xf32, #tpu.memory_space<vmem_shared>>) target(%arg8 : memref<128x128xf32, #tpu.memory_space<vmem>>) target_semaphore(%run_scoped3A_283 : memref<!tpu.dma_semaphore, #tpu.memory_space<semaphore_mem>>)
      %dma_wait3A_288 = arith.constant 0 : i32
      %dma_wait3A_289 = tpu.memref_slice %arg10[%mul3A_270, %dma_wait3A_288] : memref<10240x128xf32, #tpu.memory_space<vmem_shared>> -> memref<128x128xf32, #tpu.memory_space<vmem_shared>>
      %dma_wait3A_290 = arith.constant 0 : i32
      %dma_wait3A_291 = tpu.memref_slice %arg10[%mul3A_270, %dma_wait3A_290] : memref<10240x128xf32, #tpu.memory_space<vmem_shared>> -> memref<128x128xf32, #tpu.memory_space<vmem_shared>>
      tpu.wait_dma2 semaphore(%run_scoped3A_283 : memref<!tpu.dma_semaphore, #tpu.memory_space<semaphore_mem>>) src(%dma_wait3A_291 : memref<128x128xf32, #tpu.memory_space<vmem_shared>>) dst(%arg8 : memref<128x128xf32, #tpu.memory_space<vmem>>)
      tpu.yield
    }) : () -> ()
    %mul3A_271 = arith.constant 10240 : i32
    %mul3A_272 = arith.muli %arg0, %mul3A_271 : i32
    %add3A_273 = arith.addi %mul3A_272, %mul3A_270 : i32
    "tpu.region"() ({
      %run_scoped3A_283 = tpu.sem_alloc : memref<!tpu.dma_semaphore, #tpu.memory_space<semaphore_mem>>
      %dma_start3A_284 = arith.constant 0 : i32
      %dma_start3A_285 = tpu.memref_slice %arg4[%add3A_273, %dma_start3A_284] : memref<20480x128xf32, #tpu.memory_space<hbm>> -> memref<128x128xf32, #tpu.memory_space<hbm>>
      %dma_start3A_286 = arith.constant 0 : i32
      %dma_start3A_287 = tpu.memref_slice %arg4[%add3A_273, %dma_start3A_286] : memref<20480x128xf32, #tpu.memory_space<hbm>> -> memref<128x128xf32, #tpu.memory_space<hbm>>
      tpu.enqueue_dma source(%arg8 : memref<128x128xf32, #tpu.memory_space<vmem>>) target(%dma_start3A_287 : memref<128x128xf32, #tpu.memory_space<hbm>>) target_semaphore(%run_scoped3A_283 : memref<!tpu.dma_semaphore, #tpu.memory_space<semaphore_mem>>)
      %dma_wait3A_288 = arith.constant 0 : i32
      %dma_wait3A_289 = tpu.memref_slice %arg4[%add3A_273, %dma_wait3A_288] : memref<20480x128xf32, #tpu.memory_space<hbm>> -> memref<128x128xf32, #tpu.memory_space<hbm>>
      %dma_wait3A_290 = arith.constant 0 : i32
      %dma_wait3A_291 = tpu.memref_slice %arg4[%add3A_273, %dma_wait3A_290] : memref<20480x128xf32, #tpu.memory_space<hbm>> -> memref<128x128xf32, #tpu.memory_space<hbm>>
      tpu.wait_dma2 semaphore(%run_scoped3A_283 : memref<!tpu.dma_semaphore, #tpu.memory_space<semaphore_mem>>) src(%arg8 : memref<128x128xf32, #tpu.memory_space<vmem>>) dst(%dma_wait3A_291 : memref<128x128xf32, #tpu.memory_space<hbm>>)
      tpu.yield
    }) : () -> ()
    %mul3A_274 = arith.constant 5 : i32
    %mul3A_275 = arith.muli %arg1, %mul3A_274 : i32
    %add3A_276 = arith.constant 4 : i32
    %add3A_277 = arith.addi %mul3A_275, %add3A_276 : i32
    %mul3A_278 = arith.constant 128 : i32
    %mul3A_279 = arith.muli %add3A_277, %mul3A_278 : i32
    "tpu.region"() ({
      %run_scoped3A_283 = tpu.sem_alloc : memref<!tpu.dma_semaphore, #tpu.memory_space<semaphore_mem>>
      %dma_start3A_284 = arith.constant 0 : i32
      %dma_start3A_285 = tpu.memref_slice %arg10[%mul3A_279, %dma_start3A_284] : memref<10240x128xf32, #tpu.memory_space<vmem_shared>> -> memref<128x128xf32, #tpu.memory_space<vmem_shared>>
      %dma_start3A_286 = arith.constant 0 : i32
      %dma_start3A_287 = tpu.memref_slice %arg10[%mul3A_279, %dma_start3A_286] : memref<10240x128xf32, #tpu.memory_space<vmem_shared>> -> memref<128x128xf32, #tpu.memory_space<vmem_shared>>
      tpu.enqueue_dma source(%dma_start3A_287 : memref<128x128xf32, #tpu.memory_space<vmem_shared>>) target(%arg8 : memref<128x128xf32, #tpu.memory_space<vmem>>) target_semaphore(%run_scoped3A_283 : memref<!tpu.dma_semaphore, #tpu.memory_space<semaphore_mem>>)
      %dma_wait3A_288 = arith.constant 0 : i32
      %dma_wait3A_289 = tpu.memref_slice %arg10[%mul3A_279, %dma_wait3A_288] : memref<10240x128xf32, #tpu.memory_space<vmem_shared>> -> memref<128x128xf32, #tpu.memory_space<vmem_shared>>
      %dma_wait3A_290 = arith.constant 0 : i32
      %dma_wait3A_291 = tpu.memref_slice %arg10[%mul3A_279, %dma_wait3A_290] : memref<10240x128xf32, #tpu.memory_space<vmem_shared>> -> memref<128x128xf32, #tpu.memory_space<vmem_shared>>
      tpu.wait_dma2 semaphore(%run_scoped3A_283 : memref<!tpu.dma_semaphore, #tpu.memory_space<semaphore_mem>>) src(%dma_wait3A_291 : memref<128x128xf32, #tpu.memory_space<vmem_shared>>) dst(%arg8 : memref<128x128xf32, #tpu.memory_space<vmem>>)
      tpu.yield
    }) : () -> ()
    %mul3A_280 = arith.constant 10240 : i32
    %mul3A_281 = arith.muli %arg0, %mul3A_280 : i32
    %add3A_282 = arith.addi %mul3A_281, %mul3A_279 : i32
    "tpu.region"() ({
      %run_scoped3A_283 = tpu.sem_alloc : memref<!tpu.dma_semaphore, #tpu.memory_space<semaphore_mem>>
      %dma_start3A_284 = arith.constant 0 : i32
      %dma_start3A_285 = tpu.memref_slice %arg4[%add3A_282, %dma_start3A_284] : memref<20480x128xf32, #tpu.memory_space<hbm>> -> memref<128x128xf32, #tpu.memory_space<hbm>>
      %dma_start3A_286 = arith.constant 0 : i32
      %dma_start3A_287 = tpu.memref_slice %arg4[%add3A_282, %dma_start3A_286] : memref<20480x128xf32, #tpu.memory_space<hbm>> -> memref<128x128xf32, #tpu.memory_space<hbm>>
      tpu.enqueue_dma source(%arg8 : memref<128x128xf32, #tpu.memory_space<vmem>>) target(%dma_start3A_287 : memref<128x128xf32, #tpu.memory_space<hbm>>) target_semaphore(%run_scoped3A_283 : memref<!tpu.dma_semaphore, #tpu.memory_space<semaphore_mem>>)
      %dma_wait3A_288 = arith.constant 0 : i32
      %dma_wait3A_289 = tpu.memref_slice %arg4[%add3A_282, %dma_wait3A_288] : memref<20480x128xf32, #tpu.memory_space<hbm>> -> memref<128x128xf32, #tpu.memory_space<hbm>>
      %dma_wait3A_290 = arith.constant 0 : i32
      %dma_wait3A_291 = tpu.memref_slice %arg4[%add3A_282, %dma_wait3A_290] : memref<20480x128xf32, #tpu.memory_space<hbm>> -> memref<128x128xf32, #tpu.memory_space<hbm>>
      tpu.wait_dma2 semaphore(%run_scoped3A_283 : memref<!tpu.dma_semaphore, #tpu.memory_space<semaphore_mem>>) src(%arg8 : memref<128x128xf32, #tpu.memory_space<vmem>>) dst(%dma_wait3A_291 : memref<128x128xf32, #tpu.memory_space<hbm>>)
      tpu.yield
    }) : () -> ()
    return
  }
}

#map = affine_map<(d0, d1) -> (0, 0)>
#map1 = affine_map<(d0, d1) -> (0, 0, 0)>
module attributes {stable_mosaic.version = 14 : i64} {
  func.func @k(%arg0: i32, %arg1: i32, %arg2: memref<20000x128xf32, #tpu.memory_space<hbm>>, %arg3: memref<32x79x128xi32, #tpu.memory_space<hbm>>, %arg4: memref<20480x128xf32, #tpu.memory_space<hbm>>, %arg5: memref<79x128xi32, #tpu.memory_space<vmem>>, %arg6: memref<2x128xi32, #tpu.memory_space<vmem>>, %arg7: memref<2x128xi32, #tpu.memory_space<vmem>>, %arg8: memref<128x128xf32, #tpu.memory_space<vmem>>, %arg9: memref<128x128xf32, #tpu.memory_space<vmem>>, %arg10: memref<10240x128xf32, #tpu.memory_space<vmem_shared>>, %arg11: memref<!tpu.dma_semaphore, #tpu.memory_space<semaphore_mem>>, %arg12: memref<!tpu.dma_semaphore, #tpu.memory_space<semaphore_mem>>) attributes {dimension_semantics = [#tpu.dimension_semantics<core_parallel>, #tpu.dimension_semantics<subcore_parallel>], iteration_bounds = array<i64: 2, 16>, scalar_prefetch = 0 : i64, scratch_operands = 8 : i64, tpu.core_type = #tpu.core_type<sc_vector_subcore>, window_params = [{transform_indices = #map}, {transform_indices = #map1}, {transform_indices = #map}]} {
    %mul3A = arith.constant 16 : i32
    %mul3A_0 = arith.muli %arg0, %mul3A : i32
    %add3A = arith.addi %mul3A_0, %arg1 : i32
    "tpu.region"() ({
      %run_scoped3A_283 = tpu.sem_alloc : memref<!tpu.dma_semaphore, #tpu.memory_space<semaphore_mem>>
      %dma_start3A_284 = arith.constant 0 : i32
      %dma_start3A_285 = arith.constant 0 : i32
      %dma_start3A_286 = tpu.memref_slice %arg3[%add3A, %dma_start3A_284, %dma_start3A_285] : memref<32x79x128xi32, #tpu.memory_space<hbm>> -> memref<1x79x128xi32, #tpu.memory_space<hbm>>
      %dma_start3A_287 = tpu.memref_squeeze %dma_start3A_286 : memref<1x79x128xi32, #tpu.memory_space<hbm>> -> memref<79x128xi32, #tpu.memory_space<hbm>>
      %dma_start3A_288 = arith.constant 0 : i32
      %dma_start3A_289 = arith.constant 0 : i32
      %dma_start3A_290 = tpu.memref_slice %arg3[%add3A, %dma_start3A_288, %dma_start3A_289] : memref<32x79x128xi32, #tpu.memory_space<hbm>> -> memref<1x79x128xi32, #tpu.memory_space<hbm>>
      %dma_start3A_291 = tpu.memref_squeeze %dma_start3A_290 : memref<1x79x128xi32, #tpu.memory_space<hbm>> -> memref<79x128xi32, #tpu.memory_space<hbm>>
      tpu.enqueue_dma source(%dma_start3A_291 : memref<79x128xi32, #tpu.memory_space<hbm>>) target(%arg5 : memref<79x128xi32, #tpu.memory_space<vmem>>) target_semaphore(%run_scoped3A_283 : memref<!tpu.dma_semaphore, #tpu.memory_space<semaphore_mem>>)
      %dma_wait3A_292 = arith.constant 0 : i32
      %dma_wait3A_293 = arith.constant 0 : i32
      %dma_wait3A_294 = tpu.memref_slice %arg3[%add3A, %dma_wait3A_292, %dma_wait3A_293] : memref<32x79x128xi32, #tpu.memory_space<hbm>> -> memref<1x79x128xi32, #tpu.memory_space<hbm>>
      %dma_wait3A_295 = tpu.memref_squeeze %dma_wait3A_294 : memref<1x79x128xi32, #tpu.memory_space<hbm>> -> memref<79x128xi32, #tpu.memory_space<hbm>>
      %dma_wait3A_296 = arith.constant 0 : i32
      %dma_wait3A_297 = arith.constant 0 : i32
      %dma_wait3A_298 = tpu.memref_slice %arg3[%add3A, %dma_wait3A_296, %dma_wait3A_297] : memref<32x79x128xi32, #tpu.memory_space<hbm>> -> memref<1x79x128xi32, #tpu.memory_space<hbm>>
      %dma_wait3A_299 = tpu.memref_squeeze %dma_wait3A_298 : memref<1x79x128xi32, #tpu.memory_space<hbm>> -> memref<79x128xi32, #tpu.memory_space<hbm>>
      tpu.wait_dma2 semaphore(%run_scoped3A_283 : memref<!tpu.dma_semaphore, #tpu.memory_space<semaphore_mem>>) src(%dma_wait3A_299 : memref<79x128xi32, #tpu.memory_space<hbm>>) dst(%arg5 : memref<79x128xi32, #tpu.memory_space<vmem>>)
      tpu.yield
    }) : () -> ()
    %broadcast_in_dim3A = arith.constant 0.000000e+00 : f32
    %broadcast_in_dim3A_1 = vector.broadcast %broadcast_in_dim3A : f32 to vector<16xf32>
    %scan3A = arith.constant 0 : i32
    %scan3A_2 = arith.constant 0 : i32
    %scan3A_3 = arith.constant 128 : i32
    %scan3A_4 = arith.addi %scan3A_2, %scan3A_3 : i32
    %scan3A_5 = arith.constant 1 : i32
    %scan3A_6 = scf.for %scan3A_283 = %scan3A_2 to %scan3A_4 step %scan3A_5 iter_args(%scan3A_284 = %scan3A) -> (i32)  : i32 {
      %swap3A_285 = arith.index_cast %scan3A_283 : i32 to index
      %swap3A_286 = arith.constant 0 : index
      %swap3A_287 = tpu.vector_load %arg8[%swap3A_285, %swap3A_286] {strides = array<i32>} : memref<128x128xf32, #tpu.memory_space<vmem>>, vector<1x16xf32>,
      %swap3A_288 = vector.shape_cast %swap3A_287 : vector<1x16xf32> to vector<16xf32>
      %swap3A_289 = vector.shape_cast %broadcast_in_dim3A_1 : vector<16xf32> to vector<1x16xf32>
      tpu.vector_store %arg8[%swap3A_285, %swap3A_286], %swap3A_289 {strides = array<i32>} : memref<128x128xf32, #tpu.memory_space<vmem>>, vector<1x16xf32>,
      %swap3A_290 = arith.index_cast %scan3A_283 : i32 to index
      %swap3A_291 = arith.constant 16 : index
      %swap3A_292 = tpu.vector_load %arg8[%swap3A_290, %swap3A_291] {strides = array<i32>} : memref<128x128xf32, #tpu.memory_space<vmem>>, vector<1x16xf32>,
      %swap3A_293 = vector.shape_cast %swap3A_292 : vector<1x16xf32> to vector<16xf32>
      %swap3A_294 = vector.shape_cast %broadcast_in_dim3A_1 : vector<16xf32> to vector<1x16xf32>
      tpu.vector_store %arg8[%swap3A_290, %swap3A_291], %swap3A_294 {strides = array<i32>} : memref<128x128xf32, #tpu.memory_space<vmem>>, vector<1x16xf32>,
      %swap3A_295 = arith.index_cast %scan3A_283 : i32 to index
      %swap3A_296 = arith.constant 32 : index
      %swap3A_297 = tpu.vector_load %arg8[%swap3A_295, %swap3A_296] {strides = array<i32>} : memref<128x128xf32, #tpu.memory_space<vmem>>, vector<1x16xf32>,
      %swap3A_298 = vector.shape_cast %swap3A_297 : vector<1x16xf32> to vector<16xf32>
      %swap3A_299 = vector.shape_cast %broadcast_in_dim3A_1 : vector<16xf32> to vector<1x16xf32>
      tpu.vector_store %arg8[%swap3A_295, %swap3A_296], %swap3A_299 {strides = array<i32>} : memref<128x128xf32, #tpu.memory_space<vmem>>, vector<1x16xf32>,
      %swap3A_300 = arith.index_cast %scan3A_283 : i32 to index
      %swap3A_301 = arith.constant 48 : index
      %swap3A_302 = tpu.vector_load %arg8[%swap3A_300, %swap3A_301] {strides = array<i32>} : memref<128x128xf32, #tpu.memory_space<vmem>>, vector<1x16xf32>,
      %swap3A_303 = vector.shape_cast %swap3A_302 : vector<1x16xf32> to vector<16xf32>
      %swap3A_304 = vector.shape_cast %broadcast_in_dim3A_1 : vector<16xf32> to vector<1x16xf32>
      tpu.vector_store %arg8[%swap3A_300, %swap3A_301], %swap3A_304 {strides = array<i32>} : memref<128x128xf32, #tpu.memory_space<vmem>>, vector<1x16xf32>,
      %swap3A_305 = arith.index_cast %scan3A_283 : i32 to index
      %swap3A_306 = arith.constant 64 : index
      %swap3A_307 = tpu.vector_load %arg8[%swap3A_305, %swap3A_306] {strides = array<i32>} : memref<128x128xf32, #tpu.memory_space<vmem>>, vector<1x16xf32>,
      %swap3A_308 = vector.shape_cast %swap3A_307 : vector<1x16xf32> to vector<16xf32>
      %swap3A_309 = vector.shape_cast %broadcast_in_dim3A_1 : vector<16xf32> to vector<1x16xf32>
      tpu.vector_store %arg8[%swap3A_305, %swap3A_306], %swap3A_309 {strides = array<i32>} : memref<128x128xf32, #tpu.memory_space<vmem>>, vector<1x16xf32>,
      %swap3A_310 = arith.index_cast %scan3A_283 : i32 to index
      %swap3A_311 = arith.constant 80 : index
      %swap3A_312 = tpu.vector_load %arg8[%swap3A_310, %swap3A_311] {strides = array<i32>} : memref<128x128xf32, #tpu.memory_space<vmem>>, vector<1x16xf32>,
      %swap3A_313 = vector.shape_cast %swap3A_312 : vector<1x16xf32> to vector<16xf32>
      %swap3A_314 = vector.shape_cast %broadcast_in_dim3A_1 : vector<16xf32> to vector<1x16xf32>
      tpu.vector_store %arg8[%swap3A_310, %swap3A_311], %swap3A_314 {strides = array<i32>} : memref<128x128xf32, #tpu.memory_space<vmem>>, vector<1x16xf32>,
      %swap3A_315 = arith.index_cast %scan3A_283 : i32 to index
      %swap3A_316 = arith.constant 96 : index
      %swap3A_317 = tpu.vector_load %arg8[%swap3A_315, %swap3A_316] {strides = array<i32>} : memref<128x128xf32, #tpu.memory_space<vmem>>, vector<1x16xf32>,
      %swap3A_318 = vector.shape_cast %swap3A_317 : vector<1x16xf32> to vector<16xf32>
      %swap3A_319 = vector.shape_cast %broadcast_in_dim3A_1 : vector<16xf32> to vector<1x16xf32>
      tpu.vector_store %arg8[%swap3A_315, %swap3A_316], %swap3A_319 {strides = array<i32>} : memref<128x128xf32, #tpu.memory_space<vmem>>, vector<1x16xf32>,
      %swap3A_320 = arith.index_cast %scan3A_283 : i32 to index
      %swap3A_321 = arith.constant 112 : index
      %swap3A_322 = tpu.vector_load %arg8[%swap3A_320, %swap3A_321] {strides = array<i32>} : memref<128x128xf32, #tpu.memory_space<vmem>>, vector<1x16xf32>,
      %swap3A_323 = vector.shape_cast %swap3A_322 : vector<1x16xf32> to vector<16xf32>
      %swap3A_324 = vector.shape_cast %broadcast_in_dim3A_1 : vector<16xf32> to vector<1x16xf32>
      tpu.vector_store %arg8[%swap3A_320, %swap3A_321], %swap3A_324 {strides = array<i32>} : memref<128x128xf32, #tpu.memory_space<vmem>>, vector<1x16xf32>,
      %scan3A_325 = arith.constant 0 : i32
      scf.yield %scan3A_325 : i32
    }
    %scan3A_7 = arith.constant 128 : i32
    %mul3A_8 = arith.constant 5 : i32
    %mul3A_9 = arith.muli %arg1, %mul3A_8 : i32
    %add3A_10 = arith.constant 0 : i32
    %add3A_11 = arith.addi %mul3A_9, %add3A_10 : i32
    %mul3A_12 = arith.constant 128 : i32
    %mul3A_13 = arith.muli %add3A_11, %mul3A_12 : i32
    "tpu.region"() ({
      %run_scoped3A_283 = tpu.sem_alloc : memref<!tpu.dma_semaphore, #tpu.memory_space<semaphore_mem>>
      %dma_start3A_284 = arith.constant 0 : i32
      %dma_start3A_285 = tpu.memref_slice %arg10[%mul3A_13, %dma_start3A_284] : memref<10240x128xf32, #tpu.memory_space<vmem_shared>> -> memref<128x128xf32, #tpu.memory_space<vmem_shared>>
      %dma_start3A_286 = arith.constant 0 : i32
      %dma_start3A_287 = tpu.memref_slice %arg10[%mul3A_13, %dma_start3A_286] : memref<10240x128xf32, #tpu.memory_space<vmem_shared>> -> memref<128x128xf32, #tpu.memory_space<vmem_shared>>
      tpu.enqueue_dma source(%arg8 : memref<128x128xf32, #tpu.memory_space<vmem>>) target(%dma_start3A_287 : memref<128x128xf32, #tpu.memory_space<vmem_shared>>) target_semaphore(%run_scoped3A_283 : memref<!tpu.dma_semaphore, #tpu.memory_space<semaphore_mem>>)
      %dma_wait3A_288 = arith.constant 0 : i32
      %dma_wait3A_289 = tpu.memref_slice %arg10[%mul3A_13, %dma_wait3A_288] : memref<10240x128xf32, #tpu.memory_space<vmem_shared>> -> memref<128x128xf32, #tpu.memory_space<vmem_shared>>
      %dma_wait3A_290 = arith.constant 0 : i32
      %dma_wait3A_291 = tpu.memref_slice %arg10[%mul3A_13, %dma_wait3A_290] : memref<10240x128xf32, #tpu.memory_space<vmem_shared>> -> memref<128x128xf32, #tpu.memory_space<vmem_shared>>
      tpu.wait_dma2 semaphore(%run_scoped3A_283 : memref<!tpu.dma_semaphore, #tpu.memory_space<semaphore_mem>>) src(%arg8 : memref<128x128xf32, #tpu.memory_space<vmem>>) dst(%dma_wait3A_291 : memref<128x128xf32, #tpu.memory_space<vmem_shared>>)
      tpu.yield
    }) : () -> ()
    %mul3A_14 = arith.constant 5 : i32
    %mul3A_15 = arith.muli %arg1, %mul3A_14 : i32
    %add3A_16 = arith.constant 1 : i32
    %add3A_17 = arith.addi %mul3A_15, %add3A_16 : i32
    %mul3A_18 = arith.constant 128 : i32
    %mul3A_19 = arith.muli %add3A_17, %mul3A_18 : i32
    "tpu.region"() ({
      %run_scoped3A_283 = tpu.sem_alloc : memref<!tpu.dma_semaphore, #tpu.memory_space<semaphore_mem>>
      %dma_start3A_284 = arith.constant 0 : i32
      %dma_start3A_285 = tpu.memref_slice %arg10[%mul3A_19, %dma_start3A_284] : memref<10240x128xf32, #tpu.memory_space<vmem_shared>> -> memref<128x128xf32, #tpu.memory_space<vmem_shared>>
      %dma_start3A_286 = arith.constant 0 : i32
      %dma_start3A_287 = tpu.memref_slice %arg10[%mul3A_19, %dma_start3A_286] : memref<10240x128xf32, #tpu.memory_space<vmem_shared>> -> memref<128x128xf32, #tpu.memory_space<vmem_shared>>
      tpu.enqueue_dma source(%arg8 : memref<128x128xf32, #tpu.memory_space<vmem>>) target(%dma_start3A_287 : memref<128x128xf32, #tpu.memory_space<vmem_shared>>) target_semaphore(%run_scoped3A_283 : memref<!tpu.dma_semaphore, #tpu.memory_space<semaphore_mem>>)
      %dma_wait3A_288 = arith.constant 0 : i32
      %dma_wait3A_289 = tpu.memref_slice %arg10[%mul3A_19, %dma_wait3A_288] : memref<10240x128xf32, #tpu.memory_space<vmem_shared>> -> memref<128x128xf32, #tpu.memory_space<vmem_shared>>
      %dma_wait3A_290 = arith.constant 0 : i32
      %dma_wait3A_291 = tpu.memref_slice %arg10[%mul3A_19, %dma_wait3A_290] : memref<10240x128xf32, #tpu.memory_space<vmem_shared>> -> memref<128x128xf32, #tpu.memory_space<vmem_shared>>
      tpu.wait_dma2 semaphore(%run_scoped3A_283 : memref<!tpu.dma_semaphore, #tpu.memory_space<semaphore_mem>>) src(%arg8 : memref<128x128xf32, #tpu.memory_space<vmem>>) dst(%dma_wait3A_291 : memref<128x128xf32, #tpu.memory_space<vmem_shared>>)
      tpu.yield
    }) : () -> ()
    %mul3A_20 = arith.constant 5 : i32
    %mul3A_21 = arith.muli %arg1, %mul3A_20 : i32
    %add3A_22 = arith.constant 2 : i32
    %add3A_23 = arith.addi %mul3A_21, %add3A_22 : i32
    %mul3A_24 = arith.constant 128 : i32
    %mul3A_25 = arith.muli %add3A_23, %mul3A_24 : i32
    "tpu.region"() ({
      %run_scoped3A_283 = tpu.sem_alloc : memref<!tpu.dma_semaphore, #tpu.memory_space<semaphore_mem>>
      %dma_start3A_284 = arith.constant 0 : i32
      %dma_start3A_285 = tpu.memref_slice %arg10[%mul3A_25, %dma_start3A_284] : memref<10240x128xf32, #tpu.memory_space<vmem_shared>> -> memref<128x128xf32, #tpu.memory_space<vmem_shared>>
      %dma_start3A_286 = arith.constant 0 : i32
      %dma_start3A_287 = tpu.memref_slice %arg10[%mul3A_25, %dma_start3A_286] : memref<10240x128xf32, #tpu.memory_space<vmem_shared>> -> memref<128x128xf32, #tpu.memory_space<vmem_shared>>
      tpu.enqueue_dma source(%arg8 : memref<128x128xf32, #tpu.memory_space<vmem>>) target(%dma_start3A_287 : memref<128x128xf32, #tpu.memory_space<vmem_shared>>) target_semaphore(%run_scoped3A_283 : memref<!tpu.dma_semaphore, #tpu.memory_space<semaphore_mem>>)
      %dma_wait3A_288 = arith.constant 0 : i32
      %dma_wait3A_289 = tpu.memref_slice %arg10[%mul3A_25, %dma_wait3A_288] : memref<10240x128xf32, #tpu.memory_space<vmem_shared>> -> memref<128x128xf32, #tpu.memory_space<vmem_shared>>
      %dma_wait3A_290 = arith.constant 0 : i32
      %dma_wait3A_291 = tpu.memref_slice %arg10[%mul3A_25, %dma_wait3A_290] : memref<10240x128xf32, #tpu.memory_space<vmem_shared>> -> memref<128x128xf32, #tpu.memory_space<vmem_shared>>
      tpu.wait_dma2 semaphore(%run_scoped3A_283 : memref<!tpu.dma_semaphore, #tpu.memory_space<semaphore_mem>>) src(%arg8 : memref<128x128xf32, #tpu.memory_space<vmem>>) dst(%dma_wait3A_291 : memref<128x128xf32, #tpu.memory_space<vmem_shared>>)
      tpu.yield
    }) : () -> ()
    %mul3A_26 = arith.constant 5 : i32
    %mul3A_27 = arith.muli %arg1, %mul3A_26 : i32
    %add3A_28 = arith.constant 3 : i32
    %add3A_29 = arith.addi %mul3A_27, %add3A_28 : i32
    %mul3A_30 = arith.constant 128 : i32
    %mul3A_31 = arith.muli %add3A_29, %mul3A_30 : i32
    "tpu.region"() ({
      %run_scoped3A_283 = tpu.sem_alloc : memref<!tpu.dma_semaphore, #tpu.memory_space<semaphore_mem>>
      %dma_start3A_284 = arith.constant 0 : i32
      %dma_start3A_285 = tpu.memref_slice %arg10[%mul3A_31, %dma_start3A_284] : memref<10240x128xf32, #tpu.memory_space<vmem_shared>> -> memref<128x128xf32, #tpu.memory_space<vmem_shared>>
      %dma_start3A_286 = arith.constant 0 : i32
      %dma_start3A_287 = tpu.memref_slice %arg10[%mul3A_31, %dma_start3A_286] : memref<10240x128xf32, #tpu.memory_space<vmem_shared>> -> memref<128x128xf32, #tpu.memory_space<vmem_shared>>
      tpu.enqueue_dma source(%arg8 : memref<128x128xf32, #tpu.memory_space<vmem>>) target(%dma_start3A_287 : memref<128x128xf32, #tpu.memory_space<vmem_shared>>) target_semaphore(%run_scoped3A_283 : memref<!tpu.dma_semaphore, #tpu.memory_space<semaphore_mem>>)
      %dma_wait3A_288 = arith.constant 0 : i32
      %dma_wait3A_289 = tpu.memref_slice %arg10[%mul3A_31, %dma_wait3A_288] : memref<10240x128xf32, #tpu.memory_space<vmem_shared>> -> memref<128x128xf32, #tpu.memory_space<vmem_shared>>
      %dma_wait3A_290 = arith.constant 0 : i32
      %dma_wait3A_291 = tpu.memref_slice %arg10[%mul3A_31, %dma_wait3A_290] : memref<10240x128xf32, #tpu.memory_space<vmem_shared>> -> memref<128x128xf32, #tpu.memory_space<vmem_shared>>
      tpu.wait_dma2 semaphore(%run_scoped3A_283 : memref<!tpu.dma_semaphore, #tpu.memory_space<semaphore_mem>>) src(%arg8 : memref<128x128xf32, #tpu.memory_space<vmem>>) dst(%dma_wait3A_291 : memref<128x128xf32, #tpu.memory_space<vmem_shared>>)
      tpu.yield
    }) : () -> ()
    %mul3A_32 = arith.constant 5 : i32
    %mul3A_33 = arith.muli %arg1, %mul3A_32 : i32
    %add3A_34 = arith.constant 4 : i32
    %add3A_35 = arith.addi %mul3A_33, %add3A_34 : i32
    %mul3A_36 = arith.constant 128 : i32
    %mul3A_37 = arith.muli %add3A_35, %mul3A_36 : i32
    "tpu.region"() ({
      %run_scoped3A_283 = tpu.sem_alloc : memref<!tpu.dma_semaphore, #tpu.memory_space<semaphore_mem>>
      %dma_start3A_284 = arith.constant 0 : i32
      %dma_start3A_285 = tpu.memref_slice %arg10[%mul3A_37, %dma_start3A_284] : memref<10240x128xf32, #tpu.memory_space<vmem_shared>> -> memref<128x128xf32, #tpu.memory_space<vmem_shared>>
      %dma_start3A_286 = arith.constant 0 : i32
      %dma_start3A_287 = tpu.memref_slice %arg10[%mul3A_37, %dma_start3A_286] : memref<10240x128xf32, #tpu.memory_space<vmem_shared>> -> memref<128x128xf32, #tpu.memory_space<vmem_shared>>
      tpu.enqueue_dma source(%arg8 : memref<128x128xf32, #tpu.memory_space<vmem>>) target(%dma_start3A_287 : memref<128x128xf32, #tpu.memory_space<vmem_shared>>) target_semaphore(%run_scoped3A_283 : memref<!tpu.dma_semaphore, #tpu.memory_space<semaphore_mem>>)
      %dma_wait3A_288 = arith.constant 0 : i32
      %dma_wait3A_289 = tpu.memref_slice %arg10[%mul3A_37, %dma_wait3A_288] : memref<10240x128xf32, #tpu.memory_space<vmem_shared>> -> memref<128x128xf32, #tpu.memory_space<vmem_shared>>
      %dma_wait3A_290 = arith.constant 0 : i32
      %dma_wait3A_291 = tpu.memref_slice %arg10[%mul3A_37, %dma_wait3A_290] : memref<10240x128xf32, #tpu.memory_space<vmem_shared>> -> memref<128x128xf32, #tpu.memory_space<vmem_shared>>
      tpu.wait_dma2 semaphore(%run_scoped3A_283 : memref<!tpu.dma_semaphore, #tpu.memory_space<semaphore_mem>>) src(%arg8 : memref<128x128xf32, #tpu.memory_space<vmem>>) dst(%dma_wait3A_291 : memref<128x128xf32, #tpu.memory_space<vmem_shared>>)
      tpu.yield
    }) : () -> ()
    %barrier3A = arith.constant 0 : index
    tpu.barrier barrier_id(%barrier3A)
    %get3A = arith.constant 0 : i32
    %get3A_38 = arith.index_cast %get3A : i32 to index
    %get3A_39 = arith.constant 0 : index
    %get3A_40 = tpu.vector_load %arg5[%get3A_38, %get3A_39] {strides = array<i32>} : memref<79x128xi32, #tpu.memory_space<vmem>>, vector<1x16xi32>,
    %get3A_41 = vector.shape_cast %get3A_40 : vector<1x16xi32> to vector<16xi32>
    %and3A = arith.constant 32767 : i32
    %and3A_42 = vector.broadcast %and3A : i32 to vector<16xi32>
    %and3A_43 = arith.andi %get3A_41, %and3A_42 : vector<16xi32>
    %swap3A = arith.constant 0 : i32
    %swap3A_44 = arith.index_cast %swap3A : i32 to index
    %swap3A_45 = arith.constant 0 : index
    %swap3A_46 = tpu.vector_load %arg6[%swap3A_44, %swap3A_45] {strides = array<i32>} : memref<2x128xi32, #tpu.memory_space<vmem>>, vector<1x16xi32>,
    %swap3A_47 = vector.shape_cast %swap3A_46 : vector<1x16xi32> to vector<16xi32>
    %swap3A_48 = vector.shape_cast %and3A_43 : vector<16xi32> to vector<1x16xi32>
    tpu.vector_store %arg6[%swap3A_44, %swap3A_45], %swap3A_48 {strides = array<i32>} : memref<2x128xi32, #tpu.memory_space<vmem>>, vector<1x16xi32>,
    %shift_right_logical3A = arith.constant 15 : i32
    %shift_right_logical3A_49 = vector.broadcast %shift_right_logical3A : i32 to vector<16xi32>
    %shift_right_logical3A_50 = arith.shrui %get3A_41, %shift_right_logical3A_49 : vector<16xi32>
    %swap3A_51 = arith.constant 0 : i32
    %swap3A_52 = arith.index_cast %swap3A_51 : i32 to index
    %swap3A_53 = arith.constant 0 : index
    %swap3A_54 = tpu.vector_load %arg7[%swap3A_52, %swap3A_53] {strides = array<i32>} : memref<2x128xi32, #tpu.memory_space<vmem>>, vector<1x16xi32>,
    %swap3A_55 = vector.shape_cast %swap3A_54 : vector<1x16xi32> to vector<16xi32>
    %swap3A_56 = vector.shape_cast %shift_right_logical3A_50 : vector<16xi32> to vector<1x16xi32>
    tpu.vector_store %arg7[%swap3A_52, %swap3A_53], %swap3A_56 {strides = array<i32>} : memref<2x128xi32, #tpu.memory_space<vmem>>, vector<1x16xi32>,
    %get3A_57 = arith.constant 0 : i32
    %get3A_58 = arith.index_cast %get3A_57 : i32 to index
    %get3A_59 = arith.constant 16 : index
    %get3A_60 = tpu.vector_load %arg5[%get3A_58, %get3A_59] {strides = array<i32>} : memref<79x128xi32, #tpu.memory_space<vmem>>, vector<1x16xi32>,
    %get3A_61 = vector.shape_cast %get3A_60 : vector<1x16xi32> to vector<16xi32>
    %and3A_62 = arith.constant 32767 : i32
    %and3A_63 = vector.broadcast %and3A_62 : i32 to vector<16xi32>
    %and3A_64 = arith.andi %get3A_61, %and3A_63 : vector<16xi32>
    %swap3A_65 = arith.constant 0 : i32
    %swap3A_66 = arith.index_cast %swap3A_65 : i32 to index
    %swap3A_67 = arith.constant 16 : index
    %swap3A_68 = tpu.vector_load %arg6[%swap3A_66, %swap3A_67] {strides = array<i32>} : memref<2x128xi32, #tpu.memory_space<vmem>>, vector<1x16xi32>,
    %swap3A_69 = vector.shape_cast %swap3A_68 : vector<1x16xi32> to vector<16xi32>
    %swap3A_70 = vector.shape_cast %and3A_64 : vector<16xi32> to vector<1x16xi32>
    tpu.vector_store %arg6[%swap3A_66, %swap3A_67], %swap3A_70 {strides = array<i32>} : memref<2x128xi32, #tpu.memory_space<vmem>>, vector<1x16xi32>,
    %shift_right_logical3A_71 = arith.constant 15 : i32
    %shift_right_logical3A_72 = vector.broadcast %shift_right_logical3A_71 : i32 to vector<16xi32>
    %shift_right_logical3A_73 = arith.shrui %get3A_61, %shift_right_logical3A_72 : vector<16xi32>
    %swap3A_74 = arith.constant 0 : i32
    %swap3A_75 = arith.index_cast %swap3A_74 : i32 to index
    %swap3A_76 = arith.constant 16 : index
    %swap3A_77 = tpu.vector_load %arg7[%swap3A_75, %swap3A_76] {strides = array<i32>} : memref<2x128xi32, #tpu.memory_space<vmem>>, vector<1x16xi32>,
    %swap3A_78 = vector.shape_cast %swap3A_77 : vector<1x16xi32> to vector<16xi32>
    %swap3A_79 = vector.shape_cast %shift_right_logical3A_73 : vector<16xi32> to vector<1x16xi32>
    tpu.vector_store %arg7[%swap3A_75, %swap3A_76], %swap3A_79 {strides = array<i32>} : memref<2x128xi32, #tpu.memory_space<vmem>>, vector<1x16xi32>,
    %get3A_80 = arith.constant 0 : i32
    %get3A_81 = arith.index_cast %get3A_80 : i32 to index
    %get3A_82 = arith.constant 32 : index
    %get3A_83 = tpu.vector_load %arg5[%get3A_81, %get3A_82] {strides = array<i32>} : memref<79x128xi32, #tpu.memory_space<vmem>>, vector<1x16xi32>,
    %get3A_84 = vector.shape_cast %get3A_83 : vector<1x16xi32> to vector<16xi32>
    %and3A_85 = arith.constant 32767 : i32
    %and3A_86 = vector.broadcast %and3A_85 : i32 to vector<16xi32>
    %and3A_87 = arith.andi %get3A_84, %and3A_86 : vector<16xi32>
    %swap3A_88 = arith.constant 0 : i32
    %swap3A_89 = arith.index_cast %swap3A_88 : i32 to index
    %swap3A_90 = arith.constant 32 : index
    %swap3A_91 = tpu.vector_load %arg6[%swap3A_89, %swap3A_90] {strides = array<i32>} : memref<2x128xi32, #tpu.memory_space<vmem>>, vector<1x16xi32>,
    %swap3A_92 = vector.shape_cast %swap3A_91 : vector<1x16xi32> to vector<16xi32>
    %swap3A_93 = vector.shape_cast %and3A_87 : vector<16xi32> to vector<1x16xi32>
    tpu.vector_store %arg6[%swap3A_89, %swap3A_90], %swap3A_93 {strides = array<i32>} : memref<2x128xi32, #tpu.memory_space<vmem>>, vector<1x16xi32>,
    %shift_right_logical3A_94 = arith.constant 15 : i32
    %shift_right_logical3A_95 = vector.broadcast %shift_right_logical3A_94 : i32 to vector<16xi32>
    %shift_right_logical3A_96 = arith.shrui %get3A_84, %shift_right_logical3A_95 : vector<16xi32>
    %swap3A_97 = arith.constant 0 : i32
    %swap3A_98 = arith.index_cast %swap3A_97 : i32 to index
    %swap3A_99 = arith.constant 32 : index
    %swap3A_100 = tpu.vector_load %arg7[%swap3A_98, %swap3A_99] {strides = array<i32>} : memref<2x128xi32, #tpu.memory_space<vmem>>, vector<1x16xi32>,
    %swap3A_101 = vector.shape_cast %swap3A_100 : vector<1x16xi32> to vector<16xi32>
    %swap3A_102 = vector.shape_cast %shift_right_logical3A_96 : vector<16xi32> to vector<1x16xi32>
    tpu.vector_store %arg7[%swap3A_98, %swap3A_99], %swap3A_102 {strides = array<i32>} : memref<2x128xi32, #tpu.memory_space<vmem>>, vector<1x16xi32>,
    %get3A_103 = arith.constant 0 : i32
    %get3A_104 = arith.index_cast %get3A_103 : i32 to index
    %get3A_105 = arith.constant 48 : index
    %get3A_106 = tpu.vector_load %arg5[%get3A_104, %get3A_105] {strides = array<i32>} : memref<79x128xi32, #tpu.memory_space<vmem>>, vector<1x16xi32>,
    %get3A_107 = vector.shape_cast %get3A_106 : vector<1x16xi32> to vector<16xi32>
    %and3A_108 = arith.constant 32767 : i32
    %and3A_109 = vector.broadcast %and3A_108 : i32 to vector<16xi32>
    %and3A_110 = arith.andi %get3A_107, %and3A_109 : vector<16xi32>
    %swap3A_111 = arith.constant 0 : i32
    %swap3A_112 = arith.index_cast %swap3A_111 : i32 to index
    %swap3A_113 = arith.constant 48 : index
    %swap3A_114 = tpu.vector_load %arg6[%swap3A_112, %swap3A_113] {strides = array<i32>} : memref<2x128xi32, #tpu.memory_space<vmem>>, vector<1x16xi32>,
    %swap3A_115 = vector.shape_cast %swap3A_114 : vector<1x16xi32> to vector<16xi32>
    %swap3A_116 = vector.shape_cast %and3A_110 : vector<16xi32> to vector<1x16xi32>
    tpu.vector_store %arg6[%swap3A_112, %swap3A_113], %swap3A_116 {strides = array<i32>} : memref<2x128xi32, #tpu.memory_space<vmem>>, vector<1x16xi32>,
    %shift_right_logical3A_117 = arith.constant 15 : i32
    %shift_right_logical3A_118 = vector.broadcast %shift_right_logical3A_117 : i32 to vector<16xi32>
    %shift_right_logical3A_119 = arith.shrui %get3A_107, %shift_right_logical3A_118 : vector<16xi32>
    %swap3A_120 = arith.constant 0 : i32
    %swap3A_121 = arith.index_cast %swap3A_120 : i32 to index
    %swap3A_122 = arith.constant 48 : index
    %swap3A_123 = tpu.vector_load %arg7[%swap3A_121, %swap3A_122] {strides = array<i32>} : memref<2x128xi32, #tpu.memory_space<vmem>>, vector<1x16xi32>,
    %swap3A_124 = vector.shape_cast %swap3A_123 : vector<1x16xi32> to vector<16xi32>
    %swap3A_125 = vector.shape_cast %shift_right_logical3A_119 : vector<16xi32> to vector<1x16xi32>
    tpu.vector_store %arg7[%swap3A_121, %swap3A_122], %swap3A_125 {strides = array<i32>} : memref<2x128xi32, #tpu.memory_space<vmem>>, vector<1x16xi32>,
    %get3A_126 = arith.constant 0 : i32
    %get3A_127 = arith.index_cast %get3A_126 : i32 to index
    %get3A_128 = arith.constant 64 : index
    %get3A_129 = tpu.vector_load %arg5[%get3A_127, %get3A_128] {strides = array<i32>} : memref<79x128xi32, #tpu.memory_space<vmem>>, vector<1x16xi32>,
    %get3A_130 = vector.shape_cast %get3A_129 : vector<1x16xi32> to vector<16xi32>
    %and3A_131 = arith.constant 32767 : i32
    %and3A_132 = vector.broadcast %and3A_131 : i32 to vector<16xi32>
    %and3A_133 = arith.andi %get3A_130, %and3A_132 : vector<16xi32>
    %swap3A_134 = arith.constant 0 : i32
    %swap3A_135 = arith.index_cast %swap3A_134 : i32 to index
    %swap3A_136 = arith.constant 64 : index
    %swap3A_137 = tpu.vector_load %arg6[%swap3A_135, %swap3A_136] {strides = array<i32>} : memref<2x128xi32, #tpu.memory_space<vmem>>, vector<1x16xi32>,
    %swap3A_138 = vector.shape_cast %swap3A_137 : vector<1x16xi32> to vector<16xi32>
    %swap3A_139 = vector.shape_cast %and3A_133 : vector<16xi32> to vector<1x16xi32>
    tpu.vector_store %arg6[%swap3A_135, %swap3A_136], %swap3A_139 {strides = array<i32>} : memref<2x128xi32, #tpu.memory_space<vmem>>, vector<1x16xi32>,
    %shift_right_logical3A_140 = arith.constant 15 : i32
    %shift_right_logical3A_141 = vector.broadcast %shift_right_logical3A_140 : i32 to vector<16xi32>
    %shift_right_logical3A_142 = arith.shrui %get3A_130, %shift_right_logical3A_141 : vector<16xi32>
    %swap3A_143 = arith.constant 0 : i32
    %swap3A_144 = arith.index_cast %swap3A_143 : i32 to index
    %swap3A_145 = arith.constant 64 : index
    %swap3A_146 = tpu.vector_load %arg7[%swap3A_144, %swap3A_145] {strides = array<i32>} : memref<2x128xi32, #tpu.memory_space<vmem>>, vector<1x16xi32>,
    %swap3A_147 = vector.shape_cast %swap3A_146 : vector<1x16xi32> to vector<16xi32>
    %swap3A_148 = vector.shape_cast %shift_right_logical3A_142 : vector<16xi32> to vector<1x16xi32>
    tpu.vector_store %arg7[%swap3A_144, %swap3A_145], %swap3A_148 {strides = array<i32>} : memref<2x128xi32, #tpu.memory_space<vmem>>, vector<1x16xi32>,
    %get3A_149 = arith.constant 0 : i32
    %get3A_150 = arith.index_cast %get3A_149 : i32 to index
    %get3A_151 = arith.constant 80 : index
    %get3A_152 = tpu.vector_load %arg5[%get3A_150, %get3A_151] {strides = array<i32>} : memref<79x128xi32, #tpu.memory_space<vmem>>, vector<1x16xi32>,
    %get3A_153 = vector.shape_cast %get3A_152 : vector<1x16xi32> to vector<16xi32>
    %and3A_154 = arith.constant 32767 : i32
    %and3A_155 = vector.broadcast %and3A_154 : i32 to vector<16xi32>
    %and3A_156 = arith.andi %get3A_153, %and3A_155 : vector<16xi32>
    %swap3A_157 = arith.constant 0 : i32
    %swap3A_158 = arith.index_cast %swap3A_157 : i32 to index
    %swap3A_159 = arith.constant 80 : index
    %swap3A_160 = tpu.vector_load %arg6[%swap3A_158, %swap3A_159] {strides = array<i32>} : memref<2x128xi32, #tpu.memory_space<vmem>>, vector<1x16xi32>,
    %swap3A_161 = vector.shape_cast %swap3A_160 : vector<1x16xi32> to vector<16xi32>
    %swap3A_162 = vector.shape_cast %and3A_156 : vector<16xi32> to vector<1x16xi32>
    tpu.vector_store %arg6[%swap3A_158, %swap3A_159], %swap3A_162 {strides = array<i32>} : memref<2x128xi32, #tpu.memory_space<vmem>>, vector<1x16xi32>,
    %shift_right_logical3A_163 = arith.constant 15 : i32
    %shift_right_logical3A_164 = vector.broadcast %shift_right_logical3A_163 : i32 to vector<16xi32>
    %shift_right_logical3A_165 = arith.shrui %get3A_153, %shift_right_logical3A_164 : vector<16xi32>
    %swap3A_166 = arith.constant 0 : i32
    %swap3A_167 = arith.index_cast %swap3A_166 : i32 to index
    %swap3A_168 = arith.constant 80 : index
    %swap3A_169 = tpu.vector_load %arg7[%swap3A_167, %swap3A_168] {strides = array<i32>} : memref<2x128xi32, #tpu.memory_space<vmem>>, vector<1x16xi32>,
    %swap3A_170 = vector.shape_cast %swap3A_169 : vector<1x16xi32> to vector<16xi32>
    %swap3A_171 = vector.shape_cast %shift_right_logical3A_165 : vector<16xi32> to vector<1x16xi32>
    tpu.vector_store %arg7[%swap3A_167, %swap3A_168], %swap3A_171 {strides = array<i32>} : memref<2x128xi32, #tpu.memory_space<vmem>>, vector<1x16xi32>,
    %get3A_172 = arith.constant 0 : i32
    %get3A_173 = arith.index_cast %get3A_172 : i32 to index
    %get3A_174 = arith.constant 96 : index
    %get3A_175 = tpu.vector_load %arg5[%get3A_173, %get3A_174] {strides = array<i32>} : memref<79x128xi32, #tpu.memory_space<vmem>>, vector<1x16xi32>,
    %get3A_176 = vector.shape_cast %get3A_175 : vector<1x16xi32> to vector<16xi32>
    %and3A_177 = arith.constant 32767 : i32
    %and3A_178 = vector.broadcast %and3A_177 : i32 to vector<16xi32>
    %and3A_179 = arith.andi %get3A_176, %and3A_178 : vector<16xi32>
    %swap3A_180 = arith.constant 0 : i32
    %swap3A_181 = arith.index_cast %swap3A_180 : i32 to index
    %swap3A_182 = arith.constant 96 : index
    %swap3A_183 = tpu.vector_load %arg6[%swap3A_181, %swap3A_182] {strides = array<i32>} : memref<2x128xi32, #tpu.memory_space<vmem>>, vector<1x16xi32>,
    %swap3A_184 = vector.shape_cast %swap3A_183 : vector<1x16xi32> to vector<16xi32>
    %swap3A_185 = vector.shape_cast %and3A_179 : vector<16xi32> to vector<1x16xi32>
    tpu.vector_store %arg6[%swap3A_181, %swap3A_182], %swap3A_185 {strides = array<i32>} : memref<2x128xi32, #tpu.memory_space<vmem>>, vector<1x16xi32>,
    %shift_right_logical3A_186 = arith.constant 15 : i32
    %shift_right_logical3A_187 = vector.broadcast %shift_right_logical3A_186 : i32 to vector<16xi32>
    %shift_right_logical3A_188 = arith.shrui %get3A_176, %shift_right_logical3A_187 : vector<16xi32>
    %swap3A_189 = arith.constant 0 : i32
    %swap3A_190 = arith.index_cast %swap3A_189 : i32 to index
    %swap3A_191 = arith.constant 96 : index
    %swap3A_192 = tpu.vector_load %arg7[%swap3A_190, %swap3A_191] {strides = array<i32>} : memref<2x128xi32, #tpu.memory_space<vmem>>, vector<1x16xi32>,
    %swap3A_193 = vector.shape_cast %swap3A_192 : vector<1x16xi32> to vector<16xi32>
    %swap3A_194 = vector.shape_cast %shift_right_logical3A_188 : vector<16xi32> to vector<1x16xi32>
    tpu.vector_store %arg7[%swap3A_190, %swap3A_191], %swap3A_194 {strides = array<i32>} : memref<2x128xi32, #tpu.memory_space<vmem>>, vector<1x16xi32>,
    %get3A_195 = arith.constant 0 : i32
    %get3A_196 = arith.index_cast %get3A_195 : i32 to index
    %get3A_197 = arith.constant 112 : index
    %get3A_198 = tpu.vector_load %arg5[%get3A_196, %get3A_197] {strides = array<i32>} : memref<79x128xi32, #tpu.memory_space<vmem>>, vector<1x16xi32>,
    %get3A_199 = vector.shape_cast %get3A_198 : vector<1x16xi32> to vector<16xi32>
    %and3A_200 = arith.constant 32767 : i32
    %and3A_201 = vector.broadcast %and3A_200 : i32 to vector<16xi32>
    %and3A_202 = arith.andi %get3A_199, %and3A_201 : vector<16xi32>
    %swap3A_203 = arith.constant 0 : i32
    %swap3A_204 = arith.index_cast %swap3A_203 : i32 to index
    %swap3A_205 = arith.constant 112 : index
    %swap3A_206 = tpu.vector_load %arg6[%swap3A_204, %swap3A_205] {strides = array<i32>} : memref<2x128xi32, #tpu.memory_space<vmem>>, vector<1x16xi32>,
    %swap3A_207 = vector.shape_cast %swap3A_206 : vector<1x16xi32> to vector<16xi32>
    %swap3A_208 = vector.shape_cast %and3A_202 : vector<16xi32> to vector<1x16xi32>
    tpu.vector_store %arg6[%swap3A_204, %swap3A_205], %swap3A_208 {strides = array<i32>} : memref<2x128xi32, #tpu.memory_space<vmem>>, vector<1x16xi32>,
    %shift_right_logical3A_209 = arith.constant 15 : i32
    %shift_right_logical3A_210 = vector.broadcast %shift_right_logical3A_209 : i32 to vector<16xi32>
    %shift_right_logical3A_211 = arith.shrui %get3A_199, %shift_right_logical3A_210 : vector<16xi32>
    %swap3A_212 = arith.constant 0 : i32
    %swap3A_213 = arith.index_cast %swap3A_212 : i32 to index
    %swap3A_214 = arith.constant 112 : index
    %swap3A_215 = tpu.vector_load %arg7[%swap3A_213, %swap3A_214] {strides = array<i32>} : memref<2x128xi32, #tpu.memory_space<vmem>>, vector<1x16xi32>,
    %swap3A_216 = vector.shape_cast %swap3A_215 : vector<1x16xi32> to vector<16xi32>
    %swap3A_217 = vector.shape_cast %shift_right_logical3A_211 : vector<16xi32> to vector<1x16xi32>
    tpu.vector_store %arg7[%swap3A_213, %swap3A_214], %swap3A_217 {strides = array<i32>} : memref<2x128xi32, #tpu.memory_space<vmem>>, vector<1x16xi32>,
    %dma_start3A = arith.constant 0 : i32
    %dma_start3A_218 = arith.constant 0 : i32
    %dma_start3A_219 = tpu.memref_slice %arg6[%dma_start3A, %dma_start3A_218] : memref<2x128xi32, #tpu.memory_space<vmem>> -> memref<1x128xi32, #tpu.memory_space<vmem>>
    %dma_start3A_220 = tpu.memref_squeeze %dma_start3A_219 : memref<1x128xi32, #tpu.memory_space<vmem>> -> memref<128xi32, #tpu.memory_space<vmem>>
    %dma_start3A_221 = arith.constant 0 : i32
    %dma_start3A_222 = arith.constant 0 : i32
    %dma_start3A_223 = tpu.memref_slice %arg2[%dma_start3A_221, %dma_start3A_222] : memref<20000x128xf32, #tpu.memory_space<hbm>> -> memref<20000x128xf32, #tpu.memory_space<hbm>>
    tpu.enqueue_indirect_dma source(%dma_start3A_223 : memref<20000x128xf32, #tpu.memory_space<hbm>>) target(%arg8 : memref<128x128xf32, #tpu.memory_space<vmem>>) offsets(%dma_start3A_220 : memref<128xi32, #tpu.memory_space<vmem>>) semaphore(%arg11 : memref<!tpu.dma_semaphore, #tpu.memory_space<semaphore_mem>>)
    %scan3A_224 = arith.constant 0 : i32
    %scan3A_225 = arith.constant 0 : i32
    %scan3A_226 = arith.constant 39 : i32
    %scan3A_227 = arith.addi %scan3A_225, %scan3A_226 : i32
    %scan3A_228 = arith.constant 1 : i32
    %scan3A_229 = scf.for %scan3A_283 = %scan3A_225 to %scan3A_227 step %scan3A_228 iter_args(%scan3A_284 = %scan3A_224) -> (i32)  : i32 {
      %mul3A_285 = arith.constant 2 : i32
      %mul3A_286 = arith.muli %mul3A_285, %scan3A_283 : i32
      %add3A_287 = arith.constant 1 : i32
      %add3A_288 = arith.addi %mul3A_286, %add3A_287 : i32
      %get3A_289 = arith.index_cast %add3A_288 : i32 to index
      %get3A_290 = arith.constant 0 : index
      %get3A_291 = tpu.vector_load %arg5[%get3A_289, %get3A_290] {strides = array<i32>} : memref<79x128xi32, #tpu.memory_space<vmem>>, vector<1x16xi32>,
      %get3A_292 = vector.shape_cast %get3A_291 : vector<1x16xi32> to vector<16xi32>
      %and3A_293 = arith.constant 32767 : i32
      %and3A_294 = vector.broadcast %and3A_293 : i32 to vector<16xi32>
      %and3A_295 = arith.andi %get3A_292, %and3A_294 : vector<16xi32>
      %swap3A_296 = arith.constant 1 : i32
      %swap3A_297 = arith.index_cast %swap3A_296 : i32 to index
      %swap3A_298 = arith.constant 0 : index
      %swap3A_299 = tpu.vector_load %arg6[%swap3A_297, %swap3A_298] {strides = array<i32>} : memref<2x128xi32, #tpu.memory_space<vmem>>, vector<1x16xi32>,
      %swap3A_300 = vector.shape_cast %swap3A_299 : vector<1x16xi32> to vector<16xi32>
      %swap3A_301 = vector.shape_cast %and3A_295 : vector<16xi32> to vector<1x16xi32>
      tpu.vector_store %arg6[%swap3A_297, %swap3A_298], %swap3A_301 {strides = array<i32>} : memref<2x128xi32, #tpu.memory_space<vmem>>, vector<1x16xi32>,
      %shift_right_logical3A_302 = arith.constant 15 : i32
      %shift_right_logical3A_303 = vector.broadcast %shift_right_logical3A_302 : i32 to vector<16xi32>
      %shift_right_logical3A_304 = arith.shrui %get3A_292, %shift_right_logical3A_303 : vector<16xi32>
      %swap3A_305 = arith.constant 1 : i32
      %swap3A_306 = arith.index_cast %swap3A_305 : i32 to index
      %swap3A_307 = arith.constant 0 : index
      %swap3A_308 = tpu.vector_load %arg7[%swap3A_306, %swap3A_307] {strides = array<i32>} : memref<2x128xi32, #tpu.memory_space<vmem>>, vector<1x16xi32>,
      %swap3A_309 = vector.shape_cast %swap3A_308 : vector<1x16xi32> to vector<16xi32>
      %swap3A_310 = vector.shape_cast %shift_right_logical3A_304 : vector<16xi32> to vector<1x16xi32>
      tpu.vector_store %arg7[%swap3A_306, %swap3A_307], %swap3A_310 {strides = array<i32>} : memref<2x128xi32, #tpu.memory_space<vmem>>, vector<1x16xi32>,
      %get3A_311 = arith.index_cast %add3A_288 : i32 to index
      %get3A_312 = arith.constant 16 : index
      %get3A_313 = tpu.vector_load %arg5[%get3A_311, %get3A_312] {strides = array<i32>} : memref<79x128xi32, #tpu.memory_space<vmem>>, vector<1x16xi32>,
      %get3A_314 = vector.shape_cast %get3A_313 : vector<1x16xi32> to vector<16xi32>
      %and3A_315 = arith.constant 32767 : i32
      %and3A_316 = vector.broadcast %and3A_315 : i32 to vector<16xi32>
      %and3A_317 = arith.andi %get3A_314, %and3A_316 : vector<16xi32>
      %swap3A_318 = arith.constant 1 : i32
      %swap3A_319 = arith.index_cast %swap3A_318 : i32 to index
      %swap3A_320 = arith.constant 16 : index
      %swap3A_321 = tpu.vector_load %arg6[%swap3A_319, %swap3A_320] {strides = array<i32>} : memref<2x128xi32, #tpu.memory_space<vmem>>, vector<1x16xi32>,
      %swap3A_322 = vector.shape_cast %swap3A_321 : vector<1x16xi32> to vector<16xi32>
      %swap3A_323 = vector.shape_cast %and3A_317 : vector<16xi32> to vector<1x16xi32>
      tpu.vector_store %arg6[%swap3A_319, %swap3A_320], %swap3A_323 {strides = array<i32>} : memref<2x128xi32, #tpu.memory_space<vmem>>, vector<1x16xi32>,
      %shift_right_logical3A_324 = arith.constant 15 : i32
      %shift_right_logical3A_325 = vector.broadcast %shift_right_logical3A_324 : i32 to vector<16xi32>
      %shift_right_logical3A_326 = arith.shrui %get3A_314, %shift_right_logical3A_325 : vector<16xi32>
      %swap3A_327 = arith.constant 1 : i32
      %swap3A_328 = arith.index_cast %swap3A_327 : i32 to index
      %swap3A_329 = arith.constant 16 : index
      %swap3A_330 = tpu.vector_load %arg7[%swap3A_328, %swap3A_329] {strides = array<i32>} : memref<2x128xi32, #tpu.memory_space<vmem>>, vector<1x16xi32>,
      %swap3A_331 = vector.shape_cast %swap3A_330 : vector<1x16xi32> to vector<16xi32>
      %swap3A_332 = vector.shape_cast %shift_right_logical3A_326 : vector<16xi32> to vector<1x16xi32>
      tpu.vector_store %arg7[%swap3A_328, %swap3A_329], %swap3A_332 {strides = array<i32>} : memref<2x128xi32, #tpu.memory_space<vmem>>, vector<1x16xi32>,
      %get3A_333 = arith.index_cast %add3A_288 : i32 to index
      %get3A_334 = arith.constant 32 : index
      %get3A_335 = tpu.vector_load %arg5[%get3A_333, %get3A_334] {strides = array<i32>} : memref<79x128xi32, #tpu.memory_space<vmem>>, vector<1x16xi32>,
      %get3A_336 = vector.shape_cast %get3A_335 : vector<1x16xi32> to vector<16xi32>
      %and3A_337 = arith.constant 32767 : i32
      %and3A_338 = vector.broadcast %and3A_337 : i32 to vector<16xi32>
      %and3A_339 = arith.andi %get3A_336, %and3A_338 : vector<16xi32>
      %swap3A_340 = arith.constant 1 : i32
      %swap3A_341 = arith.index_cast %swap3A_340 : i32 to index
      %swap3A_342 = arith.constant 32 : index
      %swap3A_343 = tpu.vector_load %arg6[%swap3A_341, %swap3A_342] {strides = array<i32>} : memref<2x128xi32, #tpu.memory_space<vmem>>, vector<1x16xi32>,
      %swap3A_344 = vector.shape_cast %swap3A_343 : vector<1x16xi32> to vector<16xi32>
      %swap3A_345 = vector.shape_cast %and3A_339 : vector<16xi32> to vector<1x16xi32>
      tpu.vector_store %arg6[%swap3A_341, %swap3A_342], %swap3A_345 {strides = array<i32>} : memref<2x128xi32, #tpu.memory_space<vmem>>, vector<1x16xi32>,
      %shift_right_logical3A_346 = arith.constant 15 : i32
      %shift_right_logical3A_347 = vector.broadcast %shift_right_logical3A_346 : i32 to vector<16xi32>
      %shift_right_logical3A_348 = arith.shrui %get3A_336, %shift_right_logical3A_347 : vector<16xi32>
      %swap3A_349 = arith.constant 1 : i32
      %swap3A_350 = arith.index_cast %swap3A_349 : i32 to index
      %swap3A_351 = arith.constant 32 : index
      %swap3A_352 = tpu.vector_load %arg7[%swap3A_350, %swap3A_351] {strides = array<i32>} : memref<2x128xi32, #tpu.memory_space<vmem>>, vector<1x16xi32>,
      %swap3A_353 = vector.shape_cast %swap3A_352 : vector<1x16xi32> to vector<16xi32>
      %swap3A_354 = vector.shape_cast %shift_right_logical3A_348 : vector<16xi32> to vector<1x16xi32>
      tpu.vector_store %arg7[%swap3A_350, %swap3A_351], %swap3A_354 {strides = array<i32>} : memref<2x128xi32, #tpu.memory_space<vmem>>, vector<1x16xi32>,
      %get3A_355 = arith.index_cast %add3A_288 : i32 to index
      %get3A_356 = arith.constant 48 : index
      %get3A_357 = tpu.vector_load %arg5[%get3A_355, %get3A_356] {strides = array<i32>} : memref<79x128xi32, #tpu.memory_space<vmem>>, vector<1x16xi32>,
      %get3A_358 = vector.shape_cast %get3A_357 : vector<1x16xi32> to vector<16xi32>
      %and3A_359 = arith.constant 32767 : i32
      %and3A_360 = vector.broadcast %and3A_359 : i32 to vector<16xi32>
      %and3A_361 = arith.andi %get3A_358, %and3A_360 : vector<16xi32>
      %swap3A_362 = arith.constant 1 : i32
      %swap3A_363 = arith.index_cast %swap3A_362 : i32 to index
      %swap3A_364 = arith.constant 48 : index
      %swap3A_365 = tpu.vector_load %arg6[%swap3A_363, %swap3A_364] {strides = array<i32>} : memref<2x128xi32, #tpu.memory_space<vmem>>, vector<1x16xi32>,
      %swap3A_366 = vector.shape_cast %swap3A_365 : vector<1x16xi32> to vector<16xi32>
      %swap3A_367 = vector.shape_cast %and3A_361 : vector<16xi32> to vector<1x16xi32>
      tpu.vector_store %arg6[%swap3A_363, %swap3A_364], %swap3A_367 {strides = array<i32>} : memref<2x128xi32, #tpu.memory_space<vmem>>, vector<1x16xi32>,
      %shift_right_logical3A_368 = arith.constant 15 : i32
      %shift_right_logical3A_369 = vector.broadcast %shift_right_logical3A_368 : i32 to vector<16xi32>
      %shift_right_logical3A_370 = arith.shrui %get3A_358, %shift_right_logical3A_369 : vector<16xi32>
      %swap3A_371 = arith.constant 1 : i32
      %swap3A_372 = arith.index_cast %swap3A_371 : i32 to index
      %swap3A_373 = arith.constant 48 : index
      %swap3A_374 = tpu.vector_load %arg7[%swap3A_372, %swap3A_373] {strides = array<i32>} : memref<2x128xi32, #tpu.memory_space<vmem>>, vector<1x16xi32>,
      %swap3A_375 = vector.shape_cast %swap3A_374 : vector<1x16xi32> to vector<16xi32>
      %swap3A_376 = vector.shape_cast %shift_right_logical3A_370 : vector<16xi32> to vector<1x16xi32>
      tpu.vector_store %arg7[%swap3A_372, %swap3A_373], %swap3A_376 {strides = array<i32>} : memref<2x128xi32, #tpu.memory_space<vmem>>, vector<1x16xi32>,
      %get3A_377 = arith.index_cast %add3A_288 : i32 to index
      %get3A_378 = arith.constant 64 : index
      %get3A_379 = tpu.vector_load %arg5[%get3A_377, %get3A_378] {strides = array<i32>} : memref<79x128xi32, #tpu.memory_space<vmem>>, vector<1x16xi32>,
      %get3A_380 = vector.shape_cast %get3A_379 : vector<1x16xi32> to vector<16xi32>
      %and3A_381 = arith.constant 32767 : i32
      %and3A_382 = vector.broadcast %and3A_381 : i32 to vector<16xi32>
      %and3A_383 = arith.andi %get3A_380, %and3A_382 : vector<16xi32>
      %swap3A_384 = arith.constant 1 : i32
      %swap3A_385 = arith.index_cast %swap3A_384 : i32 to index
      %swap3A_386 = arith.constant 64 : index
      %swap3A_387 = tpu.vector_load %arg6[%swap3A_385, %swap3A_386] {strides = array<i32>} : memref<2x128xi32, #tpu.memory_space<vmem>>, vector<1x16xi32>,
      %swap3A_388 = vector.shape_cast %swap3A_387 : vector<1x16xi32> to vector<16xi32>
      %swap3A_389 = vector.shape_cast %and3A_383 : vector<16xi32> to vector<1x16xi32>
      tpu.vector_store %arg6[%swap3A_385, %swap3A_386], %swap3A_389 {strides = array<i32>} : memref<2x128xi32, #tpu.memory_space<vmem>>, vector<1x16xi32>,
      %shift_right_logical3A_390 = arith.constant 15 : i32
      %shift_right_logical3A_391 = vector.broadcast %shift_right_logical3A_390 : i32 to vector<16xi32>
      %shift_right_logical3A_392 = arith.shrui %get3A_380, %shift_right_logical3A_391 : vector<16xi32>
      %swap3A_393 = arith.constant 1 : i32
      %swap3A_394 = arith.index_cast %swap3A_393 : i32 to index
      %swap3A_395 = arith.constant 64 : index
      %swap3A_396 = tpu.vector_load %arg7[%swap3A_394, %swap3A_395] {strides = array<i32>} : memref<2x128xi32, #tpu.memory_space<vmem>>, vector<1x16xi32>,
      %swap3A_397 = vector.shape_cast %swap3A_396 : vector<1x16xi32> to vector<16xi32>
      %swap3A_398 = vector.shape_cast %shift_right_logical3A_392 : vector<16xi32> to vector<1x16xi32>
      tpu.vector_store %arg7[%swap3A_394, %swap3A_395], %swap3A_398 {strides = array<i32>} : memref<2x128xi32, #tpu.memory_space<vmem>>, vector<1x16xi32>,
      %get3A_399 = arith.index_cast %add3A_288 : i32 to index
      %get3A_400 = arith.constant 80 : index
      %get3A_401 = tpu.vector_load %arg5[%get3A_399, %get3A_400] {strides = array<i32>} : memref<79x128xi32, #tpu.memory_space<vmem>>, vector<1x16xi32>,
      %get3A_402 = vector.shape_cast %get3A_401 : vector<1x16xi32> to vector<16xi32>
      %and3A_403 = arith.constant 32767 : i32
      %and3A_404 = vector.broadcast %and3A_403 : i32 to vector<16xi32>
      %and3A_405 = arith.andi %get3A_402, %and3A_404 : vector<16xi32>
      %swap3A_406 = arith.constant 1 : i32
      %swap3A_407 = arith.index_cast %swap3A_406 : i32 to index
      %swap3A_408 = arith.constant 80 : index
      %swap3A_409 = tpu.vector_load %arg6[%swap3A_407, %swap3A_408] {strides = array<i32>} : memref<2x128xi32, #tpu.memory_space<vmem>>, vector<1x16xi32>,
      %swap3A_410 = vector.shape_cast %swap3A_409 : vector<1x16xi32> to vector<16xi32>
      %swap3A_411 = vector.shape_cast %and3A_405 : vector<16xi32> to vector<1x16xi32>
      tpu.vector_store %arg6[%swap3A_407, %swap3A_408], %swap3A_411 {strides = array<i32>} : memref<2x128xi32, #tpu.memory_space<vmem>>, vector<1x16xi32>,
      %shift_right_logical3A_412 = arith.constant 15 : i32
      %shift_right_logical3A_413 = vector.broadcast %shift_right_logical3A_412 : i32 to vector<16xi32>
      %shift_right_logical3A_414 = arith.shrui %get3A_402, %shift_right_logical3A_413 : vector<16xi32>
      %swap3A_415 = arith.constant 1 : i32
      %swap3A_416 = arith.index_cast %swap3A_415 : i32 to index
      %swap3A_417 = arith.constant 80 : index
      %swap3A_418 = tpu.vector_load %arg7[%swap3A_416, %swap3A_417] {strides = array<i32>} : memref<2x128xi32, #tpu.memory_space<vmem>>, vector<1x16xi32>,
      %swap3A_419 = vector.shape_cast %swap3A_418 : vector<1x16xi32> to vector<16xi32>
      %swap3A_420 = vector.shape_cast %shift_right_logical3A_414 : vector<16xi32> to vector<1x16xi32>
      tpu.vector_store %arg7[%swap3A_416, %swap3A_417], %swap3A_420 {strides = array<i32>} : memref<2x128xi32, #tpu.memory_space<vmem>>, vector<1x16xi32>,
      %get3A_421 = arith.index_cast %add3A_288 : i32 to index
      %get3A_422 = arith.constant 96 : index
      %get3A_423 = tpu.vector_load %arg5[%get3A_421, %get3A_422] {strides = array<i32>} : memref<79x128xi32, #tpu.memory_space<vmem>>, vector<1x16xi32>,
      %get3A_424 = vector.shape_cast %get3A_423 : vector<1x16xi32> to vector<16xi32>
      %and3A_425 = arith.constant 32767 : i32
      %and3A_426 = vector.broadcast %and3A_425 : i32 to vector<16xi32>
      %and3A_427 = arith.andi %get3A_424, %and3A_426 : vector<16xi32>
      %swap3A_428 = arith.constant 1 : i32
      %swap3A_429 = arith.index_cast %swap3A_428 : i32 to index
      %swap3A_430 = arith.constant 96 : index
      %swap3A_431 = tpu.vector_load %arg6[%swap3A_429, %swap3A_430] {strides = array<i32>} : memref<2x128xi32, #tpu.memory_space<vmem>>, vector<1x16xi32>,
      %swap3A_432 = vector.shape_cast %swap3A_431 : vector<1x16xi32> to vector<16xi32>
      %swap3A_433 = vector.shape_cast %and3A_427 : vector<16xi32> to vector<1x16xi32>
      tpu.vector_store %arg6[%swap3A_429, %swap3A_430], %swap3A_433 {strides = array<i32>} : memref<2x128xi32, #tpu.memory_space<vmem>>, vector<1x16xi32>,
      %shift_right_logical3A_434 = arith.constant 15 : i32
      %shift_right_logical3A_435 = vector.broadcast %shift_right_logical3A_434 : i32 to vector<16xi32>
      %shift_right_logical3A_436 = arith.shrui %get3A_424, %shift_right_logical3A_435 : vector<16xi32>
      %swap3A_437 = arith.constant 1 : i32
      %swap3A_438 = arith.index_cast %swap3A_437 : i32 to index
      %swap3A_439 = arith.constant 96 : index
      %swap3A_440 = tpu.vector_load %arg7[%swap3A_438, %swap3A_439] {strides = array<i32>} : memref<2x128xi32, #tpu.memory_space<vmem>>, vector<1x16xi32>,
      %swap3A_441 = vector.shape_cast %swap3A_440 : vector<1x16xi32> to vector<16xi32>
      %swap3A_442 = vector.shape_cast %shift_right_logical3A_436 : vector<16xi32> to vector<1x16xi32>
      tpu.vector_store %arg7[%swap3A_438, %swap3A_439], %swap3A_442 {strides = array<i32>} : memref<2x128xi32, #tpu.memory_space<vmem>>, vector<1x16xi32>,
      %get3A_443 = arith.index_cast %add3A_288 : i32 to index
      %get3A_444 = arith.constant 112 : index
      %get3A_445 = tpu.vector_load %arg5[%get3A_443, %get3A_444] {strides = array<i32>} : memref<79x128xi32, #tpu.memory_space<vmem>>, vector<1x16xi32>,
      %get3A_446 = vector.shape_cast %get3A_445 : vector<1x16xi32> to vector<16xi32>
      %and3A_447 = arith.constant 32767 : i32
      %and3A_448 = vector.broadcast %and3A_447 : i32 to vector<16xi32>
      %and3A_449 = arith.andi %get3A_446, %and3A_448 : vector<16xi32>
      %swap3A_450 = arith.constant 1 : i32
      %swap3A_451 = arith.index_cast %swap3A_450 : i32 to index
      %swap3A_452 = arith.constant 112 : index
      %swap3A_453 = tpu.vector_load %arg6[%swap3A_451, %swap3A_452] {strides = array<i32>} : memref<2x128xi32, #tpu.memory_space<vmem>>, vector<1x16xi32>,
      %swap3A_454 = vector.shape_cast %swap3A_453 : vector<1x16xi32> to vector<16xi32>
      %swap3A_455 = vector.shape_cast %and3A_449 : vector<16xi32> to vector<1x16xi32>
      tpu.vector_store %arg6[%swap3A_451, %swap3A_452], %swap3A_455 {strides = array<i32>} : memref<2x128xi32, #tpu.memory_space<vmem>>, vector<1x16xi32>,
      %shift_right_logical3A_456 = arith.constant 15 : i32
      %shift_right_logical3A_457 = vector.broadcast %shift_right_logical3A_456 : i32 to vector<16xi32>
      %shift_right_logical3A_458 = arith.shrui %get3A_446, %shift_right_logical3A_457 : vector<16xi32>
      %swap3A_459 = arith.constant 1 : i32
      %swap3A_460 = arith.index_cast %swap3A_459 : i32 to index
      %swap3A_461 = arith.constant 112 : index
      %swap3A_462 = tpu.vector_load %arg7[%swap3A_460, %swap3A_461] {strides = array<i32>} : memref<2x128xi32, #tpu.memory_space<vmem>>, vector<1x16xi32>,
      %swap3A_463 = vector.shape_cast %swap3A_462 : vector<1x16xi32> to vector<16xi32>
      %swap3A_464 = vector.shape_cast %shift_right_logical3A_458 : vector<16xi32> to vector<1x16xi32>
      tpu.vector_store %arg7[%swap3A_460, %swap3A_461], %swap3A_464 {strides = array<i32>} : memref<2x128xi32, #tpu.memory_space<vmem>>, vector<1x16xi32>,
      %dma_start3A_465 = arith.constant 1 : i32
      %dma_start3A_466 = arith.constant 0 : i32
      %dma_start3A_467 = tpu.memref_slice %arg6[%dma_start3A_465, %dma_start3A_466] : memref<2x128xi32, #tpu.memory_space<vmem>> -> memref<1x128xi32, #tpu.memory_space<vmem>>
      %dma_start3A_468 = tpu.memref_squeeze %dma_start3A_467 : memref<1x128xi32, #tpu.memory_space<vmem>> -> memref<128xi32, #tpu.memory_space<vmem>>
      %dma_start3A_469 = arith.constant 0 : i32
      %dma_start3A_470 = arith.constant 0 : i32
      %dma_start3A_471 = tpu.memref_slice %arg2[%dma_start3A_469, %dma_start3A_470] : memref<20000x128xf32, #tpu.memory_space<hbm>> -> memref<20000x128xf32, #tpu.memory_space<hbm>>
      tpu.enqueue_indirect_dma source(%dma_start3A_471 : memref<20000x128xf32, #tpu.memory_space<hbm>>) target(%arg9 : memref<128x128xf32, #tpu.memory_space<vmem>>) offsets(%dma_start3A_468 : memref<128xi32, #tpu.memory_space<vmem>>) semaphore(%arg12 : memref<!tpu.dma_semaphore, #tpu.memory_space<semaphore_mem>>)
      %dma_wait3A_472 = arith.constant 0 : i32
      %dma_wait3A_473 = arith.constant 0 : i32
      %dma_wait3A_474 = tpu.memref_slice %arg6[%dma_wait3A_472, %dma_wait3A_473] : memref<2x128xi32, #tpu.memory_space<vmem>> -> memref<1x128xi32, #tpu.memory_space<vmem>>
      %dma_wait3A_475 = tpu.memref_squeeze %dma_wait3A_474 : memref<1x128xi32, #tpu.memory_space<vmem>> -> memref<128xi32, #tpu.memory_space<vmem>>
      %dma_wait3A_476 = arith.constant 0 : i32
      %dma_wait3A_477 = arith.constant 0 : i32
      %dma_wait3A_478 = tpu.memref_slice %arg2[%dma_wait3A_476, %dma_wait3A_477] : memref<20000x128xf32, #tpu.memory_space<hbm>> -> memref<20000x128xf32, #tpu.memory_space<hbm>>
      tpu.wait_indirect_dma semaphore(%arg11 : memref<!tpu.dma_semaphore, #tpu.memory_space<semaphore_mem>>) src(%dma_wait3A_478 : memref<20000x128xf32, #tpu.memory_space<hbm>>) dst(%arg8 : memref<128x128xf32, #tpu.memory_space<vmem>>)
      %run_scoped3A_479 = arith.constant 0 : i32
      "tpu.region"() ({
        %run_scoped3A_493 = tpu.sem_alloc : memref<!tpu.dma_semaphore, #tpu.memory_space<semaphore_mem>>
        %dma_start3A_494 = arith.constant 0 : i32
        %dma_start3A_495 = tpu.memref_slice %arg7[%run_scoped3A_479, %dma_start3A_494] : memref<2x128xi32, #tpu.memory_space<vmem>> -> memref<1x128xi32, #tpu.memory_space<vmem>>
        %dma_start3A_496 = tpu.memref_squeeze %dma_start3A_495 : memref<1x128xi32, #tpu.memory_space<vmem>> -> memref<128xi32, #tpu.memory_space<vmem>>
        %dma_start3A_497 = arith.constant 0 : i32
        %dma_start3A_498 = arith.constant 0 : i32
        %dma_start3A_499 = tpu.memref_slice %arg10[%dma_start3A_497, %dma_start3A_498] : memref<10240x128xf32, #tpu.memory_space<vmem_shared>> -> memref<10240x128xf32, #tpu.memory_space<vmem_shared>>
        tpu.enqueue_indirect_dma source(%arg8 : memref<128x128xf32, #tpu.memory_space<vmem>>) target(%dma_start3A_499 : memref<10240x128xf32, #tpu.memory_space<vmem_shared>>) offsets(%dma_start3A_496 : memref<128xi32, #tpu.memory_space<vmem>>) semaphore(%run_scoped3A_493 : memref<!tpu.dma_semaphore, #tpu.memory_space<semaphore_mem>>) {add = true}
        %dma_wait3A_500 = arith.constant 0 : i32
        %dma_wait3A_501 = tpu.memref_slice %arg7[%run_scoped3A_479, %dma_wait3A_500] : memref<2x128xi32, #tpu.memory_space<vmem>> -> memref<1x128xi32, #tpu.memory_space<vmem>>
        %dma_wait3A_502 = tpu.memref_squeeze %dma_wait3A_501 : memref<1x128xi32, #tpu.memory_space<vmem>> -> memref<128xi32, #tpu.memory_space<vmem>>
        %dma_wait3A_503 = arith.constant 0 : i32
        %dma_wait3A_504 = arith.constant 0 : i32
        %dma_wait3A_505 = tpu.memref_slice %arg10[%dma_wait3A_503, %dma_wait3A_504] : memref<10240x128xf32, #tpu.memory_space<vmem_shared>> -> memref<10240x128xf32, #tpu.memory_space<vmem_shared>>
        tpu.wait_indirect_dma semaphore(%run_scoped3A_493 : memref<!tpu.dma_semaphore, #tpu.memory_space<semaphore_mem>>) src(%arg8 : memref<128x128xf32, #tpu.memory_space<vmem>>) dst(%dma_wait3A_505 : memref<10240x128xf32, #tpu.memory_space<vmem_shared>>)
        tpu.yield
      }) : () -> ()
      %add3A_480 = arith.constant 2 : i32
      %add3A_481 = arith.addi %mul3A_286, %add3A_480 : i32
      %lt3A = arith.constant 79 : i32
      %lt3A_482 = arith.cmpi slt, %add3A_481, %lt3A : i32
      %convert_element_type3A = arith.extui %lt3A_482 : i1 to i32
      %cond3A = arith.constant 0 : i32
      %cond3A_483 = arith.cmpi ne, %convert_element_type3A, %cond3A : i32
      scf.if %cond3A_483 {
        %add3A_493 = arith.constant 2 : i32
        %add3A_494 = arith.addi %mul3A_286, %add3A_493 : i32
        %get3A_495 = arith.index_cast %add3A_494 : i32 to index
        %get3A_496 = arith.constant 0 : index
        %get3A_497 = tpu.vector_load %arg5[%get3A_495, %get3A_496] {strides = array<i32>} : memref<79x128xi32, #tpu.memory_space<vmem>>, vector<1x16xi32>,
        %get3A_498 = vector.shape_cast %get3A_497 : vector<1x16xi32> to vector<16xi32>
        %and3A_499 = arith.constant 32767 : i32
        %and3A_500 = vector.broadcast %and3A_499 : i32 to vector<16xi32>
        %and3A_501 = arith.andi %get3A_498, %and3A_500 : vector<16xi32>
        %swap3A_502 = arith.constant 0 : i32
        %swap3A_503 = arith.index_cast %swap3A_502 : i32 to index
        %swap3A_504 = arith.constant 0 : index
        %swap3A_505 = tpu.vector_load %arg6[%swap3A_503, %swap3A_504] {strides = array<i32>} : memref<2x128xi32, #tpu.memory_space<vmem>>, vector<1x16xi32>,
        %swap3A_506 = vector.shape_cast %swap3A_505 : vector<1x16xi32> to vector<16xi32>
        %swap3A_507 = vector.shape_cast %and3A_501 : vector<16xi32> to vector<1x16xi32>
        tpu.vector_store %arg6[%swap3A_503, %swap3A_504], %swap3A_507 {strides = array<i32>} : memref<2x128xi32, #tpu.memory_space<vmem>>, vector<1x16xi32>,
        %shift_right_logical3A_508 = arith.constant 15 : i32
        %shift_right_logical3A_509 = vector.broadcast %shift_right_logical3A_508 : i32 to vector<16xi32>
        %shift_right_logical3A_510 = arith.shrui %get3A_498, %shift_right_logical3A_509 : vector<16xi32>
        %swap3A_511 = arith.constant 0 : i32
        %swap3A_512 = arith.index_cast %swap3A_511 : i32 to index
        %swap3A_513 = arith.constant 0 : index
        %swap3A_514 = tpu.vector_load %arg7[%swap3A_512, %swap3A_513] {strides = array<i32>} : memref<2x128xi32, #tpu.memory_space<vmem>>, vector<1x16xi32>,
        %swap3A_515 = vector.shape_cast %swap3A_514 : vector<1x16xi32> to vector<16xi32>
        %swap3A_516 = vector.shape_cast %shift_right_logical3A_510 : vector<16xi32> to vector<1x16xi32>
        tpu.vector_store %arg7[%swap3A_512, %swap3A_513], %swap3A_516 {strides = array<i32>} : memref<2x128xi32, #tpu.memory_space<vmem>>, vector<1x16xi32>,
        %get3A_517 = arith.index_cast %add3A_494 : i32 to index
        %get3A_518 = arith.constant 16 : index
        %get3A_519 = tpu.vector_load %arg5[%get3A_517, %get3A_518] {strides = array<i32>} : memref<79x128xi32, #tpu.memory_space<vmem>>, vector<1x16xi32>,
        %get3A_520 = vector.shape_cast %get3A_519 : vector<1x16xi32> to vector<16xi32>
        %and3A_521 = arith.constant 32767 : i32
        %and3A_522 = vector.broadcast %and3A_521 : i32 to vector<16xi32>
        %and3A_523 = arith.andi %get3A_520, %and3A_522 : vector<16xi32>
        %swap3A_524 = arith.constant 0 : i32
        %swap3A_525 = arith.index_cast %swap3A_524 : i32 to index
        %swap3A_526 = arith.constant 16 : index
        %swap3A_527 = tpu.vector_load %arg6[%swap3A_525, %swap3A_526] {strides = array<i32>} : memref<2x128xi32, #tpu.memory_space<vmem>>, vector<1x16xi32>,
        %swap3A_528 = vector.shape_cast %swap3A_527 : vector<1x16xi32> to vector<16xi32>
        %swap3A_529 = vector.shape_cast %and3A_523 : vector<16xi32> to vector<1x16xi32>
        tpu.vector_store %arg6[%swap3A_525, %swap3A_526], %swap3A_529 {strides = array<i32>} : memref<2x128xi32, #tpu.memory_space<vmem>>, vector<1x16xi32>,
        %shift_right_logical3A_530 = arith.constant 15 : i32
        %shift_right_logical3A_531 = vector.broadcast %shift_right_logical3A_530 : i32 to vector<16xi32>
        %shift_right_logical3A_532 = arith.shrui %get3A_520, %shift_right_logical3A_531 : vector<16xi32>
        %swap3A_533 = arith.constant 0 : i32
        %swap3A_534 = arith.index_cast %swap3A_533 : i32 to index
        %swap3A_535 = arith.constant 16 : index
        %swap3A_536 = tpu.vector_load %arg7[%swap3A_534, %swap3A_535] {strides = array<i32>} : memref<2x128xi32, #tpu.memory_space<vmem>>, vector<1x16xi32>,
        %swap3A_537 = vector.shape_cast %swap3A_536 : vector<1x16xi32> to vector<16xi32>
        %swap3A_538 = vector.shape_cast %shift_right_logical3A_532 : vector<16xi32> to vector<1x16xi32>
        tpu.vector_store %arg7[%swap3A_534, %swap3A_535], %swap3A_538 {strides = array<i32>} : memref<2x128xi32, #tpu.memory_space<vmem>>, vector<1x16xi32>,
        %get3A_539 = arith.index_cast %add3A_494 : i32 to index
        %get3A_540 = arith.constant 32 : index
        %get3A_541 = tpu.vector_load %arg5[%get3A_539, %get3A_540] {strides = array<i32>} : memref<79x128xi32, #tpu.memory_space<vmem>>, vector<1x16xi32>,
        %get3A_542 = vector.shape_cast %get3A_541 : vector<1x16xi32> to vector<16xi32>
        %and3A_543 = arith.constant 32767 : i32
        %and3A_544 = vector.broadcast %and3A_543 : i32 to vector<16xi32>
        %and3A_545 = arith.andi %get3A_542, %and3A_544 : vector<16xi32>
        %swap3A_546 = arith.constant 0 : i32
        %swap3A_547 = arith.index_cast %swap3A_546 : i32 to index
        %swap3A_548 = arith.constant 32 : index
        %swap3A_549 = tpu.vector_load %arg6[%swap3A_547, %swap3A_548] {strides = array<i32>} : memref<2x128xi32, #tpu.memory_space<vmem>>, vector<1x16xi32>,
        %swap3A_550 = vector.shape_cast %swap3A_549 : vector<1x16xi32> to vector<16xi32>
        %swap3A_551 = vector.shape_cast %and3A_545 : vector<16xi32> to vector<1x16xi32>
        tpu.vector_store %arg6[%swap3A_547, %swap3A_548], %swap3A_551 {strides = array<i32>} : memref<2x128xi32, #tpu.memory_space<vmem>>, vector<1x16xi32>,
        %shift_right_logical3A_552 = arith.constant 15 : i32
        %shift_right_logical3A_553 = vector.broadcast %shift_right_logical3A_552 : i32 to vector<16xi32>
        %shift_right_logical3A_554 = arith.shrui %get3A_542, %shift_right_logical3A_553 : vector<16xi32>
        %swap3A_555 = arith.constant 0 : i32
        %swap3A_556 = arith.index_cast %swap3A_555 : i32 to index
        %swap3A_557 = arith.constant 32 : index
        %swap3A_558 = tpu.vector_load %arg7[%swap3A_556, %swap3A_557] {strides = array<i32>} : memref<2x128xi32, #tpu.memory_space<vmem>>, vector<1x16xi32>,
        %swap3A_559 = vector.shape_cast %swap3A_558 : vector<1x16xi32> to vector<16xi32>
        %swap3A_560 = vector.shape_cast %shift_right_logical3A_554 : vector<16xi32> to vector<1x16xi32>
        tpu.vector_store %arg7[%swap3A_556, %swap3A_557], %swap3A_560 {strides = array<i32>} : memref<2x128xi32, #tpu.memory_space<vmem>>, vector<1x16xi32>,
        %get3A_561 = arith.index_cast %add3A_494 : i32 to index
        %get3A_562 = arith.constant 48 : index
        %get3A_563 = tpu.vector_load %arg5[%get3A_561, %get3A_562] {strides = array<i32>} : memref<79x128xi32, #tpu.memory_space<vmem>>, vector<1x16xi32>,
        %get3A_564 = vector.shape_cast %get3A_563 : vector<1x16xi32> to vector<16xi32>
        %and3A_565 = arith.constant 32767 : i32
        %and3A_566 = vector.broadcast %and3A_565 : i32 to vector<16xi32>
        %and3A_567 = arith.andi %get3A_564, %and3A_566 : vector<16xi32>
        %swap3A_568 = arith.constant 0 : i32
        %swap3A_569 = arith.index_cast %swap3A_568 : i32 to index
        %swap3A_570 = arith.constant 48 : index
        %swap3A_571 = tpu.vector_load %arg6[%swap3A_569, %swap3A_570] {strides = array<i32>} : memref<2x128xi32, #tpu.memory_space<vmem>>, vector<1x16xi32>,
        %swap3A_572 = vector.shape_cast %swap3A_571 : vector<1x16xi32> to vector<16xi32>
        %swap3A_573 = vector.shape_cast %and3A_567 : vector<16xi32> to vector<1x16xi32>
        tpu.vector_store %arg6[%swap3A_569, %swap3A_570], %swap3A_573 {strides = array<i32>} : memref<2x128xi32, #tpu.memory_space<vmem>>, vector<1x16xi32>,
        %shift_right_logical3A_574 = arith.constant 15 : i32
        %shift_right_logical3A_575 = vector.broadcast %shift_right_logical3A_574 : i32 to vector<16xi32>
        %shift_right_logical3A_576 = arith.shrui %get3A_564, %shift_right_logical3A_575 : vector<16xi32>
        %swap3A_577 = arith.constant 0 : i32
        %swap3A_578 = arith.index_cast %swap3A_577 : i32 to index
        %swap3A_579 = arith.constant 48 : index
        %swap3A_580 = tpu.vector_load %arg7[%swap3A_578, %swap3A_579] {strides = array<i32>} : memref<2x128xi32, #tpu.memory_space<vmem>>, vector<1x16xi32>,
        %swap3A_581 = vector.shape_cast %swap3A_580 : vector<1x16xi32> to vector<16xi32>
        %swap3A_582 = vector.shape_cast %shift_right_logical3A_576 : vector<16xi32> to vector<1x16xi32>
        tpu.vector_store %arg7[%swap3A_578, %swap3A_579], %swap3A_582 {strides = array<i32>} : memref<2x128xi32, #tpu.memory_space<vmem>>, vector<1x16xi32>,
        %get3A_583 = arith.index_cast %add3A_494 : i32 to index
        %get3A_584 = arith.constant 64 : index
        %get3A_585 = tpu.vector_load %arg5[%get3A_583, %get3A_584] {strides = array<i32>} : memref<79x128xi32, #tpu.memory_space<vmem>>, vector<1x16xi32>,
        %get3A_586 = vector.shape_cast %get3A_585 : vector<1x16xi32> to vector<16xi32>
        %and3A_587 = arith.constant 32767 : i32
        %and3A_588 = vector.broadcast %and3A_587 : i32 to vector<16xi32>
        %and3A_589 = arith.andi %get3A_586, %and3A_588 : vector<16xi32>
        %swap3A_590 = arith.constant 0 : i32
        %swap3A_591 = arith.index_cast %swap3A_590 : i32 to index
        %swap3A_592 = arith.constant 64 : index
        %swap3A_593 = tpu.vector_load %arg6[%swap3A_591, %swap3A_592] {strides = array<i32>} : memref<2x128xi32, #tpu.memory_space<vmem>>, vector<1x16xi32>,
        %swap3A_594 = vector.shape_cast %swap3A_593 : vector<1x16xi32> to vector<16xi32>
        %swap3A_595 = vector.shape_cast %and3A_589 : vector<16xi32> to vector<1x16xi32>
        tpu.vector_store %arg6[%swap3A_591, %swap3A_592], %swap3A_595 {strides = array<i32>} : memref<2x128xi32, #tpu.memory_space<vmem>>, vector<1x16xi32>,
        %shift_right_logical3A_596 = arith.constant 15 : i32
        %shift_right_logical3A_597 = vector.broadcast %shift_right_logical3A_596 : i32 to vector<16xi32>
        %shift_right_logical3A_598 = arith.shrui %get3A_586, %shift_right_logical3A_597 : vector<16xi32>
        %swap3A_599 = arith.constant 0 : i32
        %swap3A_600 = arith.index_cast %swap3A_599 : i32 to index
        %swap3A_601 = arith.constant 64 : index
        %swap3A_602 = tpu.vector_load %arg7[%swap3A_600, %swap3A_601] {strides = array<i32>} : memref<2x128xi32, #tpu.memory_space<vmem>>, vector<1x16xi32>,
        %swap3A_603 = vector.shape_cast %swap3A_602 : vector<1x16xi32> to vector<16xi32>
        %swap3A_604 = vector.shape_cast %shift_right_logical3A_598 : vector<16xi32> to vector<1x16xi32>
        tpu.vector_store %arg7[%swap3A_600, %swap3A_601], %swap3A_604 {strides = array<i32>} : memref<2x128xi32, #tpu.memory_space<vmem>>, vector<1x16xi32>,
        %get3A_605 = arith.index_cast %add3A_494 : i32 to index
        %get3A_606 = arith.constant 80 : index
        %get3A_607 = tpu.vector_load %arg5[%get3A_605, %get3A_606] {strides = array<i32>} : memref<79x128xi32, #tpu.memory_space<vmem>>, vector<1x16xi32>,
        %get3A_608 = vector.shape_cast %get3A_607 : vector<1x16xi32> to vector<16xi32>
        %and3A_609 = arith.constant 32767 : i32
        %and3A_610 = vector.broadcast %and3A_609 : i32 to vector<16xi32>
        %and3A_611 = arith.andi %get3A_608, %and3A_610 : vector<16xi32>
        %swap3A_612 = arith.constant 0 : i32
        %swap3A_613 = arith.index_cast %swap3A_612 : i32 to index
        %swap3A_614 = arith.constant 80 : index
        %swap3A_615 = tpu.vector_load %arg6[%swap3A_613, %swap3A_614] {strides = array<i32>} : memref<2x128xi32, #tpu.memory_space<vmem>>, vector<1x16xi32>,
        %swap3A_616 = vector.shape_cast %swap3A_615 : vector<1x16xi32> to vector<16xi32>
        %swap3A_617 = vector.shape_cast %and3A_611 : vector<16xi32> to vector<1x16xi32>
        tpu.vector_store %arg6[%swap3A_613, %swap3A_614], %swap3A_617 {strides = array<i32>} : memref<2x128xi32, #tpu.memory_space<vmem>>, vector<1x16xi32>,
        %shift_right_logical3A_618 = arith.constant 15 : i32
        %shift_right_logical3A_619 = vector.broadcast %shift_right_logical3A_618 : i32 to vector<16xi32>
        %shift_right_logical3A_620 = arith.shrui %get3A_608, %shift_right_logical3A_619 : vector<16xi32>
        %swap3A_621 = arith.constant 0 : i32
        %swap3A_622 = arith.index_cast %swap3A_621 : i32 to index
        %swap3A_623 = arith.constant 80 : index
        %swap3A_624 = tpu.vector_load %arg7[%swap3A_622, %swap3A_623] {strides = array<i32>} : memref<2x128xi32, #tpu.memory_space<vmem>>, vector<1x16xi32>,
        %swap3A_625 = vector.shape_cast %swap3A_624 : vector<1x16xi32> to vector<16xi32>
        %swap3A_626 = vector.shape_cast %shift_right_logical3A_620 : vector<16xi32> to vector<1x16xi32>
        tpu.vector_store %arg7[%swap3A_622, %swap3A_623], %swap3A_626 {strides = array<i32>} : memref<2x128xi32, #tpu.memory_space<vmem>>, vector<1x16xi32>,
        %get3A_627 = arith.index_cast %add3A_494 : i32 to index
        %get3A_628 = arith.constant 96 : index
        %get3A_629 = tpu.vector_load %arg5[%get3A_627, %get3A_628] {strides = array<i32>} : memref<79x128xi32, #tpu.memory_space<vmem>>, vector<1x16xi32>,
        %get3A_630 = vector.shape_cast %get3A_629 : vector<1x16xi32> to vector<16xi32>
        %and3A_631 = arith.constant 32767 : i32
        %and3A_632 = vector.broadcast %and3A_631 : i32 to vector<16xi32>
        %and3A_633 = arith.andi %get3A_630, %and3A_632 : vector<16xi32>
        %swap3A_634 = arith.constant 0 : i32
        %swap3A_635 = arith.index_cast %swap3A_634 : i32 to index
        %swap3A_636 = arith.constant 96 : index
        %swap3A_637 = tpu.vector_load %arg6[%swap3A_635, %swap3A_636] {strides = array<i32>} : memref<2x128xi32, #tpu.memory_space<vmem>>, vector<1x16xi32>,
        %swap3A_638 = vector.shape_cast %swap3A_637 : vector<1x16xi32> to vector<16xi32>
        %swap3A_639 = vector.shape_cast %and3A_633 : vector<16xi32> to vector<1x16xi32>
        tpu.vector_store %arg6[%swap3A_635, %swap3A_636], %swap3A_639 {strides = array<i32>} : memref<2x128xi32, #tpu.memory_space<vmem>>, vector<1x16xi32>,
        %shift_right_logical3A_640 = arith.constant 15 : i32
        %shift_right_logical3A_641 = vector.broadcast %shift_right_logical3A_640 : i32 to vector<16xi32>
        %shift_right_logical3A_642 = arith.shrui %get3A_630, %shift_right_logical3A_641 : vector<16xi32>
        %swap3A_643 = arith.constant 0 : i32
        %swap3A_644 = arith.index_cast %swap3A_643 : i32 to index
        %swap3A_645 = arith.constant 96 : index
        %swap3A_646 = tpu.vector_load %arg7[%swap3A_644, %swap3A_645] {strides = array<i32>} : memref<2x128xi32, #tpu.memory_space<vmem>>, vector<1x16xi32>,
        %swap3A_647 = vector.shape_cast %swap3A_646 : vector<1x16xi32> to vector<16xi32>
        %swap3A_648 = vector.shape_cast %shift_right_logical3A_642 : vector<16xi32> to vector<1x16xi32>
        tpu.vector_store %arg7[%swap3A_644, %swap3A_645], %swap3A_648 {strides = array<i32>} : memref<2x128xi32, #tpu.memory_space<vmem>>, vector<1x16xi32>,
        %get3A_649 = arith.index_cast %add3A_494 : i32 to index
        %get3A_650 = arith.constant 112 : index
        %get3A_651 = tpu.vector_load %arg5[%get3A_649, %get3A_650] {strides = array<i32>} : memref<79x128xi32, #tpu.memory_space<vmem>>, vector<1x16xi32>,
        %get3A_652 = vector.shape_cast %get3A_651 : vector<1x16xi32> to vector<16xi32>
        %and3A_653 = arith.constant 32767 : i32
        %and3A_654 = vector.broadcast %and3A_653 : i32 to vector<16xi32>
        %and3A_655 = arith.andi %get3A_652, %and3A_654 : vector<16xi32>
        %swap3A_656 = arith.constant 0 : i32
        %swap3A_657 = arith.index_cast %swap3A_656 : i32 to index
        %swap3A_658 = arith.constant 112 : index
        %swap3A_659 = tpu.vector_load %arg6[%swap3A_657, %swap3A_658] {strides = array<i32>} : memref<2x128xi32, #tpu.memory_space<vmem>>, vector<1x16xi32>,
        %swap3A_660 = vector.shape_cast %swap3A_659 : vector<1x16xi32> to vector<16xi32>
        %swap3A_661 = vector.shape_cast %and3A_655 : vector<16xi32> to vector<1x16xi32>
        tpu.vector_store %arg6[%swap3A_657, %swap3A_658], %swap3A_661 {strides = array<i32>} : memref<2x128xi32, #tpu.memory_space<vmem>>, vector<1x16xi32>,
        %shift_right_logical3A_662 = arith.constant 15 : i32
        %shift_right_logical3A_663 = vector.broadcast %shift_right_logical3A_662 : i32 to vector<16xi32>
        %shift_right_logical3A_664 = arith.shrui %get3A_652, %shift_right_logical3A_663 : vector<16xi32>
        %swap3A_665 = arith.constant 0 : i32
        %swap3A_666 = arith.index_cast %swap3A_665 : i32 to index
        %swap3A_667 = arith.constant 112 : index
        %swap3A_668 = tpu.vector_load %arg7[%swap3A_666, %swap3A_667] {strides = array<i32>} : memref<2x128xi32, #tpu.memory_space<vmem>>, vector<1x16xi32>,
        %swap3A_669 = vector.shape_cast %swap3A_668 : vector<1x16xi32> to vector<16xi32>
        %swap3A_670 = vector.shape_cast %shift_right_logical3A_664 : vector<16xi32> to vector<1x16xi32>
        tpu.vector_store %arg7[%swap3A_666, %swap3A_667], %swap3A_670 {strides = array<i32>} : memref<2x128xi32, #tpu.memory_space<vmem>>, vector<1x16xi32>,
        %dma_start3A_671 = arith.constant 0 : i32
        %dma_start3A_672 = arith.constant 0 : i32
        %dma_start3A_673 = tpu.memref_slice %arg6[%dma_start3A_671, %dma_start3A_672] : memref<2x128xi32, #tpu.memory_space<vmem>> -> memref<1x128xi32, #tpu.memory_space<vmem>>
        %dma_start3A_674 = tpu.memref_squeeze %dma_start3A_673 : memref<1x128xi32, #tpu.memory_space<vmem>> -> memref<128xi32, #tpu.memory_space<vmem>>
        %dma_start3A_675 = arith.constant 0 : i32
        %dma_start3A_676 = arith.constant 0 : i32
        %dma_start3A_677 = tpu.memref_slice %arg2[%dma_start3A_675, %dma_start3A_676] : memref<20000x128xf32, #tpu.memory_space<hbm>> -> memref<20000x128xf32, #tpu.memory_space<hbm>>
        tpu.enqueue_indirect_dma source(%dma_start3A_677 : memref<20000x128xf32, #tpu.memory_space<hbm>>) target(%arg8 : memref<128x128xf32, #tpu.memory_space<vmem>>) offsets(%dma_start3A_674 : memref<128xi32, #tpu.memory_space<vmem>>) semaphore(%arg11 : memref<!tpu.dma_semaphore, #tpu.memory_space<semaphore_mem>>)
      } else {
      }
      %dma_wait3A_484 = arith.constant 1 : i32
      %dma_wait3A_485 = arith.constant 0 : i32
      %dma_wait3A_486 = tpu.memref_slice %arg6[%dma_wait3A_484, %dma_wait3A_485] : memref<2x128xi32, #tpu.memory_space<vmem>> -> memref<1x128xi32, #tpu.memory_space<vmem>>
      %dma_wait3A_487 = tpu.memref_squeeze %dma_wait3A_486 : memref<1x128xi32, #tpu.memory_space<vmem>> -> memref<128xi32, #tpu.memory_space<vmem>>
      %dma_wait3A_488 = arith.constant 0 : i32
      %dma_wait3A_489 = arith.constant 0 : i32
      %dma_wait3A_490 = tpu.memref_slice %arg2[%dma_wait3A_488, %dma_wait3A_489] : memref<20000x128xf32, #tpu.memory_space<hbm>> -> memref<20000x128xf32, #tpu.memory_space<hbm>>
      tpu.wait_indirect_dma semaphore(%arg12 : memref<!tpu.dma_semaphore, #tpu.memory_space<semaphore_mem>>) src(%dma_wait3A_490 : memref<20000x128xf32, #tpu.memory_space<hbm>>) dst(%arg9 : memref<128x128xf32, #tpu.memory_space<vmem>>)
      %run_scoped3A_491 = arith.constant 1 : i32
      "tpu.region"() ({
        %run_scoped3A_493 = tpu.sem_alloc : memref<!tpu.dma_semaphore, #tpu.memory_space<semaphore_mem>>
        %dma_start3A_494 = arith.constant 0 : i32
        %dma_start3A_495 = tpu.memref_slice %arg7[%run_scoped3A_491, %dma_start3A_494] : memref<2x128xi32, #tpu.memory_space<vmem>> -> memref<1x128xi32, #tpu.memory_space<vmem>>
        %dma_start3A_496 = tpu.memref_squeeze %dma_start3A_495 : memref<1x128xi32, #tpu.memory_space<vmem>> -> memref<128xi32, #tpu.memory_space<vmem>>
        %dma_start3A_497 = arith.constant 0 : i32
        %dma_start3A_498 = arith.constant 0 : i32
        %dma_start3A_499 = tpu.memref_slice %arg10[%dma_start3A_497, %dma_start3A_498] : memref<10240x128xf32, #tpu.memory_space<vmem_shared>> -> memref<10240x128xf32, #tpu.memory_space<vmem_shared>>
        tpu.enqueue_indirect_dma source(%arg9 : memref<128x128xf32, #tpu.memory_space<vmem>>) target(%dma_start3A_499 : memref<10240x128xf32, #tpu.memory_space<vmem_shared>>) offsets(%dma_start3A_496 : memref<128xi32, #tpu.memory_space<vmem>>) semaphore(%run_scoped3A_493 : memref<!tpu.dma_semaphore, #tpu.memory_space<semaphore_mem>>) {add = true}
        %dma_wait3A_500 = arith.constant 0 : i32
        %dma_wait3A_501 = tpu.memref_slice %arg7[%run_scoped3A_491, %dma_wait3A_500] : memref<2x128xi32, #tpu.memory_space<vmem>> -> memref<1x128xi32, #tpu.memory_space<vmem>>
        %dma_wait3A_502 = tpu.memref_squeeze %dma_wait3A_501 : memref<1x128xi32, #tpu.memory_space<vmem>> -> memref<128xi32, #tpu.memory_space<vmem>>
        %dma_wait3A_503 = arith.constant 0 : i32
        %dma_wait3A_504 = arith.constant 0 : i32
        %dma_wait3A_505 = tpu.memref_slice %arg10[%dma_wait3A_503, %dma_wait3A_504] : memref<10240x128xf32, #tpu.memory_space<vmem_shared>> -> memref<10240x128xf32, #tpu.memory_space<vmem_shared>>
        tpu.wait_indirect_dma semaphore(%run_scoped3A_493 : memref<!tpu.dma_semaphore, #tpu.memory_space<semaphore_mem>>) src(%arg9 : memref<128x128xf32, #tpu.memory_space<vmem>>) dst(%dma_wait3A_505 : memref<10240x128xf32, #tpu.memory_space<vmem_shared>>)
        tpu.yield
      }) : () -> ()
      %scan3A_492 = arith.constant 0 : i32
      scf.yield %scan3A_492 : i32
    }
    %scan3A_230 = arith.constant 39 : i32
    %dma_wait3A = arith.constant 0 : i32
    %dma_wait3A_231 = arith.constant 0 : i32
    %dma_wait3A_232 = tpu.memref_slice %arg6[%dma_wait3A, %dma_wait3A_231] : memref<2x128xi32, #tpu.memory_space<vmem>> -> memref<1x128xi32, #tpu.memory_space<vmem>>
    %dma_wait3A_233 = tpu.memref_squeeze %dma_wait3A_232 : memref<1x128xi32, #tpu.memory_space<vmem>> -> memref<128xi32, #tpu.memory_space<vmem>>
    %dma_wait3A_234 = arith.constant 0 : i32
    %dma_wait3A_235 = arith.constant 0 : i32
    %dma_wait3A_236 = tpu.memref_slice %arg2[%dma_wait3A_234, %dma_wait3A_235] : memref<20000x128xf32, #tpu.memory_space<hbm>> -> memref<20000x128xf32, #tpu.memory_space<hbm>>
    tpu.wait_indirect_dma semaphore(%arg11 : memref<!tpu.dma_semaphore, #tpu.memory_space<semaphore_mem>>) src(%dma_wait3A_236 : memref<20000x128xf32, #tpu.memory_space<hbm>>) dst(%arg8 : memref<128x128xf32, #tpu.memory_space<vmem>>)
    %run_scoped3A = arith.constant 0 : i32
    "tpu.region"() ({
      %run_scoped3A_283 = tpu.sem_alloc : memref<!tpu.dma_semaphore, #tpu.memory_space<semaphore_mem>>
      %dma_start3A_284 = arith.constant 0 : i32
      %dma_start3A_285 = tpu.memref_slice %arg7[%run_scoped3A, %dma_start3A_284] : memref<2x128xi32, #tpu.memory_space<vmem>> -> memref<1x128xi32, #tpu.memory_space<vmem>>
      %dma_start3A_286 = tpu.memref_squeeze %dma_start3A_285 : memref<1x128xi32, #tpu.memory_space<vmem>> -> memref<128xi32, #tpu.memory_space<vmem>>
      %dma_start3A_287 = arith.constant 0 : i32
      %dma_start3A_288 = arith.constant 0 : i32
      %dma_start3A_289 = tpu.memref_slice %arg10[%dma_start3A_287, %dma_start3A_288] : memref<10240x128xf32, #tpu.memory_space<vmem_shared>> -> memref<10240x128xf32, #tpu.memory_space<vmem_shared>>
      tpu.enqueue_indirect_dma source(%arg8 : memref<128x128xf32, #tpu.memory_space<vmem>>) target(%dma_start3A_289 : memref<10240x128xf32, #tpu.memory_space<vmem_shared>>) offsets(%dma_start3A_286 : memref<128xi32, #tpu.memory_space<vmem>>) semaphore(%run_scoped3A_283 : memref<!tpu.dma_semaphore, #tpu.memory_space<semaphore_mem>>) {add = true}
      %dma_wait3A_290 = arith.constant 0 : i32
      %dma_wait3A_291 = tpu.memref_slice %arg7[%run_scoped3A, %dma_wait3A_290] : memref<2x128xi32, #tpu.memory_space<vmem>> -> memref<1x128xi32, #tpu.memory_space<vmem>>
      %dma_wait3A_292 = tpu.memref_squeeze %dma_wait3A_291 : memref<1x128xi32, #tpu.memory_space<vmem>> -> memref<128xi32, #tpu.memory_space<vmem>>
      %dma_wait3A_293 = arith.constant 0 : i32
      %dma_wait3A_294 = arith.constant 0 : i32
      %dma_wait3A_295 = tpu.memref_slice %arg10[%dma_wait3A_293, %dma_wait3A_294] : memref<10240x128xf32, #tpu.memory_space<vmem_shared>> -> memref<10240x128xf32, #tpu.memory_space<vmem_shared>>
      tpu.wait_indirect_dma semaphore(%run_scoped3A_283 : memref<!tpu.dma_semaphore, #tpu.memory_space<semaphore_mem>>) src(%arg8 : memref<128x128xf32, #tpu.memory_space<vmem>>) dst(%dma_wait3A_295 : memref<10240x128xf32, #tpu.memory_space<vmem_shared>>)
      tpu.yield
    }) : () -> ()
    %barrier3A_237 = arith.constant 0 : index
    tpu.barrier barrier_id(%barrier3A_237)
    %mul3A_238 = arith.constant 5 : i32
    %mul3A_239 = arith.muli %arg1, %mul3A_238 : i32
    %add3A_240 = arith.constant 0 : i32
    %add3A_241 = arith.addi %mul3A_239, %add3A_240 : i32
    %mul3A_242 = arith.constant 128 : i32
    %mul3A_243 = arith.muli %add3A_241, %mul3A_242 : i32
    "tpu.region"() ({
      %run_scoped3A_283 = tpu.sem_alloc : memref<!tpu.dma_semaphore, #tpu.memory_space<semaphore_mem>>
      %dma_start3A_284 = arith.constant 0 : i32
      %dma_start3A_285 = tpu.memref_slice %arg10[%mul3A_243, %dma_start3A_284] : memref<10240x128xf32, #tpu.memory_space<vmem_shared>> -> memref<128x128xf32, #tpu.memory_space<vmem_shared>>
      %dma_start3A_286 = arith.constant 0 : i32
      %dma_start3A_287 = tpu.memref_slice %arg10[%mul3A_243, %dma_start3A_286] : memref<10240x128xf32, #tpu.memory_space<vmem_shared>> -> memref<128x128xf32, #tpu.memory_space<vmem_shared>>
      tpu.enqueue_dma source(%dma_start3A_287 : memref<128x128xf32, #tpu.memory_space<vmem_shared>>) target(%arg8 : memref<128x128xf32, #tpu.memory_space<vmem>>) target_semaphore(%run_scoped3A_283 : memref<!tpu.dma_semaphore, #tpu.memory_space<semaphore_mem>>)
      %dma_wait3A_288 = arith.constant 0 : i32
      %dma_wait3A_289 = tpu.memref_slice %arg10[%mul3A_243, %dma_wait3A_288] : memref<10240x128xf32, #tpu.memory_space<vmem_shared>> -> memref<128x128xf32, #tpu.memory_space<vmem_shared>>
      %dma_wait3A_290 = arith.constant 0 : i32
      %dma_wait3A_291 = tpu.memref_slice %arg10[%mul3A_243, %dma_wait3A_290] : memref<10240x128xf32, #tpu.memory_space<vmem_shared>> -> memref<128x128xf32, #tpu.memory_space<vmem_shared>>
      tpu.wait_dma2 semaphore(%run_scoped3A_283 : memref<!tpu.dma_semaphore, #tpu.memory_space<semaphore_mem>>) src(%dma_wait3A_291 : memref<128x128xf32, #tpu.memory_space<vmem_shared>>) dst(%arg8 : memref<128x128xf32, #tpu.memory_space<vmem>>)
      tpu.yield
    }) : () -> ()
    %mul3A_244 = arith.constant 10240 : i32
    %mul3A_245 = arith.muli %arg0, %mul3A_244 : i32
    %add3A_246 = arith.addi %mul3A_245, %mul3A_243 : i32
    "tpu.region"() ({
      %run_scoped3A_283 = tpu.sem_alloc : memref<!tpu.dma_semaphore, #tpu.memory_space<semaphore_mem>>
      %dma_start3A_284 = arith.constant 0 : i32
      %dma_start3A_285 = tpu.memref_slice %arg4[%add3A_246, %dma_start3A_284] : memref<20480x128xf32, #tpu.memory_space<hbm>> -> memref<128x128xf32, #tpu.memory_space<hbm>>
      %dma_start3A_286 = arith.constant 0 : i32
      %dma_start3A_287 = tpu.memref_slice %arg4[%add3A_246, %dma_start3A_286] : memref<20480x128xf32, #tpu.memory_space<hbm>> -> memref<128x128xf32, #tpu.memory_space<hbm>>
      tpu.enqueue_dma source(%arg8 : memref<128x128xf32, #tpu.memory_space<vmem>>) target(%dma_start3A_287 : memref<128x128xf32, #tpu.memory_space<hbm>>) target_semaphore(%run_scoped3A_283 : memref<!tpu.dma_semaphore, #tpu.memory_space<semaphore_mem>>)
      %dma_wait3A_288 = arith.constant 0 : i32
      %dma_wait3A_289 = tpu.memref_slice %arg4[%add3A_246, %dma_wait3A_288] : memref<20480x128xf32, #tpu.memory_space<hbm>> -> memref<128x128xf32, #tpu.memory_space<hbm>>
      %dma_wait3A_290 = arith.constant 0 : i32
      %dma_wait3A_291 = tpu.memref_slice %arg4[%add3A_246, %dma_wait3A_290] : memref<20480x128xf32, #tpu.memory_space<hbm>> -> memref<128x128xf32, #tpu.memory_space<hbm>>
      tpu.wait_dma2 semaphore(%run_scoped3A_283 : memref<!tpu.dma_semaphore, #tpu.memory_space<semaphore_mem>>) src(%arg8 : memref<128x128xf32, #tpu.memory_space<vmem>>) dst(%dma_wait3A_291 : memref<128x128xf32, #tpu.memory_space<hbm>>)
      tpu.yield
    }) : () -> ()
    %mul3A_247 = arith.constant 5 : i32
    %mul3A_248 = arith.muli %arg1, %mul3A_247 : i32
    %add3A_249 = arith.constant 1 : i32
    %add3A_250 = arith.addi %mul3A_248, %add3A_249 : i32
    %mul3A_251 = arith.constant 128 : i32
    %mul3A_252 = arith.muli %add3A_250, %mul3A_251 : i32
    "tpu.region"() ({
      %run_scoped3A_283 = tpu.sem_alloc : memref<!tpu.dma_semaphore, #tpu.memory_space<semaphore_mem>>
      %dma_start3A_284 = arith.constant 0 : i32
      %dma_start3A_285 = tpu.memref_slice %arg10[%mul3A_252, %dma_start3A_284] : memref<10240x128xf32, #tpu.memory_space<vmem_shared>> -> memref<128x128xf32, #tpu.memory_space<vmem_shared>>
      %dma_start3A_286 = arith.constant 0 : i32
      %dma_start3A_287 = tpu.memref_slice %arg10[%mul3A_252, %dma_start3A_286] : memref<10240x128xf32, #tpu.memory_space<vmem_shared>> -> memref<128x128xf32, #tpu.memory_space<vmem_shared>>
      tpu.enqueue_dma source(%dma_start3A_287 : memref<128x128xf32, #tpu.memory_space<vmem_shared>>) target(%arg8 : memref<128x128xf32, #tpu.memory_space<vmem>>) target_semaphore(%run_scoped3A_283 : memref<!tpu.dma_semaphore, #tpu.memory_space<semaphore_mem>>)
      %dma_wait3A_288 = arith.constant 0 : i32
      %dma_wait3A_289 = tpu.memref_slice %arg10[%mul3A_252, %dma_wait3A_288] : memref<10240x128xf32, #tpu.memory_space<vmem_shared>> -> memref<128x128xf32, #tpu.memory_space<vmem_shared>>
      %dma_wait3A_290 = arith.constant 0 : i32
      %dma_wait3A_291 = tpu.memref_slice %arg10[%mul3A_252, %dma_wait3A_290] : memref<10240x128xf32, #tpu.memory_space<vmem_shared>> -> memref<128x128xf32, #tpu.memory_space<vmem_shared>>
      tpu.wait_dma2 semaphore(%run_scoped3A_283 : memref<!tpu.dma_semaphore, #tpu.memory_space<semaphore_mem>>) src(%dma_wait3A_291 : memref<128x128xf32, #tpu.memory_space<vmem_shared>>) dst(%arg8 : memref<128x128xf32, #tpu.memory_space<vmem>>)
      tpu.yield
    }) : () -> ()
    %mul3A_253 = arith.constant 10240 : i32
    %mul3A_254 = arith.muli %arg0, %mul3A_253 : i32
    %add3A_255 = arith.addi %mul3A_254, %mul3A_252 : i32
    "tpu.region"() ({
      %run_scoped3A_283 = tpu.sem_alloc : memref<!tpu.dma_semaphore, #tpu.memory_space<semaphore_mem>>
      %dma_start3A_284 = arith.constant 0 : i32
      %dma_start3A_285 = tpu.memref_slice %arg4[%add3A_255, %dma_start3A_284] : memref<20480x128xf32, #tpu.memory_space<hbm>> -> memref<128x128xf32, #tpu.memory_space<hbm>>
      %dma_start3A_286 = arith.constant 0 : i32
      %dma_start3A_287 = tpu.memref_slice %arg4[%add3A_255, %dma_start3A_286] : memref<20480x128xf32, #tpu.memory_space<hbm>> -> memref<128x128xf32, #tpu.memory_space<hbm>>
      tpu.enqueue_dma source(%arg8 : memref<128x128xf32, #tpu.memory_space<vmem>>) target(%dma_start3A_287 : memref<128x128xf32, #tpu.memory_space<hbm>>) target_semaphore(%run_scoped3A_283 : memref<!tpu.dma_semaphore, #tpu.memory_space<semaphore_mem>>)
      %dma_wait3A_288 = arith.constant 0 : i32
      %dma_wait3A_289 = tpu.memref_slice %arg4[%add3A_255, %dma_wait3A_288] : memref<20480x128xf32, #tpu.memory_space<hbm>> -> memref<128x128xf32, #tpu.memory_space<hbm>>
      %dma_wait3A_290 = arith.constant 0 : i32
      %dma_wait3A_291 = tpu.memref_slice %arg4[%add3A_255, %dma_wait3A_290] : memref<20480x128xf32, #tpu.memory_space<hbm>> -> memref<128x128xf32, #tpu.memory_space<hbm>>
      tpu.wait_dma2 semaphore(%run_scoped3A_283 : memref<!tpu.dma_semaphore, #tpu.memory_space<semaphore_mem>>) src(%arg8 : memref<128x128xf32, #tpu.memory_space<vmem>>) dst(%dma_wait3A_291 : memref<128x128xf32, #tpu.memory_space<hbm>>)
      tpu.yield
    }) : () -> ()
    %mul3A_256 = arith.constant 5 : i32
    %mul3A_257 = arith.muli %arg1, %mul3A_256 : i32
    %add3A_258 = arith.constant 2 : i32
    %add3A_259 = arith.addi %mul3A_257, %add3A_258 : i32
    %mul3A_260 = arith.constant 128 : i32
    %mul3A_261 = arith.muli %add3A_259, %mul3A_260 : i32
    "tpu.region"() ({
      %run_scoped3A_283 = tpu.sem_alloc : memref<!tpu.dma_semaphore, #tpu.memory_space<semaphore_mem>>
      %dma_start3A_284 = arith.constant 0 : i32
      %dma_start3A_285 = tpu.memref_slice %arg10[%mul3A_261, %dma_start3A_284] : memref<10240x128xf32, #tpu.memory_space<vmem_shared>> -> memref<128x128xf32, #tpu.memory_space<vmem_shared>>
      %dma_start3A_286 = arith.constant 0 : i32
      %dma_start3A_287 = tpu.memref_slice %arg10[%mul3A_261, %dma_start3A_286] : memref<10240x128xf32, #tpu.memory_space<vmem_shared>> -> memref<128x128xf32, #tpu.memory_space<vmem_shared>>
      tpu.enqueue_dma source(%dma_start3A_287 : memref<128x128xf32, #tpu.memory_space<vmem_shared>>) target(%arg8 : memref<128x128xf32, #tpu.memory_space<vmem>>) target_semaphore(%run_scoped3A_283 : memref<!tpu.dma_semaphore, #tpu.memory_space<semaphore_mem>>)
      %dma_wait3A_288 = arith.constant 0 : i32
      %dma_wait3A_289 = tpu.memref_slice %arg10[%mul3A_261, %dma_wait3A_288] : memref<10240x128xf32, #tpu.memory_space<vmem_shared>> -> memref<128x128xf32, #tpu.memory_space<vmem_shared>>
      %dma_wait3A_290 = arith.constant 0 : i32
      %dma_wait3A_291 = tpu.memref_slice %arg10[%mul3A_261, %dma_wait3A_290] : memref<10240x128xf32, #tpu.memory_space<vmem_shared>> -> memref<128x128xf32, #tpu.memory_space<vmem_shared>>
      tpu.wait_dma2 semaphore(%run_scoped3A_283 : memref<!tpu.dma_semaphore, #tpu.memory_space<semaphore_mem>>) src(%dma_wait3A_291 : memref<128x128xf32, #tpu.memory_space<vmem_shared>>) dst(%arg8 : memref<128x128xf32, #tpu.memory_space<vmem>>)
      tpu.yield
    }) : () -> ()
    %mul3A_262 = arith.constant 10240 : i32
    %mul3A_263 = arith.muli %arg0, %mul3A_262 : i32
    %add3A_264 = arith.addi %mul3A_263, %mul3A_261 : i32
    "tpu.region"() ({
      %run_scoped3A_283 = tpu.sem_alloc : memref<!tpu.dma_semaphore, #tpu.memory_space<semaphore_mem>>
      %dma_start3A_284 = arith.constant 0 : i32
      %dma_start3A_285 = tpu.memref_slice %arg4[%add3A_264, %dma_start3A_284] : memref<20480x128xf32, #tpu.memory_space<hbm>> -> memref<128x128xf32, #tpu.memory_space<hbm>>
      %dma_start3A_286 = arith.constant 0 : i32
      %dma_start3A_287 = tpu.memref_slice %arg4[%add3A_264, %dma_start3A_286] : memref<20480x128xf32, #tpu.memory_space<hbm>> -> memref<128x128xf32, #tpu.memory_space<hbm>>
      tpu.enqueue_dma source(%arg8 : memref<128x128xf32, #tpu.memory_space<vmem>>) target(%dma_start3A_287 : memref<128x128xf32, #tpu.memory_space<hbm>>) target_semaphore(%run_scoped3A_283 : memref<!tpu.dma_semaphore, #tpu.memory_space<semaphore_mem>>)
      %dma_wait3A_288 = arith.constant 0 : i32
      %dma_wait3A_289 = tpu.memref_slice %arg4[%add3A_264, %dma_wait3A_288] : memref<20480x128xf32, #tpu.memory_space<hbm>> -> memref<128x128xf32, #tpu.memory_space<hbm>>
      %dma_wait3A_290 = arith.constant 0 : i32
      %dma_wait3A_291 = tpu.memref_slice %arg4[%add3A_264, %dma_wait3A_290] : memref<20480x128xf32, #tpu.memory_space<hbm>> -> memref<128x128xf32, #tpu.memory_space<hbm>>
      tpu.wait_dma2 semaphore(%run_scoped3A_283 : memref<!tpu.dma_semaphore, #tpu.memory_space<semaphore_mem>>) src(%arg8 : memref<128x128xf32, #tpu.memory_space<vmem>>) dst(%dma_wait3A_291 : memref<128x128xf32, #tpu.memory_space<hbm>>)
      tpu.yield
    }) : () -> ()
    %mul3A_265 = arith.constant 5 : i32
    %mul3A_266 = arith.muli %arg1, %mul3A_265 : i32
    %add3A_267 = arith.constant 3 : i32
    %add3A_268 = arith.addi %mul3A_266, %add3A_267 : i32
    %mul3A_269 = arith.constant 128 : i32
    %mul3A_270 = arith.muli %add3A_268, %mul3A_269 : i32
    "tpu.region"() ({
      %run_scoped3A_283 = tpu.sem_alloc : memref<!tpu.dma_semaphore, #tpu.memory_space<semaphore_mem>>
      %dma_start3A_284 = arith.constant 0 : i32
      %dma_start3A_285 = tpu.memref_slice %arg10[%mul3A_270, %dma_start3A_284] : memref<10240x128xf32, #tpu.memory_space<vmem_shared>> -> memref<128x128xf32, #tpu.memory_space<vmem_shared>>
      %dma_start3A_286 = arith.constant 0 : i32
      %dma_start3A_287 = tpu.memref_slice %arg10[%mul3A_270, %dma_start3A_286] : memref<10240x128xf32, #tpu.memory_space<vmem_shared>> -> memref<128x128xf32, #tpu.memory_space<vmem_shared>>
      tpu.enqueue_dma source(%dma_start3A_287 : memref<128x128xf32, #tpu.memory_space<vmem_shared>>) target(%arg8 : memref<128x128xf32, #tpu.memory_space<vmem>>) target_semaphore(%run_scoped3A_283 : memref<!tpu.dma_semaphore, #tpu.memory_space<semaphore_mem>>)
      %dma_wait3A_288 = arith.constant 0 : i32
      %dma_wait3A_289 = tpu.memref_slice %arg10[%mul3A_270, %dma_wait3A_288] : memref<10240x128xf32, #tpu.memory_space<vmem_shared>> -> memref<128x128xf32, #tpu.memory_space<vmem_shared>>
      %dma_wait3A_290 = arith.constant 0 : i32
      %dma_wait3A_291 = tpu.memref_slice %arg10[%mul3A_270, %dma_wait3A_290] : memref<10240x128xf32, #tpu.memory_space<vmem_shared>> -> memref<128x128xf32, #tpu.memory_space<vmem_shared>>
      tpu.wait_dma2 semaphore(%run_scoped3A_283 : memref<!tpu.dma_semaphore, #tpu.memory_space<semaphore_mem>>) src(%dma_wait3A_291 : memref<128x128xf32, #tpu.memory_space<vmem_shared>>) dst(%arg8 : memref<128x128xf32, #tpu.memory_space<vmem>>)
      tpu.yield
    }) : () -> ()
    %mul3A_271 = arith.constant 10240 : i32
    %mul3A_272 = arith.muli %arg0, %mul3A_271 : i32
    %add3A_273 = arith.addi %mul3A_272, %mul3A_270 : i32
    "tpu.region"() ({
      %run_scoped3A_283 = tpu.sem_alloc : memref<!tpu.dma_semaphore, #tpu.memory_space<semaphore_mem>>
      %dma_start3A_284 = arith.constant 0 : i32
      %dma_start3A_285 = tpu.memref_slice %arg4[%add3A_273, %dma_start3A_284] : memref<20480x128xf32, #tpu.memory_space<hbm>> -> memref<128x128xf32, #tpu.memory_space<hbm>>
      %dma_start3A_286 = arith.constant 0 : i32
      %dma_start3A_287 = tpu.memref_slice %arg4[%add3A_273, %dma_start3A_286] : memref<20480x128xf32, #tpu.memory_space<hbm>> -> memref<128x128xf32, #tpu.memory_space<hbm>>
      tpu.enqueue_dma source(%arg8 : memref<128x128xf32, #tpu.memory_space<vmem>>) target(%dma_start3A_287 : memref<128x128xf32, #tpu.memory_space<hbm>>) target_semaphore(%run_scoped3A_283 : memref<!tpu.dma_semaphore, #tpu.memory_space<semaphore_mem>>)
      %dma_wait3A_288 = arith.constant 0 : i32
      %dma_wait3A_289 = tpu.memref_slice %arg4[%add3A_273, %dma_wait3A_288] : memref<20480x128xf32, #tpu.memory_space<hbm>> -> memref<128x128xf32, #tpu.memory_space<hbm>>
      %dma_wait3A_290 = arith.constant 0 : i32
      %dma_wait3A_291 = tpu.memref_slice %arg4[%add3A_273, %dma_wait3A_290] : memref<20480x128xf32, #tpu.memory_space<hbm>> -> memref<128x128xf32, #tpu.memory_space<hbm>>
      tpu.wait_dma2 semaphore(%run_scoped3A_283 : memref<!tpu.dma_semaphore, #tpu.memory_space<semaphore_mem>>) src(%arg8 : memref<128x128xf32, #tpu.memory_space<vmem>>) dst(%dma_wait3A_291 : memref<128x128xf32, #tpu.memory_space<hbm>>)
      tpu.yield
    }) : () -> ()
    %mul3A_274 = arith.constant 5 : i32
    %mul3A_275 = arith.muli %arg1, %mul3A_274 : i32
    %add3A_276 = arith.constant 4 : i32
    %add3A_277 = arith.addi %mul3A_275, %add3A_276 : i32
    %mul3A_278 = arith.constant 128 : i32
    %mul3A_279 = arith.muli %add3A_277, %mul3A_278 : i32
    "tpu.region"() ({
      %run_scoped3A_283 = tpu.sem_alloc : memref<!tpu.dma_semaphore, #tpu.memory_space<semaphore_mem>>
      %dma_start3A_284 = arith.constant 0 : i32
      %dma_start3A_285 = tpu.memref_slice %arg10[%mul3A_279, %dma_start3A_284] : memref<10240x128xf32, #tpu.memory_space<vmem_shared>> -> memref<128x128xf32, #tpu.memory_space<vmem_shared>>
      %dma_start3A_286 = arith.constant 0 : i32
      %dma_start3A_287 = tpu.memref_slice %arg10[%mul3A_279, %dma_start3A_286] : memref<10240x128xf32, #tpu.memory_space<vmem_shared>> -> memref<128x128xf32, #tpu.memory_space<vmem_shared>>
      tpu.enqueue_dma source(%dma_start3A_287 : memref<128x128xf32, #tpu.memory_space<vmem_shared>>) target(%arg8 : memref<128x128xf32, #tpu.memory_space<vmem>>) target_semaphore(%run_scoped3A_283 : memref<!tpu.dma_semaphore, #tpu.memory_space<semaphore_mem>>)
      %dma_wait3A_288 = arith.constant 0 : i32
      %dma_wait3A_289 = tpu.memref_slice %arg10[%mul3A_279, %dma_wait3A_288] : memref<10240x128xf32, #tpu.memory_space<vmem_shared>> -> memref<128x128xf32, #tpu.memory_space<vmem_shared>>
      %dma_wait3A_290 = arith.constant 0 : i32
      %dma_wait3A_291 = tpu.memref_slice %arg10[%mul3A_279, %dma_wait3A_290] : memref<10240x128xf32, #tpu.memory_space<vmem_shared>> -> memref<128x128xf32, #tpu.memory_space<vmem_shared>>
      tpu.wait_dma2 semaphore(%run_scoped3A_283 : memref<!tpu.dma_semaphore, #tpu.memory_space<semaphore_mem>>) src(%dma_wait3A_291 : memref<128x128xf32, #tpu.memory_space<vmem_shared>>) dst(%arg8 : memref<128x128xf32, #tpu.memory_space<vmem>>)
      tpu.yield
    }) : () -> ()
    %mul3A_280 = arith.constant 10240 : i32
    %mul3A_281 = arith.muli %arg0, %mul3A_280 : i32
    %add3A_282 = arith.addi %mul3A_281, %mul3A_279 : i32
    "tpu.region"() ({
      %run_scoped3A_283 = tpu.sem_alloc : memref<!tpu.dma_semaphore, #tpu.memory_space<semaphore_mem>>
      %dma_start3A_284 = arith.constant 0 : i32
      %dma_start3A_285 = tpu.memref_slice %arg4[%add3A_282, %dma_start3A_284] : memref<20480x128xf32, #tpu.memory_space<hbm>> -> memref<128x128xf32, #tpu.memory_space<hbm>>
      %dma_start3A_286 = arith.constant 0 : i32
      %dma_start3A_287 = tpu.memref_slice %arg4[%add3A_282, %dma_start3A_286] : memref<20480x128xf32, #tpu.memory_space<hbm>> -> memref<128x128xf32, #tpu.memory_space<hbm>>
      tpu.enqueue_dma source(%arg8 : memref<128x128xf32, #tpu.memory_space<vmem>>) target(%dma_start3A_287 : memref<128x128xf32, #tpu.memory_space<hbm>>) target_semaphore(%run_scoped3A_283 : memref<!tpu.dma_semaphore, #tpu.memory_space<semaphore_mem>>)
      %dma_wait3A_288 = arith.constant 0 : i32
      %dma_wait3A_289 = tpu.memref_slice %arg4[%add3A_282, %dma_wait3A_288] : memref<20480x128xf32, #tpu.memory_space<hbm>> -> memref<128x128xf32, #tpu.memory_space<hbm>>
      %dma_wait3A_290 = arith.constant 0 : i32
      %dma_wait3A_291 = tpu.memref_slice %arg4[%add3A_282, %dma_wait3A_290] : memref<20480x128xf32, #tpu.memory_space<hbm>> -> memref<128x128xf32, #tpu.memory_space<hbm>>
      tpu.wait_dma2 semaphore(%run_scoped3A_283 : memref<!tpu.dma_semaphore, #tpu.memory_space<semaphore_mem>>) src(%arg8 : memref<128x128xf32, #tpu.memory_space<vmem>>) dst(%dma_wait3A_291 : memref<128x128xf32, #tpu.memory_space<hbm>>)
      tpu.yield
    }) : () -> ()
    return
  }
}

module attributes {stable_mosaic.version = 14 : i64} {
  func.func @body(%arg0: i32, %arg1: memref<1000x128xf32, #tpu.memory_space<vmem>>, %arg2: memref<2x1000x128xf32, #tpu.memory_space<vmem>>, %arg3: memref<128x256xf32, #tpu.memory_space<vmem>>, %arg4: memref<1x256xf32, #tpu.memory_space<vmem>>, %arg5: memref<1000x256xf32, #tpu.memory_space<vmem>>, %arg6: memref<1x256xf32, #tpu.memory_space<vmem>>, %arg7: memref<1x256xf32, #tpu.memory_space<vmem>>) attributes {dimension_semantics = [#tpu.dimension_semantics<arbitrary>], iteration_bounds = array<i64: 10>, scalar_prefetch = 0 : i64, scratch_operands = 0 : i64, tpu.core_type = #tpu.core_type<tc>, window_params = [{transform_indices = @transform_0, window_bounds = array<i64: 1000, 128>}, {transform_indices = @transform_1, window_bounds = array<i64: 2, 1000, 128>}, {pipeline_mode = #tpu.pipeline_mode<synchronous>, transform_indices = @transform_2, window_bounds = array<i64: 128, 256>}, {pipeline_mode = #tpu.pipeline_mode<synchronous>, transform_indices = @transform_3, window_bounds = array<i64: 1, 256>}, {transform_indices = @transform_4, window_bounds = array<i64: 1000, 256>}, {pipeline_mode = #tpu.pipeline_mode<synchronous>, transform_indices = @transform_5, window_bounds = array<i64: 1, 256>}, {pipeline_mode = #tpu.pipeline_mode<synchronous>, transform_indices = @transform_6, window_bounds = array<i64: 1, 256>}]} {
    %get3A = arith.constant 0 : index
    %get3A_0 = arith.constant 0 : index
    %get3A_1 = arith.constant 0 : index
    %get3A_2 = vector.load %arg2[%get3A, %get3A_0, %get3A_1] : memref<2x1000x128xf32, #tpu.memory_space<vmem>>, vector<2x1000x128xf32>
    %get3A_3 = arith.constant 0 : index
    %get3A_4 = arith.constant 0 : index
    %get3A_5 = vector.load %arg1[%get3A_3, %get3A_4] : memref<1000x128xf32, #tpu.memory_space<vmem>>, vector<1000x128xf32>
    %slice3A = vector.extract_strided_slice %get3A_2 {offsets = [0, 0, 0], sizes = [1, 1000, 128], strides = [1, 1, 1]} : vector<2x1000x128xf32> to vector<1x1000x128xf32>
    %squeeze3A = vector.shape_cast %slice3A : vector<1x1000x128xf32> to vector<1000x128xf32>
    %slice3A_6 = vector.extract_strided_slice %get3A_2 {offsets = [1, 0, 0], sizes = [1, 1000, 128], strides = [1, 1, 1]} : vector<2x1000x128xf32> to vector<1x1000x128xf32>
    %squeeze3A_7 = vector.shape_cast %slice3A_6 : vector<1x1000x128xf32> to vector<1000x128xf32>
    %add3A = arith.addf %squeeze3A, %squeeze3A_7 : vector<1000x128xf32>
    %add3A_8 = arith.addf %get3A_5, %add3A : vector<1000x128xf32>
    %get3A_9 = arith.constant 0 : index
    %get3A_10 = arith.constant 0 : index
    %get3A_11 = vector.load %arg3[%get3A_9, %get3A_10] : memref<128x256xf32, #tpu.memory_space<vmem>>, vector<128x256xf32>
    %dot_general3A = arith.constant dense<0.000000e+00> : vector<1000x256xf32>
    %dot_general3A_12 = tpu.matmul %add3A_8, %get3A_11, %dot_general3A {dimension_numbers = #tpu.dot_dimension_numbers<[1], [0], [0], [1], [0, 0, 1, 1], [], []>, transpose_lhs_hint = false} : vector<1000x128xf32>, vector<128x256xf32>, vector<1000x256xf32> -> vector<1000x256xf32>
    %get3A_13 = arith.constant 0 : index
    %get3A_14 = arith.constant 0 : index
    %get3A_15 = vector.load %arg4[%get3A_13, %get3A_14] : memref<1x256xf32, #tpu.memory_space<vmem>>, vector<1x256xf32>
    %add3A_16 = vector.broadcast %get3A_15 : vector<1x256xf32> to vector<1000x256xf32>
    %add3A_17 = arith.addf %dot_general3A_12, %add3A_16 : vector<1000x256xf32>
    %swap3A = arith.constant 0 : index
    %swap3A_18 = arith.constant 0 : index
    %swap3A_19 = vector.load %arg5[%swap3A, %swap3A_18] : memref<1000x256xf32, #tpu.memory_space<vmem>>, vector<1000x256xf32>
    tpu.vector_store %arg5[%swap3A, %swap3A_18], %add3A_17 {strides = array<i32>} : memref<1000x256xf32, #tpu.memory_space<vmem>>, vector<1000x256xf32>,
    %eq3A = arith.constant 0 : i32
    %eq3A_20 = arith.cmpi eq, %arg0, %eq3A : i32
    %convert_element_type3A = arith.extui %eq3A_20 : i1 to i32
    %cond3A = arith.constant 0 : i32
    %cond3A_21 = arith.cmpi ne, %convert_element_type3A, %cond3A : i32
    scf.if %cond3A_21 {
      %broadcast_in_dim3A_40 = arith.constant 0.000000e+00 : f32
      %broadcast_in_dim3A_41 = vector.broadcast %broadcast_in_dim3A_40 : f32 to vector<1x256xf32>
      %swap3A_42 = arith.constant 0 : index
      %swap3A_43 = arith.constant 0 : index
      %swap3A_44 = vector.load %arg6[%swap3A_42, %swap3A_43] : memref<1x256xf32, #tpu.memory_space<vmem>>, vector<1x256xf32>
      tpu.vector_store %arg6[%swap3A_42, %swap3A_43], %broadcast_in_dim3A_41 {strides = array<i32>} : memref<1x256xf32, #tpu.memory_space<vmem>>, vector<1x256xf32>,
      %broadcast_in_dim3A_45 = arith.constant 0.000000e+00 : f32
      %broadcast_in_dim3A_46 = vector.broadcast %broadcast_in_dim3A_45 : f32 to vector<1x256xf32>
      %swap3A_47 = arith.constant 0 : index
      %swap3A_48 = arith.constant 0 : index
      %swap3A_49 = vector.load %arg7[%swap3A_47, %swap3A_48] : memref<1x256xf32, #tpu.memory_space<vmem>>, vector<1x256xf32>
      tpu.vector_store %arg7[%swap3A_47, %swap3A_48], %broadcast_in_dim3A_46 {strides = array<i32>} : memref<1x256xf32, #tpu.memory_space<vmem>>, vector<1x256xf32>,
    } else {
    }
    %get3A_22 = arith.constant 0 : index
    %get3A_23 = arith.constant 0 : index
    %get3A_24 = vector.load %arg6[%get3A_22, %get3A_23] : memref<1x256xf32, #tpu.memory_space<vmem>>, vector<1x256xf32>
    %reduce_sum3A = arith.constant dense<0.000000e+00> : vector<256xf32>
    %reduce_sum3A_25 = vector.multi_reduction <add>, %add3A_17, %reduce_sum3A [0] : vector<1000x256xf32> to vector<256xf32>
    %broadcast_in_dim3A = vector.shape_cast %reduce_sum3A_25 : vector<256xf32> to vector<1x256xf32>
    %add3A_26 = arith.addf %get3A_24, %broadcast_in_dim3A : vector<1x256xf32>
    %swap3A_27 = arith.constant 0 : index
    %swap3A_28 = arith.constant 0 : index
    %swap3A_29 = vector.load %arg6[%swap3A_27, %swap3A_28] : memref<1x256xf32, #tpu.memory_space<vmem>>, vector<1x256xf32>
    tpu.vector_store %arg6[%swap3A_27, %swap3A_28], %add3A_26 {strides = array<i32>} : memref<1x256xf32, #tpu.memory_space<vmem>>, vector<1x256xf32>,
    %get3A_30 = arith.constant 0 : index
    %get3A_31 = arith.constant 0 : index
    %get3A_32 = vector.load %arg7[%get3A_30, %get3A_31] : memref<1x256xf32, #tpu.memory_space<vmem>>, vector<1x256xf32>
    %mul3A = arith.mulf %add3A_17, %add3A_17 : vector<1000x256xf32>
    %reduce_sum3A_33 = arith.constant dense<0.000000e+00> : vector<256xf32>
    %reduce_sum3A_34 = vector.multi_reduction <add>, %mul3A, %reduce_sum3A_33 [0] : vector<1000x256xf32> to vector<256xf32>
    %broadcast_in_dim3A_35 = vector.shape_cast %reduce_sum3A_34 : vector<256xf32> to vector<1x256xf32>
    %add3A_36 = arith.addf %get3A_32, %broadcast_in_dim3A_35 : vector<1x256xf32>
    %swap3A_37 = arith.constant 0 : index
    %swap3A_38 = arith.constant 0 : index
    %swap3A_39 = vector.load %arg7[%swap3A_37, %swap3A_38] : memref<1x256xf32, #tpu.memory_space<vmem>>, vector<1x256xf32>
    tpu.vector_store %arg7[%swap3A_37, %swap3A_38], %add3A_36 {strides = array<i32>} : memref<1x256xf32, #tpu.memory_space<vmem>>, vector<1x256xf32>,
    return
  }
  func.func @transform_0(%arg0: i32) -> (i32, i32) {
    %c0_i32 = arith.constant 0 : i32
    %c0_i32_0 = arith.constant 0 : i32
    return %arg0, %c0_i32 : i32, i32
  }
  func.func @transform_1(%arg0: i32) -> (i32, i32, i32) {
    %c0_i32 = arith.constant 0 : i32
    %c0_i32_0 = arith.constant 0 : i32
    %c0_i32_1 = arith.constant 0 : i32
    return %c0_i32, %arg0, %c0_i32_0 : i32, i32, i32
  }
  func.func @transform_2(%arg0: i32) -> (i32, i32) {
    %c0_i32 = arith.constant 0 : i32
    %c0_i32_0 = arith.constant 0 : i32
    %c0_i32_1 = arith.constant 0 : i32
    return %c0_i32, %c0_i32_0 : i32, i32
  }
  func.func @transform_3(%arg0: i32) -> (i32, i32) {
    %c0_i32 = arith.constant 0 : i32
    %c0_i32_0 = arith.constant 0 : i32
    %c0_i32_1 = arith.constant 0 : i32
    return %c0_i32, %c0_i32_0 : i32, i32
  }
  func.func @transform_4(%arg0: i32) -> (i32, i32) {
    %c0_i32 = arith.constant 0 : i32
    %c0_i32_0 = arith.constant 0 : i32
    return %arg0, %c0_i32 : i32, i32
  }
  func.func @transform_5(%arg0: i32) -> (i32, i32) {
    %c0_i32 = arith.constant 0 : i32
    %c0_i32_0 = arith.constant 0 : i32
    %c0_i32_1 = arith.constant 0 : i32
    return %c0_i32, %c0_i32_0 : i32, i32
  }
  func.func @transform_6(%arg0: i32) -> (i32, i32) {
    %c0_i32 = arith.constant 0 : i32
    %c0_i32_0 = arith.constant 0 : i32
    %c0_i32_1 = arith.constant 0 : i32
    return %c0_i32, %c0_i32_0 : i32, i32
  }
}

module attributes {stable_mosaic.version = 14 : i64} {
  func.func @body(%arg0: i32, %arg1: memref<1000x256xf32, #tpu.memory_space<vmem>>, %arg2: memref<1x256xf32, #tpu.memory_space<vmem>>, %arg3: memref<1x256xf32, #tpu.memory_space<vmem>>, %arg4: memref<1x256xf32, #tpu.memory_space<vmem>>, %arg5: memref<1x256xf32, #tpu.memory_space<vmem>>, %arg6: memref<256x256xf32, #tpu.memory_space<vmem>>, %arg7: memref<1x256xf32, #tpu.memory_space<vmem>>, %arg8: memref<1000x256xf32, #tpu.memory_space<vmem>>, %arg9: memref<1x256xf32, #tpu.memory_space<vmem>>, %arg10: memref<1x256xf32, #tpu.memory_space<vmem>>) attributes {dimension_semantics = [#tpu.dimension_semantics<arbitrary>], iteration_bounds = array<i64: 10>, scalar_prefetch = 0 : i64, scratch_operands = 0 : i64, tpu.core_type = #tpu.core_type<tc>, window_params = [{transform_indices = @transform_0, window_bounds = array<i64: 1000, 256>}, {pipeline_mode = #tpu.pipeline_mode<synchronous>, transform_indices = @transform_1, window_bounds = array<i64: 1, 256>}, {pipeline_mode = #tpu.pipeline_mode<synchronous>, transform_indices = @transform_2, window_bounds = array<i64: 1, 256>}, {pipeline_mode = #tpu.pipeline_mode<synchronous>, transform_indices = @transform_3, window_bounds = array<i64: 1, 256>}, {pipeline_mode = #tpu.pipeline_mode<synchronous>, transform_indices = @transform_4, window_bounds = array<i64: 1, 256>}, {pipeline_mode = #tpu.pipeline_mode<synchronous>, transform_indices = @transform_5, window_bounds = array<i64: 256, 256>}, {pipeline_mode = #tpu.pipeline_mode<synchronous>, transform_indices = @transform_6, window_bounds = array<i64: 1, 256>}, {transform_indices = @transform_7, window_bounds = array<i64: 1000, 256>}, {pipeline_mode = #tpu.pipeline_mode<synchronous>, transform_indices = @transform_8, window_bounds = array<i64: 1, 256>}, {pipeline_mode = #tpu.pipeline_mode<synchronous>, transform_indices = @transform_9, window_bounds = array<i64: 1, 256>}]} {
    %get3A = arith.constant 0 : index
    %get3A_0 = arith.constant 0 : index
    %get3A_1 = vector.load %arg2[%get3A, %get3A_0] : memref<1x256xf32, #tpu.memory_space<vmem>>, vector<1x256xf32>
    %get3A_2 = arith.constant 0 : index
    %get3A_3 = arith.constant 0 : index
    %get3A_4 = vector.load %arg3[%get3A_2, %get3A_3] : memref<1x256xf32, #tpu.memory_space<vmem>>, vector<1x256xf32>
    %get3A_5 = arith.constant 0 : index
    %get3A_6 = arith.constant 0 : index
    %get3A_7 = vector.load %arg4[%get3A_5, %get3A_6] : memref<1x256xf32, #tpu.memory_space<vmem>>, vector<1x256xf32>
    %get3A_8 = arith.constant 0 : index
    %get3A_9 = arith.constant 0 : index
    %get3A_10 = vector.load %arg5[%get3A_8, %get3A_9] : memref<1x256xf32, #tpu.memory_space<vmem>>, vector<1x256xf32>
    %div3A = arith.constant 1.000000e+04 : f32
    %div3A_11 = vector.broadcast %div3A : f32 to vector<1x256xf32>
    %div3A_12 = arith.divf %get3A_1, %div3A_11 : vector<1x256xf32>
    %div3A_13 = arith.constant 1.000000e+04 : f32
    %div3A_14 = vector.broadcast %div3A_13 : f32 to vector<1x256xf32>
    %div3A_15 = arith.divf %get3A_4, %div3A_14 : vector<1x256xf32>
    %mul3A = arith.mulf %div3A_12, %div3A_12 : vector<1x256xf32>
    %sub3A = arith.subf %div3A_15, %mul3A : vector<1x256xf32>
    %add3A = arith.constant 9.99999974E-6 : f32
    %add3A_16 = vector.broadcast %add3A : f32 to vector<1x256xf32>
    %add3A_17 = arith.addf %sub3A, %add3A_16 : vector<1x256xf32>
    %rsqrt3A = math.rsqrt %add3A_17 : vector<1x256xf32>
    %mul3A_18 = arith.mulf %get3A_7, %rsqrt3A : vector<1x256xf32>
    %mul3A_19 = arith.mulf %div3A_12, %mul3A_18 : vector<1x256xf32>
    %sub3A_20 = arith.subf %get3A_10, %mul3A_19 : vector<1x256xf32>
    %get3A_21 = arith.constant 0 : index
    %get3A_22 = arith.constant 0 : index
    %get3A_23 = vector.load %arg1[%get3A_21, %get3A_22] : memref<1000x256xf32, #tpu.memory_space<vmem>>, vector<1000x256xf32>
    %mul3A_24 = vector.broadcast %mul3A_18 : vector<1x256xf32> to vector<1000x256xf32>
    %mul3A_25 = arith.mulf %get3A_23, %mul3A_24 : vector<1000x256xf32>
    %add3A_26 = vector.broadcast %sub3A_20 : vector<1x256xf32> to vector<1000x256xf32>
    %add3A_27 = arith.addf %mul3A_25, %add3A_26 : vector<1000x256xf32>
    %max3A = arith.constant 0.000000e+00 : f32
    %max3A_28 = vector.broadcast %max3A : f32 to vector<1000x256xf32>
    %max3A_29 = arith.maximumf %add3A_27, %max3A_28 : vector<1000x256xf32>
    %get3A_30 = arith.constant 0 : index
    %get3A_31 = arith.constant 0 : index
    %get3A_32 = vector.load %arg6[%get3A_30, %get3A_31] : memref<256x256xf32, #tpu.memory_space<vmem>>, vector<256x256xf32>
    %dot_general3A = arith.constant dense<0.000000e+00> : vector<1000x256xf32>
    %dot_general3A_33 = tpu.matmul %max3A_29, %get3A_32, %dot_general3A {dimension_numbers = #tpu.dot_dimension_numbers<[1], [0], [0], [1], [0, 0, 1, 1], [], []>, transpose_lhs_hint = false} : vector<1000x256xf32>, vector<256x256xf32>, vector<1000x256xf32> -> vector<1000x256xf32>
    %get3A_34 = arith.constant 0 : index
    %get3A_35 = arith.constant 0 : index
    %get3A_36 = vector.load %arg7[%get3A_34, %get3A_35] : memref<1x256xf32, #tpu.memory_space<vmem>>, vector<1x256xf32>
    %add3A_37 = vector.broadcast %get3A_36 : vector<1x256xf32> to vector<1000x256xf32>
    %add3A_38 = arith.addf %dot_general3A_33, %add3A_37 : vector<1000x256xf32>
    %swap3A = arith.constant 0 : index
    %swap3A_39 = arith.constant 0 : index
    %swap3A_40 = vector.load %arg8[%swap3A, %swap3A_39] : memref<1000x256xf32, #tpu.memory_space<vmem>>, vector<1000x256xf32>
    tpu.vector_store %arg8[%swap3A, %swap3A_39], %add3A_38 {strides = array<i32>} : memref<1000x256xf32, #tpu.memory_space<vmem>>, vector<1000x256xf32>,
    %eq3A = arith.constant 0 : i32
    %eq3A_41 = arith.cmpi eq, %arg0, %eq3A : i32
    %convert_element_type3A = arith.extui %eq3A_41 : i1 to i32
    %cond3A = arith.constant 0 : i32
    %cond3A_42 = arith.cmpi ne, %convert_element_type3A, %cond3A : i32
    scf.if %cond3A_42 {
      %broadcast_in_dim3A_62 = arith.constant 0.000000e+00 : f32
      %broadcast_in_dim3A_63 = vector.broadcast %broadcast_in_dim3A_62 : f32 to vector<1x256xf32>
      %swap3A_64 = arith.constant 0 : index
      %swap3A_65 = arith.constant 0 : index
      %swap3A_66 = vector.load %arg9[%swap3A_64, %swap3A_65] : memref<1x256xf32, #tpu.memory_space<vmem>>, vector<1x256xf32>
      tpu.vector_store %arg9[%swap3A_64, %swap3A_65], %broadcast_in_dim3A_63 {strides = array<i32>} : memref<1x256xf32, #tpu.memory_space<vmem>>, vector<1x256xf32>,
      %broadcast_in_dim3A_67 = arith.constant 0.000000e+00 : f32
      %broadcast_in_dim3A_68 = vector.broadcast %broadcast_in_dim3A_67 : f32 to vector<1x256xf32>
      %swap3A_69 = arith.constant 0 : index
      %swap3A_70 = arith.constant 0 : index
      %swap3A_71 = vector.load %arg10[%swap3A_69, %swap3A_70] : memref<1x256xf32, #tpu.memory_space<vmem>>, vector<1x256xf32>
      tpu.vector_store %arg10[%swap3A_69, %swap3A_70], %broadcast_in_dim3A_68 {strides = array<i32>} : memref<1x256xf32, #tpu.memory_space<vmem>>, vector<1x256xf32>,
    } else {
    }
    %get3A_43 = arith.constant 0 : index
    %get3A_44 = arith.constant 0 : index
    %get3A_45 = vector.load %arg9[%get3A_43, %get3A_44] : memref<1x256xf32, #tpu.memory_space<vmem>>, vector<1x256xf32>
    %reduce_sum3A = arith.constant dense<0.000000e+00> : vector<256xf32>
    %reduce_sum3A_46 = vector.multi_reduction <add>, %add3A_38, %reduce_sum3A [0] : vector<1000x256xf32> to vector<256xf32>
    %broadcast_in_dim3A = vector.shape_cast %reduce_sum3A_46 : vector<256xf32> to vector<1x256xf32>
    %add3A_47 = arith.addf %get3A_45, %broadcast_in_dim3A : vector<1x256xf32>
    %swap3A_48 = arith.constant 0 : index
    %swap3A_49 = arith.constant 0 : index
    %swap3A_50 = vector.load %arg9[%swap3A_48, %swap3A_49] : memref<1x256xf32, #tpu.memory_space<vmem>>, vector<1x256xf32>
    tpu.vector_store %arg9[%swap3A_48, %swap3A_49], %add3A_47 {strides = array<i32>} : memref<1x256xf32, #tpu.memory_space<vmem>>, vector<1x256xf32>,
    %get3A_51 = arith.constant 0 : index
    %get3A_52 = arith.constant 0 : index
    %get3A_53 = vector.load %arg10[%get3A_51, %get3A_52] : memref<1x256xf32, #tpu.memory_space<vmem>>, vector<1x256xf32>
    %mul3A_54 = arith.mulf %add3A_38, %add3A_38 : vector<1000x256xf32>
    %reduce_sum3A_55 = arith.constant dense<0.000000e+00> : vector<256xf32>
    %reduce_sum3A_56 = vector.multi_reduction <add>, %mul3A_54, %reduce_sum3A_55 [0] : vector<1000x256xf32> to vector<256xf32>
    %broadcast_in_dim3A_57 = vector.shape_cast %reduce_sum3A_56 : vector<256xf32> to vector<1x256xf32>
    %add3A_58 = arith.addf %get3A_53, %broadcast_in_dim3A_57 : vector<1x256xf32>
    %swap3A_59 = arith.constant 0 : index
    %swap3A_60 = arith.constant 0 : index
    %swap3A_61 = vector.load %arg10[%swap3A_59, %swap3A_60] : memref<1x256xf32, #tpu.memory_space<vmem>>, vector<1x256xf32>
    tpu.vector_store %arg10[%swap3A_59, %swap3A_60], %add3A_58 {strides = array<i32>} : memref<1x256xf32, #tpu.memory_space<vmem>>, vector<1x256xf32>,
    return
  }
  func.func @transform_0(%arg0: i32) -> (i32, i32) {
    %c0_i32 = arith.constant 0 : i32
    %c0_i32_0 = arith.constant 0 : i32
    return %arg0, %c0_i32 : i32, i32
  }
  func.func @transform_1(%arg0: i32) -> (i32, i32) {
    %c0_i32 = arith.constant 0 : i32
    %c0_i32_0 = arith.constant 0 : i32
    %c0_i32_1 = arith.constant 0 : i32
    return %c0_i32, %c0_i32_0 : i32, i32
  }
  func.func @transform_2(%arg0: i32) -> (i32, i32) {
    %c0_i32 = arith.constant 0 : i32
    %c0_i32_0 = arith.constant 0 : i32
    %c0_i32_1 = arith.constant 0 : i32
    return %c0_i32, %c0_i32_0 : i32, i32
  }
  func.func @transform_3(%arg0: i32) -> (i32, i32) {
    %c0_i32 = arith.constant 0 : i32
    %c0_i32_0 = arith.constant 0 : i32
    %c0_i32_1 = arith.constant 0 : i32
    return %c0_i32, %c0_i32_0 : i32, i32
  }
  func.func @transform_4(%arg0: i32) -> (i32, i32) {
    %c0_i32 = arith.constant 0 : i32
    %c0_i32_0 = arith.constant 0 : i32
    %c0_i32_1 = arith.constant 0 : i32
    return %c0_i32, %c0_i32_0 : i32, i32
  }
  func.func @transform_5(%arg0: i32) -> (i32, i32) {
    %c0_i32 = arith.constant 0 : i32
    %c0_i32_0 = arith.constant 0 : i32
    %c0_i32_1 = arith.constant 0 : i32
    return %c0_i32, %c0_i32_0 : i32, i32
  }
  func.func @transform_6(%arg0: i32) -> (i32, i32) {
    %c0_i32 = arith.constant 0 : i32
    %c0_i32_0 = arith.constant 0 : i32
    %c0_i32_1 = arith.constant 0 : i32
    return %c0_i32, %c0_i32_0 : i32, i32
  }
  func.func @transform_7(%arg0: i32) -> (i32, i32) {
    %c0_i32 = arith.constant 0 : i32
    %c0_i32_0 = arith.constant 0 : i32
    return %arg0, %c0_i32 : i32, i32
  }
  func.func @transform_8(%arg0: i32) -> (i32, i32) {
    %c0_i32 = arith.constant 0 : i32
    %c0_i32_0 = arith.constant 0 : i32
    %c0_i32_1 = arith.constant 0 : i32
    return %c0_i32, %c0_i32_0 : i32, i32
  }
  func.func @transform_9(%arg0: i32) -> (i32, i32) {
    %c0_i32 = arith.constant 0 : i32
    %c0_i32_0 = arith.constant 0 : i32
    %c0_i32_1 = arith.constant 0 : i32
    return %c0_i32, %c0_i32_0 : i32, i32
  }
}

module attributes {stable_mosaic.version = 14 : i64} {
  func.func @body(%arg0: i32, %arg1: memref<1000x256xf32, #tpu.memory_space<vmem>>, %arg2: memref<1x256xf32, #tpu.memory_space<vmem>>, %arg3: memref<1x256xf32, #tpu.memory_space<vmem>>, %arg4: memref<1x256xf32, #tpu.memory_space<vmem>>, %arg5: memref<1x256xf32, #tpu.memory_space<vmem>>, %arg6: memref<1x256xf32, #tpu.memory_space<vmem>>, %arg7: memref<1x256xf32, #tpu.memory_space<vmem>>) attributes {dimension_semantics = [#tpu.dimension_semantics<arbitrary>], iteration_bounds = array<i64: 10>, scalar_prefetch = 0 : i64, scratch_operands = 0 : i64, tpu.core_type = #tpu.core_type<tc>, window_params = [{transform_indices = @transform_0, window_bounds = array<i64: 1000, 256>}, {pipeline_mode = #tpu.pipeline_mode<synchronous>, transform_indices = @transform_1, window_bounds = array<i64: 1, 256>}, {pipeline_mode = #tpu.pipeline_mode<synchronous>, transform_indices = @transform_2, window_bounds = array<i64: 1, 256>}, {pipeline_mode = #tpu.pipeline_mode<synchronous>, transform_indices = @transform_3, window_bounds = array<i64: 1, 256>}, {pipeline_mode = #tpu.pipeline_mode<synchronous>, transform_indices = @transform_4, window_bounds = array<i64: 1, 256>}, {pipeline_mode = #tpu.pipeline_mode<synchronous>, transform_indices = @transform_5, window_bounds = array<i64: 1, 256>}, {pipeline_mode = #tpu.pipeline_mode<synchronous>, transform_indices = @transform_6, window_bounds = array<i64: 1, 256>}]} {
    %get3A = arith.constant 0 : index
    %get3A_0 = arith.constant 0 : index
    %get3A_1 = vector.load %arg2[%get3A, %get3A_0] : memref<1x256xf32, #tpu.memory_space<vmem>>, vector<1x256xf32>
    %get3A_2 = arith.constant 0 : index
    %get3A_3 = arith.constant 0 : index
    %get3A_4 = vector.load %arg3[%get3A_2, %get3A_3] : memref<1x256xf32, #tpu.memory_space<vmem>>, vector<1x256xf32>
    %get3A_5 = arith.constant 0 : index
    %get3A_6 = arith.constant 0 : index
    %get3A_7 = vector.load %arg4[%get3A_5, %get3A_6] : memref<1x256xf32, #tpu.memory_space<vmem>>, vector<1x256xf32>
    %get3A_8 = arith.constant 0 : index
    %get3A_9 = arith.constant 0 : index
    %get3A_10 = vector.load %arg5[%get3A_8, %get3A_9] : memref<1x256xf32, #tpu.memory_space<vmem>>, vector<1x256xf32>
    %div3A = arith.constant 1.000000e+04 : f32
    %div3A_11 = vector.broadcast %div3A : f32 to vector<1x256xf32>
    %div3A_12 = arith.divf %get3A_1, %div3A_11 : vector<1x256xf32>
    %div3A_13 = arith.constant 1.000000e+04 : f32
    %div3A_14 = vector.broadcast %div3A_13 : f32 to vector<1x256xf32>
    %div3A_15 = arith.divf %get3A_4, %div3A_14 : vector<1x256xf32>
    %mul3A = arith.mulf %div3A_12, %div3A_12 : vector<1x256xf32>
    %sub3A = arith.subf %div3A_15, %mul3A : vector<1x256xf32>
    %add3A = arith.constant 9.99999974E-6 : f32
    %add3A_16 = vector.broadcast %add3A : f32 to vector<1x256xf32>
    %add3A_17 = arith.addf %sub3A, %add3A_16 : vector<1x256xf32>
    %rsqrt3A = math.rsqrt %add3A_17 : vector<1x256xf32>
    %mul3A_18 = arith.mulf %get3A_7, %rsqrt3A : vector<1x256xf32>
    %mul3A_19 = arith.mulf %div3A_12, %mul3A_18 : vector<1x256xf32>
    %sub3A_20 = arith.subf %get3A_10, %mul3A_19 : vector<1x256xf32>
    %get3A_21 = arith.constant 0 : index
    %get3A_22 = arith.constant 0 : index
    %get3A_23 = vector.load %arg1[%get3A_21, %get3A_22] : memref<1000x256xf32, #tpu.memory_space<vmem>>, vector<1000x256xf32>
    %mul3A_24 = vector.broadcast %mul3A_18 : vector<1x256xf32> to vector<1000x256xf32>
    %mul3A_25 = arith.mulf %get3A_23, %mul3A_24 : vector<1000x256xf32>
    %add3A_26 = vector.broadcast %sub3A_20 : vector<1x256xf32> to vector<1000x256xf32>
    %add3A_27 = arith.addf %mul3A_25, %add3A_26 : vector<1000x256xf32>
    %max3A = arith.constant 0.000000e+00 : f32
    %max3A_28 = vector.broadcast %max3A : f32 to vector<1000x256xf32>
    %max3A_29 = arith.maximumf %add3A_27, %max3A_28 : vector<1000x256xf32>
    %eq3A = arith.constant 0 : i32
    %eq3A_30 = arith.cmpi eq, %arg0, %eq3A : i32
    %convert_element_type3A = arith.extui %eq3A_30 : i1 to i32
    %cond3A = arith.constant 0 : i32
    %cond3A_31 = arith.cmpi ne, %convert_element_type3A, %cond3A : i32
    scf.if %cond3A_31 {
      %broadcast_in_dim3A_50 = arith.constant 0.000000e+00 : f32
      %broadcast_in_dim3A_51 = vector.broadcast %broadcast_in_dim3A_50 : f32 to vector<1x256xf32>
      %swap3A_52 = arith.constant 0 : index
      %swap3A_53 = arith.constant 0 : index
      %swap3A_54 = vector.load %arg6[%swap3A_52, %swap3A_53] : memref<1x256xf32, #tpu.memory_space<vmem>>, vector<1x256xf32>
      tpu.vector_store %arg6[%swap3A_52, %swap3A_53], %broadcast_in_dim3A_51 {strides = array<i32>} : memref<1x256xf32, #tpu.memory_space<vmem>>, vector<1x256xf32>,
      %broadcast_in_dim3A_55 = arith.constant 0.000000e+00 : f32
      %broadcast_in_dim3A_56 = vector.broadcast %broadcast_in_dim3A_55 : f32 to vector<1x256xf32>
      %swap3A_57 = arith.constant 0 : index
      %swap3A_58 = arith.constant 0 : index
      %swap3A_59 = vector.load %arg7[%swap3A_57, %swap3A_58] : memref<1x256xf32, #tpu.memory_space<vmem>>, vector<1x256xf32>
      tpu.vector_store %arg7[%swap3A_57, %swap3A_58], %broadcast_in_dim3A_56 {strides = array<i32>} : memref<1x256xf32, #tpu.memory_space<vmem>>, vector<1x256xf32>,
    } else {
    }
    %get3A_32 = arith.constant 0 : index
    %get3A_33 = arith.constant 0 : index
    %get3A_34 = vector.load %arg6[%get3A_32, %get3A_33] : memref<1x256xf32, #tpu.memory_space<vmem>>, vector<1x256xf32>
    %reduce_sum3A = arith.constant dense<0.000000e+00> : vector<256xf32>
    %reduce_sum3A_35 = vector.multi_reduction <add>, %max3A_29, %reduce_sum3A [0] : vector<1000x256xf32> to vector<256xf32>
    %broadcast_in_dim3A = vector.shape_cast %reduce_sum3A_35 : vector<256xf32> to vector<1x256xf32>
    %add3A_36 = arith.addf %get3A_34, %broadcast_in_dim3A : vector<1x256xf32>
    %swap3A = arith.constant 0 : index
    %swap3A_37 = arith.constant 0 : index
    %swap3A_38 = vector.load %arg6[%swap3A, %swap3A_37] : memref<1x256xf32, #tpu.memory_space<vmem>>, vector<1x256xf32>
    tpu.vector_store %arg6[%swap3A, %swap3A_37], %add3A_36 {strides = array<i32>} : memref<1x256xf32, #tpu.memory_space<vmem>>, vector<1x256xf32>,
    %get3A_39 = arith.constant 0 : index
    %get3A_40 = arith.constant 0 : index
    %get3A_41 = vector.load %arg7[%get3A_39, %get3A_40] : memref<1x256xf32, #tpu.memory_space<vmem>>, vector<1x256xf32>
    %mul3A_42 = arith.mulf %max3A_29, %max3A_29 : vector<1000x256xf32>
    %reduce_sum3A_43 = arith.constant dense<0.000000e+00> : vector<256xf32>
    %reduce_sum3A_44 = vector.multi_reduction <add>, %mul3A_42, %reduce_sum3A_43 [0] : vector<1000x256xf32> to vector<256xf32>
    %broadcast_in_dim3A_45 = vector.shape_cast %reduce_sum3A_44 : vector<256xf32> to vector<1x256xf32>
    %add3A_46 = arith.addf %get3A_41, %broadcast_in_dim3A_45 : vector<1x256xf32>
    %swap3A_47 = arith.constant 0 : index
    %swap3A_48 = arith.constant 0 : index
    %swap3A_49 = vector.load %arg7[%swap3A_47, %swap3A_48] : memref<1x256xf32, #tpu.memory_space<vmem>>, vector<1x256xf32>
    tpu.vector_store %arg7[%swap3A_47, %swap3A_48], %add3A_46 {strides = array<i32>} : memref<1x256xf32, #tpu.memory_space<vmem>>, vector<1x256xf32>,
    return
  }
  func.func @transform_0(%arg0: i32) -> (i32, i32) {
    %c0_i32 = arith.constant 0 : i32
    %c0_i32_0 = arith.constant 0 : i32
    return %arg0, %c0_i32 : i32, i32
  }
  func.func @transform_1(%arg0: i32) -> (i32, i32) {
    %c0_i32 = arith.constant 0 : i32
    %c0_i32_0 = arith.constant 0 : i32
    %c0_i32_1 = arith.constant 0 : i32
    return %c0_i32, %c0_i32_0 : i32, i32
  }
  func.func @transform_2(%arg0: i32) -> (i32, i32) {
    %c0_i32 = arith.constant 0 : i32
    %c0_i32_0 = arith.constant 0 : i32
    %c0_i32_1 = arith.constant 0 : i32
    return %c0_i32, %c0_i32_0 : i32, i32
  }
  func.func @transform_3(%arg0: i32) -> (i32, i32) {
    %c0_i32 = arith.constant 0 : i32
    %c0_i32_0 = arith.constant 0 : i32
    %c0_i32_1 = arith.constant 0 : i32
    return %c0_i32, %c0_i32_0 : i32, i32
  }
  func.func @transform_4(%arg0: i32) -> (i32, i32) {
    %c0_i32 = arith.constant 0 : i32
    %c0_i32_0 = arith.constant 0 : i32
    %c0_i32_1 = arith.constant 0 : i32
    return %c0_i32, %c0_i32_0 : i32, i32
  }
  func.func @transform_5(%arg0: i32) -> (i32, i32) {
    %c0_i32 = arith.constant 0 : i32
    %c0_i32_0 = arith.constant 0 : i32
    %c0_i32_1 = arith.constant 0 : i32
    return %c0_i32, %c0_i32_0 : i32, i32
  }
  func.func @transform_6(%arg0: i32) -> (i32, i32) {
    %c0_i32 = arith.constant 0 : i32
    %c0_i32_0 = arith.constant 0 : i32
    %c0_i32_1 = arith.constant 0 : i32
    return %c0_i32, %c0_i32_0 : i32, i32
  }
}

module attributes {stable_mosaic.version = 14 : i64} {
  func.func @body(%arg0: i32, %arg1: memref<1000x256xf32, #tpu.memory_space<vmem>>, %arg2: memref<1x256xf32, #tpu.memory_space<vmem>>, %arg3: memref<1x256xf32, #tpu.memory_space<vmem>>, %arg4: memref<1x256xf32, #tpu.memory_space<vmem>>, %arg5: memref<1x256xf32, #tpu.memory_space<vmem>>, %arg6: memref<1x256xf32, #tpu.memory_space<vmem>>, %arg7: memref<1x256xf32, #tpu.memory_space<vmem>>, %arg8: memref<1x256xf32, #tpu.memory_space<vmem>>, %arg9: memref<1x256xf32, #tpu.memory_space<vmem>>, %arg10: memref<1x1x1000xi32, #tpu.memory_space<vmem>>, %arg11: memref<2x1000x128xf32, #tpu.memory_space<vmem>>, %arg12: memref<16x256xf32, #tpu.memory_space<vmem>>) attributes {dimension_semantics = [#tpu.dimension_semantics<arbitrary>], iteration_bounds = array<i64: 10>, scalar_prefetch = 0 : i64, scratch_operands = 0 : i64, tpu.core_type = #tpu.core_type<tc>, window_params = [{transform_indices = @transform_0, window_bounds = array<i64: 1000, 256>}, {pipeline_mode = #tpu.pipeline_mode<synchronous>, transform_indices = @transform_1, window_bounds = array<i64: 1, 256>}, {pipeline_mode = #tpu.pipeline_mode<synchronous>, transform_indices = @transform_2, window_bounds = array<i64: 1, 256>}, {pipeline_mode = #tpu.pipeline_mode<synchronous>, transform_indices = @transform_3, window_bounds = array<i64: 1, 256>}, {pipeline_mode = #tpu.pipeline_mode<synchronous>, transform_indices = @transform_4, window_bounds = array<i64: 1, 256>}, {pipeline_mode = #tpu.pipeline_mode<synchronous>, transform_indices = @transform_5, window_bounds = array<i64: 1, 256>}, {pipeline_mode = #tpu.pipeline_mode<synchronous>, transform_indices = @transform_6, window_bounds = array<i64: 1, 256>}, {pipeline_mode = #tpu.pipeline_mode<synchronous>, transform_indices = @transform_7, window_bounds = array<i64: 1, 256>}, {pipeline_mode = #tpu.pipeline_mode<synchronous>, transform_indices = @transform_8, window_bounds = array<i64: 1, 256>}, {transform_indices = @transform_9, window_bounds = array<i64: 1, 1, 1000>}, {transform_indices = @transform_10, window_bounds = array<i64: 2, 1000, 128>}, {pipeline_mode = #tpu.pipeline_mode<synchronous>, transform_indices = @transform_11, window_bounds = array<i64: 16, 256>}]} {
    %get3A = arith.constant 0 : index
    %get3A_0 = arith.constant 0 : index
    %get3A_1 = vector.load %arg2[%get3A, %get3A_0] : memref<1x256xf32, #tpu.memory_space<vmem>>, vector<1x256xf32>
    %get3A_2 = arith.constant 0 : index
    %get3A_3 = arith.constant 0 : index
    %get3A_4 = vector.load %arg3[%get3A_2, %get3A_3] : memref<1x256xf32, #tpu.memory_space<vmem>>, vector<1x256xf32>
    %get3A_5 = arith.constant 0 : index
    %get3A_6 = arith.constant 0 : index
    %get3A_7 = vector.load %arg4[%get3A_5, %get3A_6] : memref<1x256xf32, #tpu.memory_space<vmem>>, vector<1x256xf32>
    %get3A_8 = arith.constant 0 : index
    %get3A_9 = arith.constant 0 : index
    %get3A_10 = vector.load %arg5[%get3A_8, %get3A_9] : memref<1x256xf32, #tpu.memory_space<vmem>>, vector<1x256xf32>
    %div3A = arith.constant 1.000000e+04 : f32
    %div3A_11 = vector.broadcast %div3A : f32 to vector<1x256xf32>
    %div3A_12 = arith.divf %get3A_1, %div3A_11 : vector<1x256xf32>
    %div3A_13 = arith.constant 1.000000e+04 : f32
    %div3A_14 = vector.broadcast %div3A_13 : f32 to vector<1x256xf32>
    %div3A_15 = arith.divf %get3A_4, %div3A_14 : vector<1x256xf32>
    %mul3A = arith.mulf %div3A_12, %div3A_12 : vector<1x256xf32>
    %sub3A = arith.subf %div3A_15, %mul3A : vector<1x256xf32>
    %add3A = arith.constant 9.99999974E-6 : f32
    %add3A_16 = vector.broadcast %add3A : f32 to vector<1x256xf32>
    %add3A_17 = arith.addf %sub3A, %add3A_16 : vector<1x256xf32>
    %rsqrt3A = math.rsqrt %add3A_17 : vector<1x256xf32>
    %mul3A_18 = arith.mulf %get3A_7, %rsqrt3A : vector<1x256xf32>
    %mul3A_19 = arith.mulf %div3A_12, %mul3A_18 : vector<1x256xf32>
    %sub3A_20 = arith.subf %get3A_10, %mul3A_19 : vector<1x256xf32>
    %get3A_21 = arith.constant 0 : index
    %get3A_22 = arith.constant 0 : index
    %get3A_23 = vector.load %arg1[%get3A_21, %get3A_22] : memref<1000x256xf32, #tpu.memory_space<vmem>>, vector<1000x256xf32>
    %mul3A_24 = vector.broadcast %mul3A_18 : vector<1x256xf32> to vector<1000x256xf32>
    %mul3A_25 = arith.mulf %get3A_23, %mul3A_24 : vector<1000x256xf32>
    %add3A_26 = vector.broadcast %sub3A_20 : vector<1x256xf32> to vector<1000x256xf32>
    %add3A_27 = arith.addf %mul3A_25, %add3A_26 : vector<1000x256xf32>
    %max3A = arith.constant 0.000000e+00 : f32
    %max3A_28 = vector.broadcast %max3A : f32 to vector<1000x256xf32>
    %max3A_29 = arith.maximumf %add3A_27, %max3A_28 : vector<1000x256xf32>
    %get3A_30 = arith.constant 0 : index
    %get3A_31 = arith.constant 0 : index
    %get3A_32 = vector.load %arg6[%get3A_30, %get3A_31] : memref<1x256xf32, #tpu.memory_space<vmem>>, vector<1x256xf32>
    %get3A_33 = arith.constant 0 : index
    %get3A_34 = arith.constant 0 : index
    %get3A_35 = vector.load %arg7[%get3A_33, %get3A_34] : memref<1x256xf32, #tpu.memory_space<vmem>>, vector<1x256xf32>
    %get3A_36 = arith.constant 0 : index
    %get3A_37 = arith.constant 0 : index
    %get3A_38 = vector.load %arg8[%get3A_36, %get3A_37] : memref<1x256xf32, #tpu.memory_space<vmem>>, vector<1x256xf32>
    %get3A_39 = arith.constant 0 : index
    %get3A_40 = arith.constant 0 : index
    %get3A_41 = vector.load %arg9[%get3A_39, %get3A_40] : memref<1x256xf32, #tpu.memory_space<vmem>>, vector<1x256xf32>
    %div3A_42 = arith.constant 1.000000e+04 : f32
    %div3A_43 = vector.broadcast %div3A_42 : f32 to vector<1x256xf32>
    %div3A_44 = arith.divf %get3A_32, %div3A_43 : vector<1x256xf32>
    %div3A_45 = arith.constant 1.000000e+04 : f32
    %div3A_46 = vector.broadcast %div3A_45 : f32 to vector<1x256xf32>
    %div3A_47 = arith.divf %get3A_35, %div3A_46 : vector<1x256xf32>
    %mul3A_48 = arith.mulf %div3A_44, %div3A_44 : vector<1x256xf32>
    %sub3A_49 = arith.subf %div3A_47, %mul3A_48 : vector<1x256xf32>
    %add3A_50 = arith.constant 9.99999974E-6 : f32
    %add3A_51 = vector.broadcast %add3A_50 : f32 to vector<1x256xf32>
    %add3A_52 = arith.addf %sub3A_49, %add3A_51 : vector<1x256xf32>
    %rsqrt3A_53 = math.rsqrt %add3A_52 : vector<1x256xf32>
    %mul3A_54 = arith.mulf %get3A_38, %rsqrt3A_53 : vector<1x256xf32>
    %mul3A_55 = arith.mulf %div3A_44, %mul3A_54 : vector<1x256xf32>
    %sub3A_56 = arith.subf %get3A_41, %mul3A_55 : vector<1x256xf32>
    %mul3A_57 = vector.broadcast %mul3A_54 : vector<1x256xf32> to vector<1000x256xf32>
    %mul3A_58 = arith.mulf %max3A_29, %mul3A_57 : vector<1000x256xf32>
    %add3A_59 = vector.broadcast %sub3A_56 : vector<1x256xf32> to vector<1000x256xf32>
    %add3A_60 = arith.addf %mul3A_58, %add3A_59 : vector<1000x256xf32>
    %max3A_61 = arith.constant 0.000000e+00 : f32
    %max3A_62 = vector.broadcast %max3A_61 : f32 to vector<1000x256xf32>
    %max3A_63 = arith.maximumf %add3A_60, %max3A_62 : vector<1000x256xf32>
    %slice3A = vector.extract_strided_slice %max3A_63 {offsets = [0, 0], sizes = [1000, 128], strides = [1, 1]} : vector<1000x256xf32> to vector<1000x128xf32>
    %slice3A_64 = vector.extract_strided_slice %max3A_63 {offsets = [0, 128], sizes = [1000, 128], strides = [1, 1]} : vector<1000x256xf32> to vector<1000x128xf32>
    %stack3A = vector.shape_cast %slice3A : vector<1000x128xf32> to vector<1x1000x128xf32>
    %stack3A_65 = vector.shape_cast %slice3A_64 : vector<1000x128xf32> to vector<1x1000x128xf32>
    %stack3A_66 = tpu.concatenate %stack3A, %stack3A_65 in 0 : vector<1x1000x128xf32>, vector<1x1000x128xf32> -> vector<2x1000x128xf32>
    %swap3A = arith.constant 0 : index
    %swap3A_67 = arith.constant 0 : index
    %swap3A_68 = arith.constant 0 : index
    %swap3A_69 = vector.load %arg11[%swap3A, %swap3A_67, %swap3A_68] : memref<2x1000x128xf32, #tpu.memory_space<vmem>>, vector<2x1000x128xf32>
    tpu.vector_store %arg11[%swap3A, %swap3A_67, %swap3A_68], %stack3A_66 {strides = array<i32>} : memref<2x1000x128xf32, #tpu.memory_space<vmem>>, vector<2x1000x128xf32>,
    %get3A_70 = arith.constant 0 : index
    %get3A_71 = arith.constant 0 : index
    %get3A_72 = arith.constant 0 : index
    %get3A_73 = vector.load %arg10[%get3A_70, %get3A_71, %get3A_72] : memref<1x1x1000xi32, #tpu.memory_space<vmem>>, vector<1x1x1000xi32>
    %get3A_74 = vector.shape_cast %get3A_73 : vector<1x1x1000xi32> to vector<1x1000xi32>
    %iota3A = tpu.iota {dimensions = array<i32: 0>} : vector<16x1000xi32>
    %eq3A = vector.broadcast %get3A_74 : vector<1x1000xi32> to vector<16x1000xi32>
    %eq3A_75 = arith.cmpi eq, %eq3A, %iota3A : vector<16x1000xi32>
    %convert_element_type3A = arith.extui %eq3A_75 : vector<16x1000xi1> to vector<16x1000xi32>
    %convert_element_type3A_76 = arith.sitofp %convert_element_type3A : vector<16x1000xi32> to vector<16x1000xf32>
    %eq3A_77 = arith.constant 0 : i32
    %eq3A_78 = arith.cmpi eq, %arg0, %eq3A_77 : i32
    %convert_element_type3A_79 = arith.extui %eq3A_78 : i1 to i32
    %cond3A = arith.constant 0 : i32
    %cond3A_80 = arith.cmpi ne, %convert_element_type3A_79, %cond3A : i32
    scf.if %cond3A_80 {
      %broadcast_in_dim3A = arith.constant 0.000000e+00 : f32
      %broadcast_in_dim3A_89 = vector.broadcast %broadcast_in_dim3A : f32 to vector<16x256xf32>
      %swap3A_90 = arith.constant 0 : index
      %swap3A_91 = arith.constant 0 : index
      %swap3A_92 = vector.load %arg12[%swap3A_90, %swap3A_91] : memref<16x256xf32, #tpu.memory_space<vmem>>, vector<16x256xf32>
      tpu.vector_store %arg12[%swap3A_90, %swap3A_91], %broadcast_in_dim3A_89 {strides = array<i32>} : memref<16x256xf32, #tpu.memory_space<vmem>>, vector<16x256xf32>,
    } else {
    }
    %get3A_81 = arith.constant 0 : index
    %get3A_82 = arith.constant 0 : index
    %get3A_83 = vector.load %arg12[%get3A_81, %get3A_82] : memref<16x256xf32, #tpu.memory_space<vmem>>, vector<16x256xf32>
    %dot_general3A = arith.constant dense<0.000000e+00> : vector<16x256xf32>
    %dot_general3A_84 = tpu.matmul %convert_element_type3A_76, %max3A_63, %dot_general3A {dimension_numbers = #tpu.dot_dimension_numbers<[1], [0], [0], [1], [0, 0, 1, 1], [], []>, transpose_lhs_hint = false} : vector<16x1000xf32>, vector<1000x256xf32>, vector<16x256xf32> -> vector<16x256xf32>
    %add3A_85 = arith.addf %get3A_83, %dot_general3A_84 : vector<16x256xf32>
    %swap3A_86 = arith.constant 0 : index
    %swap3A_87 = arith.constant 0 : index
    %swap3A_88 = vector.load %arg12[%swap3A_86, %swap3A_87] : memref<16x256xf32, #tpu.memory_space<vmem>>, vector<16x256xf32>
    tpu.vector_store %arg12[%swap3A_86, %swap3A_87], %add3A_85 {strides = array<i32>} : memref<16x256xf32, #tpu.memory_space<vmem>>, vector<16x256xf32>,
    return
  }
  func.func @transform_0(%arg0: i32) -> (i32, i32) {
    %c0_i32 = arith.constant 0 : i32
    %c0_i32_0 = arith.constant 0 : i32
    return %arg0, %c0_i32 : i32, i32
  }
  func.func @transform_1(%arg0: i32) -> (i32, i32) {
    %c0_i32 = arith.constant 0 : i32
    %c0_i32_0 = arith.constant 0 : i32
    %c0_i32_1 = arith.constant 0 : i32
    return %c0_i32, %c0_i32_0 : i32, i32
  }
  func.func @transform_2(%arg0: i32) -> (i32, i32) {
    %c0_i32 = arith.constant 0 : i32
    %c0_i32_0 = arith.constant 0 : i32
    %c0_i32_1 = arith.constant 0 : i32
    return %c0_i32, %c0_i32_0 : i32, i32
  }
  func.func @transform_3(%arg0: i32) -> (i32, i32) {
    %c0_i32 = arith.constant 0 : i32
    %c0_i32_0 = arith.constant 0 : i32
    %c0_i32_1 = arith.constant 0 : i32
    return %c0_i32, %c0_i32_0 : i32, i32
  }
  func.func @transform_4(%arg0: i32) -> (i32, i32) {
    %c0_i32 = arith.constant 0 : i32
    %c0_i32_0 = arith.constant 0 : i32
    %c0_i32_1 = arith.constant 0 : i32
    return %c0_i32, %c0_i32_0 : i32, i32
  }
  func.func @transform_5(%arg0: i32) -> (i32, i32) {
    %c0_i32 = arith.constant 0 : i32
    %c0_i32_0 = arith.constant 0 : i32
    %c0_i32_1 = arith.constant 0 : i32
    return %c0_i32, %c0_i32_0 : i32, i32
  }
  func.func @transform_6(%arg0: i32) -> (i32, i32) {
    %c0_i32 = arith.constant 0 : i32
    %c0_i32_0 = arith.constant 0 : i32
    %c0_i32_1 = arith.constant 0 : i32
    return %c0_i32, %c0_i32_0 : i32, i32
  }
  func.func @transform_7(%arg0: i32) -> (i32, i32) {
    %c0_i32 = arith.constant 0 : i32
    %c0_i32_0 = arith.constant 0 : i32
    %c0_i32_1 = arith.constant 0 : i32
    return %c0_i32, %c0_i32_0 : i32, i32
  }
  func.func @transform_8(%arg0: i32) -> (i32, i32) {
    %c0_i32 = arith.constant 0 : i32
    %c0_i32_0 = arith.constant 0 : i32
    %c0_i32_1 = arith.constant 0 : i32
    return %c0_i32, %c0_i32_0 : i32, i32
  }
  func.func @transform_9(%arg0: i32) -> (i32, i32, i32) {
    %c0_i32 = arith.constant 0 : i32
    %c0_i32_0 = arith.constant 0 : i32
    %c0_i32_1 = arith.constant 0 : i32
    return %arg0, %c0_i32, %c0_i32_0 : i32, i32, i32
  }
  func.func @transform_10(%arg0: i32) -> (i32, i32, i32) {
    %c0_i32 = arith.constant 0 : i32
    %c0_i32_0 = arith.constant 0 : i32
    %c0_i32_1 = arith.constant 0 : i32
    return %c0_i32, %arg0, %c0_i32_0 : i32, i32, i32
  }
  func.func @transform_11(%arg0: i32) -> (i32, i32) {
    %c0_i32 = arith.constant 0 : i32
    %c0_i32_0 = arith.constant 0 : i32
    %c0_i32_1 = arith.constant 0 : i32
    return %c0_i32, %c0_i32_0 : i32, i32
  }
}

module attributes {stable_mosaic.version = 14 : i64} {
  func.func @body(%arg0: i32, %arg1: memref<2x1000x128xf32, #tpu.memory_space<vmem>>, %arg2: memref<2x1000x128xf32, #tpu.memory_space<vmem>>, %arg3: memref<2x1000x128xf32, #tpu.memory_space<vmem>>, %arg4: memref<256x256xf32, #tpu.memory_space<vmem>>, %arg5: memref<1x256xf32, #tpu.memory_space<vmem>>, %arg6: memref<1000x256xf32, #tpu.memory_space<vmem>>, %arg7: memref<1x256xf32, #tpu.memory_space<vmem>>, %arg8: memref<1x256xf32, #tpu.memory_space<vmem>>) attributes {dimension_semantics = [#tpu.dimension_semantics<arbitrary>], iteration_bounds = array<i64: 10>, scalar_prefetch = 0 : i64, scratch_operands = 0 : i64, tpu.core_type = #tpu.core_type<tc>, window_params = [{transform_indices = @transform_0, window_bounds = array<i64: 2, 1000, 128>}, {transform_indices = @transform_1, window_bounds = array<i64: 2, 1000, 128>}, {transform_indices = @transform_2, window_bounds = array<i64: 2, 1000, 128>}, {pipeline_mode = #tpu.pipeline_mode<synchronous>, transform_indices = @transform_3, window_bounds = array<i64: 256, 256>}, {pipeline_mode = #tpu.pipeline_mode<synchronous>, transform_indices = @transform_4, window_bounds = array<i64: 1, 256>}, {transform_indices = @transform_5, window_bounds = array<i64: 1000, 256>}, {pipeline_mode = #tpu.pipeline_mode<synchronous>, transform_indices = @transform_6, window_bounds = array<i64: 1, 256>}, {pipeline_mode = #tpu.pipeline_mode<synchronous>, transform_indices = @transform_7, window_bounds = array<i64: 1, 256>}]} {
    %get3A = arith.constant 0 : index
    %get3A_0 = arith.constant 0 : index
    %get3A_1 = arith.constant 0 : index
    %get3A_2 = vector.load %arg2[%get3A, %get3A_0, %get3A_1] : memref<2x1000x128xf32, #tpu.memory_space<vmem>>, vector<2x1000x128xf32>
    %get3A_3 = arith.constant 0 : index
    %get3A_4 = arith.constant 0 : index
    %get3A_5 = arith.constant 0 : index
    %get3A_6 = vector.load %arg1[%get3A_3, %get3A_4, %get3A_5] : memref<2x1000x128xf32, #tpu.memory_space<vmem>>, vector<2x1000x128xf32>
    %slice3A = vector.extract_strided_slice %get3A_6 {offsets = [0, 0, 0], sizes = [1, 1000, 128], strides = [1, 1, 1]} : vector<2x1000x128xf32> to vector<1x1000x128xf32>
    %squeeze3A = vector.shape_cast %slice3A : vector<1x1000x128xf32> to vector<1000x128xf32>
    %slice3A_7 = vector.extract_strided_slice %get3A_6 {offsets = [1, 0, 0], sizes = [1, 1000, 128], strides = [1, 1, 1]} : vector<2x1000x128xf32> to vector<1x1000x128xf32>
    %squeeze3A_8 = vector.shape_cast %slice3A_7 : vector<1x1000x128xf32> to vector<1000x128xf32>
    %concatenate3A = tpu.concatenate %squeeze3A, %squeeze3A_8 in 1 : vector<1000x128xf32>, vector<1000x128xf32> -> vector<1000x256xf32>
    %get3A_9 = arith.constant 0 : index
    %get3A_10 = arith.constant 0 : index
    %get3A_11 = arith.constant 0 : index
    %get3A_12 = vector.load %arg3[%get3A_9, %get3A_10, %get3A_11] : memref<2x1000x128xf32, #tpu.memory_space<vmem>>, vector<2x1000x128xf32>
    %slice3A_13 = vector.extract_strided_slice %get3A_2 {offsets = [0, 0, 0], sizes = [1, 1000, 128], strides = [1, 1, 1]} : vector<2x1000x128xf32> to vector<1x1000x128xf32>
    %squeeze3A_14 = vector.shape_cast %slice3A_13 : vector<1x1000x128xf32> to vector<1000x128xf32>
    %slice3A_15 = vector.extract_strided_slice %get3A_2 {offsets = [1, 0, 0], sizes = [1, 1000, 128], strides = [1, 1, 1]} : vector<2x1000x128xf32> to vector<1x1000x128xf32>
    %squeeze3A_16 = vector.shape_cast %slice3A_15 : vector<1x1000x128xf32> to vector<1000x128xf32>
    %add3A = arith.addf %squeeze3A_14, %squeeze3A_16 : vector<1000x128xf32>
    %slice3A_17 = vector.extract_strided_slice %get3A_12 {offsets = [0, 0, 0], sizes = [1, 1000, 128], strides = [1, 1, 1]} : vector<2x1000x128xf32> to vector<1x1000x128xf32>
    %squeeze3A_18 = vector.shape_cast %slice3A_17 : vector<1x1000x128xf32> to vector<1000x128xf32>
    %slice3A_19 = vector.extract_strided_slice %get3A_12 {offsets = [1, 0, 0], sizes = [1, 1000, 128], strides = [1, 1, 1]} : vector<2x1000x128xf32> to vector<1x1000x128xf32>
    %squeeze3A_20 = vector.shape_cast %slice3A_19 : vector<1x1000x128xf32> to vector<1000x128xf32>
    %add3A_21 = arith.addf %squeeze3A_18, %squeeze3A_20 : vector<1000x128xf32>
    %concatenate3A_22 = tpu.concatenate %add3A, %add3A_21 in 1 : vector<1000x128xf32>, vector<1000x128xf32> -> vector<1000x256xf32>
    %add3A_23 = arith.addf %concatenate3A, %concatenate3A_22 : vector<1000x256xf32>
    %get3A_24 = arith.constant 0 : index
    %get3A_25 = arith.constant 0 : index
    %get3A_26 = vector.load %arg4[%get3A_24, %get3A_25] : memref<256x256xf32, #tpu.memory_space<vmem>>, vector<256x256xf32>
    %dot_general3A = arith.constant dense<0.000000e+00> : vector<1000x256xf32>
    %dot_general3A_27 = tpu.matmul %add3A_23, %get3A_26, %dot_general3A {dimension_numbers = #tpu.dot_dimension_numbers<[1], [0], [0], [1], [0, 0, 1, 1], [], []>, transpose_lhs_hint = false} : vector<1000x256xf32>, vector<256x256xf32>, vector<1000x256xf32> -> vector<1000x256xf32>
    %get3A_28 = arith.constant 0 : index
    %get3A_29 = arith.constant 0 : index
    %get3A_30 = vector.load %arg5[%get3A_28, %get3A_29] : memref<1x256xf32, #tpu.memory_space<vmem>>, vector<1x256xf32>
    %add3A_31 = vector.broadcast %get3A_30 : vector<1x256xf32> to vector<1000x256xf32>
    %add3A_32 = arith.addf %dot_general3A_27, %add3A_31 : vector<1000x256xf32>
    %swap3A = arith.constant 0 : index
    %swap3A_33 = arith.constant 0 : index
    %swap3A_34 = vector.load %arg6[%swap3A, %swap3A_33] : memref<1000x256xf32, #tpu.memory_space<vmem>>, vector<1000x256xf32>
    tpu.vector_store %arg6[%swap3A, %swap3A_33], %add3A_32 {strides = array<i32>} : memref<1000x256xf32, #tpu.memory_space<vmem>>, vector<1000x256xf32>,
    %eq3A = arith.constant 0 : i32
    %eq3A_35 = arith.cmpi eq, %arg0, %eq3A : i32
    %convert_element_type3A = arith.extui %eq3A_35 : i1 to i32
    %cond3A = arith.constant 0 : i32
    %cond3A_36 = arith.cmpi ne, %convert_element_type3A, %cond3A : i32
    scf.if %cond3A_36 {
      %broadcast_in_dim3A_55 = arith.constant 0.000000e+00 : f32
      %broadcast_in_dim3A_56 = vector.broadcast %broadcast_in_dim3A_55 : f32 to vector<1x256xf32>
      %swap3A_57 = arith.constant 0 : index
      %swap3A_58 = arith.constant 0 : index
      %swap3A_59 = vector.load %arg7[%swap3A_57, %swap3A_58] : memref<1x256xf32, #tpu.memory_space<vmem>>, vector<1x256xf32>
      tpu.vector_store %arg7[%swap3A_57, %swap3A_58], %broadcast_in_dim3A_56 {strides = array<i32>} : memref<1x256xf32, #tpu.memory_space<vmem>>, vector<1x256xf32>,
      %broadcast_in_dim3A_60 = arith.constant 0.000000e+00 : f32
      %broadcast_in_dim3A_61 = vector.broadcast %broadcast_in_dim3A_60 : f32 to vector<1x256xf32>
      %swap3A_62 = arith.constant 0 : index
      %swap3A_63 = arith.constant 0 : index
      %swap3A_64 = vector.load %arg8[%swap3A_62, %swap3A_63] : memref<1x256xf32, #tpu.memory_space<vmem>>, vector<1x256xf32>
      tpu.vector_store %arg8[%swap3A_62, %swap3A_63], %broadcast_in_dim3A_61 {strides = array<i32>} : memref<1x256xf32, #tpu.memory_space<vmem>>, vector<1x256xf32>,
    } else {
    }
    %get3A_37 = arith.constant 0 : index
    %get3A_38 = arith.constant 0 : index
    %get3A_39 = vector.load %arg7[%get3A_37, %get3A_38] : memref<1x256xf32, #tpu.memory_space<vmem>>, vector<1x256xf32>
    %reduce_sum3A = arith.constant dense<0.000000e+00> : vector<256xf32>
    %reduce_sum3A_40 = vector.multi_reduction <add>, %add3A_32, %reduce_sum3A [0] : vector<1000x256xf32> to vector<256xf32>
    %broadcast_in_dim3A = vector.shape_cast %reduce_sum3A_40 : vector<256xf32> to vector<1x256xf32>
    %add3A_41 = arith.addf %get3A_39, %broadcast_in_dim3A : vector<1x256xf32>
    %swap3A_42 = arith.constant 0 : index
    %swap3A_43 = arith.constant 0 : index
    %swap3A_44 = vector.load %arg7[%swap3A_42, %swap3A_43] : memref<1x256xf32, #tpu.memory_space<vmem>>, vector<1x256xf32>
    tpu.vector_store %arg7[%swap3A_42, %swap3A_43], %add3A_41 {strides = array<i32>} : memref<1x256xf32, #tpu.memory_space<vmem>>, vector<1x256xf32>,
    %get3A_45 = arith.constant 0 : index
    %get3A_46 = arith.constant 0 : index
    %get3A_47 = vector.load %arg8[%get3A_45, %get3A_46] : memref<1x256xf32, #tpu.memory_space<vmem>>, vector<1x256xf32>
    %mul3A = arith.mulf %add3A_32, %add3A_32 : vector<1000x256xf32>
    %reduce_sum3A_48 = arith.constant dense<0.000000e+00> : vector<256xf32>
    %reduce_sum3A_49 = vector.multi_reduction <add>, %mul3A, %reduce_sum3A_48 [0] : vector<1000x256xf32> to vector<256xf32>
    %broadcast_in_dim3A_50 = vector.shape_cast %reduce_sum3A_49 : vector<256xf32> to vector<1x256xf32>
    %add3A_51 = arith.addf %get3A_47, %broadcast_in_dim3A_50 : vector<1x256xf32>
    %swap3A_52 = arith.constant 0 : index
    %swap3A_53 = arith.constant 0 : index
    %swap3A_54 = vector.load %arg8[%swap3A_52, %swap3A_53] : memref<1x256xf32, #tpu.memory_space<vmem>>, vector<1x256xf32>
    tpu.vector_store %arg8[%swap3A_52, %swap3A_53], %add3A_51 {strides = array<i32>} : memref<1x256xf32, #tpu.memory_space<vmem>>, vector<1x256xf32>,
    return
  }
  func.func @transform_0(%arg0: i32) -> (i32, i32, i32) {
    %c0_i32 = arith.constant 0 : i32
    %c0_i32_0 = arith.constant 0 : i32
    %c0_i32_1 = arith.constant 0 : i32
    return %c0_i32, %arg0, %c0_i32_0 : i32, i32, i32
  }
  func.func @transform_1(%arg0: i32) -> (i32, i32, i32) {
    %c0_i32 = arith.constant 0 : i32
    %c0_i32_0 = arith.constant 0 : i32
    %c0_i32_1 = arith.constant 0 : i32
    return %c0_i32, %arg0, %c0_i32_0 : i32, i32, i32
  }
  func.func @transform_2(%arg0: i32) -> (i32, i32, i32) {
    %c0_i32 = arith.constant 0 : i32
    %c0_i32_0 = arith.constant 0 : i32
    %c0_i32_1 = arith.constant 0 : i32
    return %c0_i32, %arg0, %c0_i32_0 : i32, i32, i32
  }
  func.func @transform_3(%arg0: i32) -> (i32, i32) {
    %c0_i32 = arith.constant 0 : i32
    %c0_i32_0 = arith.constant 0 : i32
    %c0_i32_1 = arith.constant 0 : i32
    return %c0_i32, %c0_i32_0 : i32, i32
  }
  func.func @transform_4(%arg0: i32) -> (i32, i32) {
    %c0_i32 = arith.constant 0 : i32
    %c0_i32_0 = arith.constant 0 : i32
    %c0_i32_1 = arith.constant 0 : i32
    return %c0_i32, %c0_i32_0 : i32, i32
  }
  func.func @transform_5(%arg0: i32) -> (i32, i32) {
    %c0_i32 = arith.constant 0 : i32
    %c0_i32_0 = arith.constant 0 : i32
    return %arg0, %c0_i32 : i32, i32
  }
  func.func @transform_6(%arg0: i32) -> (i32, i32) {
    %c0_i32 = arith.constant 0 : i32
    %c0_i32_0 = arith.constant 0 : i32
    %c0_i32_1 = arith.constant 0 : i32
    return %c0_i32, %c0_i32_0 : i32, i32
  }
  func.func @transform_7(%arg0: i32) -> (i32, i32) {
    %c0_i32 = arith.constant 0 : i32
    %c0_i32_0 = arith.constant 0 : i32
    %c0_i32_1 = arith.constant 0 : i32
    return %c0_i32, %c0_i32_0 : i32, i32
  }
}

module attributes {stable_mosaic.version = 14 : i64} {
  func.func @body(%arg0: i32, %arg1: memref<1000x256xf32, #tpu.memory_space<vmem>>, %arg2: memref<1x256xf32, #tpu.memory_space<vmem>>, %arg3: memref<1x256xf32, #tpu.memory_space<vmem>>, %arg4: memref<1x256xf32, #tpu.memory_space<vmem>>, %arg5: memref<1x256xf32, #tpu.memory_space<vmem>>, %arg6: memref<1x256xf32, #tpu.memory_space<vmem>>, %arg7: memref<1x256xf32, #tpu.memory_space<vmem>>, %arg8: memref<1x256xf32, #tpu.memory_space<vmem>>, %arg9: memref<1x256xf32, #tpu.memory_space<vmem>>, %arg10: memref<1x1x1000xi32, #tpu.memory_space<vmem>>, %arg11: memref<16x256xf32, #tpu.memory_space<vmem>>) attributes {dimension_semantics = [#tpu.dimension_semantics<arbitrary>], iteration_bounds = array<i64: 10>, scalar_prefetch = 0 : i64, scratch_operands = 0 : i64, tpu.core_type = #tpu.core_type<tc>, window_params = [{transform_indices = @transform_0, window_bounds = array<i64: 1000, 256>}, {pipeline_mode = #tpu.pipeline_mode<synchronous>, transform_indices = @transform_1, window_bounds = array<i64: 1, 256>}, {pipeline_mode = #tpu.pipeline_mode<synchronous>, transform_indices = @transform_2, window_bounds = array<i64: 1, 256>}, {pipeline_mode = #tpu.pipeline_mode<synchronous>, transform_indices = @transform_3, window_bounds = array<i64: 1, 256>}, {pipeline_mode = #tpu.pipeline_mode<synchronous>, transform_indices = @transform_4, window_bounds = array<i64: 1, 256>}, {pipeline_mode = #tpu.pipeline_mode<synchronous>, transform_indices = @transform_5, window_bounds = array<i64: 1, 256>}, {pipeline_mode = #tpu.pipeline_mode<synchronous>, transform_indices = @transform_6, window_bounds = array<i64: 1, 256>}, {pipeline_mode = #tpu.pipeline_mode<synchronous>, transform_indices = @transform_7, window_bounds = array<i64: 1, 256>}, {pipeline_mode = #tpu.pipeline_mode<synchronous>, transform_indices = @transform_8, window_bounds = array<i64: 1, 256>}, {transform_indices = @transform_9, window_bounds = array<i64: 1, 1, 1000>}, {pipeline_mode = #tpu.pipeline_mode<synchronous>, transform_indices = @transform_10, window_bounds = array<i64: 16, 256>}]} {
    %get3A = arith.constant 0 : index
    %get3A_0 = arith.constant 0 : index
    %get3A_1 = vector.load %arg2[%get3A, %get3A_0] : memref<1x256xf32, #tpu.memory_space<vmem>>, vector<1x256xf32>
    %get3A_2 = arith.constant 0 : index
    %get3A_3 = arith.constant 0 : index
    %get3A_4 = vector.load %arg3[%get3A_2, %get3A_3] : memref<1x256xf32, #tpu.memory_space<vmem>>, vector<1x256xf32>
    %get3A_5 = arith.constant 0 : index
    %get3A_6 = arith.constant 0 : index
    %get3A_7 = vector.load %arg4[%get3A_5, %get3A_6] : memref<1x256xf32, #tpu.memory_space<vmem>>, vector<1x256xf32>
    %get3A_8 = arith.constant 0 : index
    %get3A_9 = arith.constant 0 : index
    %get3A_10 = vector.load %arg5[%get3A_8, %get3A_9] : memref<1x256xf32, #tpu.memory_space<vmem>>, vector<1x256xf32>
    %div3A = arith.constant 1.000000e+04 : f32
    %div3A_11 = vector.broadcast %div3A : f32 to vector<1x256xf32>
    %div3A_12 = arith.divf %get3A_1, %div3A_11 : vector<1x256xf32>
    %div3A_13 = arith.constant 1.000000e+04 : f32
    %div3A_14 = vector.broadcast %div3A_13 : f32 to vector<1x256xf32>
    %div3A_15 = arith.divf %get3A_4, %div3A_14 : vector<1x256xf32>
    %mul3A = arith.mulf %div3A_12, %div3A_12 : vector<1x256xf32>
    %sub3A = arith.subf %div3A_15, %mul3A : vector<1x256xf32>
    %add3A = arith.constant 9.99999974E-6 : f32
    %add3A_16 = vector.broadcast %add3A : f32 to vector<1x256xf32>
    %add3A_17 = arith.addf %sub3A, %add3A_16 : vector<1x256xf32>
    %rsqrt3A = math.rsqrt %add3A_17 : vector<1x256xf32>
    %mul3A_18 = arith.mulf %get3A_7, %rsqrt3A : vector<1x256xf32>
    %mul3A_19 = arith.mulf %div3A_12, %mul3A_18 : vector<1x256xf32>
    %sub3A_20 = arith.subf %get3A_10, %mul3A_19 : vector<1x256xf32>
    %get3A_21 = arith.constant 0 : index
    %get3A_22 = arith.constant 0 : index
    %get3A_23 = vector.load %arg1[%get3A_21, %get3A_22] : memref<1000x256xf32, #tpu.memory_space<vmem>>, vector<1000x256xf32>
    %mul3A_24 = vector.broadcast %mul3A_18 : vector<1x256xf32> to vector<1000x256xf32>
    %mul3A_25 = arith.mulf %get3A_23, %mul3A_24 : vector<1000x256xf32>
    %add3A_26 = vector.broadcast %sub3A_20 : vector<1x256xf32> to vector<1000x256xf32>
    %add3A_27 = arith.addf %mul3A_25, %add3A_26 : vector<1000x256xf32>
    %max3A = arith.constant 0.000000e+00 : f32
    %max3A_28 = vector.broadcast %max3A : f32 to vector<1000x256xf32>
    %max3A_29 = arith.maximumf %add3A_27, %max3A_28 : vector<1000x256xf32>
    %get3A_30 = arith.constant 0 : index
    %get3A_31 = arith.constant 0 : index
    %get3A_32 = vector.load %arg6[%get3A_30, %get3A_31] : memref<1x256xf32, #tpu.memory_space<vmem>>, vector<1x256xf32>
    %get3A_33 = arith.constant 0 : index
    %get3A_34 = arith.constant 0 : index
    %get3A_35 = vector.load %arg7[%get3A_33, %get3A_34] : memref<1x256xf32, #tpu.memory_space<vmem>>, vector<1x256xf32>
    %get3A_36 = arith.constant 0 : index
    %get3A_37 = arith.constant 0 : index
    %get3A_38 = vector.load %arg8[%get3A_36, %get3A_37] : memref<1x256xf32, #tpu.memory_space<vmem>>, vector<1x256xf32>
    %get3A_39 = arith.constant 0 : index
    %get3A_40 = arith.constant 0 : index
    %get3A_41 = vector.load %arg9[%get3A_39, %get3A_40] : memref<1x256xf32, #tpu.memory_space<vmem>>, vector<1x256xf32>
    %div3A_42 = arith.constant 1.000000e+04 : f32
    %div3A_43 = vector.broadcast %div3A_42 : f32 to vector<1x256xf32>
    %div3A_44 = arith.divf %get3A_32, %div3A_43 : vector<1x256xf32>
    %div3A_45 = arith.constant 1.000000e+04 : f32
    %div3A_46 = vector.broadcast %div3A_45 : f32 to vector<1x256xf32>
    %div3A_47 = arith.divf %get3A_35, %div3A_46 : vector<1x256xf32>
    %mul3A_48 = arith.mulf %div3A_44, %div3A_44 : vector<1x256xf32>
    %sub3A_49 = arith.subf %div3A_47, %mul3A_48 : vector<1x256xf32>
    %add3A_50 = arith.constant 9.99999974E-6 : f32
    %add3A_51 = vector.broadcast %add3A_50 : f32 to vector<1x256xf32>
    %add3A_52 = arith.addf %sub3A_49, %add3A_51 : vector<1x256xf32>
    %rsqrt3A_53 = math.rsqrt %add3A_52 : vector<1x256xf32>
    %mul3A_54 = arith.mulf %get3A_38, %rsqrt3A_53 : vector<1x256xf32>
    %mul3A_55 = arith.mulf %div3A_44, %mul3A_54 : vector<1x256xf32>
    %sub3A_56 = arith.subf %get3A_41, %mul3A_55 : vector<1x256xf32>
    %mul3A_57 = vector.broadcast %mul3A_54 : vector<1x256xf32> to vector<1000x256xf32>
    %mul3A_58 = arith.mulf %max3A_29, %mul3A_57 : vector<1000x256xf32>
    %add3A_59 = vector.broadcast %sub3A_56 : vector<1x256xf32> to vector<1000x256xf32>
    %add3A_60 = arith.addf %mul3A_58, %add3A_59 : vector<1000x256xf32>
    %max3A_61 = arith.constant 0.000000e+00 : f32
    %max3A_62 = vector.broadcast %max3A_61 : f32 to vector<1000x256xf32>
    %max3A_63 = arith.maximumf %add3A_60, %max3A_62 : vector<1000x256xf32>
    %get3A_64 = arith.constant 0 : index
    %get3A_65 = arith.constant 0 : index
    %get3A_66 = arith.constant 0 : index
    %get3A_67 = vector.load %arg10[%get3A_64, %get3A_65, %get3A_66] : memref<1x1x1000xi32, #tpu.memory_space<vmem>>, vector<1x1x1000xi32>
    %get3A_68 = vector.shape_cast %get3A_67 : vector<1x1x1000xi32> to vector<1x1000xi32>
    %iota3A = tpu.iota {dimensions = array<i32: 0>} : vector<16x1000xi32>
    %eq3A = vector.broadcast %get3A_68 : vector<1x1000xi32> to vector<16x1000xi32>
    %eq3A_69 = arith.cmpi eq, %eq3A, %iota3A : vector<16x1000xi32>
    %convert_element_type3A = arith.extui %eq3A_69 : vector<16x1000xi1> to vector<16x1000xi32>
    %convert_element_type3A_70 = arith.sitofp %convert_element_type3A : vector<16x1000xi32> to vector<16x1000xf32>
    %eq3A_71 = arith.constant 0 : i32
    %eq3A_72 = arith.cmpi eq, %arg0, %eq3A_71 : i32
    %convert_element_type3A_73 = arith.extui %eq3A_72 : i1 to i32
    %cond3A = arith.constant 0 : i32
    %cond3A_74 = arith.cmpi ne, %convert_element_type3A_73, %cond3A : i32
    scf.if %cond3A_74 {
      %broadcast_in_dim3A = arith.constant 0.000000e+00 : f32
      %broadcast_in_dim3A_82 = vector.broadcast %broadcast_in_dim3A : f32 to vector<16x256xf32>
      %swap3A_83 = arith.constant 0 : index
      %swap3A_84 = arith.constant 0 : index
      %swap3A_85 = vector.load %arg11[%swap3A_83, %swap3A_84] : memref<16x256xf32, #tpu.memory_space<vmem>>, vector<16x256xf32>
      tpu.vector_store %arg11[%swap3A_83, %swap3A_84], %broadcast_in_dim3A_82 {strides = array<i32>} : memref<16x256xf32, #tpu.memory_space<vmem>>, vector<16x256xf32>,
    } else {
    }
    %get3A_75 = arith.constant 0 : index
    %get3A_76 = arith.constant 0 : index
    %get3A_77 = vector.load %arg11[%get3A_75, %get3A_76] : memref<16x256xf32, #tpu.memory_space<vmem>>, vector<16x256xf32>
    %dot_general3A = arith.constant dense<0.000000e+00> : vector<16x256xf32>
    %dot_general3A_78 = tpu.matmul %convert_element_type3A_70, %max3A_63, %dot_general3A {dimension_numbers = #tpu.dot_dimension_numbers<[1], [0], [0], [1], [0, 0, 1, 1], [], []>, transpose_lhs_hint = false} : vector<16x1000xf32>, vector<1000x256xf32>, vector<16x256xf32> -> vector<16x256xf32>
    %add3A_79 = arith.addf %get3A_77, %dot_general3A_78 : vector<16x256xf32>
    %swap3A = arith.constant 0 : index
    %swap3A_80 = arith.constant 0 : index
    %swap3A_81 = vector.load %arg11[%swap3A, %swap3A_80] : memref<16x256xf32, #tpu.memory_space<vmem>>, vector<16x256xf32>
    tpu.vector_store %arg11[%swap3A, %swap3A_80], %add3A_79 {strides = array<i32>} : memref<16x256xf32, #tpu.memory_space<vmem>>, vector<16x256xf32>,
    return
  }
  func.func @transform_0(%arg0: i32) -> (i32, i32) {
    %c0_i32 = arith.constant 0 : i32
    %c0_i32_0 = arith.constant 0 : i32
    return %arg0, %c0_i32 : i32, i32
  }
  func.func @transform_1(%arg0: i32) -> (i32, i32) {
    %c0_i32 = arith.constant 0 : i32
    %c0_i32_0 = arith.constant 0 : i32
    %c0_i32_1 = arith.constant 0 : i32
    return %c0_i32, %c0_i32_0 : i32, i32
  }
  func.func @transform_2(%arg0: i32) -> (i32, i32) {
    %c0_i32 = arith.constant 0 : i32
    %c0_i32_0 = arith.constant 0 : i32
    %c0_i32_1 = arith.constant 0 : i32
    return %c0_i32, %c0_i32_0 : i32, i32
  }
  func.func @transform_3(%arg0: i32) -> (i32, i32) {
    %c0_i32 = arith.constant 0 : i32
    %c0_i32_0 = arith.constant 0 : i32
    %c0_i32_1 = arith.constant 0 : i32
    return %c0_i32, %c0_i32_0 : i32, i32
  }
  func.func @transform_4(%arg0: i32) -> (i32, i32) {
    %c0_i32 = arith.constant 0 : i32
    %c0_i32_0 = arith.constant 0 : i32
    %c0_i32_1 = arith.constant 0 : i32
    return %c0_i32, %c0_i32_0 : i32, i32
  }
  func.func @transform_5(%arg0: i32) -> (i32, i32) {
    %c0_i32 = arith.constant 0 : i32
    %c0_i32_0 = arith.constant 0 : i32
    %c0_i32_1 = arith.constant 0 : i32
    return %c0_i32, %c0_i32_0 : i32, i32
  }
  func.func @transform_6(%arg0: i32) -> (i32, i32) {
    %c0_i32 = arith.constant 0 : i32
    %c0_i32_0 = arith.constant 0 : i32
    %c0_i32_1 = arith.constant 0 : i32
    return %c0_i32, %c0_i32_0 : i32, i32
  }
  func.func @transform_7(%arg0: i32) -> (i32, i32) {
    %c0_i32 = arith.constant 0 : i32
    %c0_i32_0 = arith.constant 0 : i32
    %c0_i32_1 = arith.constant 0 : i32
    return %c0_i32, %c0_i32_0 : i32, i32
  }
  func.func @transform_8(%arg0: i32) -> (i32, i32) {
    %c0_i32 = arith.constant 0 : i32
    %c0_i32_0 = arith.constant 0 : i32
    %c0_i32_1 = arith.constant 0 : i32
    return %c0_i32, %c0_i32_0 : i32, i32
  }
  func.func @transform_9(%arg0: i32) -> (i32, i32, i32) {
    %c0_i32 = arith.constant 0 : i32
    %c0_i32_0 = arith.constant 0 : i32
    %c0_i32_1 = arith.constant 0 : i32
    return %arg0, %c0_i32, %c0_i32_0 : i32, i32, i32
  }
  func.func @transform_10(%arg0: i32) -> (i32, i32) {
    %c0_i32 = arith.constant 0 : i32
    %c0_i32_0 = arith.constant 0 : i32
    %c0_i32_1 = arith.constant 0 : i32
    return %c0_i32, %c0_i32_0 : i32, i32
  }
}

module attributes {stable_mosaic.version = 14 : i64} {
  func.func @body(%arg0: memref<10000x128xf32, #tpu.memory_space<vmem>>, %arg1: memref<1x10000xi32, #tpu.memory_space<vmem>>, %arg2: memref<16x256xf32, #tpu.memory_space<vmem>>, %arg3: memref<16x256xf32, #tpu.memory_space<vmem>>, %arg4: memref<128x16xf32, #tpu.memory_space<vmem>>, %arg5: memref<1x16xf32, #tpu.memory_space<vmem>>, %arg6: memref<256x16xf32, #tpu.memory_space<vmem>>, %arg7: memref<1x16xf32, #tpu.memory_space<vmem>>, %arg8: memref<256x16xf32, #tpu.memory_space<vmem>>, %arg9: memref<1x16xf32, #tpu.memory_space<vmem>>, %arg10: memref<16x16xf32, #tpu.memory_space<vmem>>) attributes {dimension_semantics = [], scalar_prefetch = 0 : i64, scratch_operands = 0 : i64, tpu.core_type = #tpu.core_type<tc>} {
    %get3A = arith.constant 0 : index
    %get3A_0 = arith.constant 0 : index
    %get3A_1 = vector.load %arg1[%get3A, %get3A_0] : memref<1x10000xi32, #tpu.memory_space<vmem>>, vector<1x10000xi32>
    %iota3A = tpu.iota {dimensions = array<i32: 0>} : vector<16x10000xi32>
    %eq3A = vector.broadcast %get3A_1 : vector<1x10000xi32> to vector<16x10000xi32>
    %eq3A_2 = arith.cmpi eq, %eq3A, %iota3A : vector<16x10000xi32>
    %convert_element_type3A = arith.extui %eq3A_2 : vector<16x10000xi1> to vector<16x10000xi32>
    %convert_element_type3A_3 = arith.sitofp %convert_element_type3A : vector<16x10000xi32> to vector<16x10000xf32>
    %reduce_sum3A = arith.constant dense<0.000000e+00> : vector<16xf32>
    %reduce_sum3A_4 = vector.multi_reduction <add>, %convert_element_type3A_3, %reduce_sum3A [1] : vector<16x10000xf32> to vector<16xf32>
    %broadcast_in_dim3A = vector.shape_cast %reduce_sum3A_4 : vector<16xf32> to vector<16x1xf32>
    %max3A = arith.constant 1.000000e+00 : f32
    %max3A_5 = vector.broadcast %max3A : f32 to vector<16x1xf32>
    %max3A_6 = arith.maximumf %broadcast_in_dim3A, %max3A_5 : vector<16x1xf32>
    %get3A_7 = arith.constant 0 : index
    %get3A_8 = arith.constant 0 : index
    %get3A_9 = vector.load %arg0[%get3A_7, %get3A_8] : memref<10000x128xf32, #tpu.memory_space<vmem>>, vector<10000x128xf32>
    %dot_general3A = arith.constant dense<0.000000e+00> : vector<16x128xf32>
    %dot_general3A_10 = tpu.matmul %convert_element_type3A_3, %get3A_9, %dot_general3A {dimension_numbers = #tpu.dot_dimension_numbers<[1], [0], [0], [1], [0, 0, 1, 1], [], []>, transpose_lhs_hint = false} : vector<16x10000xf32>, vector<10000x128xf32>, vector<16x128xf32> -> vector<16x128xf32>
    %div3A = vector.broadcast %max3A_6 : vector<16x1xf32> to vector<16x128xf32>
    %div3A_11 = arith.divf %dot_general3A_10, %div3A : vector<16x128xf32>
    %get3A_12 = arith.constant 0 : index
    %get3A_13 = arith.constant 0 : index
    %get3A_14 = vector.load %arg4[%get3A_12, %get3A_13] : memref<128x16xf32, #tpu.memory_space<vmem>>, vector<128x16xf32>
    %dot_general3A_15 = arith.constant dense<0.000000e+00> : vector<16x16xf32>
    %dot_general3A_16 = tpu.matmul %div3A_11, %get3A_14, %dot_general3A_15 {dimension_numbers = #tpu.dot_dimension_numbers<[1], [0], [0], [1], [0, 0, 1, 1], [], []>, transpose_lhs_hint = false} : vector<16x128xf32>, vector<128x16xf32>, vector<16x16xf32> -> vector<16x16xf32>
    %get3A_17 = arith.constant 0 : index
    %get3A_18 = arith.constant 0 : index
    %get3A_19 = vector.load %arg5[%get3A_17, %get3A_18] : memref<1x16xf32, #tpu.memory_space<vmem>>, vector<1x16xf32>
    %add3A = vector.broadcast %get3A_19 : vector<1x16xf32> to vector<16x16xf32>
    %add3A_20 = arith.addf %dot_general3A_16, %add3A : vector<16x16xf32>
    %get3A_21 = arith.constant 0 : index
    %get3A_22 = arith.constant 0 : index
    %get3A_23 = vector.load %arg2[%get3A_21, %get3A_22] : memref<16x256xf32, #tpu.memory_space<vmem>>, vector<16x256xf32>
    %div3A_24 = vector.broadcast %max3A_6 : vector<16x1xf32> to vector<16x256xf32>
    %div3A_25 = arith.divf %get3A_23, %div3A_24 : vector<16x256xf32>
    %get3A_26 = arith.constant 0 : index
    %get3A_27 = arith.constant 0 : index
    %get3A_28 = vector.load %arg6[%get3A_26, %get3A_27] : memref<256x16xf32, #tpu.memory_space<vmem>>, vector<256x16xf32>
    %dot_general3A_29 = arith.constant dense<0.000000e+00> : vector<16x16xf32>
    %dot_general3A_30 = tpu.matmul %div3A_25, %get3A_28, %dot_general3A_29 {dimension_numbers = #tpu.dot_dimension_numbers<[1], [0], [0], [1], [0, 0, 1, 1], [], []>, transpose_lhs_hint = false} : vector<16x256xf32>, vector<256x16xf32>, vector<16x16xf32> -> vector<16x16xf32>
    %get3A_31 = arith.constant 0 : index
    %get3A_32 = arith.constant 0 : index
    %get3A_33 = vector.load %arg7[%get3A_31, %get3A_32] : memref<1x16xf32, #tpu.memory_space<vmem>>, vector<1x16xf32>
    %add3A_34 = vector.broadcast %get3A_33 : vector<1x16xf32> to vector<16x16xf32>
    %add3A_35 = arith.addf %dot_general3A_30, %add3A_34 : vector<16x16xf32>
    %add3A_36 = arith.addf %add3A_20, %add3A_35 : vector<16x16xf32>
    %get3A_37 = arith.constant 0 : index
    %get3A_38 = arith.constant 0 : index
    %get3A_39 = vector.load %arg3[%get3A_37, %get3A_38] : memref<16x256xf32, #tpu.memory_space<vmem>>, vector<16x256xf32>
    %div3A_40 = vector.broadcast %max3A_6 : vector<16x1xf32> to vector<16x256xf32>
    %div3A_41 = arith.divf %get3A_39, %div3A_40 : vector<16x256xf32>
    %get3A_42 = arith.constant 0 : index
    %get3A_43 = arith.constant 0 : index
    %get3A_44 = vector.load %arg8[%get3A_42, %get3A_43] : memref<256x16xf32, #tpu.memory_space<vmem>>, vector<256x16xf32>
    %dot_general3A_45 = arith.constant dense<0.000000e+00> : vector<16x16xf32>
    %dot_general3A_46 = tpu.matmul %div3A_41, %get3A_44, %dot_general3A_45 {dimension_numbers = #tpu.dot_dimension_numbers<[1], [0], [0], [1], [0, 0, 1, 1], [], []>, transpose_lhs_hint = false} : vector<16x256xf32>, vector<256x16xf32>, vector<16x16xf32> -> vector<16x16xf32>
    %get3A_47 = arith.constant 0 : index
    %get3A_48 = arith.constant 0 : index
    %get3A_49 = vector.load %arg9[%get3A_47, %get3A_48] : memref<1x16xf32, #tpu.memory_space<vmem>>, vector<1x16xf32>
    %add3A_50 = vector.broadcast %get3A_49 : vector<1x16xf32> to vector<16x16xf32>
    %add3A_51 = arith.addf %dot_general3A_46, %add3A_50 : vector<16x16xf32>
    %add3A_52 = arith.addf %add3A_36, %add3A_51 : vector<16x16xf32>
    %swap3A = arith.constant 0 : index
    %swap3A_53 = arith.constant 0 : index
    %swap3A_54 = vector.load %arg10[%swap3A, %swap3A_53] : memref<16x16xf32, #tpu.memory_space<vmem>>, vector<16x16xf32>
    tpu.vector_store %arg10[%swap3A, %swap3A_53], %add3A_52 {strides = array<i32>} : memref<16x16xf32, #tpu.memory_space<vmem>>, vector<16x16xf32>,
    return
  }
}

</mosaic_0001>

<sc_bundles>
// kernel: kernel.14.cloned.1.call-start
scs
__scs_entry_jumppad:
0x0: {  	(pc) =	sbr.rel $0x88, $3  }
0x1: {  	(tag) =	ssettag $0x0;
	lr =	simm.s32 $0x1  }
0x2: {  	[smem:$0x3F84] =	sst lr;
	_ =	strace $0xD0000000  }
0x3: {  	_ = 	snop  }
0x4: {  	_ = 	snop  }
0x5: {  	_ = 	snop  }
0x6: {  	_ = 	snop  }
0x7: {  	_ = 	snop  }
__scs_overlays_trampoline_lowered:
0x8: {  	[smem:$0x3F93] =	sst s0  }
0x9: {  	[smem:$0x3F94] =	sst s1  }
0xa: {  	[smem:$0x3F95] =	sst s2  }
0xb: {  	[smem:$0x3F96] =	sst s3  }
0xc: {  	[smem:$0x3F97] =	sst s4  }
0xd: {  	[smem:$0x3F98] =	sst s5  }
0xe: {  	[smem:$0x3F99] =	sst s6  }
0xf: {  	[smem:$0x3F9A] =	sst s7  }
0x10: {  	[smem:$0x3F9B] =	sst s8  }
0x11: {  	[smem:$0x3F9C] =	sst s9;
	s0 =	simm.s32 @!p0 $0x0  }
0x12: {  	s1 =	sld [smem:$0x3F82];
	s0 =	simm.s32 @p0 $0x1  }
0x13: {  	[smem:$0x3F9D] =	sst s0;
	s0 =	simm.s32 @!p1 $0x0  }
0x14: {  	s2 =	sld [smem:$0x3F81];
	s0 =	simm.s32 @p1 $0x1  }
0x15: {  	[smem:$0x3F9E] =	sst s0;
	s0 =	simm.s32 @!p2 $0x0  }
0x16: {  	s3 =	sld [smem:$0x3FDB];
	s0 =	simm.s32 @p2 $0x1  }
0x17: {  	s4 =	simm.s32 $0x1BF5;
	[smem:$0x3FA0] =	sst s0  }
0x18: {  	s0 =	sld [smem:$0x3F83];
	_ =	swait.ge [sflag:s4], $0x0  }
0x19: {  	s7 =	sld [smem:$0x3F84]  }
0x1a: {  	s8 =	sadd.s32 $0xFFFFE003, lr  }
0x1b: {  	s9 =	sadd.s32 $0xFFFFFEF7, lr;
	s5 =	simm.s32 $0xFFFFFFFF;
	p2 =	slt.u32 s8, $0xFFFFF086  }
0x1c: {  	p1 =	slt.u32 s9, $0xF7A;
	s5 =	simm.s32 @!p2 $0x0  }
0x1d: {  	s5 =	simm.s32 @p1 $0x1;
	p0 =	seq.s32 s7, s2  }
0x1e: {  	s7 =	smul.u32 @!p0 $0xF7A, s2;
	p2 =	seq.s32 @!p0 s5, $0x0  }
0x1f: {  	s9 =	smul.u32 $0xF7A, s1;
	s8 =	simm.s32 @!p0 $0x1BF5;
	p2 =	por !p2, p0  }
0x20: {  	[sflag:s8] =	ssyncset.s32 @!p0 $0xFFFFF086;
	s6 =	sadd.s32 @!p0 s3, s7;
	s7 =	simm.s32 @!p0 $0x108  }
0x21: {  	s3 =	sadd.s32 s3, s9;
	s6 =	sadd.s32 @!p0 $0x88, s6;
	s7 =	simm.s32 @p2 $0x1082  }
0x22: {  	[simem:s7], [sflag:s8] =	dma.local @!p0 [hbm:s6], $0xF7A  }
0x23: {  	s9 =	sor.u32 $0xD0000000, s2;
	s6 =	simm.s32 $0x108;
	_ =	swait.ge @!p0 [sflag:s8], $0x0  }
0x24: {  	s3 =	sadd.s32 $0x88, s3;
	s6 =	simm.s32 @!p1 $0x1082;
	[sflag:s4] =	ssyncset.s32 $0xFFFFF086  }
0x25: {  	[simem:s6], [sflag:s4] =	dma.local [hbm:s3], $0xF7A  }
0x26: {  	[smem:$0x3F84] =	sst s1;
	(tag) =	ssettag s2;
	_ =	strace s9  }
0x27: {  	s1 =	sld [smem:$0x3F94]  }
0x28: {  	s2 =	sld [smem:$0x3F95]  }
0x29: {  	s4 =	sld [smem:$0x3F97]  }
0x2a: {  	p0 =	seq.s32 s5, $0x0;
	s5 =	sld [smem:$0x3F98]  }
0x2b: {  	s6 =	sld [smem:$0x3F99]  }
0x2c: {  	s7 =	sld [smem:$0x3F9A]  }
0x2d: {  	s3 =	simm.s32 $0x108;
	s8 =	sld [smem:$0x3F9B]  }
0x2e: {  	s3 =	simm.s32 @!p0 $0x1082;
	s9 =	sld [smem:$0x3F9C]  }
0x2f: {  	lr =	sadd.s32 s0, s3;
	s0 =	sld [smem:$0x3F93]  }
0x30: {  	s3 =	sld [smem:$0x3F96]  }
0x31: {  	[smem:$0x3F9F] =	sst s10  }
0x32: {  	s10 =	sld [smem:$0x3F9D];
	_ =	sdelay $0x3  }
0x33: {  	p0 =	seq.s32 s10, $0x1;
	s10 =	sld [smem:$0x3F9F];
	_ =	sdelay $0x3  }
0x34: {  	[smem:$0x3F9F] =	sst s10  }
0x35: {  	s10 =	sld [smem:$0x3F9E];
	_ =	sdelay $0x3  }
0x36: {  	p1 =	seq.s32 s10, $0x1;
	s10 =	sld [smem:$0x3F9F];
	_ =	sdelay $0x3  }
0x37: {  	[smem:$0x3F9F] =	sst s10  }
0x38: {  	s10 =	sld [smem:$0x3FA0]  }
0x39: {  	_ = 	snop;
	(pc) =	sbr.ind lr, $3  }
0x3a: {  	_ = 	snop  }
0x3b: {  	_ = 	snop  }
0x3c: {  	p2 =	seq.s32 s10, $0x1;
	s10 =	sld [smem:$0x3F9F]  }
0x3d: {  	_ =	shalt  }
0x3e: {  	_ =	shalt  }
0x3f: {  	_ =	shalt  }
0x40: {  	_ =	shalt  }
0x41: {  	_ =	shalt  }
0x42: {  	_ =	shalt  }
0x43: {  	_ =	shalt  }
0x44: {  	_ =	shalt  }
0x45: {  	_ =	shalt  }
0x46: {  	_ =	shalt  }
0x47: {  	_ =	shalt  }
0x48: {  	_ =	shalt  }
0x49: {  	_ =	shalt  }
0x4a: {  	_ =	shalt  }
0x4b: {  	_ =	shalt  }
0x4c: {  	_ =	shalt  }
0x4d: {  	_ =	shalt  }
0x4e: {  	_ =	shalt  }
0x4f: {  	_ =	shalt  }
0x50: {  	_ =	shalt  }
0x51: {  	_ =	shalt  }
0x52: {  	_ =	shalt  }
0x53: {  	_ =	shalt  }
0x54: {  	_ =	shalt  }
0x55: {  	_ =	shalt  }
0x56: {  	_ =	shalt  }
0x57: {  	_ =	shalt  }
0x58: {  	_ =	shalt  }
0x59: {  	_ =	shalt  }
0x5a: {  	_ =	shalt  }
0x5b: {  	_ =	shalt  }
0x5c: {  	_ =	shalt  }
0x5d: {  	_ =	shalt  }
0x5e: {  	_ =	shalt  }
0x5f: {  	_ =	shalt  }
0x60: {  	_ =	shalt  }
0x61: {  	_ =	shalt  }
0x62: {  	_ =	shalt  }
0x63: {  	_ =	shalt  }
0x64: {  	_ =	shalt  }
0x65: {  	_ =	shalt  }
0x66: {  	_ =	shalt  }
0x67: {  	_ =	shalt  }
0x68: {  	_ =	shalt  }
0x69: {  	_ =	shalt  }
0x6a: {  	_ =	shalt  }
0x6b: {  	_ =	shalt  }
0x6c: {  	_ =	shalt  }
0x6d: {  	_ =	shalt  }
0x6e: {  	_ =	shalt  }
0x6f: {  	_ =	shalt  }
0x70: {  	_ =	shalt  }
0x71: {  	_ =	shalt  }
0x72: {  	_ =	shalt  }
0x73: {  	_ =	shalt  }
0x74: {  	_ =	shalt  }
0x75: {  	_ =	shalt  }
0x76: {  	_ =	shalt  }
0x77: {  	_ =	shalt  }
0x78: {  	_ =	shalt  }
0x79: {  	_ =	shalt  }
0x7a: {  	_ =	shalt  }
0x7b: {  	_ =	shalt  }
0x7c: {  	_ =	shalt  }
0x7d: {  	_ =	shalt  }
0x7e: {  	_ =	shalt  }
0x7f: {  	_ =	shalt  }
0x80: {  	_ =	shalt  }
0x81: {  	_ =	shalt  }
0x82: {  	_ =	shalt  }
0x83: {  	_ =	shalt  }
0x84: {  	_ =	shalt  }
0x85: {  	_ =	shalt  }
0x86: {  	_ =	shalt  }
0x87: {  	_ =	shalt  }
.Lfunc_end0:
.L_simem_size_0:
called_computation_lowered:
.L_overlay_start_0:
0x88: {  	s2 =	sld [smem:$0x3FD9]  }
0x89: {  	s3 =	sld [smem:$0x3FFE];
	_ =	sdelay $0x1  }
0x8a: {  	s1 =	srdreg.scid  }
0x8b: {  	s0 =	sand.u32 $0x1, s1  }
0x8c: {  	s17 =	sshll.u32 s0, $0xA;
	s2 =	sadd.s32 s3, s2  }
0x8d: {  	s2 =	sadd.s32 s2, s17  }
0x8e: {  	[smem:$0x3FAB] =	sst s2  }
0x8f: {  	_ = 	snop  }
0x90: {  	s2 =	sld [smem:$0x3FC9];
	(tm) =	ssettm $0x1  }
0x91: {  	s18 =	sld [smem:$0x3FFB];
	_ =	sdelay $0x3  }
0x92: {  	_ =	strace s18  }
0x93: {  	s3 =	sld [smem:$0x3FFC];
	_ =	sdelay $0x3  }
0x94: {  	_ =	strace s3  }
0x95: {  	s3 =	sld [smem:$0x3FFD];
	_ =	sdelay $0x3  }
0x96: {  	_ =	strace s3  }
0x97: {  	_ =	strace $0x8FFFFFFF  }
0x98: {  	s19 =	sld [smem:$0x3FDB];
	_ =	sdelay $0x1  }
0x99: {  	s4 =	simm.s32 $_scs_section_size  }
0x9a: {  	s5 =	simm.s32 $_size__tile_overlayer_lowered;
	s6 =	simm.s32 $_tile_overlayer_lowered  }
0x9b: {  	s22 =	simm.s32 $0x1BFF;
	s21 =	sshll.u32 s6, $0x1;
	s3 =	sadd.s32 s4, s19  }
0x9c: {  	s7 =	simm.s32 $0x0;
	s20 =	sshll.u32 s5, $0x1;
	s5 =	sadd.s32 s21, s3  }
0x9d: {  	[timem:s7], [sflag:s22] =	dma.local [hbm:s5], s20  }
0x9e: {  	_ =	swait.ge [sflag:s22], s20  }
0x9f: {  	s4 =	ssub.s32 $0x0, s20;
	[sflag:s22] =	ssyncset.done $0x0  }
0xa0: {  	[sflag:s22] =	ssyncadd.s32 s4;
	_ =	sdelay $0x1  }
0xa1: {  	s23 =	simm.s32 $0x1B8B  }
0xa2: {  	_ =	swait.ge [sflag:s23], $0x1  }
0xa3: {  	[sflag:s23] =	ssyncset.done $0x0  }
0xa4: {  	s25 =	simm.s32 $0x1B8E;
	s24 =	sld [smem:$0x3FFE];
	[sflag:s23] =	ssyncadd.s32 $0xFFFFFFFF  }
0xa5: {  	s26 =	simm.s32 $execute0_lowered;
	[smem:$0x3FD2] =	sst s25  }
0xa6: {  	s5 =	sshll.u32 s26, $0x1;
	_ =	strace $0x80000046;
	[dreg:$0x1] =	wrdreg $0xFFFFFFFF  }
0xa7: {  	s28 =	simm.s32 $_size_execute0_lowered;
	s3 =	sadd.s32 s3, s5;
	[dreg:$0x0] =	wrdreg $0x0  }
0xa8: {  	s5 =	sshll.u32 s28, $0x1;
	[dreg:$0x2] =	wrdreg s3  }
0xa9: {  	[dreg:$0x3] =	wrdreg s5  }
0xaa: {  	[dreg:$0x4] =	wrdreg $0xC0  }
0xab: {  	_ =	task [dreg:s7], $0x5FFFF  }
0xac: {  	[dreg:$0x1] =	wrdreg $0xFFFFFFFF  }
0xad: {  	[dreg:$0x0] =	wrdreg $0x60  }
0xae: {  	[dreg:$0x2] =	wrdreg s2  }
0xaf: {  	[dreg:$0x3] =	wrdreg s24  }
0xb0: {  	[dreg:$0x4] =	wrdreg $0xAA000  }
0xb1: {  	[dreg:$0x5] =	wrdreg $0x9  }
0xb2: {  	_ =	task.clear_ibuf [dreg:s7], $0x6FFFF;
	_ =	strace $0x90000046  }
0xb3: {  	s29 =	simm.s32 $0x9;
	_ =	strace $0x80000048  }
0xb4: {  	_ =	swait.ge [sflag:s29], $0x1  }
0xb5: {  	[sflag:s29] =	ssyncadd.s32 $0xFFFFFFFF  }
0xb6: {  	_ =	strace $0x90000048  }
0xb7: {  	_ =	sfence  }
0xb8: {  	s30 =	sld [smem:$0x0];
	_ =	sdelay $0x2  }
0xb9: {  	s31 =	sshll.u32 s1, $0xD;
	s1 =	sshrl.u32 s1, $0x2  }
0xba: {  	s3 =	sand.u32 $0x4000, s31;
	s1 =	sadd.s32 s1, s30  }
0xbb: {  	s0 =	sor.u32 s3, s0;
	s1 =	sshll.u32 s1, $0x11  }
0xbc: {  	s0 =	sor.u32 s1, s0  }
0xbd: {  	s0 =	sadd.s32 $0x8F2B, s0  }
0xbe: {  	[sflag:s0] =	ssyncadd.remote.s32 $0x1  }
0xbf: {  	_ =	sfence.sel $0xFFFF  }
0xc0: {  	[dreg:$0x0] =	wrdreg $0xFFFFFFFF;
	(pc) =	sbr.abs _section_cstart, $3  }
0xc1: {  	[dreg:$0x1] =	wrdreg $0xFFFFFFFF  }
0xc2: {  	_ =	task.clear_ibuf [dreg:s7], $0x2FFFF;
	_ =	strace $0x9FFFFFFF  }
0xc3: {  	(tm) =	ssettm $0x7FFFFFFF  }
tec
execute0_lowered:
.L_overlay_start_1:
0x0: {  	(tag) =	ssettag $0x1  }
0x1: {  	s0 =	rddreg [dreg:$0x0]  }
0x2: {  	s1 =	srdreg.scid;
	s5 =	rddreg [dreg:$0x1]  }
0x3: {  	s3 =	rddreg [dreg:$0x2];
	s2 =	stileid.u32;
	s4 =	simm.s32 $0x0  }
0x4: {  	s20 =	simm.s32 $0x2800;
	s21 =	simm.s32 $0x2880;
	s22 =	simm.s32 $0x6A00  }
0x5: {  	s23 =	simm.s32 $0x1;
	s24 =	simm.s32 $0x2900;
	s28 =	simm.s32 $0x0  }
0x6: {  	s7 =	sand.u32 $0x1, s1;
	s1 =	rddreg [dreg:$0x3];
	s9 =	smul.u32 $0x50000, s2  }
0x7: {  	[smem:$0x7FF] =	sst s4;
	s11 =	smul.u32 $0x280, s2;
	s15 =	sadd.s32 $0x11000, s5  }
0x8: {  	s6 =	sshll.u32 s7, $0x4;
	_ =	strace $0x80000047;
	s8 =	ssub.s32 $0x2, s7  }
0x9: {  	s17 =	smul.u32 $0x2800, s7;
	s6 =	sor.u32 s2, s6;
	s10 =	sshrl.u32 s8, $0x1  }
0xa: {  	s25 =	sshrl.u32 s9, $0x2;
	s26 =	sadd.s32 $0x80, s11;
	s13 =	sadd.s32 $0x100, s11  }
0xb: {  	s14 =	sadd.s32 $0x180, s11;
	s18 =	sadd.s32 $0x200, s11;
	s6 =	smul.u32 $0x500, s6  }
0xc: {  	s16 =	ssub.s32 s8, s10;
	s29 =	sshll.u32 s26, $0x7;
	s30 =	sshll.u32 s13, $0x7  }
0xd: {  	s12 =	sshll.u32 s14, $0x7;
	s11 =	sadd.s32 s11, s17;
	s10 =	sadd.s32 s17, s26  }
0xe: {  	s31 =	sshll.u32 s18, $0x7;
	s13 =	sadd.s32 s17, s13;
	s14 =	sadd.s32 s17, s14  }
0xf: {  	s17 =	sadd.s32 s17, s18;
	s18 =	simm.s32 $0x2A00;
	s26 =	simm.s32 $0x2980  }
0x10: {  	s7 =	sadd.s32 s29, s3;
	s8 =	sadd.s32 s30, s3;
	s9 =	sadd.s32 s12, s3  }
0x11: {  	s11 =	sshll.u32 s11, $0x4;
	s19 =	sshll.u32 s10, $0x4;
	s10 =	sadd.s32 s31, s3  }
0x12: {  	s13 =	sshll.u32 s13, $0x4;
	s14 =	sshll.u32 s14, $0x4;
	s17 =	sshll.u32 s17, $0x4  }
0x13: {  	s16 =	smax.u32 s16, $0x1;
	s6 =	sadd.s32 s6, s5;
	s11 =	sadd.s32 s15, s11  }
0x14: {  	s12 =	sadd.s32 s15, s19;
	s13 =	sadd.s32 s15, s13;
	s14 =	sadd.s32 s15, s14  }
0x15: {  	s15 =	sadd.s32 s15, s17;
	s17 =	simm.s32 $0x3;
	s19 =	simm.s32 $0x80  }
0x16: {  	v0 =	vimm.f32 $0.0e+00;
	s5 =	sadd.s32 $0x7000, s6;
	s6 =	sadd.s32 s25, s3;
	s25 =	simm.s32 $0x2  }
.LBB2_1:
0x17: {  	[tilespmem:s4], [sflag:$0x3] =	stream.linear.gather [hbm4b:s5+s4], $0x2780, $0x38;
	[tilespmem:$0x1EA00] =	vst v63  }
0x18: {  	_ =	swait.ge [sflag:s17], $0x2780  }
0x19: {  	[sflag:s17] =	ssyncset.done $0x0  }
0x1a: {  	s29 =	simm.s32 $0x0;
	s30 =	simm.s32 $0x200;
	[sflag:s17] =	ssyncadd.s32 $0xFFFFD880  }
.LBB2_2:
0x1b: {  	p0 =	sne.s32 s30, $0xFE00;
	[tilespmem:s29+$0x2A70] =	vst v0  }
0x1c: {  	[tilespmem:s29+$0x2A00] =	vst v0  }
0x1d: {  	[tilespmem:s29+$0x2A10] =	vst v0  }
.Ltmp0:
0x1e: {  	[tilespmem:s29+$0x2A20] =	vst v0;
	(pc) =	sbr.rel @p0 .LBB2_2-.Ltmp0, $4  }
0x1f: {  	[tilespmem:s29+$0x2A30] =	vst v0  }
0x20: {  	[tilespmem:s29+$0x2A40] =	vst v0  }
0x21: {  	[tilespmem:s29+$0x2A50] =	vst v0  }
0x22: {  	[tilespmem:s29+$0x2A60] =	vst v0;
	s29 =	sshra.s32 s30, $0x2;
	s30 =	sadd.s32 $0x200, s30  }
0x23: {  	[tilespmem:s29+$0x2A70] =	vst v0  }
0x24: {  	[tilespmem:s29+$0x2A00] =	vst v0  }
0x25: {  	[tilespmem:s29+$0x2A10] =	vst v0  }
0x26: {  	[tilespmem:s29+$0x2A20] =	vst v0  }
0x27: {  	[tilespmem:s29+$0x2A30] =	vst v0  }
0x28: {  	[tilespmem:s29+$0x2A40] =	vst v0  }
0x29: {  	[tilespmem:s29+$0x2A50] =	vst v0  }
0x2a: {  	[tilespmem:s29+$0x2A60] =	vst v0  }
0x2b: {  	[spmem:s6] =	stream.linear.scatter [tilespmem:s18], [sflag:$0x3], $0x4000, $0x38;
	[tilespmem:$0x1EA00] =	vst v63  }
0x2c: {  	_ =	swait.ge [sflag:s17], $0x4000  }
0x2d: {  	[sflag:s17] =	ssyncset.done $0x0  }
0x2e: {  	[sflag:s17] =	ssyncadd.s32 $0xFFFFC000  }
0x2f: {  	[spmem:s7] =	stream.linear.scatter [tilespmem:s18], [sflag:$0x3], $0x4000, $0x38;
	[tilespmem:$0x1EA00] =	vst v63  }
0x30: {  	_ =	swait.ge [sflag:s17], $0x4000  }
0x31: {  	[sflag:s17] =	ssyncset.done $0x0  }
0x32: {  	[sflag:s17] =	ssyncadd.s32 $0xFFFFC000  }
0x33: {  	[spmem:s8] =	stream.linear.scatter [tilespmem:s18], [sflag:$0x3], $0x4000, $0x38;
	[tilespmem:$0x1EA00] =	vst v63  }
0x34: {  	_ =	swait.ge [sflag:s17], $0x4000  }
0x35: {  	[sflag:s17] =	ssyncset.done $0x0  }
0x36: {  	[sflag:s17] =	ssyncadd.s32 $0xFFFFC000  }
0x37: {  	[spmem:s9] =	stream.linear.scatter [tilespmem:s18], [sflag:$0x3], $0x4000, $0x38;
	[tilespmem:$0x1EA00] =	vst v63  }
0x38: {  	_ =	swait.ge [sflag:s17], $0x4000  }
0x39: {  	[sflag:s17] =	ssyncset.done $0x0  }
0x3a: {  	[sflag:s17] =	ssyncadd.s32 $0xFFFFC000  }
0x3b: {  	[spmem:s10] =	stream.linear.scatter [tilespmem:s18], [sflag:$0x3], $0x4000, $0x38;
	[tilespmem:$0x1EA00] =	vst v63  }
0x3c: {  	_ =	swait.ge [sflag:s17], $0x4000  }
0x3d: {  	[sflag:s17] =	ssyncset.done $0x0  }
0x3e: {  	[sflag:s17] =	ssyncadd.s32 $0xFFFFC000  }
0x3f: {  	[bflag:$0x0] =	sbarrier.arrive $0xFFFF  }
0x40: {  	v1 =	vld [tilespmem:$0x0];
	_ =	sdelay $0x1  }
0x41: {  	v2 =	vld [tilespmem:$0x10];
	_ =	sdelay $0x1  }
0x42: {  	v3 =	vld [tilespmem:$0x20]  }
0x43: {  	v4 =	vand.u32 $0x7FFF, v1  }
0x44: {  	v62 =	vld [tilespmem:$0x30];
	v1 =	vshrl.u32 v1, $0xF;
	[tilespmem:$0x2800] =	vst v4  }
0x45: {  	[tilespmem:$0x2900] =	vst v1;
	v1 =	vand.u32 $0x7FFF, v2  }
0x46: {  	[tilespmem:$0x2810] =	vst v1;
	v1 =	vshrl.u32 v2, $0xF;
	v2 =	vld [tilespmem:$0x40]  }
0x47: {  	[tilespmem:$0x2910] =	vst v1;
	v1 =	vand.u32 $0x7FFF, v3  }
0x48: {  	[tilespmem:$0x2820] =	vst v1;
	v1 =	vshrl.u32 v3, $0xF;
	v3 =	vld [tilespmem:$0x50]  }
0x49: {  	[tilespmem:$0x2920] =	vst v1;
	v1 =	vand.u32 $0x7FFF, v62  }
0x4a: {  	v63 =	vld [tilespmem:$0x60];
	[tilespmem:$0x2830] =	vst v1;
	v1 =	vshrl.u32 v62, $0xF  }
0x4b: {  	[tilespmem:$0x2930] =	vst v1;
	v1 =	vand.u32 $0x7FFF, v2  }
0x4c: {  	[tilespmem:$0x2840] =	vst v1;
	v1 =	vshrl.u32 v2, $0xF;
	v2 =	vld [tilespmem:$0x70]  }
0x4d: {  	[tilespmem:$0x2940] =	vst v1;
	v1 =	vand.u32 $0x7FFF, v3  }
0x4e: {  	[tilespmem:$0x2850] =	vst v1;
	v1 =	vshrl.u32 v3, $0xF  }
0x4f: {  	[tilespmem:$0x2950] =	vst v1;
	v1 =	vand.u32 $0x7FFF, v63  }
0x50: {  	[tilespmem:$0x2860] =	vst v1;
	v1 =	vshrl.u32 v63, $0xF  }
0x51: {  	[tilespmem:$0x2960] =	vst v1;
	v1 =	vand.u32 $0x7FFF, v2  }
0x52: {  	[tilespmem:$0x2870] =	vst v1;
	v1 =	vshrl.u32 v2, $0xF  }
0x53: {  	s29 =	simm.s32 $0x0;
	[tilespmem:$0x2970] =	vst v1  }
0x54: {  	[tilespmem:s18], [sflag:$0x1] =	stream.indirect.gather [hbm4b:s0+s19], $0x80, s20, s19, $0xb8;
	[tilespmem:$0x1EA00] =	vst v63  }
0x55: {  	v1 =	vld [tilespmem:s29+$0x80];
	_ =	sdelay $0x4  }
0x56: {  	v2 =	vand.u32 $0x7FFF, v1  }
0x57: {  	v1 =	vshrl.u32 v1, $0xF;
	[tilespmem:$0x2880] =	vst v2  }
0x58: {  	[tilespmem:$0x2980] =	vst v1  }
0x59: {  	v1 =	vld [tilespmem:s29+$0x90];
	_ =	sdelay $0x4  }
0x5a: {  	v2 =	vand.u32 $0x7FFF, v1  }
0x5b: {  	v1 =	vshrl.u32 v1, $0xF;
	[tilespmem:$0x2890] =	vst v2  }
0x5c: {  	[tilespmem:$0x2990] =	vst v1  }
0x5d: {  	v1 =	vld [tilespmem:s29+$0xA0];
	_ =	sdelay $0x4  }
0x5e: {  	v2 =	vand.u32 $0x7FFF, v1  }
0x5f: {  	v1 =	vshrl.u32 v1, $0xF;
	[tilespmem:$0x28A0] =	vst v2  }
0x60: {  	[tilespmem:$0x29A0] =	vst v1  }
0x61: {  	v1 =	vld [tilespmem:s29+$0xB0];
	_ =	sdelay $0x4  }
0x62: {  	v2 =	vand.u32 $0x7FFF, v1  }
0x63: {  	v1 =	vshrl.u32 v1, $0xF;
	[tilespmem:$0x28B0] =	vst v2  }
0x64: {  	[tilespmem:$0x29B0] =	vst v1  }
0x65: {  	v1 =	vld [tilespmem:s29+$0xC0];
	_ =	sdelay $0x4  }
0x66: {  	v2 =	vand.u32 $0x7FFF, v1  }
0x67: {  	v1 =	vshrl.u32 v1, $0xF;
	[tilespmem:$0x28C0] =	vst v2  }
0x68: {  	[tilespmem:$0x29C0] =	vst v1  }
0x69: {  	v1 =	vld [tilespmem:s29+$0xD0];
	_ =	sdelay $0x4  }
0x6a: {  	v2 =	vand.u32 $0x7FFF, v1  }
0x6b: {  	v1 =	vshrl.u32 v1, $0xF;
	[tilespmem:$0x28D0] =	vst v2  }
0x6c: {  	[tilespmem:$0x29D0] =	vst v1  }
0x6d: {  	v1 =	vld [tilespmem:s29+$0xE0];
	_ =	sdelay $0x4  }
0x6e: {  	v2 =	vand.u32 $0x7FFF, v1  }
0x6f: {  	v1 =	vshrl.u32 v1, $0xF;
	[tilespmem:$0x28E0] =	vst v2  }
0x70: {  	[tilespmem:$0x29E0] =	vst v1  }
0x71: {  	v1 =	vld [tilespmem:s29+$0xF0];
	_ =	sdelay $0x4  }
0x72: {  	v2 =	vand.u32 $0x7FFF, v1  }
0x73: {  	v1 =	vshrl.u32 v1, $0xF;
	[tilespmem:$0x28F0] =	vst v2  }
0x74: {  	[tilespmem:$0x29F0] =	vst v1  }
0x75: {  	[tilespmem:s22], [sflag:$0x2] =	stream.indirect.gather [hbm4b:s0+s19], $0x80, s21, s19, $0xb8;
	[tilespmem:$0x1EA00] =	vst v63  }
0x76: {  	_ =	swait.ge [sflag:s23], $0x4000  }
0x77: {  	[sflag:s23] =	ssyncset.done $0x0  }
0x78: {  	[sflag:s23] =	ssyncadd.s32 $0xFFFFC000  }
0x79: {  	[spmem:s3] =	stream.indirect.scatter.add.f32 [tilespmem:s18], [sflag:$0x3], $0x80, s24, s19, $0xb8;
	[tilespmem:$0x1EA00] =	vst v63  }
0x7a: {  	_ =	swait.ge [sflag:s17], $0x4000  }
0x7b: {  	[sflag:s17] =	ssyncset.done $0x0  }
0x7c: {  	[sflag:s17] =	ssyncadd.s32 $0xFFFFC000  }
0x7d: {  	v1 =	vld [tilespmem:s29+$0x100];
	_ =	sdelay $0x4  }
0x7e: {  	v2 =	vand.u32 $0x7FFF, v1  }
0x7f: {  	v1 =	vshrl.u32 v1, $0xF;
	[tilespmem:$0x2800] =	vst v2  }
0x80: {  	[tilespmem:$0x2900] =	vst v1  }
0x81: {  	v1 =	vld [tilespmem:s29+$0x110];
	_ =	sdelay $0x4  }
0x82: {  	v2 =	vand.u32 $0x7FFF, v1  }
0x83: {  	v1 =	vshrl.u32 v1, $0xF;
	[tilespmem:$0x2810] =	vst v2  }
0x84: {  	[tilespmem:$0x2910] =	vst v1  }
0x85: {  	v1 =	vld [tilespmem:s29+$0x120];
	_ =	sdelay $0x4  }
0x86: {  	v2 =	vand.u32 $0x7FFF, v1  }
0x87: {  	v1 =	vshrl.u32 v1, $0xF;
	[tilespmem:$0x2820] =	vst v2  }
0x88: {  	[tilespmem:$0x2920] =	vst v1  }
0x89: {  	v1 =	vld [tilespmem:s29+$0x130];
	_ =	sdelay $0x4  }
0x8a: {  	v2 =	vand.u32 $0x7FFF, v1  }
0x8b: {  	v1 =	vshrl.u32 v1, $0xF;
	[tilespmem:$0x2830] =	vst v2  }
0x8c: {  	[tilespmem:$0x2930] =	vst v1  }
0x8d: {  	v1 =	vld [tilespmem:s29+$0x140];
	_ =	sdelay $0x4  }
0x8e: {  	v2 =	vand.u32 $0x7FFF, v1  }
0x8f: {  	v1 =	vshrl.u32 v1, $0xF;
	[tilespmem:$0x2840] =	vst v2  }
0x90: {  	[tilespmem:$0x2940] =	vst v1  }
0x91: {  	v1 =	vld [tilespmem:s29+$0x150];
	_ =	sdelay $0x4  }
0x92: {  	v2 =	vand.u32 $0x7FFF, v1  }
0x93: {  	v1 =	vshrl.u32 v1, $0xF;
	[tilespmem:$0x2850] =	vst v2  }
0x94: {  	[tilespmem:$0x2950] =	vst v1  }
0x95: {  	v1 =	vld [tilespmem:s29+$0x160];
	_ =	sdelay $0x4  }
0x96: {  	v2 =	vand.u32 $0x7FFF, v1  }
0x97: {  	s30 =	simm.s32 $0x400;
	v1 =	vshrl.u32 v1, $0xF;
	[tilespmem:$0x2860] =	vst v2  }
.LBB2_4:
0x98: {  	p0 =	sne.s32 s30, $0x9800;
	[tilespmem:$0x2960] =	vst v1;
	s31 =	smov.u32 s30;
	s30 =	sadd.s32 $0x400, s30  }
0x99: {  	v1 =	vld [tilespmem:s29+$0x170];
	_ =	sdelay $0x4  }
0x9a: {  	v2 =	vand.u32 $0x7FFF, v1;
	v1 =	vshrl.u32 v1, $0xF  }
0x9b: {  	[tilespmem:$0x2870] =	vst v2  }
0x9c: {  	[tilespmem:$0x2970] =	vst v1  }
0x9d: {  	[tilespmem:s18], [sflag:$0x1] =	stream.indirect.gather [hbm4b:s0+s19], $0x80, s20, s19, $0xb8;
	[tilespmem:$0x1EA00] =	vst v63  }
0x9e: {  	_ =	swait.ge [sflag:s25], $0x4000  }
0x9f: {  	[sflag:s25] =	ssyncset.done $0x0  }
0xa0: {  	[sflag:s25] =	ssyncadd.s32 $0xFFFFC000  }
0xa1: {  	[spmem:s3] =	stream.indirect.scatter.add.f32 [tilespmem:s22], [sflag:$0x3], $0x80, s26, s19, $0xb8;
	[tilespmem:$0x1EA00] =	vst v63  }
0xa2: {  	_ =	swait.ge [sflag:s17], $0x4000  }
0xa3: {  	[sflag:s17] =	ssyncset.done $0x0  }
0xa4: {  	s29 =	sshra.s32 s31, $0x2;
	[sflag:s17] =	ssyncadd.s32 $0xFFFFC000  }
0xa5: {  	v1 =	vld [tilespmem:s29+$0x80];
	_ =	sdelay $0x4  }
0xa6: {  	v2 =	vand.u32 $0x7FFF, v1;
	v1 =	vshrl.u32 v1, $0xF  }
0xa7: {  	[tilespmem:$0x2880] =	vst v2  }
0xa8: {  	[tilespmem:$0x2980] =	vst v1  }
0xa9: {  	v1 =	vld [tilespmem:s29+$0x90];
	_ =	sdelay $0x4  }
0xaa: {  	v2 =	vand.u32 $0x7FFF, v1;
	v1 =	vshrl.u32 v1, $0xF  }
0xab: {  	[tilespmem:$0x2890] =	vst v2  }
0xac: {  	[tilespmem:$0x2990] =	vst v1  }
0xad: {  	v1 =	vld [tilespmem:s29+$0xA0];
	_ =	sdelay $0x4  }
0xae: {  	v2 =	vand.u32 $0x7FFF, v1;
	v1 =	vshrl.u32 v1, $0xF  }
0xaf: {  	[tilespmem:$0x28A0] =	vst v2  }
0xb0: {  	[tilespmem:$0x29A0] =	vst v1  }
0xb1: {  	v1 =	vld [tilespmem:s29+$0xB0];
	_ =	sdelay $0x4  }
0xb2: {  	v2 =	vand.u32 $0x7FFF, v1;
	v1 =	vshrl.u32 v1, $0xF  }
0xb3: {  	[tilespmem:$0x28B0] =	vst v2  }
0xb4: {  	[tilespmem:$0x29B0] =	vst v1  }
0xb5: {  	v1 =	vld [tilespmem:s29+$0xC0];
	_ =	sdelay $0x4  }
0xb6: {  	v2 =	vand.u32 $0x7FFF, v1;
	v1 =	vshrl.u32 v1, $0xF  }
0xb7: {  	[tilespmem:$0x28C0] =	vst v2  }
0xb8: {  	[tilespmem:$0x29C0] =	vst v1  }
0xb9: {  	v1 =	vld [tilespmem:s29+$0xD0];
	_ =	sdelay $0x4  }
0xba: {  	v2 =	vand.u32 $0x7FFF, v1;
	v1 =	vshrl.u32 v1, $0xF  }
0xbb: {  	[tilespmem:$0x28D0] =	vst v2  }
0xbc: {  	[tilespmem:$0x29D0] =	vst v1  }
0xbd: {  	v1 =	vld [tilespmem:s29+$0xE0];
	_ =	sdelay $0x4  }
0xbe: {  	v2 =	vand.u32 $0x7FFF, v1;
	v1 =	vshrl.u32 v1, $0xF  }
0xbf: {  	[tilespmem:$0x28E0] =	vst v2  }
0xc0: {  	[tilespmem:$0x29E0] =	vst v1  }
0xc1: {  	v1 =	vld [tilespmem:s29+$0xF0];
	_ =	sdelay $0x4  }
0xc2: {  	v2 =	vand.u32 $0x7FFF, v1;
	v1 =	vshrl.u32 v1, $0xF  }
0xc3: {  	[tilespmem:$0x28F0] =	vst v2  }
0xc4: {  	[tilespmem:$0x29F0] =	vst v1  }
0xc5: {  	[tilespmem:s22], [sflag:$0x2] =	stream.indirect.gather [hbm4b:s0+s19], $0x80, s21, s19, $0xb8;
	[tilespmem:$0x1EA00] =	vst v63  }
0xc6: {  	_ =	swait.ge [sflag:s23], $0x4000  }
0xc7: {  	[sflag:s23] =	ssyncset.done $0x0  }
0xc8: {  	[sflag:s23] =	ssyncadd.s32 $0xFFFFC000  }
0xc9: {  	[spmem:s3] =	stream.indirect.scatter.add.f32 [tilespmem:s18], [sflag:$0x3], $0x80, s24, s19, $0xb8;
	[tilespmem:$0x1EA00] =	vst v63  }
0xca: {  	_ =	swait.ge [sflag:s17], $0x4000  }
0xcb: {  	[sflag:s17] =	ssyncset.done $0x0  }
0xcc: {  	[sflag:s17] =	ssyncadd.s32 $0xFFFFC000  }
0xcd: {  	v1 =	vld [tilespmem:s29+$0x100];
	_ =	sdelay $0x4  }
0xce: {  	v2 =	vand.u32 $0x7FFF, v1;
	v1 =	vshrl.u32 v1, $0xF  }
0xcf: {  	[tilespmem:$0x2800] =	vst v2  }
0xd0: {  	[tilespmem:$0x2900] =	vst v1  }
0xd1: {  	v1 =	vld [tilespmem:s29+$0x110];
	_ =	sdelay $0x4  }
0xd2: {  	v2 =	vand.u32 $0x7FFF, v1;
	v1 =	vshrl.u32 v1, $0xF  }
0xd3: {  	[tilespmem:$0x2810] =	vst v2  }
0xd4: {  	[tilespmem:$0x2910] =	vst v1  }
0xd5: {  	v1 =	vld [tilespmem:s29+$0x120];
	_ =	sdelay $0x4  }
0xd6: {  	v2 =	vand.u32 $0x7FFF, v1;
	v1 =	vshrl.u32 v1, $0xF  }
0xd7: {  	[tilespmem:$0x2820] =	vst v2  }
0xd8: {  	[tilespmem:$0x2920] =	vst v1  }
0xd9: {  	v1 =	vld [tilespmem:s29+$0x130];
	_ =	sdelay $0x4  }
0xda: {  	v2 =	vand.u32 $0x7FFF, v1;
	v1 =	vshrl.u32 v1, $0xF  }
0xdb: {  	[tilespmem:$0x2830] =	vst v2  }
0xdc: {  	[tilespmem:$0x2930] =	vst v1  }
0xdd: {  	v1 =	vld [tilespmem:s29+$0x140];
	_ =	sdelay $0x4  }
0xde: {  	v2 =	vand.u32 $0x7FFF, v1;
	v1 =	vshrl.u32 v1, $0xF  }
0xdf: {  	[tilespmem:$0x2840] =	vst v2  }
0xe0: {  	[tilespmem:$0x2940] =	vst v1  }
0xe1: {  	v1 =	vld [tilespmem:s29+$0x150];
	_ =	sdelay $0x4  }
0xe2: {  	v2 =	vand.u32 $0x7FFF, v1;
	v1 =	vshrl.u32 v1, $0xF  }
0xe3: {  	[tilespmem:$0x2850] =	vst v2  }
0xe4: {  	[tilespmem:$0x2950] =	vst v1  }
0xe5: {  	v1 =	vld [tilespmem:s29+$0x160];
	_ =	sdelay $0x1  }
.Ltmp1:
0xe6: {  	(pc) =	sbr.rel @p0 .LBB2_4-.Ltmp1, $3  }
0xe7: {  	_ =	sdelay $0x1  }
0xe8: {  	v2 =	vand.u32 $0x7FFF, v1;
	v1 =	vshrl.u32 v1, $0xF  }
0xe9: {  	[tilespmem:$0x2860] =	vst v2  }
0xea: {  	[tilespmem:$0x2960] =	vst v1  }
0xeb: {  	v1 =	vld [tilespmem:s29+$0x170];
	_ =	sdelay $0x4  }
0xec: {  	v2 =	vand.u32 $0x7FFF, v1  }
0xed: {  	v1 =	vshrl.u32 v1, $0xF;
	[tilespmem:$0x2870] =	vst v2  }
0xee: {  	[tilespmem:$0x2970] =	vst v1  }
0xef: {  	[tilespmem:s18], [sflag:$0x1] =	stream.indirect.gather [hbm4b:s0+s19], $0x80, s20, s19, $0xb8;
	[tilespmem:$0x1EA00] =	vst v63  }
0xf0: {  	_ =	swait.ge [sflag:s25], $0x4000  }
0xf1: {  	[sflag:s25] =	ssyncset.done $0x0  }
0xf2: {  	[sflag:s25] =	ssyncadd.s32 $0xFFFFC000  }
0xf3: {  	[spmem:s3] =	stream.indirect.scatter.add.f32 [tilespmem:s22], [sflag:$0x3], $0x80, s26, s19, $0xb8;
	[tilespmem:$0x1EA00] =	vst v63  }
0xf4: {  	_ =	swait.ge [sflag:s17], $0x4000  }
0xf5: {  	[sflag:s17] =	ssyncset.done $0x0  }
0xf6: {  	[sflag:s17] =	ssyncadd.s32 $0xFFFFC000  }
0xf7: {  	_ =	swait.ge [sflag:s23], $0x4000  }
0xf8: {  	[sflag:s23] =	ssyncset.done $0x0  }
0xf9: {  	[sflag:s23] =	ssyncadd.s32 $0xFFFFC000  }
0xfa: {  	[spmem:s3] =	stream.indirect.scatter.add.f32 [tilespmem:s18], [sflag:$0x3], $0x80, s24, s19, $0xb8;
	[tilespmem:$0x1EA00] =	vst v63  }
0xfb: {  	_ =	swait.ge [sflag:s17], $0x4000  }
0xfc: {  	[sflag:s17] =	ssyncset.done $0x0  }
0xfd: {  	[sflag:s17] =	ssyncadd.s32 $0xFFFFC000  }
0xfe: {  	[bflag:$0x0] =	sbarrier.arrive $0xFFFF  }
0xff: {  	[tilespmem:s18], [sflag:$0x3] =	stream.linear.gather [spmem:s6], $0x4000, $0x38;
	[tilespmem:$0x1EA00] =	vst v63  }
0x100: {  	_ =	swait.ge [sflag:s17], $0x4000  }
0x101: {  	[sflag:s17] =	ssyncset.done $0x0  }
0x102: {  	[sflag:s17] =	ssyncadd.s32 $0xFFFFC000  }
0x103: {  	[hbm4b:s11+s4] =	stream.linear.scatter [tilespmem:s18], [sflag:$0x3], $0x4000, $0x38;
	[tilespmem:$0x1EA00] =	vst v63  }
0x104: {  	_ =	swait.ge [sflag:s17], $0x4000  }
0x105: {  	[sflag:s17] =	ssyncset.done $0x0  }
0x106: {  	[sflag:s17] =	ssyncadd.s32 $0xFFFFC000  }
0x107: {  	[tilespmem:s18], [sflag:$0x3] =	stream.linear.gather [spmem:s7], $0x4000, $0x38;
	[tilespmem:$0x1EA00] =	vst v63  }
0x108: {  	_ =	swait.ge [sflag:s17], $0x4000  }
0x109: {  	[sflag:s17] =	ssyncset.done $0x0  }
0x10a: {  	[sflag:s17] =	ssyncadd.s32 $0xFFFFC000  }
0x10b: {  	[hbm4b:s12+s4] =	stream.linear.scatter [tilespmem:s18], [sflag:$0x3], $0x4000, $0x38;
	[tilespmem:$0x1EA00] =	vst v63  }
0x10c: {  	_ =	swait.ge [sflag:s17], $0x4000  }
0x10d: {  	[sflag:s17] =	ssyncset.done $0x0  }
0x10e: {  	[sflag:s17] =	ssyncadd.s32 $0xFFFFC000  }
0x10f: {  	[tilespmem:s18], [sflag:$0x3] =	stream.linear.gather [spmem:s8], $0x4000, $0x38;
	[tilespmem:$0x1EA00] =	vst v63  }
0x110: {  	_ =	swait.ge [sflag:s17], $0x4000  }
0x111: {  	[sflag:s17] =	ssyncset.done $0x0  }
0x112: {  	[sflag:s17] =	ssyncadd.s32 $0xFFFFC000  }
0x113: {  	[hbm4b:s13+s4] =	stream.linear.scatter [tilespmem:s18], [sflag:$0x3], $0x4000, $0x38;
	[tilespmem:$0x1EA00] =	vst v63  }
0x114: {  	_ =	swait.ge [sflag:s17], $0x4000  }
0x115: {  	[sflag:s17] =	ssyncset.done $0x0  }
0x116: {  	[sflag:s17] =	ssyncadd.s32 $0xFFFFC000  }
0x117: {  	[tilespmem:s18], [sflag:$0x3] =	stream.linear.gather [spmem:s9], $0x4000, $0x38;
	[tilespmem:$0x1EA00] =	vst v63  }
0x118: {  	_ =	swait.ge [sflag:s17], $0x4000  }
0x119: {  	[sflag:s17] =	ssyncset.done $0x0  }
0x11a: {  	[sflag:s17] =	ssyncadd.s32 $0xFFFFC000  }
0x11b: {  	[hbm4b:s14+s4] =	stream.linear.scatter [tilespmem:s18], [sflag:$0x3], $0x4000, $0x38;
	[tilespmem:$0x1EA00] =	vst v63  }
0x11c: {  	_ =	swait.ge [sflag:s17], $0x4000  }
0x11d: {  	[sflag:s17] =	ssyncset.done $0x0  }
0x11e: {  	[sflag:s17] =	ssyncadd.s32 $0xFFFFC000  }
0x11f: {  	[tilespmem:s18], [sflag:$0x3] =	stream.linear.gather [spmem:s10], $0x4000, $0x38;
	[tilespmem:$0x1EA00] =	vst v63  }
0x120: {  	s28 =	sadd.s32 $0x1, s28;
	_ =	swait.ge [sflag:s17], $0x4000  }
0x121: {  	p0 =	sne.s32 s28, s16;
	[sflag:s17] =	ssyncset.done $0x0  }
.Ltmp2:
0x122: {  	[sflag:s17] =	ssyncadd.s32 $0xFFFFC000;
	(pc) =	sbr.rel @p0 .LBB2_1-.Ltmp2, $4  }
0x123: {  	[hbm4b:s15+s4] =	stream.linear.scatter [tilespmem:s18], [sflag:$0x3], $0x4000, $0x38;
	[tilespmem:$0x1EA00] =	vst v63  }
0x124: {  	_ =	swait.ge [sflag:s17], $0x4000  }
0x125: {  	[sflag:s17] =	ssyncset.done $0x0  }
0x126: {  	[sflag:s17] =	ssyncadd.s32 $0xFFFFC000  }
0x127: {  	_ =	sfence.sel $0x180000  }
0x128: {  	[bflag:$0x0] =	sbarrier.arrive $0xFFFF  }
0x129: {  	p0 =	sne.s32 s2, $0x0;
	_ =	strace $0x90000047  }
0x12a: {  	s0 =	sadd.s32 @!p0 $0x100000, s1;
	[bflag:$0x2] =	sbarrier.arrive $0xFFFF  }
0x12b: {  	[sflag:s0] =	ssyncadd.tile.s32 @!p0 $0x1;
	_ =	shalt  }
.Lfunc_end2:
_tile_overlayer_lowered:
.L_overlay_start_2:
0x12c: {  	(tag) =	ssettag $0x2  }
0x12d: {  	s0 =	rddreg [dreg:$0x0];
	s2 =	stileid.u32  }
0x12e: {  	s1 =	rddreg [dreg:$0x1];
	p0 =	sne.s32 s2, $0x0  }
0x12f: {  	s3 =	rddreg [dreg:$0x2];
	[bflag:$0x3] =	sbarrier.arrive $0xFFFF;
	s2 =	simm.s32 @!p0 $0x1C03  }
0x130: {  	[timem:s3], [sflag:s2] =	dma.local @!p0 [hbm:s0], s1  }
0x131: {  	s0 =	simm.s32 @!p0 $0x3  }
0x132: {  	_ =	swait.ge @!p0 [sflag:s0], s1  }
0x133: {  	s1 =	ssub.s32 @!p0 $0x0, s1;
	[sflag:s0] =	ssyncset.done @!p0 $0x0  }
0x134: {  	[sflag:s0] =	ssyncadd.s32 @!p0 s1  }
0x135: {  	[bflag:$0x3] =	sbarrier.arrive $0xFFFF  }
0x136: {  	_ =	shalt  }

// kernel: kernel.17.cloned.1.call-start
scs
__scs_entry_jumppad:
0x0: {  	(pc) =	sbr.rel $0x88, $3  }
0x1: {  	(tag) =	ssettag $0x0;
	lr =	simm.s32 $0x1  }
0x2: {  	[smem:$0x3F84] =	sst lr;
	_ =	strace $0xD0000000  }
0x3: {  	_ = 	snop  }
0x4: {  	_ = 	snop  }
0x5: {  	_ = 	snop  }
0x6: {  	_ = 	snop  }
0x7: {  	_ = 	snop  }
__scs_overlays_trampoline_lowered:
0x8: {  	[smem:$0x3F93] =	sst s0  }
0x9: {  	[smem:$0x3F94] =	sst s1  }
0xa: {  	[smem:$0x3F95] =	sst s2  }
0xb: {  	[smem:$0x3F96] =	sst s3  }
0xc: {  	[smem:$0x3F97] =	sst s4  }
0xd: {  	[smem:$0x3F98] =	sst s5  }
0xe: {  	[smem:$0x3F99] =	sst s6  }
0xf: {  	[smem:$0x3F9A] =	sst s7  }
0x10: {  	[smem:$0x3F9B] =	sst s8  }
0x11: {  	[smem:$0x3F9C] =	sst s9;
	s0 =	simm.s32 @!p0 $0x0  }
0x12: {  	s1 =	sld [smem:$0x3F82];
	s0 =	simm.s32 @p0 $0x1  }
0x13: {  	[smem:$0x3F9D] =	sst s0;
	s0 =	simm.s32 @!p1 $0x0  }
0x14: {  	s2 =	sld [smem:$0x3F81];
	s0 =	simm.s32 @p1 $0x1  }
0x15: {  	[smem:$0x3F9E] =	sst s0;
	s0 =	simm.s32 @!p2 $0x0  }
0x16: {  	s3 =	sld [smem:$0x3FDB];
	s0 =	simm.s32 @p2 $0x1  }
0x17: {  	s4 =	simm.s32 $0x1BF5;
	[smem:$0x3FA0] =	sst s0  }
0x18: {  	s0 =	sld [smem:$0x3F83];
	_ =	swait.ge [sflag:s4], $0x0  }
0x19: {  	s7 =	sld [smem:$0x3F84]  }
0x1a: {  	s8 =	sadd.s32 $0xFFFFE003, lr  }
0x1b: {  	s9 =	sadd.s32 $0xFFFFFEF7, lr;
	s5 =	simm.s32 $0xFFFFFFFF;
	p2 =	slt.u32 s8, $0xFFFFF086  }
0x1c: {  	p1 =	slt.u32 s9, $0xF7A;
	s5 =	simm.s32 @!p2 $0x0  }
0x1d: {  	s5 =	simm.s32 @p1 $0x1;
	p0 =	seq.s32 s7, s2  }
0x1e: {  	s7 =	smul.u32 @!p0 $0xF7A, s2;
	p2 =	seq.s32 @!p0 s5, $0x0  }
0x1f: {  	s9 =	smul.u32 $0xF7A, s1;
	s8 =	simm.s32 @!p0 $0x1BF5;
	p2 =	por !p2, p0  }
0x20: {  	[sflag:s8] =	ssyncset.s32 @!p0 $0xFFFFF086;
	s6 =	sadd.s32 @!p0 s3, s7;
	s7 =	simm.s32 @!p0 $0x108  }
0x21: {  	s3 =	sadd.s32 s3, s9;
	s6 =	sadd.s32 @!p0 $0x88, s6;
	s7 =	simm.s32 @p2 $0x1082  }
0x22: {  	[simem:s7], [sflag:s8] =	dma.local @!p0 [hbm:s6], $0xF7A  }
0x23: {  	s9 =	sor.u32 $0xD0000000, s2;
	s6 =	simm.s32 $0x108;
	_ =	swait.ge @!p0 [sflag:s8], $0x0  }
0x24: {  	s3 =	sadd.s32 $0x88, s3;
	s6 =	simm.s32 @!p1 $0x1082;
	[sflag:s4] =	ssyncset.s32 $0xFFFFF086  }
0x25: {  	[simem:s6], [sflag:s4] =	dma.local [hbm:s3], $0xF7A  }
0x26: {  	[smem:$0x3F84] =	sst s1;
	(tag) =	ssettag s2;
	_ =	strace s9  }
0x27: {  	s1 =	sld [smem:$0x3F94]  }
0x28: {  	s2 =	sld [smem:$0x3F95]  }
0x29: {  	s4 =	sld [smem:$0x3F97]  }
0x2a: {  	p0 =	seq.s32 s5, $0x0;
	s5 =	sld [smem:$0x3F98]  }
0x2b: {  	s6 =	sld [smem:$0x3F99]  }
0x2c: {  	s7 =	sld [smem:$0x3F9A]  }
0x2d: {  	s3 =	simm.s32 $0x108;
	s8 =	sld [smem:$0x3F9B]  }
0x2e: {  	s3 =	simm.s32 @!p0 $0x1082;
	s9 =	sld [smem:$0x3F9C]  }
0x2f: {  	lr =	sadd.s32 s0, s3;
	s0 =	sld [smem:$0x3F93]  }
0x30: {  	s3 =	sld [smem:$0x3F96]  }
0x31: {  	[smem:$0x3F9F] =	sst s10  }
0x32: {  	s10 =	sld [smem:$0x3F9D];
	_ =	sdelay $0x3  }
0x33: {  	p0 =	seq.s32 s10, $0x1;
	s10 =	sld [smem:$0x3F9F];
	_ =	sdelay $0x3  }
0x34: {  	[smem:$0x3F9F] =	sst s10  }
0x35: {  	s10 =	sld [smem:$0x3F9E];
	_ =	sdelay $0x3  }
0x36: {  	p1 =	seq.s32 s10, $0x1;
	s10 =	sld [smem:$0x3F9F];
	_ =	sdelay $0x3  }
0x37: {  	[smem:$0x3F9F] =	sst s10  }
0x38: {  	s10 =	sld [smem:$0x3FA0]  }
0x39: {  	_ = 	snop;
	(pc) =	sbr.ind lr, $3  }
0x3a: {  	_ = 	snop  }
0x3b: {  	_ = 	snop  }
0x3c: {  	p2 =	seq.s32 s10, $0x1;
	s10 =	sld [smem:$0x3F9F]  }
0x3d: {  	_ =	shalt  }
0x3e: {  	_ =	shalt  }
0x3f: {  	_ =	shalt  }
0x40: {  	_ =	shalt  }
0x41: {  	_ =	shalt  }
0x42: {  	_ =	shalt  }
0x43: {  	_ =	shalt  }
0x44: {  	_ =	shalt  }
0x45: {  	_ =	shalt  }
0x46: {  	_ =	shalt  }
0x47: {  	_ =	shalt  }
0x48: {  	_ =	shalt  }
0x49: {  	_ =	shalt  }
0x4a: {  	_ =	shalt  }
0x4b: {  	_ =	shalt  }
0x4c: {  	_ =	shalt  }
0x4d: {  	_ =	shalt  }
0x4e: {  	_ =	shalt  }
0x4f: {  	_ =	shalt  }
0x50: {  	_ =	shalt  }
0x51: {  	_ =	shalt  }
0x52: {  	_ =	shalt  }
0x53: {  	_ =	shalt  }
0x54: {  	_ =	shalt  }
0x55: {  	_ =	shalt  }
0x56: {  	_ =	shalt  }
0x57: {  	_ =	shalt  }
0x58: {  	_ =	shalt  }
0x59: {  	_ =	shalt  }
0x5a: {  	_ =	shalt  }
0x5b: {  	_ =	shalt  }
0x5c: {  	_ =	shalt  }
0x5d: {  	_ =	shalt  }
0x5e: {  	_ =	shalt  }
0x5f: {  	_ =	shalt  }
0x60: {  	_ =	shalt  }
0x61: {  	_ =	shalt  }
0x62: {  	_ =	shalt  }
0x63: {  	_ =	shalt  }
0x64: {  	_ =	shalt  }
0x65: {  	_ =	shalt  }
0x66: {  	_ =	shalt  }
0x67: {  	_ =	shalt  }
0x68: {  	_ =	shalt  }
0x69: {  	_ =	shalt  }
0x6a: {  	_ =	shalt  }
0x6b: {  	_ =	shalt  }
0x6c: {  	_ =	shalt  }
0x6d: {  	_ =	shalt  }
0x6e: {  	_ =	shalt  }
0x6f: {  	_ =	shalt  }
0x70: {  	_ =	shalt  }
0x71: {  	_ =	shalt  }
0x72: {  	_ =	shalt  }
0x73: {  	_ =	shalt  }
0x74: {  	_ =	shalt  }
0x75: {  	_ =	shalt  }
0x76: {  	_ =	shalt  }
0x77: {  	_ =	shalt  }
0x78: {  	_ =	shalt  }
0x79: {  	_ =	shalt  }
0x7a: {  	_ =	shalt  }
0x7b: {  	_ =	shalt  }
0x7c: {  	_ =	shalt  }
0x7d: {  	_ =	shalt  }
0x7e: {  	_ =	shalt  }
0x7f: {  	_ =	shalt  }
0x80: {  	_ =	shalt  }
0x81: {  	_ =	shalt  }
0x82: {  	_ =	shalt  }
0x83: {  	_ =	shalt  }
0x84: {  	_ =	shalt  }
0x85: {  	_ =	shalt  }
0x86: {  	_ =	shalt  }
0x87: {  	_ =	shalt  }
.Lfunc_end0:
.L_simem_size_0:
called_computation.1_lowered:
.L_overlay_start_0:
0x88: {  	s2 =	sld [smem:$0x3FD9]  }
0x89: {  	s3 =	sld [smem:$0x3FFE];
	_ =	sdelay $0x1  }
0x8a: {  	s1 =	srdreg.scid  }
0x8b: {  	s0 =	sand.u32 $0x1, s1  }
0x8c: {  	s17 =	sshll.u32 s0, $0xA;
	s2 =	sadd.s32 s3, s2  }
0x8d: {  	s2 =	sadd.s32 s2, s17  }
0x8e: {  	[smem:$0x3FAB] =	sst s2  }
0x8f: {  	_ = 	snop  }
0x90: {  	(tm) =	ssettm $0x1  }
0x91: {  	s18 =	sld [smem:$0x3FFB];
	_ =	sdelay $0x3  }
0x92: {  	_ =	strace s18  }
0x93: {  	s2 =	sld [smem:$0x3FFC];
	_ =	sdelay $0x3  }
0x94: {  	_ =	strace s2  }
0x95: {  	s2 =	sld [smem:$0x3FFD];
	_ =	sdelay $0x3  }
0x96: {  	_ =	strace s2  }
0x97: {  	_ =	strace $0x8FFFFFFF  }
0x98: {  	s19 =	sld [smem:$0x3FDB];
	_ =	sdelay $0x1  }
0x99: {  	s20 =	simm.s32 $_scs_section_size  }
0x9a: {  	s4 =	simm.s32 $_size__tile_overlayer_lowered;
	s5 =	simm.s32 $_tile_overlayer_lowered  }
0x9b: {  	s6 =	simm.s32 $0x1BFF;
	s21 =	sshll.u32 s5, $0x1;
	s3 =	sadd.s32 s20, s19  }
0x9c: {  	s22 =	simm.s32 $0x0;
	s4 =	sshll.u32 s4, $0x1;
	s5 =	sadd.s32 s21, s3  }
0x9d: {  	[timem:s22], [sflag:s6] =	dma.local [hbm:s5], s4  }
0x9e: {  	_ =	swait.ge [sflag:s6], s4  }
0x9f: {  	s4 =	ssub.s32 $0x0, s4;
	[sflag:s6] =	ssyncset.done $0x0  }
0xa0: {  	[sflag:s6] =	ssyncadd.s32 s4;
	_ =	sdelay $0x1  }
0xa1: {  	s23 =	simm.s32 $0x1B8B  }
0xa2: {  	_ =	swait.ge [sflag:s23], $0x1  }
0xa3: {  	[sflag:s23] =	ssyncset.done $0x0  }
0xa4: {  	[sflag:s23] =	ssyncadd.s32 $0xFFFFFFFF  }
0xa5: {  	s4 =	sld [smem:$0x0]  }
0xa6: {  	s5 =	sand.u32 $0xFFFFFFFE, s1  }
0xa7: {  	p0 =	sne.s32 s1, s5  }
0xa8: {  	s5 =	sshll.u32 @p0 s5, $0xE  }
0xa9: {  	s5 =	sadd.s32 @p0 $0x11B8D, s5;
	s6 =	sshll.u32 @p0 s4, $0x11  }
0xaa: {  	s5 =	sor.u32 @p0 s6, s5  }
0xab: {  	[sflag:s5] =	ssyncadd.remote.s32 @p0 $0x1;
	_ =	sdelay $0x1  }
0xac: {  	s5 =	simm.s32 @p0 $0x1B8D  }
0xad: {  	_ =	swait.eq @p0 [sflag:s5], $0x1  }
0xae: {  	[sflag:s5] =	ssyncadd.s32 @p0 $0xFFFFFFFF  }
0xaf: {  	s6 =	sshll.u32 @!p0 s1, $0xE  }
0xb0: {  	s6 =	sor.u32 @!p0 $0x4000, s6;
	s5 =	simm.s32 @!p0 $0x1B8D  }
0xb1: {  	s4 =	sshll.u32 @!p0 s4, $0x11;
	s6 =	sadd.s32 @!p0 $0x11B8D, s6;
	_ =	swait.eq @!p0 [sflag:s5], $0x1  }
0xb2: {  	s4 =	sor.u32 @!p0 s4, s6;
	[sflag:s5] =	ssyncadd.s32 @!p0 $0xFFFFFFFF  }
0xb3: {  	s25 =	simm.s32 $0x1B8E;
	s24 =	sld [smem:$0x3FFE];
	[sflag:s4] =	ssyncadd.remote.s32 @!p0 $0x1  }
0xb4: {  	s26 =	simm.s32 $execute0_lowered;
	[smem:$0x3FD2] =	sst s25  }
0xb5: {  	s5 =	sshll.u32 s26, $0x1;
	_ =	strace $0x8000004C;
	[dreg:$0x1] =	wrdreg $0xFFFFFFFF  }
0xb6: {  	s28 =	simm.s32 $_size_execute0_lowered;
	s3 =	sadd.s32 s3, s5;
	[dreg:$0x0] =	wrdreg $0x0  }
0xb7: {  	s5 =	sshll.u32 s28, $0x1;
	[dreg:$0x2] =	wrdreg s3  }
0xb8: {  	[dreg:$0x3] =	wrdreg s5  }
0xb9: {  	[dreg:$0x4] =	wrdreg $0xC0  }
0xba: {  	_ =	task [dreg:s22], $0x5FFFF  }
0xbb: {  	[dreg:$0x1] =	wrdreg $0xFFFFFFFF  }
0xbc: {  	[dreg:$0x0] =	wrdreg $0x60  }
0xbd: {  	[dreg:$0x2] =	wrdreg s24  }
0xbe: {  	[dreg:$0x3] =	wrdreg $0xAA000  }
0xbf: {  	[dreg:$0x4] =	wrdreg $0x9  }
0xc0: {  	_ =	task.clear_ibuf [dreg:s22], $0x5FFFF;
	_ =	strace $0x9000004C  }
0xc1: {  	s29 =	simm.s32 $0x9;
	_ =	strace $0x8000004E  }
0xc2: {  	_ =	swait.ge [sflag:s29], $0x1  }
0xc3: {  	[sflag:s29] =	ssyncadd.s32 $0xFFFFFFFF  }
0xc4: {  	_ =	strace $0x9000004E  }
0xc5: {  	_ =	sfence  }
0xc6: {  	s30 =	sld [smem:$0x0];
	_ =	sdelay $0x2  }
0xc7: {  	s31 =	sshll.u32 s1, $0xD;
	s1 =	sshrl.u32 s1, $0x2  }
0xc8: {  	s4 =	sand.u32 $0x4000, s31;
	s1 =	sadd.s32 s1, s30  }
0xc9: {  	s0 =	sor.u32 s4, s0;
	s1 =	sshll.u32 s1, $0x11  }
0xca: {  	s0 =	sor.u32 s1, s0  }
0xcb: {  	s0 =	sadd.s32 $0x8F2B, s0  }
0xcc: {  	[sflag:s0] =	ssyncadd.remote.s32 $0x1  }
0xcd: {  	_ =	sfence.sel $0xFFFF  }
0xce: {  	[dreg:$0x0] =	wrdreg $0xFFFFFFFF;
	(pc) =	sbr.abs _section_cstart, $3  }
0xcf: {  	[dreg:$0x1] =	wrdreg $0xFFFFFFFF  }
0xd0: {  	_ =	task.clear_ibuf [dreg:s22], $0x2FFFF;
	_ =	strace $0x9FFFFFFF  }
0xd1: {  	(tm) =	ssettm $0x7FFFFFFF  }
tec
execute0_lowered:
.L_overlay_start_1:
0x0: {  	(tag) =	ssettag $0x1  }
0x1: {  	s5 =	rddreg [dreg:$0x0]  }
0x2: {  	s1 =	rddreg [dreg:$0x1];
	s2 =	srdreg.scid  }
0x3: {  	s0 =	rddreg [dreg:$0x2];
	s3 =	simm.s32 $0x0;
	s20 =	simm.s32 $0x2800  }
0x4: {  	s21 =	simm.s32 $0x2880;
	s22 =	simm.s32 $0x6A00;
	s23 =	simm.s32 $0x1  }
0x5: {  	s24 =	simm.s32 $0x2900;
	s7 =	sand.u32 $0x1, s2;
	s2 =	stileid.u32  }
0x6: {  	s28 =	simm.s32 $0x0;
	[smem:$0x7FF] =	sst s3;
	s9 =	smul.u32 $0x50000, s2  }
0x7: {  	s15 =	sadd.s32 $0xBB000, s5;
	s4 =	sshll.u32 s7, $0x4;
	s11 =	smul.u32 $0x280, s2  }
0x8: {  	s8 =	ssub.s32 $0x2, s7;
	s17 =	smul.u32 $0x2800, s7;
	s4 =	sor.u32 s2, s4  }
0x9: {  	_ =	strace $0x8000004D;
	s10 =	sshrl.u32 s8, $0x1;
	s6 =	smul.u32 $0x500, s4  }
0xa: {  	s4 =	sadd.s32 $0x11000, s5;
	s16 =	ssub.s32 s8, s10;
	s25 =	sshrl.u32 s9, $0x2  }
0xb: {  	s26 =	sadd.s32 $0x80, s11;
	s13 =	sadd.s32 $0x100, s11;
	s14 =	sadd.s32 $0x180, s11  }
0xc: {  	s18 =	sadd.s32 $0x200, s11;
	s11 =	sadd.s32 s11, s17;
	s29 =	sshll.u32 s26, $0x7  }
0xd: {  	s30 =	sshll.u32 s13, $0x7;
	s12 =	sshll.u32 s14, $0x7;
	s10 =	sadd.s32 s17, s26  }
0xe: {  	s31 =	sshll.u32 s18, $0x7;
	s11 =	sshll.u32 s11, $0x4;
	s13 =	sadd.s32 s17, s13  }
0xf: {  	s14 =	sadd.s32 s17, s14;
	s17 =	sadd.s32 s17, s18;
	s16 =	smax.u32 s16, $0x1  }
0x10: {  	s18 =	simm.s32 $0x2A00;
	s26 =	simm.s32 $0x2980;
	s6 =	sadd.s32 s6, s5  }
0x11: {  	s7 =	sadd.s32 s29, s1;
	s8 =	sadd.s32 s30, s1;
	s9 =	sadd.s32 s12, s1  }
0x12: {  	s19 =	sshll.u32 s10, $0x4;
	s10 =	sadd.s32 s31, s1;
	s11 =	sadd.s32 s15, s11  }
0x13: {  	s13 =	sshll.u32 s13, $0x4;
	s14 =	sshll.u32 s14, $0x4;
	s17 =	sshll.u32 s17, $0x4  }
0x14: {  	s5 =	sadd.s32 $0x7000, s6;
	s6 =	sadd.s32 s25, s1;
	s12 =	sadd.s32 s15, s19  }
0x15: {  	s13 =	sadd.s32 s15, s13;
	s14 =	sadd.s32 s15, s14;
	s15 =	sadd.s32 s15, s17  }
0x16: {  	v0 =	vimm.f32 $0.0e+00;
	s17 =	simm.s32 $0x3;
	s19 =	simm.s32 $0x80;
	s25 =	simm.s32 $0x2  }
.LBB2_1:
0x17: {  	[tilespmem:s3], [sflag:$0x3] =	stream.linear.gather [hbm4b:s5+s3], $0x2780, $0x38;
	[tilespmem:$0x1EA00] =	vst v63  }
0x18: {  	_ =	swait.ge [sflag:s17], $0x2780  }
0x19: {  	[sflag:s17] =	ssyncset.done $0x0  }
0x1a: {  	s29 =	simm.s32 $0x0;
	s30 =	simm.s32 $0x200;
	[sflag:s17] =	ssyncadd.s32 $0xFFFFD880  }
.LBB2_2:
0x1b: {  	p0 =	sne.s32 s30, $0xFE00;
	[tilespmem:s29+$0x2A70] =	vst v0  }
0x1c: {  	[tilespmem:s29+$0x2A00] =	vst v0  }
0x1d: {  	[tilespmem:s29+$0x2A10] =	vst v0  }
.Ltmp0:
0x1e: {  	[tilespmem:s29+$0x2A20] =	vst v0;
	(pc) =	sbr.rel @p0 .LBB2_2-.Ltmp0, $4  }
0x1f: {  	[tilespmem:s29+$0x2A30] =	vst v0  }
0x20: {  	[tilespmem:s29+$0x2A40] =	vst v0  }
0x21: {  	[tilespmem:s29+$0x2A50] =	vst v0  }
0x22: {  	[tilespmem:s29+$0x2A60] =	vst v0;
	s29 =	sshra.s32 s30, $0x2;
	s30 =	sadd.s32 $0x200, s30  }
0x23: {  	[tilespmem:s29+$0x2A70] =	vst v0  }
0x24: {  	[tilespmem:s29+$0x2A00] =	vst v0  }
0x25: {  	[tilespmem:s29+$0x2A10] =	vst v0  }
0x26: {  	[tilespmem:s29+$0x2A20] =	vst v0  }
0x27: {  	[tilespmem:s29+$0x2A30] =	vst v0  }
0x28: {  	[tilespmem:s29+$0x2A40] =	vst v0  }
0x29: {  	[tilespmem:s29+$0x2A50] =	vst v0  }
0x2a: {  	[tilespmem:s29+$0x2A60] =	vst v0  }
0x2b: {  	[spmem:s6] =	stream.linear.scatter [tilespmem:s18], [sflag:$0x3], $0x4000, $0x38;
	[tilespmem:$0x1EA00] =	vst v63  }
0x2c: {  	_ =	swait.ge [sflag:s17], $0x4000  }
0x2d: {  	[sflag:s17] =	ssyncset.done $0x0  }
0x2e: {  	[sflag:s17] =	ssyncadd.s32 $0xFFFFC000  }
0x2f: {  	[spmem:s7] =	stream.linear.scatter [tilespmem:s18], [sflag:$0x3], $0x4000, $0x38;
	[tilespmem:$0x1EA00] =	vst v63  }
0x30: {  	_ =	swait.ge [sflag:s17], $0x4000  }
0x31: {  	[sflag:s17] =	ssyncset.done $0x0  }
0x32: {  	[sflag:s17] =	ssyncadd.s32 $0xFFFFC000  }
0x33: {  	[spmem:s8] =	stream.linear.scatter [tilespmem:s18], [sflag:$0x3], $0x4000, $0x38;
	[tilespmem:$0x1EA00] =	vst v63  }
0x34: {  	_ =	swait.ge [sflag:s17], $0x4000  }
0x35: {  	[sflag:s17] =	ssyncset.done $0x0  }
0x36: {  	[sflag:s17] =	ssyncadd.s32 $0xFFFFC000  }
0x37: {  	[spmem:s9] =	stream.linear.scatter [tilespmem:s18], [sflag:$0x3], $0x4000, $0x38;
	[tilespmem:$0x1EA00] =	vst v63  }
0x38: {  	_ =	swait.ge [sflag:s17], $0x4000  }
0x39: {  	[sflag:s17] =	ssyncset.done $0x0  }
0x3a: {  	[sflag:s17] =	ssyncadd.s32 $0xFFFFC000  }
0x3b: {  	[spmem:s10] =	stream.linear.scatter [tilespmem:s18], [sflag:$0x3], $0x4000, $0x38;
	[tilespmem:$0x1EA00] =	vst v63  }
0x3c: {  	_ =	swait.ge [sflag:s17], $0x4000  }
0x3d: {  	[sflag:s17] =	ssyncset.done $0x0  }
0x3e: {  	[sflag:s17] =	ssyncadd.s32 $0xFFFFC000  }
0x3f: {  	[bflag:$0x0] =	sbarrier.arrive $0xFFFF  }
0x40: {  	v1 =	vld [tilespmem:$0x0];
	_ =	sdelay $0x1  }
0x41: {  	v2 =	vld [tilespmem:$0x10];
	_ =	sdelay $0x1  }
0x42: {  	v3 =	vld [tilespmem:$0x20]  }
0x43: {  	v4 =	vand.u32 $0x7FFF, v1  }
0x44: {  	v62 =	vld [tilespmem:$0x30];
	v1 =	vshrl.u32 v1, $0xF;
	[tilespmem:$0x2800] =	vst v4  }
0x45: {  	[tilespmem:$0x2900] =	vst v1;
	v1 =	vand.u32 $0x7FFF, v2  }
0x46: {  	[tilespmem:$0x2810] =	vst v1;
	v1 =	vshrl.u32 v2, $0xF;
	v2 =	vld [tilespmem:$0x40]  }
0x47: {  	[tilespmem:$0x2910] =	vst v1;
	v1 =	vand.u32 $0x7FFF, v3  }
0x48: {  	[tilespmem:$0x2820] =	vst v1;
	v1 =	vshrl.u32 v3, $0xF;
	v3 =	vld [tilespmem:$0x50]  }
0x49: {  	[tilespmem:$0x2920] =	vst v1;
	v1 =	vand.u32 $0x7FFF, v62  }
0x4a: {  	v63 =	vld [tilespmem:$0x60];
	[tilespmem:$0x2830] =	vst v1;
	v1 =	vshrl.u32 v62, $0xF  }
0x4b: {  	[tilespmem:$0x2930] =	vst v1;
	v1 =	vand.u32 $0x7FFF, v2  }
0x4c: {  	[tilespmem:$0x2840] =	vst v1;
	v1 =	vshrl.u32 v2, $0xF;
	v2 =	vld [tilespmem:$0x70]  }
0x4d: {  	[tilespmem:$0x2940] =	vst v1;
	v1 =	vand.u32 $0x7FFF, v3  }
0x4e: {  	[tilespmem:$0x2850] =	vst v1;
	v1 =	vshrl.u32 v3, $0xF  }
0x4f: {  	[tilespmem:$0x2950] =	vst v1;
	v1 =	vand.u32 $0x7FFF, v63  }
0x50: {  	[tilespmem:$0x2860] =	vst v1;
	v1 =	vshrl.u32 v63, $0xF  }
0x51: {  	[tilespmem:$0x2960] =	vst v1;
	v1 =	vand.u32 $0x7FFF, v2  }
0x52: {  	[tilespmem:$0x2870] =	vst v1;
	v1 =	vshrl.u32 v2, $0xF  }
0x53: {  	s29 =	simm.s32 $0x0;
	[tilespmem:$0x2970] =	vst v1  }
0x54: {  	[tilespmem:s18], [sflag:$0x1] =	stream.indirect.gather [hbm4b:s4+s19], $0x80, s20, s19, $0xb8;
	[tilespmem:$0x1EA00] =	vst v63  }
0x55: {  	v1 =	vld [tilespmem:s29+$0x80];
	_ =	sdelay $0x4  }
0x56: {  	v2 =	vand.u32 $0x7FFF, v1  }
0x57: {  	v1 =	vshrl.u32 v1, $0xF;
	[tilespmem:$0x2880] =	vst v2  }
0x58: {  	[tilespmem:$0x2980] =	vst v1  }
0x59: {  	v1 =	vld [tilespmem:s29+$0x90];
	_ =	sdelay $0x4  }
0x5a: {  	v2 =	vand.u32 $0x7FFF, v1  }
0x5b: {  	v1 =	vshrl.u32 v1, $0xF;
	[tilespmem:$0x2890] =	vst v2  }
0x5c: {  	[tilespmem:$0x2990] =	vst v1  }
0x5d: {  	v1 =	vld [tilespmem:s29+$0xA0];
	_ =	sdelay $0x4  }
0x5e: {  	v2 =	vand.u32 $0x7FFF, v1  }
0x5f: {  	v1 =	vshrl.u32 v1, $0xF;
	[tilespmem:$0x28A0] =	vst v2  }
0x60: {  	[tilespmem:$0x29A0] =	vst v1  }
0x61: {  	v1 =	vld [tilespmem:s29+$0xB0];
	_ =	sdelay $0x4  }
0x62: {  	v2 =	vand.u32 $0x7FFF, v1  }
0x63: {  	v1 =	vshrl.u32 v1, $0xF;
	[tilespmem:$0x28B0] =	vst v2  }
0x64: {  	[tilespmem:$0x29B0] =	vst v1  }
0x65: {  	v1 =	vld [tilespmem:s29+$0xC0];
	_ =	sdelay $0x4  }
0x66: {  	v2 =	vand.u32 $0x7FFF, v1  }
0x67: {  	v1 =	vshrl.u32 v1, $0xF;
	[tilespmem:$0x28C0] =	vst v2  }
0x68: {  	[tilespmem:$0x29C0] =	vst v1  }
0x69: {  	v1 =	vld [tilespmem:s29+$0xD0];
	_ =	sdelay $0x4  }
0x6a: {  	v2 =	vand.u32 $0x7FFF, v1  }
0x6b: {  	v1 =	vshrl.u32 v1, $0xF;
	[tilespmem:$0x28D0] =	vst v2  }
0x6c: {  	[tilespmem:$0x29D0] =	vst v1  }
0x6d: {  	v1 =	vld [tilespmem:s29+$0xE0];
	_ =	sdelay $0x4  }
0x6e: {  	v2 =	vand.u32 $0x7FFF, v1  }
0x6f: {  	v1 =	vshrl.u32 v1, $0xF;
	[tilespmem:$0x28E0] =	vst v2  }
0x70: {  	[tilespmem:$0x29E0] =	vst v1  }
0x71: {  	v1 =	vld [tilespmem:s29+$0xF0];
	_ =	sdelay $0x4  }
0x72: {  	v2 =	vand.u32 $0x7FFF, v1  }
0x73: {  	v1 =	vshrl.u32 v1, $0xF;
	[tilespmem:$0x28F0] =	vst v2  }
0x74: {  	[tilespmem:$0x29F0] =	vst v1  }
0x75: {  	[tilespmem:s22], [sflag:$0x2] =	stream.indirect.gather [hbm4b:s4+s19], $0x80, s21, s19, $0xb8;
	[tilespmem:$0x1EA00] =	vst v63  }
0x76: {  	_ =	swait.ge [sflag:s23], $0x4000  }
0x77: {  	[sflag:s23] =	ssyncset.done $0x0  }
0x78: {  	[sflag:s23] =	ssyncadd.s32 $0xFFFFC000  }
0x79: {  	[spmem:s1] =	stream.indirect.scatter.add.f32 [tilespmem:s18], [sflag:$0x3], $0x80, s24, s19, $0xb8;
	[tilespmem:$0x1EA00] =	vst v63  }
0x7a: {  	_ =	swait.ge [sflag:s17], $0x4000  }
0x7b: {  	[sflag:s17] =	ssyncset.done $0x0  }
0x7c: {  	[sflag:s17] =	ssyncadd.s32 $0xFFFFC000  }
0x7d: {  	v1 =	vld [tilespmem:s29+$0x100];
	_ =	sdelay $0x4  }
0x7e: {  	v2 =	vand.u32 $0x7FFF, v1  }
0x7f: {  	v1 =	vshrl.u32 v1, $0xF;
	[tilespmem:$0x2800] =	vst v2  }
0x80: {  	[tilespmem:$0x2900] =	vst v1  }
0x81: {  	v1 =	vld [tilespmem:s29+$0x110];
	_ =	sdelay $0x4  }
0x82: {  	v2 =	vand.u32 $0x7FFF, v1  }
0x83: {  	v1 =	vshrl.u32 v1, $0xF;
	[tilespmem:$0x2810] =	vst v2  }
0x84: {  	[tilespmem:$0x2910] =	vst v1  }
0x85: {  	v1 =	vld [tilespmem:s29+$0x120];
	_ =	sdelay $0x4  }
0x86: {  	v2 =	vand.u32 $0x7FFF, v1  }
0x87: {  	v1 =	vshrl.u32 v1, $0xF;
	[tilespmem:$0x2820] =	vst v2  }
0x88: {  	[tilespmem:$0x2920] =	vst v1  }
0x89: {  	v1 =	vld [tilespmem:s29+$0x130];
	_ =	sdelay $0x4  }
0x8a: {  	v2 =	vand.u32 $0x7FFF, v1  }
0x8b: {  	v1 =	vshrl.u32 v1, $0xF;
	[tilespmem:$0x2830] =	vst v2  }
0x8c: {  	[tilespmem:$0x2930] =	vst v1  }
0x8d: {  	v1 =	vld [tilespmem:s29+$0x140];
	_ =	sdelay $0x4  }
0x8e: {  	v2 =	vand.u32 $0x7FFF, v1  }
0x8f: {  	v1 =	vshrl.u32 v1, $0xF;
	[tilespmem:$0x2840] =	vst v2  }
0x90: {  	[tilespmem:$0x2940] =	vst v1  }
0x91: {  	v1 =	vld [tilespmem:s29+$0x150];
	_ =	sdelay $0x4  }
0x92: {  	v2 =	vand.u32 $0x7FFF, v1  }
0x93: {  	v1 =	vshrl.u32 v1, $0xF;
	[tilespmem:$0x2850] =	vst v2  }
0x94: {  	[tilespmem:$0x2950] =	vst v1  }
0x95: {  	v1 =	vld [tilespmem:s29+$0x160];
	_ =	sdelay $0x4  }
0x96: {  	v2 =	vand.u32 $0x7FFF, v1  }
0x97: {  	s30 =	simm.s32 $0x400;
	v1 =	vshrl.u32 v1, $0xF;
	[tilespmem:$0x2860] =	vst v2  }
.LBB2_4:
0x98: {  	p0 =	sne.s32 s30, $0x9800;
	[tilespmem:$0x2960] =	vst v1;
	s31 =	smov.u32 s30;
	s30 =	sadd.s32 $0x400, s30  }
0x99: {  	v1 =	vld [tilespmem:s29+$0x170];
	_ =	sdelay $0x4  }
0x9a: {  	v2 =	vand.u32 $0x7FFF, v1;
	v1 =	vshrl.u32 v1, $0xF  }
0x9b: {  	[tilespmem:$0x2870] =	vst v2  }
0x9c: {  	[tilespmem:$0x2970] =	vst v1  }
0x9d: {  	[tilespmem:s18], [sflag:$0x1] =	stream.indirect.gather [hbm4b:s4+s19], $0x80, s20, s19, $0xb8;
	[tilespmem:$0x1EA00] =	vst v63  }
0x9e: {  	_ =	swait.ge [sflag:s25], $0x4000  }
0x9f: {  	[sflag:s25] =	ssyncset.done $0x0  }
0xa0: {  	[sflag:s25] =	ssyncadd.s32 $0xFFFFC000  }
0xa1: {  	[spmem:s1] =	stream.indirect.scatter.add.f32 [tilespmem:s22], [sflag:$0x3], $0x80, s26, s19, $0xb8;
	[tilespmem:$0x1EA00] =	vst v63  }
0xa2: {  	_ =	swait.ge [sflag:s17], $0x4000  }
0xa3: {  	[sflag:s17] =	ssyncset.done $0x0  }
0xa4: {  	s29 =	sshra.s32 s31, $0x2;
	[sflag:s17] =	ssyncadd.s32 $0xFFFFC000  }
0xa5: {  	v1 =	vld [tilespmem:s29+$0x80];
	_ =	sdelay $0x4  }
0xa6: {  	v2 =	vand.u32 $0x7FFF, v1;
	v1 =	vshrl.u32 v1, $0xF  }
0xa7: {  	[tilespmem:$0x2880] =	vst v2  }
0xa8: {  	[tilespmem:$0x2980] =	vst v1  }
0xa9: {  	v1 =	vld [tilespmem:s29+$0x90];
	_ =	sdelay $0x4  }
0xaa: {  	v2 =	vand.u32 $0x7FFF, v1;
	v1 =	vshrl.u32 v1, $0xF  }
0xab: {  	[tilespmem:$0x2890] =	vst v2  }
0xac: {  	[tilespmem:$0x2990] =	vst v1  }
0xad: {  	v1 =	vld [tilespmem:s29+$0xA0];
	_ =	sdelay $0x4  }
0xae: {  	v2 =	vand.u32 $0x7FFF, v1;
	v1 =	vshrl.u32 v1, $0xF  }
0xaf: {  	[tilespmem:$0x28A0] =	vst v2  }
0xb0: {  	[tilespmem:$0x29A0] =	vst v1  }
0xb1: {  	v1 =	vld [tilespmem:s29+$0xB0];
	_ =	sdelay $0x4  }
0xb2: {  	v2 =	vand.u32 $0x7FFF, v1;
	v1 =	vshrl.u32 v1, $0xF  }
0xb3: {  	[tilespmem:$0x28B0] =	vst v2  }
0xb4: {  	[tilespmem:$0x29B0] =	vst v1  }
0xb5: {  	v1 =	vld [tilespmem:s29+$0xC0];
	_ =	sdelay $0x4  }
0xb6: {  	v2 =	vand.u32 $0x7FFF, v1;
	v1 =	vshrl.u32 v1, $0xF  }
0xb7: {  	[tilespmem:$0x28C0] =	vst v2  }
0xb8: {  	[tilespmem:$0x29C0] =	vst v1  }
0xb9: {  	v1 =	vld [tilespmem:s29+$0xD0];
	_ =	sdelay $0x4  }
0xba: {  	v2 =	vand.u32 $0x7FFF, v1;
	v1 =	vshrl.u32 v1, $0xF  }
0xbb: {  	[tilespmem:$0x28D0] =	vst v2  }
0xbc: {  	[tilespmem:$0x29D0] =	vst v1  }
0xbd: {  	v1 =	vld [tilespmem:s29+$0xE0];
	_ =	sdelay $0x4  }
0xbe: {  	v2 =	vand.u32 $0x7FFF, v1;
	v1 =	vshrl.u32 v1, $0xF  }
0xbf: {  	[tilespmem:$0x28E0] =	vst v2  }
0xc0: {  	[tilespmem:$0x29E0] =	vst v1  }
0xc1: {  	v1 =	vld [tilespmem:s29+$0xF0];
	_ =	sdelay $0x4  }
0xc2: {  	v2 =	vand.u32 $0x7FFF, v1;
	v1 =	vshrl.u32 v1, $0xF  }
0xc3: {  	[tilespmem:$0x28F0] =	vst v2  }
0xc4: {  	[tilespmem:$0x29F0] =	vst v1  }
0xc5: {  	[tilespmem:s22], [sflag:$0x2] =	stream.indirect.gather [hbm4b:s4+s19], $0x80, s21, s19, $0xb8;
	[tilespmem:$0x1EA00] =	vst v63  }
0xc6: {  	_ =	swait.ge [sflag:s23], $0x4000  }
0xc7: {  	[sflag:s23] =	ssyncset.done $0x0  }
0xc8: {  	[sflag:s23] =	ssyncadd.s32 $0xFFFFC000  }
0xc9: {  	[spmem:s1] =	stream.indirect.scatter.add.f32 [tilespmem:s18], [sflag:$0x3], $0x80, s24, s19, $0xb8;
	[tilespmem:$0x1EA00] =	vst v63  }
0xca: {  	_ =	swait.ge [sflag:s17], $0x4000  }
0xcb: {  	[sflag:s17] =	ssyncset.done $0x0  }
0xcc: {  	[sflag:s17] =	ssyncadd.s32 $0xFFFFC000  }
0xcd: {  	v1 =	vld [tilespmem:s29+$0x100];
	_ =	sdelay $0x4  }
0xce: {  	v2 =	vand.u32 $0x7FFF, v1;
	v1 =	vshrl.u32 v1, $0xF  }
0xcf: {  	[tilespmem:$0x2800] =	vst v2  }
0xd0: {  	[tilespmem:$0x2900] =	vst v1  }
0xd1: {  	v1 =	vld [tilespmem:s29+$0x110];
	_ =	sdelay $0x4  }
0xd2: {  	v2 =	vand.u32 $0x7FFF, v1;
	v1 =	vshrl.u32 v1, $0xF  }
0xd3: {  	[tilespmem:$0x2810] =	vst v2  }
0xd4: {  	[tilespmem:$0x2910] =	vst v1  }
0xd5: {  	v1 =	vld [tilespmem:s29+$0x120];
	_ =	sdelay $0x4  }
0xd6: {  	v2 =	vand.u32 $0x7FFF, v1;
	v1 =	vshrl.u32 v1, $0xF  }
0xd7: {  	[tilespmem:$0x2820] =	vst v2  }
0xd8: {  	[tilespmem:$0x2920] =	vst v1  }
0xd9: {  	v1 =	vld [tilespmem:s29+$0x130];
	_ =	sdelay $0x4  }
0xda: {  	v2 =	vand.u32 $0x7FFF, v1;
	v1 =	vshrl.u32 v1, $0xF  }
0xdb: {  	[tilespmem:$0x2830] =	vst v2  }
0xdc: {  	[tilespmem:$0x2930] =	vst v1  }
0xdd: {  	v1 =	vld [tilespmem:s29+$0x140];
	_ =	sdelay $0x4  }
0xde: {  	v2 =	vand.u32 $0x7FFF, v1;
	v1 =	vshrl.u32 v1, $0xF  }
0xdf: {  	[tilespmem:$0x2840] =	vst v2  }
0xe0: {  	[tilespmem:$0x2940] =	vst v1  }
0xe1: {  	v1 =	vld [tilespmem:s29+$0x150];
	_ =	sdelay $0x4  }
0xe2: {  	v2 =	vand.u32 $0x7FFF, v1;
	v1 =	vshrl.u32 v1, $0xF  }
0xe3: {  	[tilespmem:$0x2850] =	vst v2  }
0xe4: {  	[tilespmem:$0x2950] =	vst v1  }
0xe5: {  	v1 =	vld [tilespmem:s29+$0x160];
	_ =	sdelay $0x1  }
.Ltmp1:
0xe6: {  	(pc) =	sbr.rel @p0 .LBB2_4-.Ltmp1, $3  }
0xe7: {  	_ =	sdelay $0x1  }
0xe8: {  	v2 =	vand.u32 $0x7FFF, v1;
	v1 =	vshrl.u32 v1, $0xF  }
0xe9: {  	[tilespmem:$0x2860] =	vst v2  }
0xea: {  	[tilespmem:$0x2960] =	vst v1  }
0xeb: {  	v1 =	vld [tilespmem:s29+$0x170];
	_ =	sdelay $0x4  }
0xec: {  	v2 =	vand.u32 $0x7FFF, v1  }
0xed: {  	v1 =	vshrl.u32 v1, $0xF;
	[tilespmem:$0x2870] =	vst v2  }
0xee: {  	[tilespmem:$0x2970] =	vst v1  }
0xef: {  	[tilespmem:s18], [sflag:$0x1] =	stream.indirect.gather [hbm4b:s4+s19], $0x80, s20, s19, $0xb8;
	[tilespmem:$0x1EA00] =	vst v63  }
0xf0: {  	_ =	swait.ge [sflag:s25], $0x4000  }
0xf1: {  	[sflag:s25] =	ssyncset.done $0x0  }
0xf2: {  	[sflag:s25] =	ssyncadd.s32 $0xFFFFC000  }
0xf3: {  	[spmem:s1] =	stream.indirect.scatter.add.f32 [tilespmem:s22], [sflag:$0x3], $0x80, s26, s19, $0xb8;
	[tilespmem:$0x1EA00] =	vst v63  }
0xf4: {  	_ =	swait.ge [sflag:s17], $0x4000  }
0xf5: {  	[sflag:s17] =	ssyncset.done $0x0  }
0xf6: {  	[sflag:s17] =	ssyncadd.s32 $0xFFFFC000  }
0xf7: {  	_ =	swait.ge [sflag:s23], $0x4000  }
0xf8: {  	[sflag:s23] =	ssyncset.done $0x0  }
0xf9: {  	[sflag:s23] =	ssyncadd.s32 $0xFFFFC000  }
0xfa: {  	[spmem:s1] =	stream.indirect.scatter.add.f32 [tilespmem:s18], [sflag:$0x3], $0x80, s24, s19, $0xb8;
	[tilespmem:$0x1EA00] =	vst v63  }
0xfb: {  	_ =	swait.ge [sflag:s17], $0x4000  }
0xfc: {  	[sflag:s17] =	ssyncset.done $0x0  }
0xfd: {  	[sflag:s17] =	ssyncadd.s32 $0xFFFFC000  }
0xfe: {  	[bflag:$0x0] =	sbarrier.arrive $0xFFFF  }
0xff: {  	[tilespmem:s18], [sflag:$0x3] =	stream.linear.gather [spmem:s6], $0x4000, $0x38;
	[tilespmem:$0x1EA00] =	vst v63  }
0x100: {  	_ =	swait.ge [sflag:s17], $0x4000  }
0x101: {  	[sflag:s17] =	ssyncset.done $0x0  }
0x102: {  	[sflag:s17] =	ssyncadd.s32 $0xFFFFC000  }
0x103: {  	[hbm4b:s11+s3] =	stream.linear.scatter [tilespmem:s18], [sflag:$0x3], $0x4000, $0x38;
	[tilespmem:$0x1EA00] =	vst v63  }
0x104: {  	_ =	swait.ge [sflag:s17], $0x4000  }
0x105: {  	[sflag:s17] =	ssyncset.done $0x0  }
0x106: {  	[sflag:s17] =	ssyncadd.s32 $0xFFFFC000  }
0x107: {  	[tilespmem:s18], [sflag:$0x3] =	stream.linear.gather [spmem:s7], $0x4000, $0x38;
	[tilespmem:$0x1EA00] =	vst v63  }
0x108: {  	_ =	swait.ge [sflag:s17], $0x4000  }
0x109: {  	[sflag:s17] =	ssyncset.done $0x0  }
0x10a: {  	[sflag:s17] =	ssyncadd.s32 $0xFFFFC000  }
0x10b: {  	[hbm4b:s12+s3] =	stream.linear.scatter [tilespmem:s18], [sflag:$0x3], $0x4000, $0x38;
	[tilespmem:$0x1EA00] =	vst v63  }
0x10c: {  	_ =	swait.ge [sflag:s17], $0x4000  }
0x10d: {  	[sflag:s17] =	ssyncset.done $0x0  }
0x10e: {  	[sflag:s17] =	ssyncadd.s32 $0xFFFFC000  }
0x10f: {  	[tilespmem:s18], [sflag:$0x3] =	stream.linear.gather [spmem:s8], $0x4000, $0x38;
	[tilespmem:$0x1EA00] =	vst v63  }
0x110: {  	_ =	swait.ge [sflag:s17], $0x4000  }
0x111: {  	[sflag:s17] =	ssyncset.done $0x0  }
0x112: {  	[sflag:s17] =	ssyncadd.s32 $0xFFFFC000  }
0x113: {  	[hbm4b:s13+s3] =	stream.linear.scatter [tilespmem:s18], [sflag:$0x3], $0x4000, $0x38;
	[tilespmem:$0x1EA00] =	vst v63  }
0x114: {  	_ =	swait.ge [sflag:s17], $0x4000  }
0x115: {  	[sflag:s17] =	ssyncset.done $0x0  }
0x116: {  	[sflag:s17] =	ssyncadd.s32 $0xFFFFC000  }
0x117: {  	[tilespmem:s18], [sflag:$0x3] =	stream.linear.gather [spmem:s9], $0x4000, $0x38;
	[tilespmem:$0x1EA00] =	vst v63  }
0x118: {  	_ =	swait.ge [sflag:s17], $0x4000  }
0x119: {  	[sflag:s17] =	ssyncset.done $0x0  }
0x11a: {  	[sflag:s17] =	ssyncadd.s32 $0xFFFFC000  }
0x11b: {  	[hbm4b:s14+s3] =	stream.linear.scatter [tilespmem:s18], [sflag:$0x3], $0x4000, $0x38;
	[tilespmem:$0x1EA00] =	vst v63  }
0x11c: {  	_ =	swait.ge [sflag:s17], $0x4000  }
0x11d: {  	[sflag:s17] =	ssyncset.done $0x0  }
0x11e: {  	[sflag:s17] =	ssyncadd.s32 $0xFFFFC000  }
0x11f: {  	[tilespmem:s18], [sflag:$0x3] =	stream.linear.gather [spmem:s10], $0x4000, $0x38;
	[tilespmem:$0x1EA00] =	vst v63  }
0x120: {  	s28 =	sadd.s32 $0x1, s28;
	_ =	swait.ge [sflag:s17], $0x4000  }
0x121: {  	p0 =	sne.s32 s28, s16;
	[sflag:s17] =	ssyncset.done $0x0  }
.Ltmp2:
0x122: {  	[sflag:s17] =	ssyncadd.s32 $0xFFFFC000;
	(pc) =	sbr.rel @p0 .LBB2_1-.Ltmp2, $4  }
0x123: {  	[hbm4b:s15+s3] =	stream.linear.scatter [tilespmem:s18], [sflag:$0x3], $0x4000, $0x38;
	[tilespmem:$0x1EA00] =	vst v63  }
0x124: {  	_ =	swait.ge [sflag:s17], $0x4000  }
0x125: {  	[sflag:s17] =	ssyncset.done $0x0  }
0x126: {  	[sflag:s17] =	ssyncadd.s32 $0xFFFFC000  }
0x127: {  	_ =	sfence.sel $0x180000  }
0x128: {  	[bflag:$0x0] =	sbarrier.arrive $0xFFFF  }
0x129: {  	p0 =	sne.s32 s2, $0x0;
	_ =	strace $0x9000004D  }
0x12a: {  	s0 =	sadd.s32 @!p0 $0x100000, s0;
	[bflag:$0x2] =	sbarrier.arrive $0xFFFF  }
0x12b: {  	[sflag:s0] =	ssyncadd.tile.s32 @!p0 $0x1;
	_ =	shalt  }
.Lfunc_end2:
_tile_overlayer_lowered:
.L_overlay_start_2:
0x12c: {  	(tag) =	ssettag $0x2  }
0x12d: {  	s0 =	rddreg [dreg:$0x0];
	s2 =	stileid.u32  }
0x12e: {  	s1 =	rddreg [dreg:$0x1];
	p0 =	sne.s32 s2, $0x0  }
0x12f: {  	s3 =	rddreg [dreg:$0x2];
	[bflag:$0x3] =	sbarrier.arrive $0xFFFF;
	s2 =	simm.s32 @!p0 $0x1C03  }
0x130: {  	[timem:s3], [sflag:s2] =	dma.local @!p0 [hbm:s0], s1  }
0x131: {  	s0 =	simm.s32 @!p0 $0x3  }
0x132: {  	_ =	swait.ge @!p0 [sflag:s0], s1  }
0x133: {  	s1 =	ssub.s32 @!p0 $0x0, s1;
	[sflag:s0] =	ssyncset.done @!p0 $0x0  }
0x134: {  	[sflag:s0] =	ssyncadd.s32 @!p0 s1  }
0x135: {  	[bflag:$0x3] =	sbarrier.arrive $0xFFFF  }
0x136: {  	_ =	shalt  }

// kernel: kernel.20.cloned.1.call-start
scs
__scs_entry_jumppad:
0x0: {  	(pc) =	sbr.rel $0x88, $3  }
0x1: {  	(tag) =	ssettag $0x0;
	lr =	simm.s32 $0x1  }
0x2: {  	[smem:$0x3F84] =	sst lr;
	_ =	strace $0xD0000000  }
0x3: {  	_ = 	snop  }
0x4: {  	_ = 	snop  }
0x5: {  	_ = 	snop  }
0x6: {  	_ = 	snop  }
0x7: {  	_ = 	snop  }
__scs_overlays_trampoline_lowered:
0x8: {  	[smem:$0x3F93] =	sst s0  }
0x9: {  	[smem:$0x3F94] =	sst s1  }
0xa: {  	[smem:$0x3F95] =	sst s2  }
0xb: {  	[smem:$0x3F96] =	sst s3  }
0xc: {  	[smem:$0x3F97] =	sst s4  }
0xd: {  	[smem:$0x3F98] =	sst s5  }
0xe: {  	[smem:$0x3F99] =	sst s6  }
0xf: {  	[smem:$0x3F9A] =	sst s7  }
0x10: {  	[smem:$0x3F9B] =	sst s8  }
0x11: {  	[smem:$0x3F9C] =	sst s9;
	s0 =	simm.s32 @!p0 $0x0  }
0x12: {  	s1 =	sld [smem:$0x3F82];
	s0 =	simm.s32 @p0 $0x1  }
0x13: {  	[smem:$0x3F9D] =	sst s0;
	s0 =	simm.s32 @!p1 $0x0  }
0x14: {  	s2 =	sld [smem:$0x3F81];
	s0 =	simm.s32 @p1 $0x1  }
0x15: {  	[smem:$0x3F9E] =	sst s0;
	s0 =	simm.s32 @!p2 $0x0  }
0x16: {  	s3 =	sld [smem:$0x3FDB];
	s0 =	simm.s32 @p2 $0x1  }
0x17: {  	s4 =	simm.s32 $0x1BF5;
	[smem:$0x3FA0] =	sst s0  }
0x18: {  	s0 =	sld [smem:$0x3F83];
	_ =	swait.ge [sflag:s4], $0x0  }
0x19: {  	s7 =	sld [smem:$0x3F84]  }
0x1a: {  	s8 =	sadd.s32 $0xFFFFE003, lr  }
0x1b: {  	s9 =	sadd.s32 $0xFFFFFEF7, lr;
	s5 =	simm.s32 $0xFFFFFFFF;
	p2 =	slt.u32 s8, $0xFFFFF086  }
0x1c: {  	p1 =	slt.u32 s9, $0xF7A;
	s5 =	simm.s32 @!p2 $0x0  }
0x1d: {  	s5 =	simm.s32 @p1 $0x1;
	p0 =	seq.s32 s7, s2  }
0x1e: {  	s7 =	smul.u32 @!p0 $0xF7A, s2;
	p2 =	seq.s32 @!p0 s5, $0x0  }
0x1f: {  	s9 =	smul.u32 $0xF7A, s1;
	s8 =	simm.s32 @!p0 $0x1BF5;
	p2 =	por !p2, p0  }
0x20: {  	[sflag:s8] =	ssyncset.s32 @!p0 $0xFFFFF086;
	s6 =	sadd.s32 @!p0 s3, s7;
	s7 =	simm.s32 @!p0 $0x108  }
0x21: {  	s3 =	sadd.s32 s3, s9;
	s6 =	sadd.s32 @!p0 $0x88, s6;
	s7 =	simm.s32 @p2 $0x1082  }
0x22: {  	[simem:s7], [sflag:s8] =	dma.local @!p0 [hbm:s6], $0xF7A  }
0x23: {  	s9 =	sor.u32 $0xD0000000, s2;
	s6 =	simm.s32 $0x108;
	_ =	swait.ge @!p0 [sflag:s8], $0x0  }
0x24: {  	s3 =	sadd.s32 $0x88, s3;
	s6 =	simm.s32 @!p1 $0x1082;
	[sflag:s4] =	ssyncset.s32 $0xFFFFF086  }
0x25: {  	[simem:s6], [sflag:s4] =	dma.local [hbm:s3], $0xF7A  }
0x26: {  	[smem:$0x3F84] =	sst s1;
	(tag) =	ssettag s2;
	_ =	strace s9  }
0x27: {  	s1 =	sld [smem:$0x3F94]  }
0x28: {  	s2 =	sld [smem:$0x3F95]  }
0x29: {  	s4 =	sld [smem:$0x3F97]  }
0x2a: {  	p0 =	seq.s32 s5, $0x0;
	s5 =	sld [smem:$0x3F98]  }
0x2b: {  	s6 =	sld [smem:$0x3F99]  }
0x2c: {  	s7 =	sld [smem:$0x3F9A]  }
0x2d: {  	s3 =	simm.s32 $0x108;
	s8 =	sld [smem:$0x3F9B]  }
0x2e: {  	s3 =	simm.s32 @!p0 $0x1082;
	s9 =	sld [smem:$0x3F9C]  }
0x2f: {  	lr =	sadd.s32 s0, s3;
	s0 =	sld [smem:$0x3F93]  }
0x30: {  	s3 =	sld [smem:$0x3F96]  }
0x31: {  	[smem:$0x3F9F] =	sst s10  }
0x32: {  	s10 =	sld [smem:$0x3F9D];
	_ =	sdelay $0x3  }
0x33: {  	p0 =	seq.s32 s10, $0x1;
	s10 =	sld [smem:$0x3F9F];
	_ =	sdelay $0x3  }
0x34: {  	[smem:$0x3F9F] =	sst s10  }
0x35: {  	s10 =	sld [smem:$0x3F9E];
	_ =	sdelay $0x3  }
0x36: {  	p1 =	seq.s32 s10, $0x1;
	s10 =	sld [smem:$0x3F9F];
	_ =	sdelay $0x3  }
0x37: {  	[smem:$0x3F9F] =	sst s10  }
0x38: {  	s10 =	sld [smem:$0x3FA0]  }
0x39: {  	_ = 	snop;
	(pc) =	sbr.ind lr, $3  }
0x3a: {  	_ = 	snop  }
0x3b: {  	_ = 	snop  }
0x3c: {  	p2 =	seq.s32 s10, $0x1;
	s10 =	sld [smem:$0x3F9F]  }
0x3d: {  	_ =	shalt  }
0x3e: {  	_ =	shalt  }
0x3f: {  	_ =	shalt  }
0x40: {  	_ =	shalt  }
0x41: {  	_ =	shalt  }
0x42: {  	_ =	shalt  }
0x43: {  	_ =	shalt  }
0x44: {  	_ =	shalt  }
0x45: {  	_ =	shalt  }
0x46: {  	_ =	shalt  }
0x47: {  	_ =	shalt  }
0x48: {  	_ =	shalt  }
0x49: {  	_ =	shalt  }
0x4a: {  	_ =	shalt  }
0x4b: {  	_ =	shalt  }
0x4c: {  	_ =	shalt  }
0x4d: {  	_ =	shalt  }
0x4e: {  	_ =	shalt  }
0x4f: {  	_ =	shalt  }
0x50: {  	_ =	shalt  }
0x51: {  	_ =	shalt  }
0x52: {  	_ =	shalt  }
0x53: {  	_ =	shalt  }
0x54: {  	_ =	shalt  }
0x55: {  	_ =	shalt  }
0x56: {  	_ =	shalt  }
0x57: {  	_ =	shalt  }
0x58: {  	_ =	shalt  }
0x59: {  	_ =	shalt  }
0x5a: {  	_ =	shalt  }
0x5b: {  	_ =	shalt  }
0x5c: {  	_ =	shalt  }
0x5d: {  	_ =	shalt  }
0x5e: {  	_ =	shalt  }
0x5f: {  	_ =	shalt  }
0x60: {  	_ =	shalt  }
0x61: {  	_ =	shalt  }
0x62: {  	_ =	shalt  }
0x63: {  	_ =	shalt  }
0x64: {  	_ =	shalt  }
0x65: {  	_ =	shalt  }
0x66: {  	_ =	shalt  }
0x67: {  	_ =	shalt  }
0x68: {  	_ =	shalt  }
0x69: {  	_ =	shalt  }
0x6a: {  	_ =	shalt  }
0x6b: {  	_ =	shalt  }
0x6c: {  	_ =	shalt  }
0x6d: {  	_ =	shalt  }
0x6e: {  	_ =	shalt  }
0x6f: {  	_ =	shalt  }
0x70: {  	_ =	shalt  }
0x71: {  	_ =	shalt  }
0x72: {  	_ =	shalt  }
0x73: {  	_ =	shalt  }
0x74: {  	_ =	shalt  }
0x75: {  	_ =	shalt  }
0x76: {  	_ =	shalt  }
0x77: {  	_ =	shalt  }
0x78: {  	_ =	shalt  }
0x79: {  	_ =	shalt  }
0x7a: {  	_ =	shalt  }
0x7b: {  	_ =	shalt  }
0x7c: {  	_ =	shalt  }
0x7d: {  	_ =	shalt  }
0x7e: {  	_ =	shalt  }
0x7f: {  	_ =	shalt  }
0x80: {  	_ =	shalt  }
0x81: {  	_ =	shalt  }
0x82: {  	_ =	shalt  }
0x83: {  	_ =	shalt  }
0x84: {  	_ =	shalt  }
0x85: {  	_ =	shalt  }
0x86: {  	_ =	shalt  }
0x87: {  	_ =	shalt  }
.Lfunc_end0:
.L_simem_size_0:
called_computation.2_lowered:
.L_overlay_start_0:
0x88: {  	s2 =	sld [smem:$0x3FD9]  }
0x89: {  	s3 =	sld [smem:$0x3FFE];
	_ =	sdelay $0x1  }
0x8a: {  	s1 =	srdreg.scid  }
0x8b: {  	s0 =	sand.u32 $0x1, s1  }
0x8c: {  	s16 =	sshll.u32 s0, $0xA;
	s2 =	sadd.s32 s3, s2  }
0x8d: {  	s2 =	sadd.s32 s2, s16  }
0x8e: {  	[smem:$0x3FAB] =	sst s2  }
0x8f: {  	_ = 	snop  }
0x90: {  	(tm) =	ssettm $0x1  }
0x91: {  	s17 =	sld [smem:$0x3FFB];
	_ =	sdelay $0x3  }
0x92: {  	_ =	strace s17  }
0x93: {  	s2 =	sld [smem:$0x3FFC];
	_ =	sdelay $0x3  }
0x94: {  	_ =	strace s2  }
0x95: {  	s2 =	sld [smem:$0x3FFD];
	_ =	sdelay $0x3  }
0x96: {  	_ =	strace s2  }
0x97: {  	_ =	strace $0x8FFFFFFF  }
0x98: {  	s18 =	sld [smem:$0x3FDB];
	_ =	sdelay $0x1  }
0x99: {  	s19 =	simm.s32 $_scs_section_size  }
0x9a: {  	s4 =	simm.s32 $_size__tile_overlayer_lowered;
	s5 =	simm.s32 $_tile_overlayer_lowered  }
0x9b: {  	s22 =	simm.s32 $0x1BFF;
	s21 =	sshll.u32 s5, $0x1;
	s2 =	sadd.s32 s19, s18  }
0x9c: {  	s6 =	simm.s32 $0x0;
	s20 =	sshll.u32 s4, $0x1;
	s4 =	sadd.s32 s21, s2  }
0x9d: {  	[timem:s6], [sflag:s22] =	dma.local [hbm:s4], s20  }
0x9e: {  	_ =	swait.ge [sflag:s22], s20  }
0x9f: {  	s3 =	ssub.s32 $0x0, s20;
	[sflag:s22] =	ssyncset.done $0x0  }
0xa0: {  	[sflag:s22] =	ssyncadd.s32 s3;
	_ =	sdelay $0x1  }
0xa1: {  	s23 =	simm.s32 $0x1B8B  }
0xa2: {  	_ =	swait.ge [sflag:s23], $0x1  }
0xa3: {  	[sflag:s23] =	ssyncset.done $0x0  }
0xa4: {  	s25 =	simm.s32 $0x1B8E;
	s24 =	sld [smem:$0x3FFE];
	[sflag:s23] =	ssyncadd.s32 $0xFFFFFFFF  }
0xa5: {  	s26 =	simm.s32 $execute0_lowered;
	[smem:$0x3FD2] =	sst s25  }
0xa6: {  	s4 =	sshll.u32 s26, $0x1;
	_ =	strace $0x80000049;
	[dreg:$0x1] =	wrdreg $0xFFFFFFFF  }
0xa7: {  	s28 =	simm.s32 $_size_execute0_lowered;
	s2 =	sadd.s32 s2, s4;
	[dreg:$0x0] =	wrdreg $0x0  }
0xa8: {  	s4 =	sshll.u32 s28, $0x1;
	[dreg:$0x2] =	wrdreg s2  }
0xa9: {  	[dreg:$0x3] =	wrdreg s4  }
0xaa: {  	[dreg:$0x4] =	wrdreg $0xC0  }
0xab: {  	_ =	task [dreg:s6], $0x5FFFF  }
0xac: {  	[dreg:$0x1] =	wrdreg $0xFFFFFFFF  }
0xad: {  	[dreg:$0x0] =	wrdreg $0x60  }
0xae: {  	[dreg:$0x2] =	wrdreg s24  }
0xaf: {  	[dreg:$0x3] =	wrdreg $0xAA000  }
0xb0: {  	[dreg:$0x4] =	wrdreg $0xA  }
0xb1: {  	_ =	task.clear_ibuf [dreg:s6], $0x5FFFF;
	_ =	strace $0x90000049  }
0xb2: {  	s29 =	simm.s32 $0xA;
	_ =	strace $0x8000004B  }
0xb3: {  	_ =	swait.ge [sflag:s29], $0x1  }
0xb4: {  	[sflag:s29] =	ssyncadd.s32 $0xFFFFFFFF  }
0xb5: {  	_ =	strace $0x9000004B  }
0xb6: {  	_ =	sfence  }
0xb7: {  	s30 =	sld [smem:$0x0];
	_ =	sdelay $0x2  }
0xb8: {  	s31 =	sshll.u32 s1, $0xD;
	s1 =	sshrl.u32 s1, $0x2  }
0xb9: {  	s3 =	sand.u32 $0x4000, s31;
	s1 =	sadd.s32 s1, s30  }
0xba: {  	s0 =	sor.u32 s3, s0;
	s1 =	sshll.u32 s1, $0x11  }
0xbb: {  	s0 =	sor.u32 s1, s0  }
0xbc: {  	s0 =	sadd.s32 $0x8F2B, s0  }
0xbd: {  	[sflag:s0] =	ssyncadd.remote.s32 $0x1  }
0xbe: {  	_ =	sfence.sel $0xFFFF  }
0xbf: {  	[dreg:$0x0] =	wrdreg $0xFFFFFFFF;
	(pc) =	sbr.abs _section_cstart, $3  }
0xc0: {  	[dreg:$0x1] =	wrdreg $0xFFFFFFFF  }
0xc1: {  	_ =	task.clear_ibuf [dreg:s6], $0x2FFFF;
	_ =	strace $0x9FFFFFFF  }
0xc2: {  	(tm) =	ssettm $0x7FFFFFFF  }
0xc3: {  	_ =	shalt  }
tec
execute0_lowered:
.L_overlay_start_1:
0x0: {  	(tag) =	ssettag $0x1  }
0x1: {  	s5 =	rddreg [dreg:$0x0]  }
0x2: {  	s1 =	rddreg [dreg:$0x1];
	s2 =	srdreg.scid  }
0x3: {  	s0 =	rddreg [dreg:$0x2];
	s3 =	simm.s32 $0x0;
	s20 =	simm.s32 $0x2800  }
0x4: {  	s21 =	simm.s32 $0x2880;
	s22 =	simm.s32 $0x6A00;
	s23 =	simm.s32 $0x1  }
0x5: {  	s24 =	simm.s32 $0x2900;
	s7 =	sand.u32 $0x1, s2;
	s2 =	stileid.u32  }
0x6: {  	s28 =	simm.s32 $0x0;
	[smem:$0x7FF] =	sst s3;
	s9 =	smul.u32 $0x50000, s2  }
0x7: {  	s15 =	sadd.s32 $0x6B000, s5;
	s4 =	sshll.u32 s7, $0x4;
	s11 =	smul.u32 $0x280, s2  }
0x8: {  	s8 =	ssub.s32 $0x2, s7;
	s17 =	smul.u32 $0x2800, s7;
	s4 =	sor.u32 s2, s4  }
0x9: {  	_ =	strace $0x8000004A;
	s10 =	sshrl.u32 s8, $0x1;
	s6 =	smul.u32 $0x500, s4  }
0xa: {  	s4 =	sadd.s32 $0x11000, s5;
	s16 =	ssub.s32 s8, s10;
	s25 =	sshrl.u32 s9, $0x2  }
0xb: {  	s26 =	sadd.s32 $0x80, s11;
	s13 =	sadd.s32 $0x100, s11;
	s14 =	sadd.s32 $0x180, s11  }
0xc: {  	s18 =	sadd.s32 $0x200, s11;
	s11 =	sadd.s32 s11, s17;
	s29 =	sshll.u32 s26, $0x7  }
0xd: {  	s30 =	sshll.u32 s13, $0x7;
	s12 =	sshll.u32 s14, $0x7;
	s10 =	sadd.s32 s17, s26  }
0xe: {  	s31 =	sshll.u32 s18, $0x7;
	s11 =	sshll.u32 s11, $0x4;
	s13 =	sadd.s32 s17, s13  }
0xf: {  	s14 =	sadd.s32 s17, s14;
	s17 =	sadd.s32 s17, s18;
	s16 =	smax.u32 s16, $0x1  }
0x10: {  	s18 =	simm.s32 $0x2A00;
	s26 =	simm.s32 $0x2980;
	s6 =	sadd.s32 s6, s5  }
0x11: {  	s7 =	sadd.s32 s29, s1;
	s8 =	sadd.s32 s30, s1;
	s9 =	sadd.s32 s12, s1  }
0x12: {  	s19 =	sshll.u32 s10, $0x4;
	s10 =	sadd.s32 s31, s1;
	s11 =	sadd.s32 s15, s11  }
0x13: {  	s13 =	sshll.u32 s13, $0x4;
	s14 =	sshll.u32 s14, $0x4;
	s17 =	sshll.u32 s17, $0x4  }
0x14: {  	s5 =	sadd.s32 $0x61000, s6;
	s6 =	sadd.s32 s25, s1;
	s12 =	sadd.s32 s15, s19  }
0x15: {  	s13 =	sadd.s32 s15, s13;
	s14 =	sadd.s32 s15, s14;
	s15 =	sadd.s32 s15, s17  }
0x16: {  	v0 =	vimm.f32 $0.0e+00;
	s17 =	simm.s32 $0x3;
	s19 =	simm.s32 $0x80;
	s25 =	simm.s32 $0x2  }
.LBB2_1:
0x17: {  	[tilespmem:s3], [sflag:$0x3] =	stream.linear.gather [hbm4b:s5+s3], $0x2780, $0x38;
	[tilespmem:$0x1EA00] =	vst v63  }
0x18: {  	_ =	swait.ge [sflag:s17], $0x2780  }
0x19: {  	[sflag:s17] =	ssyncset.done $0x0  }
0x1a: {  	s29 =	simm.s32 $0x0;
	s30 =	simm.s32 $0x200;
	[sflag:s17] =	ssyncadd.s32 $0xFFFFD880  }
.LBB2_2:
0x1b: {  	p0 =	sne.s32 s30, $0xFE00;
	[tilespmem:s29+$0x2A70] =	vst v0  }
0x1c: {  	[tilespmem:s29+$0x2A00] =	vst v0  }
0x1d: {  	[tilespmem:s29+$0x2A10] =	vst v0  }
.Ltmp0:
0x1e: {  	[tilespmem:s29+$0x2A20] =	vst v0;
	(pc) =	sbr.rel @p0 .LBB2_2-.Ltmp0, $4  }
0x1f: {  	[tilespmem:s29+$0x2A30] =	vst v0  }
0x20: {  	[tilespmem:s29+$0x2A40] =	vst v0  }
0x21: {  	[tilespmem:s29+$0x2A50] =	vst v0  }
0x22: {  	[tilespmem:s29+$0x2A60] =	vst v0;
	s29 =	sshra.s32 s30, $0x2;
	s30 =	sadd.s32 $0x200, s30  }
0x23: {  	[tilespmem:s29+$0x2A70] =	vst v0  }
0x24: {  	[tilespmem:s29+$0x2A00] =	vst v0  }
0x25: {  	[tilespmem:s29+$0x2A10] =	vst v0  }
0x26: {  	[tilespmem:s29+$0x2A20] =	vst v0  }
0x27: {  	[tilespmem:s29+$0x2A30] =	vst v0  }
0x28: {  	[tilespmem:s29+$0x2A40] =	vst v0  }
0x29: {  	[tilespmem:s29+$0x2A50] =	vst v0  }
0x2a: {  	[tilespmem:s29+$0x2A60] =	vst v0  }
0x2b: {  	[spmem:s6] =	stream.linear.scatter [tilespmem:s18], [sflag:$0x3], $0x4000, $0x38;
	[tilespmem:$0x1EA00] =	vst v63  }
0x2c: {  	_ =	swait.ge [sflag:s17], $0x4000  }
0x2d: {  	[sflag:s17] =	ssyncset.done $0x0  }
0x2e: {  	[sflag:s17] =	ssyncadd.s32 $0xFFFFC000  }
0x2f: {  	[spmem:s7] =	stream.linear.scatter [tilespmem:s18], [sflag:$0x3], $0x4000, $0x38;
	[tilespmem:$0x1EA00] =	vst v63  }
0x30: {  	_ =	swait.ge [sflag:s17], $0x4000  }
0x31: {  	[sflag:s17] =	ssyncset.done $0x0  }
0x32: {  	[sflag:s17] =	ssyncadd.s32 $0xFFFFC000  }
0x33: {  	[spmem:s8] =	stream.linear.scatter [tilespmem:s18], [sflag:$0x3], $0x4000, $0x38;
	[tilespmem:$0x1EA00] =	vst v63  }
0x34: {  	_ =	swait.ge [sflag:s17], $0x4000  }
0x35: {  	[sflag:s17] =	ssyncset.done $0x0  }
0x36: {  	[sflag:s17] =	ssyncadd.s32 $0xFFFFC000  }
0x37: {  	[spmem:s9] =	stream.linear.scatter [tilespmem:s18], [sflag:$0x3], $0x4000, $0x38;
	[tilespmem:$0x1EA00] =	vst v63  }
0x38: {  	_ =	swait.ge [sflag:s17], $0x4000  }
0x39: {  	[sflag:s17] =	ssyncset.done $0x0  }
0x3a: {  	[sflag:s17] =	ssyncadd.s32 $0xFFFFC000  }
0x3b: {  	[spmem:s10] =	stream.linear.scatter [tilespmem:s18], [sflag:$0x3], $0x4000, $0x38;
	[tilespmem:$0x1EA00] =	vst v63  }
0x3c: {  	_ =	swait.ge [sflag:s17], $0x4000  }
0x3d: {  	[sflag:s17] =	ssyncset.done $0x0  }
0x3e: {  	[sflag:s17] =	ssyncadd.s32 $0xFFFFC000  }
0x3f: {  	[bflag:$0x0] =	sbarrier.arrive $0xFFFF  }
0x40: {  	v1 =	vld [tilespmem:$0x0];
	_ =	sdelay $0x1  }
0x41: {  	v2 =	vld [tilespmem:$0x10];
	_ =	sdelay $0x1  }
0x42: {  	v3 =	vld [tilespmem:$0x20]  }
0x43: {  	v4 =	vand.u32 $0x7FFF, v1  }
0x44: {  	v62 =	vld [tilespmem:$0x30];
	v1 =	vshrl.u32 v1, $0xF;
	[tilespmem:$0x2800] =	vst v4  }
0x45: {  	[tilespmem:$0x2900] =	vst v1;
	v1 =	vand.u32 $0x7FFF, v2  }
0x46: {  	[tilespmem:$0x2810] =	vst v1;
	v1 =	vshrl.u32 v2, $0xF;
	v2 =	vld [tilespmem:$0x40]  }
0x47: {  	[tilespmem:$0x2910] =	vst v1;
	v1 =	vand.u32 $0x7FFF, v3  }
0x48: {  	[tilespmem:$0x2820] =	vst v1;
	v1 =	vshrl.u32 v3, $0xF;
	v3 =	vld [tilespmem:$0x50]  }
0x49: {  	[tilespmem:$0x2920] =	vst v1;
	v1 =	vand.u32 $0x7FFF, v62  }
0x4a: {  	v63 =	vld [tilespmem:$0x60];
	[tilespmem:$0x2830] =	vst v1;
	v1 =	vshrl.u32 v62, $0xF  }
0x4b: {  	[tilespmem:$0x2930] =	vst v1;
	v1 =	vand.u32 $0x7FFF, v2  }
0x4c: {  	[tilespmem:$0x2840] =	vst v1;
	v1 =	vshrl.u32 v2, $0xF;
	v2 =	vld [tilespmem:$0x70]  }
0x4d: {  	[tilespmem:$0x2940] =	vst v1;
	v1 =	vand.u32 $0x7FFF, v3  }
0x4e: {  	[tilespmem:$0x2850] =	vst v1;
	v1 =	vshrl.u32 v3, $0xF  }
0x4f: {  	[tilespmem:$0x2950] =	vst v1;
	v1 =	vand.u32 $0x7FFF, v63  }
0x50: {  	[tilespmem:$0x2860] =	vst v1;
	v1 =	vshrl.u32 v63, $0xF  }
0x51: {  	[tilespmem:$0x2960] =	vst v1;
	v1 =	vand.u32 $0x7FFF, v2  }
0x52: {  	[tilespmem:$0x2870] =	vst v1;
	v1 =	vshrl.u32 v2, $0xF  }
0x53: {  	s29 =	simm.s32 $0x0;
	[tilespmem:$0x2970] =	vst v1  }
0x54: {  	[tilespmem:s18], [sflag:$0x1] =	stream.indirect.gather [hbm4b:s4+s19], $0x80, s20, s19, $0xb8;
	[tilespmem:$0x1EA00] =	vst v63  }
0x55: {  	v1 =	vld [tilespmem:s29+$0x80];
	_ =	sdelay $0x4  }
0x56: {  	v2 =	vand.u32 $0x7FFF, v1  }
0x57: {  	v1 =	vshrl.u32 v1, $0xF;
	[tilespmem:$0x2880] =	vst v2  }
0x58: {  	[tilespmem:$0x2980] =	vst v1  }
0x59: {  	v1 =	vld [tilespmem:s29+$0x90];
	_ =	sdelay $0x4  }
0x5a: {  	v2 =	vand.u32 $0x7FFF, v1  }
0x5b: {  	v1 =	vshrl.u32 v1, $0xF;
	[tilespmem:$0x2890] =	vst v2  }
0x5c: {  	[tilespmem:$0x2990] =	vst v1  }
0x5d: {  	v1 =	vld [tilespmem:s29+$0xA0];
	_ =	sdelay $0x4  }
0x5e: {  	v2 =	vand.u32 $0x7FFF, v1  }
0x5f: {  	v1 =	vshrl.u32 v1, $0xF;
	[tilespmem:$0x28A0] =	vst v2  }
0x60: {  	[tilespmem:$0x29A0] =	vst v1  }
0x61: {  	v1 =	vld [tilespmem:s29+$0xB0];
	_ =	sdelay $0x4  }
0x62: {  	v2 =	vand.u32 $0x7FFF, v1  }
0x63: {  	v1 =	vshrl.u32 v1, $0xF;
	[tilespmem:$0x28B0] =	vst v2  }
0x64: {  	[tilespmem:$0x29B0] =	vst v1  }
0x65: {  	v1 =	vld [tilespmem:s29+$0xC0];
	_ =	sdelay $0x4  }
0x66: {  	v2 =	vand.u32 $0x7FFF, v1  }
0x67: {  	v1 =	vshrl.u32 v1, $0xF;
	[tilespmem:$0x28C0] =	vst v2  }
0x68: {  	[tilespmem:$0x29C0] =	vst v1  }
0x69: {  	v1 =	vld [tilespmem:s29+$0xD0];
	_ =	sdelay $0x4  }
0x6a: {  	v2 =	vand.u32 $0x7FFF, v1  }
0x6b: {  	v1 =	vshrl.u32 v1, $0xF;
	[tilespmem:$0x28D0] =	vst v2  }
0x6c: {  	[tilespmem:$0x29D0] =	vst v1  }
0x6d: {  	v1 =	vld [tilespmem:s29+$0xE0];
	_ =	sdelay $0x4  }
0x6e: {  	v2 =	vand.u32 $0x7FFF, v1  }
0x6f: {  	v1 =	vshrl.u32 v1, $0xF;
	[tilespmem:$0x28E0] =	vst v2  }
0x70: {  	[tilespmem:$0x29E0] =	vst v1  }
0x71: {  	v1 =	vld [tilespmem:s29+$0xF0];
	_ =	sdelay $0x4  }
0x72: {  	v2 =	vand.u32 $0x7FFF, v1  }
0x73: {  	v1 =	vshrl.u32 v1, $0xF;
	[tilespmem:$0x28F0] =	vst v2  }
0x74: {  	[tilespmem:$0x29F0] =	vst v1  }
0x75: {  	[tilespmem:s22], [sflag:$0x2] =	stream.indirect.gather [hbm4b:s4+s19], $0x80, s21, s19, $0xb8;
	[tilespmem:$0x1EA00] =	vst v63  }
0x76: {  	_ =	swait.ge [sflag:s23], $0x4000  }
0x77: {  	[sflag:s23] =	ssyncset.done $0x0  }
0x78: {  	[sflag:s23] =	ssyncadd.s32 $0xFFFFC000  }
0x79: {  	[spmem:s1] =	stream.indirect.scatter.add.f32 [tilespmem:s18], [sflag:$0x3], $0x80, s24, s19, $0xb8;
	[tilespmem:$0x1EA00] =	vst v63  }
0x7a: {  	_ =	swait.ge [sflag:s17], $0x4000  }
0x7b: {  	[sflag:s17] =	ssyncset.done $0x0  }
0x7c: {  	[sflag:s17] =	ssyncadd.s32 $0xFFFFC000  }
0x7d: {  	v1 =	vld [tilespmem:s29+$0x100];
	_ =	sdelay $0x4  }
0x7e: {  	v2 =	vand.u32 $0x7FFF, v1  }
0x7f: {  	v1 =	vshrl.u32 v1, $0xF;
	[tilespmem:$0x2800] =	vst v2  }
0x80: {  	[tilespmem:$0x2900] =	vst v1  }
0x81: {  	v1 =	vld [tilespmem:s29+$0x110];
	_ =	sdelay $0x4  }
0x82: {  	v2 =	vand.u32 $0x7FFF, v1  }
0x83: {  	v1 =	vshrl.u32 v1, $0xF;
	[tilespmem:$0x2810] =	vst v2  }
0x84: {  	[tilespmem:$0x2910] =	vst v1  }
0x85: {  	v1 =	vld [tilespmem:s29+$0x120];
	_ =	sdelay $0x4  }
0x86: {  	v2 =	vand.u32 $0x7FFF, v1  }
0x87: {  	v1 =	vshrl.u32 v1, $0xF;
	[tilespmem:$0x2820] =	vst v2  }
0x88: {  	[tilespmem:$0x2920] =	vst v1  }
0x89: {  	v1 =	vld [tilespmem:s29+$0x130];
	_ =	sdelay $0x4  }
0x8a: {  	v2 =	vand.u32 $0x7FFF, v1  }
0x8b: {  	v1 =	vshrl.u32 v1, $0xF;
	[tilespmem:$0x2830] =	vst v2  }
0x8c: {  	[tilespmem:$0x2930] =	vst v1  }
0x8d: {  	v1 =	vld [tilespmem:s29+$0x140];
	_ =	sdelay $0x4  }
0x8e: {  	v2 =	vand.u32 $0x7FFF, v1  }
0x8f: {  	v1 =	vshrl.u32 v1, $0xF;
	[tilespmem:$0x2840] =	vst v2  }
0x90: {  	[tilespmem:$0x2940] =	vst v1  }
0x91: {  	v1 =	vld [tilespmem:s29+$0x150];
	_ =	sdelay $0x4  }
0x92: {  	v2 =	vand.u32 $0x7FFF, v1  }
0x93: {  	v1 =	vshrl.u32 v1, $0xF;
	[tilespmem:$0x2850] =	vst v2  }
0x94: {  	[tilespmem:$0x2950] =	vst v1  }
0x95: {  	v1 =	vld [tilespmem:s29+$0x160];
	_ =	sdelay $0x4  }
0x96: {  	v2 =	vand.u32 $0x7FFF, v1  }
0x97: {  	s30 =	simm.s32 $0x400;
	v1 =	vshrl.u32 v1, $0xF;
	[tilespmem:$0x2860] =	vst v2  }
.LBB2_4:
0x98: {  	p0 =	sne.s32 s30, $0x9800;
	[tilespmem:$0x2960] =	vst v1;
	s31 =	smov.u32 s30;
	s30 =	sadd.s32 $0x400, s30  }
0x99: {  	v1 =	vld [tilespmem:s29+$0x170];
	_ =	sdelay $0x4  }
0x9a: {  	v2 =	vand.u32 $0x7FFF, v1;
	v1 =	vshrl.u32 v1, $0xF  }
0x9b: {  	[tilespmem:$0x2870] =	vst v2  }
0x9c: {  	[tilespmem:$0x2970] =	vst v1  }
0x9d: {  	[tilespmem:s18], [sflag:$0x1] =	stream.indirect.gather [hbm4b:s4+s19], $0x80, s20, s19, $0xb8;
	[tilespmem:$0x1EA00] =	vst v63  }
0x9e: {  	_ =	swait.ge [sflag:s25], $0x4000  }
0x9f: {  	[sflag:s25] =	ssyncset.done $0x0  }
0xa0: {  	[sflag:s25] =	ssyncadd.s32 $0xFFFFC000  }
0xa1: {  	[spmem:s1] =	stream.indirect.scatter.add.f32 [tilespmem:s22], [sflag:$0x3], $0x80, s26, s19, $0xb8;
	[tilespmem:$0x1EA00] =	vst v63  }
0xa2: {  	_ =	swait.ge [sflag:s17], $0x4000  }
0xa3: {  	[sflag:s17] =	ssyncset.done $0x0  }
0xa4: {  	s29 =	sshra.s32 s31, $0x2;
	[sflag:s17] =	ssyncadd.s32 $0xFFFFC000  }
0xa5: {  	v1 =	vld [tilespmem:s29+$0x80];
	_ =	sdelay $0x4  }
0xa6: {  	v2 =	vand.u32 $0x7FFF, v1;
	v1 =	vshrl.u32 v1, $0xF  }
0xa7: {  	[tilespmem:$0x2880] =	vst v2  }
0xa8: {  	[tilespmem:$0x2980] =	vst v1  }
0xa9: {  	v1 =	vld [tilespmem:s29+$0x90];
	_ =	sdelay $0x4  }
0xaa: {  	v2 =	vand.u32 $0x7FFF, v1;
	v1 =	vshrl.u32 v1, $0xF  }
0xab: {  	[tilespmem:$0x2890] =	vst v2  }
0xac: {  	[tilespmem:$0x2990] =	vst v1  }
0xad: {  	v1 =	vld [tilespmem:s29+$0xA0];
	_ =	sdelay $0x4  }
0xae: {  	v2 =	vand.u32 $0x7FFF, v1;
	v1 =	vshrl.u32 v1, $0xF  }
0xaf: {  	[tilespmem:$0x28A0] =	vst v2  }
0xb0: {  	[tilespmem:$0x29A0] =	vst v1  }
0xb1: {  	v1 =	vld [tilespmem:s29+$0xB0];
	_ =	sdelay $0x4  }
0xb2: {  	v2 =	vand.u32 $0x7FFF, v1;
	v1 =	vshrl.u32 v1, $0xF  }
0xb3: {  	[tilespmem:$0x28B0] =	vst v2  }
0xb4: {  	[tilespmem:$0x29B0] =	vst v1  }
0xb5: {  	v1 =	vld [tilespmem:s29+$0xC0];
	_ =	sdelay $0x4  }
0xb6: {  	v2 =	vand.u32 $0x7FFF, v1;
	v1 =	vshrl.u32 v1, $0xF  }
0xb7: {  	[tilespmem:$0x28C0] =	vst v2  }
0xb8: {  	[tilespmem:$0x29C0] =	vst v1  }
0xb9: {  	v1 =	vld [tilespmem:s29+$0xD0];
	_ =	sdelay $0x4  }
0xba: {  	v2 =	vand.u32 $0x7FFF, v1;
	v1 =	vshrl.u32 v1, $0xF  }
0xbb: {  	[tilespmem:$0x28D0] =	vst v2  }
0xbc: {  	[tilespmem:$0x29D0] =	vst v1  }
0xbd: {  	v1 =	vld [tilespmem:s29+$0xE0];
	_ =	sdelay $0x4  }
0xbe: {  	v2 =	vand.u32 $0x7FFF, v1;
	v1 =	vshrl.u32 v1, $0xF  }
0xbf: {  	[tilespmem:$0x28E0] =	vst v2  }
0xc0: {  	[tilespmem:$0x29E0] =	vst v1  }
0xc1: {  	v1 =	vld [tilespmem:s29+$0xF0];
	_ =	sdelay $0x4  }
0xc2: {  	v2 =	vand.u32 $0x7FFF, v1;
	v1 =	vshrl.u32 v1, $0xF  }
0xc3: {  	[tilespmem:$0x28F0] =	vst v2  }
0xc4: {  	[tilespmem:$0x29F0] =	vst v1  }
0xc5: {  	[tilespmem:s22], [sflag:$0x2] =	stream.indirect.gather [hbm4b:s4+s19], $0x80, s21, s19, $0xb8;
	[tilespmem:$0x1EA00] =	vst v63  }
0xc6: {  	_ =	swait.ge [sflag:s23], $0x4000  }
0xc7: {  	[sflag:s23] =	ssyncset.done $0x0  }
0xc8: {  	[sflag:s23] =	ssyncadd.s32 $0xFFFFC000  }
0xc9: {  	[spmem:s1] =	stream.indirect.scatter.add.f32 [tilespmem:s18], [sflag:$0x3], $0x80, s24, s19, $0xb8;
	[tilespmem:$0x1EA00] =	vst v63  }
0xca: {  	_ =	swait.ge [sflag:s17], $0x4000  }
0xcb: {  	[sflag:s17] =	ssyncset.done $0x0  }
0xcc: {  	[sflag:s17] =	ssyncadd.s32 $0xFFFFC000  }
0xcd: {  	v1 =	vld [tilespmem:s29+$0x100];
	_ =	sdelay $0x4  }
0xce: {  	v2 =	vand.u32 $0x7FFF, v1;
	v1 =	vshrl.u32 v1, $0xF  }
0xcf: {  	[tilespmem:$0x2800] =	vst v2  }
0xd0: {  	[tilespmem:$0x2900] =	vst v1  }
0xd1: {  	v1 =	vld [tilespmem:s29+$0x110];
	_ =	sdelay $0x4  }
0xd2: {  	v2 =	vand.u32 $0x7FFF, v1;
	v1 =	vshrl.u32 v1, $0xF  }
0xd3: {  	[tilespmem:$0x2810] =	vst v2  }
0xd4: {  	[tilespmem:$0x2910] =	vst v1  }
0xd5: {  	v1 =	vld [tilespmem:s29+$0x120];
	_ =	sdelay $0x4  }
0xd6: {  	v2 =	vand.u32 $0x7FFF, v1;
	v1 =	vshrl.u32 v1, $0xF  }
0xd7: {  	[tilespmem:$0x2820] =	vst v2  }
0xd8: {  	[tilespmem:$0x2920] =	vst v1  }
0xd9: {  	v1 =	vld [tilespmem:s29+$0x130];
	_ =	sdelay $0x4  }
0xda: {  	v2 =	vand.u32 $0x7FFF, v1;
	v1 =	vshrl.u32 v1, $0xF  }
0xdb: {  	[tilespmem:$0x2830] =	vst v2  }
0xdc: {  	[tilespmem:$0x2930] =	vst v1  }
0xdd: {  	v1 =	vld [tilespmem:s29+$0x140];
	_ =	sdelay $0x4  }
0xde: {  	v2 =	vand.u32 $0x7FFF, v1;
	v1 =	vshrl.u32 v1, $0xF  }
0xdf: {  	[tilespmem:$0x2840] =	vst v2  }
0xe0: {  	[tilespmem:$0x2940] =	vst v1  }
0xe1: {  	v1 =	vld [tilespmem:s29+$0x150];
	_ =	sdelay $0x4  }
0xe2: {  	v2 =	vand.u32 $0x7FFF, v1;
	v1 =	vshrl.u32 v1, $0xF  }
0xe3: {  	[tilespmem:$0x2850] =	vst v2  }
0xe4: {  	[tilespmem:$0x2950] =	vst v1  }
0xe5: {  	v1 =	vld [tilespmem:s29+$0x160];
	_ =	sdelay $0x1  }
.Ltmp1:
0xe6: {  	(pc) =	sbr.rel @p0 .LBB2_4-.Ltmp1, $3  }
0xe7: {  	_ =	sdelay $0x1  }
0xe8: {  	v2 =	vand.u32 $0x7FFF, v1;
	v1 =	vshrl.u32 v1, $0xF  }
0xe9: {  	[tilespmem:$0x2860] =	vst v2  }
0xea: {  	[tilespmem:$0x2960] =	vst v1  }
0xeb: {  	v1 =	vld [tilespmem:s29+$0x170];
	_ =	sdelay $0x4  }
0xec: {  	v2 =	vand.u32 $0x7FFF, v1  }
0xed: {  	v1 =	vshrl.u32 v1, $0xF;
	[tilespmem:$0x2870] =	vst v2  }
0xee: {  	[tilespmem:$0x2970] =	vst v1  }
0xef: {  	[tilespmem:s18], [sflag:$0x1] =	stream.indirect.gather [hbm4b:s4+s19], $0x80, s20, s19, $0xb8;
	[tilespmem:$0x1EA00] =	vst v63  }
0xf0: {  	_ =	swait.ge [sflag:s25], $0x4000  }
0xf1: {  	[sflag:s25] =	ssyncset.done $0x0  }
0xf2: {  	[sflag:s25] =	ssyncadd.s32 $0xFFFFC000  }
0xf3: {  	[spmem:s1] =	stream.indirect.scatter.add.f32 [tilespmem:s22], [sflag:$0x3], $0x80, s26, s19, $0xb8;
	[tilespmem:$0x1EA00] =	vst v63  }
0xf4: {  	_ =	swait.ge [sflag:s17], $0x4000  }
0xf5: {  	[sflag:s17] =	ssyncset.done $0x0  }
0xf6: {  	[sflag:s17] =	ssyncadd.s32 $0xFFFFC000  }
0xf7: {  	_ =	swait.ge [sflag:s23], $0x4000  }
0xf8: {  	[sflag:s23] =	ssyncset.done $0x0  }
0xf9: {  	[sflag:s23] =	ssyncadd.s32 $0xFFFFC000  }
0xfa: {  	[spmem:s1] =	stream.indirect.scatter.add.f32 [tilespmem:s18], [sflag:$0x3], $0x80, s24, s19, $0xb8;
	[tilespmem:$0x1EA00] =	vst v63  }
0xfb: {  	_ =	swait.ge [sflag:s17], $0x4000  }
0xfc: {  	[sflag:s17] =	ssyncset.done $0x0  }
0xfd: {  	[sflag:s17] =	ssyncadd.s32 $0xFFFFC000  }
0xfe: {  	[bflag:$0x0] =	sbarrier.arrive $0xFFFF  }
0xff: {  	[tilespmem:s18], [sflag:$0x3] =	stream.linear.gather [spmem:s6], $0x4000, $0x38;
	[tilespmem:$0x1EA00] =	vst v63  }
0x100: {  	_ =	swait.ge [sflag:s17], $0x4000  }
0x101: {  	[sflag:s17] =	ssyncset.done $0x0  }
0x102: {  	[sflag:s17] =	ssyncadd.s32 $0xFFFFC000  }
0x103: {  	[hbm4b:s11+s3] =	stream.linear.scatter [tilespmem:s18], [sflag:$0x3], $0x4000, $0x38;
	[tilespmem:$0x1EA00] =	vst v63  }
0x104: {  	_ =	swait.ge [sflag:s17], $0x4000  }
0x105: {  	[sflag:s17] =	ssyncset.done $0x0  }
0x106: {  	[sflag:s17] =	ssyncadd.s32 $0xFFFFC000  }
0x107: {  	[tilespmem:s18], [sflag:$0x3] =	stream.linear.gather [spmem:s7], $0x4000, $0x38;
	[tilespmem:$0x1EA00] =	vst v63  }
0x108: {  	_ =	swait.ge [sflag:s17], $0x4000  }
0x109: {  	[sflag:s17] =	ssyncset.done $0x0  }
0x10a: {  	[sflag:s17] =	ssyncadd.s32 $0xFFFFC000  }
0x10b: {  	[hbm4b:s12+s3] =	stream.linear.scatter [tilespmem:s18], [sflag:$0x3], $0x4000, $0x38;
	[tilespmem:$0x1EA00] =	vst v63  }
0x10c: {  	_ =	swait.ge [sflag:s17], $0x4000  }
0x10d: {  	[sflag:s17] =	ssyncset.done $0x0  }
0x10e: {  	[sflag:s17] =	ssyncadd.s32 $0xFFFFC000  }
0x10f: {  	[tilespmem:s18], [sflag:$0x3] =	stream.linear.gather [spmem:s8], $0x4000, $0x38;
	[tilespmem:$0x1EA00] =	vst v63  }
0x110: {  	_ =	swait.ge [sflag:s17], $0x4000  }
0x111: {  	[sflag:s17] =	ssyncset.done $0x0  }
0x112: {  	[sflag:s17] =	ssyncadd.s32 $0xFFFFC000  }
0x113: {  	[hbm4b:s13+s3] =	stream.linear.scatter [tilespmem:s18], [sflag:$0x3], $0x4000, $0x38;
	[tilespmem:$0x1EA00] =	vst v63  }
0x114: {  	_ =	swait.ge [sflag:s17], $0x4000  }
0x115: {  	[sflag:s17] =	ssyncset.done $0x0  }
0x116: {  	[sflag:s17] =	ssyncadd.s32 $0xFFFFC000  }
0x117: {  	[tilespmem:s18], [sflag:$0x3] =	stream.linear.gather [spmem:s9], $0x4000, $0x38;
	[tilespmem:$0x1EA00] =	vst v63  }
0x118: {  	_ =	swait.ge [sflag:s17], $0x4000  }
0x119: {  	[sflag:s17] =	ssyncset.done $0x0  }
0x11a: {  	[sflag:s17] =	ssyncadd.s32 $0xFFFFC000  }
0x11b: {  	[hbm4b:s14+s3] =	stream.linear.scatter [tilespmem:s18], [sflag:$0x3], $0x4000, $0x38;
	[tilespmem:$0x1EA00] =	vst v63  }
0x11c: {  	_ =	swait.ge [sflag:s17], $0x4000  }
0x11d: {  	[sflag:s17] =	ssyncset.done $0x0  }
0x11e: {  	[sflag:s17] =	ssyncadd.s32 $0xFFFFC000  }
0x11f: {  	[tilespmem:s18], [sflag:$0x3] =	stream.linear.gather [spmem:s10], $0x4000, $0x38;
	[tilespmem:$0x1EA00] =	vst v63  }
0x120: {  	s28 =	sadd.s32 $0x1, s28;
	_ =	swait.ge [sflag:s17], $0x4000  }
0x121: {  	p0 =	sne.s32 s28, s16;
	[sflag:s17] =	ssyncset.done $0x0  }
.Ltmp2:
0x122: {  	[sflag:s17] =	ssyncadd.s32 $0xFFFFC000;
	(pc) =	sbr.rel @p0 .LBB2_1-.Ltmp2, $4  }
0x123: {  	[hbm4b:s15+s3] =	stream.linear.scatter [tilespmem:s18], [sflag:$0x3], $0x4000, $0x38;
	[tilespmem:$0x1EA00] =	vst v63  }
0x124: {  	_ =	swait.ge [sflag:s17], $0x4000  }
0x125: {  	[sflag:s17] =	ssyncset.done $0x0  }
0x126: {  	[sflag:s17] =	ssyncadd.s32 $0xFFFFC000  }
0x127: {  	_ =	sfence.sel $0x180000  }
0x128: {  	[bflag:$0x0] =	sbarrier.arrive $0xFFFF  }
0x129: {  	p0 =	sne.s32 s2, $0x0;
	_ =	strace $0x9000004A  }
0x12a: {  	s0 =	sadd.s32 @!p0 $0x100000, s0;
	[bflag:$0x2] =	sbarrier.arrive $0xFFFF  }
0x12b: {  	[sflag:s0] =	ssyncadd.tile.s32 @!p0 $0x1;
	_ =	shalt  }
.Lfunc_end2:
_tile_overlayer_lowered:
.L_overlay_start_2:
0x12c: {  	(tag) =	ssettag $0x2  }
0x12d: {  	s0 =	rddreg [dreg:$0x0];
	s2 =	stileid.u32  }
0x12e: {  	s1 =	rddreg [dreg:$0x1];
	p0 =	sne.s32 s2, $0x0  }
0x12f: {  	s3 =	rddreg [dreg:$0x2];
	[bflag:$0x3] =	sbarrier.arrive $0xFFFF;
	s2 =	simm.s32 @!p0 $0x1C03  }
0x130: {  	[timem:s3], [sflag:s2] =	dma.local @!p0 [hbm:s0], s1  }
0x131: {  	s0 =	simm.s32 @!p0 $0x3  }
0x132: {  	_ =	swait.ge @!p0 [sflag:s0], s1  }
0x133: {  	s1 =	ssub.s32 @!p0 $0x0, s1;
	[sflag:s0] =	ssyncset.done @!p0 $0x0  }
0x134: {  	[sflag:s0] =	ssyncadd.s32 @!p0 s1  }
0x135: {  	[bflag:$0x3] =	sbarrier.arrive $0xFFFF  }
0x136: {  	_ =	shalt  }

</sc_bundles>
